<compile_context>
chip_gen: v7x
topology: tpu7x:2x2x1
jax: 0.10.2.dev20260603
libtpu: 0.0.44.dev20260713+nightly
codegen_flags: <defaults>
</compile_context>

<pallas_src>
import functools

import jax
import jax.numpy as jnp
from jax import lax
from jax.experimental import pallas as pl
from jax.experimental.pallas import tpu as pltpu
from jax.experimental.pallas import tpu_sc as plsc

N = 10000
E = 320000
IN = 128
H = 256
HH = H // 2

NPAD = 10240
PAD_NODE = NPAD - 1
NC = 2
NS = 16
CH = 128
EPAD = 327680

ECH = EPAD // CH
ROWS_PER_TEC = NPAD // NS
DEG_CHUNKS = ECH // (NC * NS)
SCAT_CHUNKS = ECH // NS

_mesh = plsc.VectorSubcoreMesh(core_axis_name="c", subcore_axis_name="s")



@functools.partial(
    pl.kernel,
    out_type=[jax.ShapeDtypeStruct((NPAD,), jnp.float32),
              jax.ShapeDtypeStruct((NPAD,), jnp.float32)],
    mesh=_mesh,
    scratch_types=[
        pltpu.VMEM((DEG_CHUNKS, CH), jnp.int32),
        pltpu.VMEM((CH,), jnp.float32),
        pltpu.VMEM((ROWS_PER_TEC,), jnp.float32),
        pltpu.VMEM_SHARED((NPAD,), jnp.float32),
    ],
)
def _sc_degree(dst_hbm, dega_hbm, degb_hbm, didx_all, ones_v, zero_v, deg_sp):
    cid = lax.axis_index("c")
    sid = lax.axis_index("s")

    def fill(ref, n, val):
        def body(i, _):
            ref[pl.ds(i * 16, 16)] = jnp.full((16,), val, jnp.float32)
            return 0
        lax.fori_loop(0, n // 16, body, 0)

    fill(ones_v, CH, 1.0)
    fill(zero_v, ROWS_PER_TEC, 0.0)
    pltpu.sync_copy(
        dst_hbm.at[pl.ds((cid * NS + sid) * DEG_CHUNKS, DEG_CHUNKS)], didx_all)
    pltpu.sync_copy(zero_v, deg_sp.at[pl.ds(sid * ROWS_PER_TEC, ROWS_PER_TEC)])
    plsc.subcore_barrier()

    def body(k, _):
        pltpu.sync_copy(ones_v, deg_sp.at[didx_all.at[k]], add=True)
        return 0
    lax.fori_loop(0, DEG_CHUNKS, body, 0)
    plsc.subcore_barrier()

    sl = pl.ds(sid * ROWS_PER_TEC, ROWS_PER_TEC)

    @pl.when(cid == 0)
    def _():
        pltpu.sync_copy(deg_sp.at[sl], dega_hbm.at[sl])

    @pl.when(cid == 1)
    def _():
        pltpu.sync_copy(deg_sp.at[sl], degb_hbm.at[sl])


IBLK = 32
NBLK = SCAT_CHUNKS // IBLK


@functools.partial(
    pl.kernel,
    out_type=[jax.ShapeDtypeStruct((NPAD, HH), jnp.float32),
              jax.ShapeDtypeStruct((NPAD, HH), jnp.float32)],
    mesh=_mesh,
    scratch_types=[
        pltpu.VMEM((IBLK, CH), jnp.int32),
        pltpu.VMEM((IBLK, CH), jnp.int32),
        pltpu.VMEM((CH, HH), jnp.float32),
        pltpu.VMEM((CH, HH), jnp.float32),
        pltpu.VMEM_SHARED((NPAD, HH), jnp.float32),
        pltpu.SemaphoreType.DMA,
        pltpu.SemaphoreType.DMA,
    ],
)
def _sc_scatter(src_hbm, dst_hbm, hsa_hbm, hsb_hbm, acca_hbm, accb_hbm,
                sidx_blk, didx_blk, rows0, rows1, acc_sp, gsem0, gsem1):
    cid = lax.axis_index("c")
    sid = lax.axis_index("s")

    def run_half(hs_hbm, out_hbm):
        def zbody(i, _):
            for j in range(HH // 16):
                rows0[i, pl.ds(j * 16, 16)] = jnp.zeros((16,), jnp.float32)
            return 0
        lax.fori_loop(0, CH, zbody, 0)
        for j in range(ROWS_PER_TEC // CH):
            pltpu.sync_copy(
                rows0, acc_sp.at[pl.ds(sid * ROWS_PER_TEC + j * CH, CH)])
        plsc.subcore_barrier()

        def blk_body(blk, _):
            base = sid * SCAT_CHUNKS + blk * IBLK
            pltpu.sync_copy(src_hbm.at[pl.ds(base, IBLK)], sidx_blk)
            pltpu.sync_copy(dst_hbm.at[pl.ds(base, IBLK)], didx_blk)
            pltpu.async_copy(hs_hbm.at[sidx_blk.at[0]], rows0, gsem0)

            def body(i, _):
                k = i * 2
                pltpu.make_async_copy(
                    hs_hbm.at[sidx_blk.at[k]], rows0, gsem0).wait()
                pltpu.async_copy(hs_hbm.at[sidx_blk.at[k + 1]], rows1, gsem1)
                pltpu.sync_copy(rows0, acc_sp.at[didx_blk.at[k]], add=True)
                pltpu.make_async_copy(
                    hs_hbm.at[sidx_blk.at[k + 1]], rows1, gsem1).wait()

                @pl.when(i + 1 < IBLK // 2)
                def _():
                    pltpu.async_copy(
                        hs_hbm.at[sidx_blk.at[k + 2]], rows0, gsem0)
                pltpu.sync_copy(rows1, acc_sp.at[didx_blk.at[k + 1]],
                                add=True)
                return 0
            lax.fori_loop(0, IBLK // 2, body, 0)
            return 0
        lax.fori_loop(0, NBLK, blk_body, 0)
        plsc.subcore_barrier()

        for j in range(ROWS_PER_TEC // CH):
            sl = pl.ds(sid * ROWS_PER_TEC + j * CH, CH)
            pltpu.sync_copy(acc_sp.at[sl], out_hbm.at[sl])

    @pl.when(cid == 0)
    def _():
        run_half(hsa_hbm, acca_hbm)

    @pl.when(cid == 1)
    def _():
        run_half(hsb_hbm, accb_hbm)



RB = 1024


def _ln(x, g, b):
    m = jnp.mean(x, axis=-1, keepdims=True)
    v = jnp.mean((x - m) ** 2, axis=-1, keepdims=True)
    return (x - m) / jnp.sqrt(v + 1e-5) * g + b


def _tc_a(x_ref, w_ref, dinv_ref, hsa_ref, hsb_ref):
    h = jnp.dot(x_ref[...], w_ref[...], preferred_element_type=jnp.float32)
    hs = dinv_ref[...] * h
    hsa_ref[...] = hs[:, :HH]
    hsb_ref[...] = hs[:, HH:]


def _tc_b1(acca, accb, hsa, hsb, dinv, b0, g0, be0, a, g1, be1, w1,
           y0_ref, h1a_ref, h1b_ref):
    acc = jnp.concatenate([acca[...] + hsa[...], accb[...] + hsb[...]],
                          axis=-1)
    dv = dinv[...]
    conv = dv * acc + b0[...]
    ln = _ln(conv, g0[...], be0[...])
    av = a[0, 0]
    y0 = jnp.where(ln >= 0, ln, av * ln)
    t = _ln(y0, g1[...], be1[...])
    hs1 = dv * jnp.dot(t, w1[...], preferred_element_type=jnp.float32)
    y0_ref[...] = y0
    h1a_ref[...] = hs1[:, :HH]
    h1b_ref[...] = hs1[:, HH:]


def _tc_b2(acca, accb, hsa, hsb, y0, dinv, b1, a, g2, be2, w2,
           y1_ref, h2a_ref, h2b_ref):
    acc = jnp.concatenate([acca[...] + hsa[...], accb[...] + hsb[...]],
                          axis=-1)
    dv = dinv[...]
    conv = dv * acc + b1[...]
    av = a[0, 0]
    t = jnp.where(conv >= 0, conv, av * conv)
    y1 = y0[...] + t
    t2 = _ln(y1, g2[...], be2[...])
    hs2 = dv * jnp.dot(t2, w2[...], preferred_element_type=jnp.float32)
    y1_ref[...] = y1
    h2a_ref[...] = hs2[:, :HH]
    h2b_ref[...] = hs2[:, HH:]


def _tc_b3(acca, accb, hsa, hsb, y1, dinv, b2, out_ref):
    acc = jnp.concatenate([acca[...] + hsa[...], accb[...] + hsb[...]],
                          axis=-1)
    out_ref[...] = y1[...] + dinv[...] * acc + b2[...]


def _row_spec(w):
    return pl.BlockSpec((RB, w), lambda i: (i, 0))


def _full_spec(shape):
    return pl.BlockSpec(shape, lambda i: tuple(0 for _ in shape))


_GRID = NPAD // RB
_vec = _full_spec((1, H))
_half = _row_spec(HH)
_fullrow = _row_spec(H)
_dinv_spec = pl.BlockSpec((RB, 1), lambda i: (i, 0))


def _sds(shape):
    return jax.ShapeDtypeStruct(shape, jnp.float32)


_tc_a_call = pl.pallas_call(
    _tc_a,
    grid=(_GRID,),
    in_specs=[_row_spec(IN), _full_spec((IN, H)), _dinv_spec],
    out_specs=[_half, _half],
    out_shape=[_sds((NPAD, HH)), _sds((NPAD, HH))],
)

_tc_b1_call = pl.pallas_call(
    _tc_b1,
    grid=(_GRID,),
    in_specs=[_half, _half, _half, _half, _dinv_spec,
              _vec, _vec, _vec, _full_spec((1, 1)), _vec, _vec,
              _full_spec((H, H))],
    out_specs=[_fullrow, _half, _half],
    out_shape=[_sds((NPAD, H)), _sds((NPAD, HH)), _sds((NPAD, HH))],
)

_tc_b2_call = pl.pallas_call(
    _tc_b2,
    grid=(_GRID,),
    in_specs=[_half, _half, _half, _half, _fullrow, _dinv_spec,
              _vec, _full_spec((1, 1)), _vec, _vec, _full_spec((H, H))],
    out_specs=[_fullrow, _half, _half],
    out_shape=[_sds((NPAD, H)), _sds((NPAD, HH)), _sds((NPAD, HH))],
)

_tc_b3_call = pl.pallas_call(
    _tc_b3,
    grid=(_GRID,),
    in_specs=[_half, _half, _half, _half, _fullrow, _dinv_spec, _vec],
    out_specs=_fullrow,
    out_shape=_sds((NPAD, H)),
)


def kernel(x, edge_index, W0, b0, W1, b1, W2, b2, g0, beta0, g1, beta1,
           g2, beta2, prelu_a):
    src = edge_index[0]
    dst = edge_index[1]
    pad = jnp.full((EPAD - E,), PAD_NODE, jnp.int32)
    src_p = jnp.concatenate([src, pad]).reshape(ECH, CH)
    dst_p = jnp.concatenate([dst, pad]).reshape(ECH, CH)
    x_p = jnp.pad(x, ((0, NPAD - N), (0, 0)))

    dega, degb = _sc_degree(dst_p)
    dinv = lax.rsqrt(dega + degb + 1.0).reshape(NPAD, 1)

    b0r = b0.reshape(1, H)
    b1r = b1.reshape(1, H)
    b2r = b2.reshape(1, H)
    g0r, be0r = g0.reshape(1, H), beta0.reshape(1, H)
    g1r, be1r = g1.reshape(1, H), beta1.reshape(1, H)
    g2r, be2r = g2.reshape(1, H), beta2.reshape(1, H)
    ar = prelu_a.reshape(1, 1)

    hs0a, hs0b = _tc_a_call(x_p, W0, dinv)
    acc0a, acc0b = _sc_scatter(src_p, dst_p, hs0a, hs0b)
    y0, hs1a, hs1b = _tc_b1_call(acc0a, acc0b, hs0a, hs0b, dinv,
                                 b0r, g0r, be0r, ar, g1r, be1r, W1)
    acc1a, acc1b = _sc_scatter(src_p, dst_p, hs1a, hs1b)
    y1, hs2a, hs2b = _tc_b2_call(acc1a, acc1b, hs1a, hs1b, y0, dinv,
                                 b1r, ar, g2r, be2r, W2)
    acc2a, acc2b = _sc_scatter(src_p, dst_p, hs2a, hs2b)
    out = _tc_b3_call(acc2a, acc2b, hs2a, hs2b, y1, dinv, b2r)
    return out[:N]

# --- scband reference (transcript-rebuilt; emitter-appended) ---
"""Pipeline reference for scband-residual-lnencoder-2284922601633 (READ-ONLY COPY).

The authoritative reference and input builder live on the scoring server;
editing this copy changes nothing except your own understanding.
"""

import jax, jax.numpy as jnp
import numpy as np

N = 10000
E = 320000
IN = 128
H = 256


def setup_inputs(seed: int = 0) -> dict:
    key = jax.random.key(seed)
    ks = jax.random.split(key, 8)
    x = jax.random.normal(ks[0], (N, IN), dtype=jnp.float32)
    edge_index = jax.random.randint(ks[1], (2, E), 0, N, dtype=jnp.int32)
    W0 = jax.random.normal(ks[2], (IN, H), dtype=jnp.float32) * (1.0 / np.sqrt(IN))
    b0 = jnp.zeros((H,), dtype=jnp.float32)
    W1 = jax.random.normal(ks[3], (H, H), dtype=jnp.float32) * (1.0 / np.sqrt(H))
    b1 = jnp.zeros((H,), dtype=jnp.float32)
    W2 = jax.random.normal(ks[4], (H, H), dtype=jnp.float32) * (1.0 / np.sqrt(H))
    b2 = jnp.zeros((H,), dtype=jnp.float32)
    g0 = jnp.ones((H,), dtype=jnp.float32); beta0 = jnp.zeros((H,), dtype=jnp.float32)
    g1 = jnp.ones((H,), dtype=jnp.float32); beta1 = jnp.zeros((H,), dtype=jnp.float32)
    g2 = jnp.ones((H,), dtype=jnp.float32); beta2 = jnp.zeros((H,), dtype=jnp.float32)
    prelu_a = jnp.array(0.25, dtype=jnp.float32)
    return {"x": x, "edge_index": edge_index, "W0": W0, "b0": b0, "W1": W1, "b1": b1,
            "W2": W2, "b2": b2, "g0": g0, "beta0": beta0, "g1": g1, "beta1": beta1,
            "g2": g2, "beta2": beta2, "prelu_a": prelu_a}


def _layer_norm(x, g, b):
    m = jnp.mean(x, axis=-1, keepdims=True)
    v = jnp.mean((x - m) ** 2, axis=-1, keepdims=True)
    return (x - m) / jnp.sqrt(v + 1e-5) * g + b


def _prelu(x, a):
    return jnp.where(x >= 0, x, a * x)


def _gcn_norm(edge_index, num_nodes):
    # add self loops, symmetric normalization (GCNConv default, edge_weight=None)
    loop = jnp.arange(num_nodes, dtype=edge_index.dtype)
    src = jnp.concatenate([edge_index[0], loop])
    dst = jnp.concatenate([edge_index[1], loop])
    w = jnp.ones(src.shape[0], dtype=jnp.float32)
    deg = jnp.zeros((num_nodes,), dtype=jnp.float32).at[dst].add(w)
    dinv = jnp.where(deg > 0, 1.0 / jnp.sqrt(deg), 0.0)
    norm = dinv[src] * w * dinv[dst]
    return src, dst, norm


def _gcn_conv(x, W, b, src, dst, norm, num_nodes):
    h = x @ W
    msg = h[src] * norm[:, None]
    out = jnp.zeros((num_nodes, W.shape[1]), dtype=h.dtype).at[dst].add(msg)
    return out + b


def reference(x, edge_index, W0, b0, W1, b1, W2, b2, g0, beta0, g1, beta1, g2, beta2, prelu_a):
    src, dst, norm = _gcn_norm(edge_index, N)
    # layer 0
    h = _gcn_conv(x, W0, b0, src, dst, norm, N)
    h = _layer_norm(h, g0, beta0)
    h = _prelu(h, prelu_a)
    out = h  # dropout = 0 -> identity
    # layer 1 (pre-LN residual)
    t = _layer_norm(out, g1, beta1)
    t = _gcn_conv(t, W1, b1, src, dst, norm, N)
    t = _prelu(t, prelu_a)
    out = out + t
    # layer 2 (last: no act)
    t = _layer_norm(out, g2, beta2)
    t = _gcn_conv(t, W2, b2, src, dst, norm, N)
    out = out + t
    return out

if __name__ == "__main__":
    import jax
    _d = setup_inputs()
    print(jax.jit(kernel)(*tuple(_d.values())))

</pallas_src>

<mosaic_0001>
#map = affine_map<(d0, d1) -> (0, 0)>
module attributes {stable_mosaic.version = 14 : i64} {
  func.func @_sc_scatter(%arg0: i32, %arg1: i32, %arg2: memref<2560x128xi32, #tpu.memory_space<hbm>>, %arg3: memref<2560x128xi32, #tpu.memory_space<hbm>>, %arg4: memref<10240x128xf32, #tpu.memory_space<hbm>>, %arg5: memref<10240x128xf32, #tpu.memory_space<hbm>>, %arg6: memref<10240x128xf32, #tpu.memory_space<hbm>>, %arg7: memref<10240x128xf32, #tpu.memory_space<hbm>>, %arg8: memref<32x128xi32, #tpu.memory_space<vmem>>, %arg9: memref<32x128xi32, #tpu.memory_space<vmem>>, %arg10: memref<128x128xf32, #tpu.memory_space<vmem>>, %arg11: memref<128x128xf32, #tpu.memory_space<vmem>>, %arg12: memref<10240x128xf32, #tpu.memory_space<vmem_shared>>, %arg13: memref<!tpu.dma_semaphore, #tpu.memory_space<semaphore_mem>>, %arg14: memref<!tpu.dma_semaphore, #tpu.memory_space<semaphore_mem>>) attributes {dimension_semantics = [#tpu.dimension_semantics<core_parallel>, #tpu.dimension_semantics<subcore_parallel>], iteration_bounds = array<i64: 2, 16>, scalar_prefetch = 0 : i64, scratch_operands = 7 : i64, tpu.core_type = #tpu.core_type<sc_vector_subcore>, window_params = [{transform_indices = #map}, {transform_indices = #map}, {transform_indices = #map}, {transform_indices = #map}, {transform_indices = #map}, {transform_indices = #map}]} {
    %eq3A = arith.constant 0 : i32
    %eq3A_0 = arith.cmpi eq, %arg0, %eq3A : i32
    %convert_element_type3A = arith.extui %eq3A_0 : i1 to i32
    %cond3A = arith.constant 0 : i32
    %cond3A_1 = arith.cmpi ne, %convert_element_type3A, %cond3A : i32
    scf.if %cond3A_1 {
      %scan3A = arith.constant 0 : i32
      %scan3A_7 = arith.constant 0 : i32
      %scan3A_8 = arith.constant 128 : i32
      %scan3A_9 = arith.addi %scan3A_7, %scan3A_8 : i32
      %scan3A_10 = arith.constant 1 : i32
      %scan3A_11 = scf.for %scan3A_59 = %scan3A_7 to %scan3A_9 step %scan3A_10 iter_args(%scan3A_60 = %scan3A) -> (i32)  : i32 {
        %broadcast_in_dim3A = arith.constant 0.000000e+00 : f32
        %broadcast_in_dim3A_61 = vector.broadcast %broadcast_in_dim3A : f32 to vector<16xf32>
        %swap3A = arith.index_cast %scan3A_59 : i32 to index
        %swap3A_62 = arith.constant 0 : index
        %swap3A_63 = tpu.vector_load %arg10[%swap3A, %swap3A_62] {strides = array<i32>} : memref<128x128xf32, #tpu.memory_space<vmem>>, vector<1x16xf32>,
        %swap3A_64 = vector.shape_cast %swap3A_63 : vector<1x16xf32> to vector<16xf32>
        %swap3A_65 = vector.shape_cast %broadcast_in_dim3A_61 : vector<16xf32> to vector<1x16xf32>
        tpu.vector_store %arg10[%swap3A, %swap3A_62], %swap3A_65 {strides = array<i32>} : memref<128x128xf32, #tpu.memory_space<vmem>>, vector<1x16xf32>,
        %broadcast_in_dim3A_66 = arith.constant 0.000000e+00 : f32
        %broadcast_in_dim3A_67 = vector.broadcast %broadcast_in_dim3A_66 : f32 to vector<16xf32>
        %swap3A_68 = arith.index_cast %scan3A_59 : i32 to index
        %swap3A_69 = arith.constant 16 : index
        %swap3A_70 = tpu.vector_load %arg10[%swap3A_68, %swap3A_69] {strides = array<i32>} : memref<128x128xf32, #tpu.memory_space<vmem>>, vector<1x16xf32>,
        %swap3A_71 = vector.shape_cast %swap3A_70 : vector<1x16xf32> to vector<16xf32>
        %swap3A_72 = vector.shape_cast %broadcast_in_dim3A_67 : vector<16xf32> to vector<1x16xf32>
        tpu.vector_store %arg10[%swap3A_68, %swap3A_69], %swap3A_72 {strides = array<i32>} : memref<128x128xf32, #tpu.memory_space<vmem>>, vector<1x16xf32>,
        %broadcast_in_dim3A_73 = arith.constant 0.000000e+00 : f32
        %broadcast_in_dim3A_74 = vector.broadcast %broadcast_in_dim3A_73 : f32 to vector<16xf32>
        %swap3A_75 = arith.index_cast %scan3A_59 : i32 to index
        %swap3A_76 = arith.constant 32 : index
        %swap3A_77 = tpu.vector_load %arg10[%swap3A_75, %swap3A_76] {strides = array<i32>} : memref<128x128xf32, #tpu.memory_space<vmem>>, vector<1x16xf32>,
        %swap3A_78 = vector.shape_cast %swap3A_77 : vector<1x16xf32> to vector<16xf32>
        %swap3A_79 = vector.shape_cast %broadcast_in_dim3A_74 : vector<16xf32> to vector<1x16xf32>
        tpu.vector_store %arg10[%swap3A_75, %swap3A_76], %swap3A_79 {strides = array<i32>} : memref<128x128xf32, #tpu.memory_space<vmem>>, vector<1x16xf32>,
        %broadcast_in_dim3A_80 = arith.constant 0.000000e+00 : f32
        %broadcast_in_dim3A_81 = vector.broadcast %broadcast_in_dim3A_80 : f32 to vector<16xf32>
        %swap3A_82 = arith.index_cast %scan3A_59 : i32 to index
        %swap3A_83 = arith.constant 48 : index
        %swap3A_84 = tpu.vector_load %arg10[%swap3A_82, %swap3A_83] {strides = array<i32>} : memref<128x128xf32, #tpu.memory_space<vmem>>, vector<1x16xf32>,
        %swap3A_85 = vector.shape_cast %swap3A_84 : vector<1x16xf32> to vector<16xf32>
        %swap3A_86 = vector.shape_cast %broadcast_in_dim3A_81 : vector<16xf32> to vector<1x16xf32>
        tpu.vector_store %arg10[%swap3A_82, %swap3A_83], %swap3A_86 {strides = array<i32>} : memref<128x128xf32, #tpu.memory_space<vmem>>, vector<1x16xf32>,
        %broadcast_in_dim3A_87 = arith.constant 0.000000e+00 : f32
        %broadcast_in_dim3A_88 = vector.broadcast %broadcast_in_dim3A_87 : f32 to vector<16xf32>
        %swap3A_89 = arith.index_cast %scan3A_59 : i32 to index
        %swap3A_90 = arith.constant 64 : index
        %swap3A_91 = tpu.vector_load %arg10[%swap3A_89, %swap3A_90] {strides = array<i32>} : memref<128x128xf32, #tpu.memory_space<vmem>>, vector<1x16xf32>,
        %swap3A_92 = vector.shape_cast %swap3A_91 : vector<1x16xf32> to vector<16xf32>
        %swap3A_93 = vector.shape_cast %broadcast_in_dim3A_88 : vector<16xf32> to vector<1x16xf32>
        tpu.vector_store %arg10[%swap3A_89, %swap3A_90], %swap3A_93 {strides = array<i32>} : memref<128x128xf32, #tpu.memory_space<vmem>>, vector<1x16xf32>,
        %broadcast_in_dim3A_94 = arith.constant 0.000000e+00 : f32
        %broadcast_in_dim3A_95 = vector.broadcast %broadcast_in_dim3A_94 : f32 to vector<16xf32>
        %swap3A_96 = arith.index_cast %scan3A_59 : i32 to index
        %swap3A_97 = arith.constant 80 : index
        %swap3A_98 = tpu.vector_load %arg10[%swap3A_96, %swap3A_97] {strides = array<i32>} : memref<128x128xf32, #tpu.memory_space<vmem>>, vector<1x16xf32>,
        %swap3A_99 = vector.shape_cast %swap3A_98 : vector<1x16xf32> to vector<16xf32>
        %swap3A_100 = vector.shape_cast %broadcast_in_dim3A_95 : vector<16xf32> to vector<1x16xf32>
        tpu.vector_store %arg10[%swap3A_96, %swap3A_97], %swap3A_100 {strides = array<i32>} : memref<128x128xf32, #tpu.memory_space<vmem>>, vector<1x16xf32>,
        %broadcast_in_dim3A_101 = arith.constant 0.000000e+00 : f32
        %broadcast_in_dim3A_102 = vector.broadcast %broadcast_in_dim3A_101 : f32 to vector<16xf32>
        %swap3A_103 = arith.index_cast %scan3A_59 : i32 to index
        %swap3A_104 = arith.constant 96 : index
        %swap3A_105 = tpu.vector_load %arg10[%swap3A_103, %swap3A_104] {strides = array<i32>} : memref<128x128xf32, #tpu.memory_space<vmem>>, vector<1x16xf32>,
        %swap3A_106 = vector.shape_cast %swap3A_105 : vector<1x16xf32> to vector<16xf32>
        %swap3A_107 = vector.shape_cast %broadcast_in_dim3A_102 : vector<16xf32> to vector<1x16xf32>
        tpu.vector_store %arg10[%swap3A_103, %swap3A_104], %swap3A_107 {strides = array<i32>} : memref<128x128xf32, #tpu.memory_space<vmem>>, vector<1x16xf32>,
        %broadcast_in_dim3A_108 = arith.constant 0.000000e+00 : f32
        %broadcast_in_dim3A_109 = vector.broadcast %broadcast_in_dim3A_108 : f32 to vector<16xf32>
        %swap3A_110 = arith.index_cast %scan3A_59 : i32 to index
        %swap3A_111 = arith.constant 112 : index
        %swap3A_112 = tpu.vector_load %arg10[%swap3A_110, %swap3A_111] {strides = array<i32>} : memref<128x128xf32, #tpu.memory_space<vmem>>, vector<1x16xf32>,
        %swap3A_113 = vector.shape_cast %swap3A_112 : vector<1x16xf32> to vector<16xf32>
        %swap3A_114 = vector.shape_cast %broadcast_in_dim3A_109 : vector<16xf32> to vector<1x16xf32>
        tpu.vector_store %arg10[%swap3A_110, %swap3A_111], %swap3A_114 {strides = array<i32>} : memref<128x128xf32, #tpu.memory_space<vmem>>, vector<1x16xf32>,
        %scan3A_115 = arith.constant 0 : i32
        scf.yield %scan3A_115 : i32
      }
      %scan3A_12 = arith.constant 128 : i32
      %mul3A = arith.constant 640 : i32
      %mul3A_13 = arith.muli %arg1, %mul3A : i32
      %add3A = arith.constant 0 : i32
      %add3A_14 = arith.addi %mul3A_13, %add3A : i32
      "tpu.region"() ({
        %run_scoped3A = tpu.sem_alloc : memref<!tpu.dma_semaphore, #tpu.memory_space<semaphore_mem>>
        %dma_start3A = arith.constant 0 : i32
        %dma_start3A_59 = tpu.memref_slice %arg12[%add3A_14, %dma_start3A] : memref<10240x128xf32, #tpu.memory_space<vmem_shared>> -> memref<128x128xf32, #tpu.memory_space<vmem_shared>>
        %dma_start3A_60 = arith.constant 0 : i32
        %dma_start3A_61 = tpu.memref_slice %arg12[%add3A_14, %dma_start3A_60] : memref<10240x128xf32, #tpu.memory_space<vmem_shared>> -> memref<128x128xf32, #tpu.memory_space<vmem_shared>>
        tpu.enqueue_dma source(%arg10 : memref<128x128xf32, #tpu.memory_space<vmem>>) target(%dma_start3A_61 : memref<128x128xf32, #tpu.memory_space<vmem_shared>>) target_semaphore(%run_scoped3A : memref<!tpu.dma_semaphore, #tpu.memory_space<semaphore_mem>>)
        %dma_wait3A = arith.constant 0 : i32
        %dma_wait3A_62 = tpu.memref_slice %arg12[%add3A_14, %dma_wait3A] : memref<10240x128xf32, #tpu.memory_space<vmem_shared>> -> memref<128x128xf32, #tpu.memory_space<vmem_shared>>
        %dma_wait3A_63 = arith.constant 0 : i32
        %dma_wait3A_64 = tpu.memref_slice %arg12[%add3A_14, %dma_wait3A_63] : memref<10240x128xf32, #tpu.memory_space<vmem_shared>> -> memref<128x128xf32, #tpu.memory_space<vmem_shared>>
        tpu.wait_dma2 semaphore(%run_scoped3A : memref<!tpu.dma_semaphore, #tpu.memory_space<semaphore_mem>>) src(%arg10 : memref<128x128xf32, #tpu.memory_space<vmem>>) dst(%dma_wait3A_64 : memref<128x128xf32, #tpu.memory_space<vmem_shared>>)
        tpu.yield
      }) : () -> ()
      %mul3A_15 = arith.constant 640 : i32
      %mul3A_16 = arith.muli %arg1, %mul3A_15 : i32
      %add3A_17 = arith.constant 128 : i32
      %add3A_18 = arith.addi %mul3A_16, %add3A_17 : i32
      "tpu.region"() ({
        %run_scoped3A = tpu.sem_alloc : memref<!tpu.dma_semaphore, #tpu.memory_space<semaphore_mem>>
        %dma_start3A = arith.constant 0 : i32
        %dma_start3A_59 = tpu.memref_slice %arg12[%add3A_18, %dma_start3A] : memref<10240x128xf32, #tpu.memory_space<vmem_shared>> -> memref<128x128xf32, #tpu.memory_space<vmem_shared>>
        %dma_start3A_60 = arith.constant 0 : i32
        %dma_start3A_61 = tpu.memref_slice %arg12[%add3A_18, %dma_start3A_60] : memref<10240x128xf32, #tpu.memory_space<vmem_shared>> -> memref<128x128xf32, #tpu.memory_space<vmem_shared>>
        tpu.enqueue_dma source(%arg10 : memref<128x128xf32, #tpu.memory_space<vmem>>) target(%dma_start3A_61 : memref<128x128xf32, #tpu.memory_space<vmem_shared>>) target_semaphore(%run_scoped3A : memref<!tpu.dma_semaphore, #tpu.memory_space<semaphore_mem>>)
        %dma_wait3A = arith.constant 0 : i32
        %dma_wait3A_62 = tpu.memref_slice %arg12[%add3A_18, %dma_wait3A] : memref<10240x128xf32, #tpu.memory_space<vmem_shared>> -> memref<128x128xf32, #tpu.memory_space<vmem_shared>>
        %dma_wait3A_63 = arith.constant 0 : i32
        %dma_wait3A_64 = tpu.memref_slice %arg12[%add3A_18, %dma_wait3A_63] : memref<10240x128xf32, #tpu.memory_space<vmem_shared>> -> memref<128x128xf32, #tpu.memory_space<vmem_shared>>
        tpu.wait_dma2 semaphore(%run_scoped3A : memref<!tpu.dma_semaphore, #tpu.memory_space<semaphore_mem>>) src(%arg10 : memref<128x128xf32, #tpu.memory_space<vmem>>) dst(%dma_wait3A_64 : memref<128x128xf32, #tpu.memory_space<vmem_shared>>)
        tpu.yield
      }) : () -> ()
      %mul3A_19 = arith.constant 640 : i32
      %mul3A_20 = arith.muli %arg1, %mul3A_19 : i32
      %add3A_21 = arith.constant 256 : i32
      %add3A_22 = arith.addi %mul3A_20, %add3A_21 : i32
      "tpu.region"() ({
        %run_scoped3A = tpu.sem_alloc : memref<!tpu.dma_semaphore, #tpu.memory_space<semaphore_mem>>
        %dma_start3A = arith.constant 0 : i32
        %dma_start3A_59 = tpu.memref_slice %arg12[%add3A_22, %dma_start3A] : memref<10240x128xf32, #tpu.memory_space<vmem_shared>> -> memref<128x128xf32, #tpu.memory_space<vmem_shared>>
        %dma_start3A_60 = arith.constant 0 : i32
        %dma_start3A_61 = tpu.memref_slice %arg12[%add3A_22, %dma_start3A_60] : memref<10240x128xf32, #tpu.memory_space<vmem_shared>> -> memref<128x128xf32, #tpu.memory_space<vmem_shared>>
        tpu.enqueue_dma source(%arg10 : memref<128x128xf32, #tpu.memory_space<vmem>>) target(%dma_start3A_61 : memref<128x128xf32, #tpu.memory_space<vmem_shared>>) target_semaphore(%run_scoped3A : memref<!tpu.dma_semaphore, #tpu.memory_space<semaphore_mem>>)
        %dma_wait3A = arith.constant 0 : i32
        %dma_wait3A_62 = tpu.memref_slice %arg12[%add3A_22, %dma_wait3A] : memref<10240x128xf32, #tpu.memory_space<vmem_shared>> -> memref<128x128xf32, #tpu.memory_space<vmem_shared>>
        %dma_wait3A_63 = arith.constant 0 : i32
        %dma_wait3A_64 = tpu.memref_slice %arg12[%add3A_22, %dma_wait3A_63] : memref<10240x128xf32, #tpu.memory_space<vmem_shared>> -> memref<128x128xf32, #tpu.memory_space<vmem_shared>>
        tpu.wait_dma2 semaphore(%run_scoped3A : memref<!tpu.dma_semaphore, #tpu.memory_space<semaphore_mem>>) src(%arg10 : memref<128x128xf32, #tpu.memory_space<vmem>>) dst(%dma_wait3A_64 : memref<128x128xf32, #tpu.memory_space<vmem_shared>>)
        tpu.yield
      }) : () -> ()
      %mul3A_23 = arith.constant 640 : i32
      %mul3A_24 = arith.muli %arg1, %mul3A_23 : i32
      %add3A_25 = arith.constant 384 : i32
      %add3A_26 = arith.addi %mul3A_24, %add3A_25 : i32
      "tpu.region"() ({
        %run_scoped3A = tpu.sem_alloc : memref<!tpu.dma_semaphore, #tpu.memory_space<semaphore_mem>>
        %dma_start3A = arith.constant 0 : i32
        %dma_start3A_59 = tpu.memref_slice %arg12[%add3A_26, %dma_start3A] : memref<10240x128xf32, #tpu.memory_space<vmem_shared>> -> memref<128x128xf32, #tpu.memory_space<vmem_shared>>
        %dma_start3A_60 = arith.constant 0 : i32
        %dma_start3A_61 = tpu.memref_slice %arg12[%add3A_26, %dma_start3A_60] : memref<10240x128xf32, #tpu.memory_space<vmem_shared>> -> memref<128x128xf32, #tpu.memory_space<vmem_shared>>
        tpu.enqueue_dma source(%arg10 : memref<128x128xf32, #tpu.memory_space<vmem>>) target(%dma_start3A_61 : memref<128x128xf32, #tpu.memory_space<vmem_shared>>) target_semaphore(%run_scoped3A : memref<!tpu.dma_semaphore, #tpu.memory_space<semaphore_mem>>)
        %dma_wait3A = arith.constant 0 : i32
        %dma_wait3A_62 = tpu.memref_slice %arg12[%add3A_26, %dma_wait3A] : memref<10240x128xf32, #tpu.memory_space<vmem_shared>> -> memref<128x128xf32, #tpu.memory_space<vmem_shared>>
        %dma_wait3A_63 = arith.constant 0 : i32
        %dma_wait3A_64 = tpu.memref_slice %arg12[%add3A_26, %dma_wait3A_63] : memref<10240x128xf32, #tpu.memory_space<vmem_shared>> -> memref<128x128xf32, #tpu.memory_space<vmem_shared>>
        tpu.wait_dma2 semaphore(%run_scoped3A : memref<!tpu.dma_semaphore, #tpu.memory_space<semaphore_mem>>) src(%arg10 : memref<128x128xf32, #tpu.memory_space<vmem>>) dst(%dma_wait3A_64 : memref<128x128xf32, #tpu.memory_space<vmem_shared>>)
        tpu.yield
      }) : () -> ()
      %mul3A_27 = arith.constant 640 : i32
      %mul3A_28 = arith.muli %arg1, %mul3A_27 : i32
      %add3A_29 = arith.constant 512 : i32
      %add3A_30 = arith.addi %mul3A_28, %add3A_29 : i32
      "tpu.region"() ({
        %run_scoped3A = tpu.sem_alloc : memref<!tpu.dma_semaphore, #tpu.memory_space<semaphore_mem>>
        %dma_start3A = arith.constant 0 : i32
        %dma_start3A_59 = tpu.memref_slice %arg12[%add3A_30, %dma_start3A] : memref<10240x128xf32, #tpu.memory_space<vmem_shared>> -> memref<128x128xf32, #tpu.memory_space<vmem_shared>>
        %dma_start3A_60 = arith.constant 0 : i32
        %dma_start3A_61 = tpu.memref_slice %arg12[%add3A_30, %dma_start3A_60] : memref<10240x128xf32, #tpu.memory_space<vmem_shared>> -> memref<128x128xf32, #tpu.memory_space<vmem_shared>>
        tpu.enqueue_dma source(%arg10 : memref<128x128xf32, #tpu.memory_space<vmem>>) target(%dma_start3A_61 : memref<128x128xf32, #tpu.memory_space<vmem_shared>>) target_semaphore(%run_scoped3A : memref<!tpu.dma_semaphore, #tpu.memory_space<semaphore_mem>>)
        %dma_wait3A = arith.constant 0 : i32
        %dma_wait3A_62 = tpu.memref_slice %arg12[%add3A_30, %dma_wait3A] : memref<10240x128xf32, #tpu.memory_space<vmem_shared>> -> memref<128x128xf32, #tpu.memory_space<vmem_shared>>
        %dma_wait3A_63 = arith.constant 0 : i32
        %dma_wait3A_64 = tpu.memref_slice %arg12[%add3A_30, %dma_wait3A_63] : memref<10240x128xf32, #tpu.memory_space<vmem_shared>> -> memref<128x128xf32, #tpu.memory_space<vmem_shared>>
        tpu.wait_dma2 semaphore(%run_scoped3A : memref<!tpu.dma_semaphore, #tpu.memory_space<semaphore_mem>>) src(%arg10 : memref<128x128xf32, #tpu.memory_space<vmem>>) dst(%dma_wait3A_64 : memref<128x128xf32, #tpu.memory_space<vmem_shared>>)
        tpu.yield
      }) : () -> ()
      %barrier3A = arith.constant 0 : index
      tpu.barrier barrier_id(%barrier3A)
      %scan3A_31 = arith.constant 0 : i32
      %scan3A_32 = arith.constant 0 : i32
      %scan3A_33 = arith.constant 5 : i32
      %scan3A_34 = arith.addi %scan3A_32, %scan3A_33 : i32
      %scan3A_35 = arith.constant 1 : i32
      %scan3A_36 = scf.for %scan3A_59 = %scan3A_32 to %scan3A_34 step %scan3A_35 iter_args(%scan3A_60 = %scan3A_31) -> (i32)  : i32 {
        %mul3A_61 = arith.constant 160 : i32
        %mul3A_62 = arith.muli %arg1, %mul3A_61 : i32
        %mul3A_63 = arith.constant 32 : i32
        %mul3A_64 = arith.muli %scan3A_59, %mul3A_63 : i32
        %add3A_65 = arith.addi %mul3A_62, %mul3A_64 : i32
        "tpu.region"() ({
          %run_scoped3A = tpu.sem_alloc : memref<!tpu.dma_semaphore, #tpu.memory_space<semaphore_mem>>
          %dma_start3A_80 = arith.constant 0 : i32
          %dma_start3A_81 = tpu.memref_slice %arg2[%add3A_65, %dma_start3A_80] : memref<2560x128xi32, #tpu.memory_space<hbm>> -> memref<32x128xi32, #tpu.memory_space<hbm>>
          %dma_start3A_82 = arith.constant 0 : i32
          %dma_start3A_83 = tpu.memref_slice %arg2[%add3A_65, %dma_start3A_82] : memref<2560x128xi32, #tpu.memory_space<hbm>> -> memref<32x128xi32, #tpu.memory_space<hbm>>
          tpu.enqueue_dma source(%dma_start3A_83 : memref<32x128xi32, #tpu.memory_space<hbm>>) target(%arg8 : memref<32x128xi32, #tpu.memory_space<vmem>>) target_semaphore(%run_scoped3A : memref<!tpu.dma_semaphore, #tpu.memory_space<semaphore_mem>>)
          %dma_wait3A = arith.constant 0 : i32
          %dma_wait3A_84 = tpu.memref_slice %arg2[%add3A_65, %dma_wait3A] : memref<2560x128xi32, #tpu.memory_space<hbm>> -> memref<32x128xi32, #tpu.memory_space<hbm>>
          %dma_wait3A_85 = arith.constant 0 : i32
          %dma_wait3A_86 = tpu.memref_slice %arg2[%add3A_65, %dma_wait3A_85] : memref<2560x128xi32, #tpu.memory_space<hbm>> -> memref<32x128xi32, #tpu.memory_space<hbm>>
          tpu.wait_dma2 semaphore(%run_scoped3A : memref<!tpu.dma_semaphore, #tpu.memory_space<semaphore_mem>>) src(%dma_wait3A_86 : memref<32x128xi32, #tpu.memory_space<hbm>>) dst(%arg8 : memref<32x128xi32, #tpu.memory_space<vmem>>)
          tpu.yield
        }) : () -> ()
        "tpu.region"() ({
          %run_scoped3A = tpu.sem_alloc : memref<!tpu.dma_semaphore, #tpu.memory_space<semaphore_mem>>
          %dma_start3A_80 = arith.constant 0 : i32
          %dma_start3A_81 = tpu.memref_slice %arg3[%add3A_65, %dma_start3A_80] : memref<2560x128xi32, #tpu.memory_space<hbm>> -> memref<32x128xi32, #tpu.memory_space<hbm>>
          %dma_start3A_82 = arith.constant 0 : i32
          %dma_start3A_83 = tpu.memref_slice %arg3[%add3A_65, %dma_start3A_82] : memref<2560x128xi32, #tpu.memory_space<hbm>> -> memref<32x128xi32, #tpu.memory_space<hbm>>
          tpu.enqueue_dma source(%dma_start3A_83 : memref<32x128xi32, #tpu.memory_space<hbm>>) target(%arg9 : memref<32x128xi32, #tpu.memory_space<vmem>>) target_semaphore(%run_scoped3A : memref<!tpu.dma_semaphore, #tpu.memory_space<semaphore_mem>>)
          %dma_wait3A = arith.constant 0 : i32
          %dma_wait3A_84 = tpu.memref_slice %arg3[%add3A_65, %dma_wait3A] : memref<2560x128xi32, #tpu.memory_space<hbm>> -> memref<32x128xi32, #tpu.memory_space<hbm>>
          %dma_wait3A_85 = arith.constant 0 : i32
          %dma_wait3A_86 = tpu.memref_slice %arg3[%add3A_65, %dma_wait3A_85] : memref<2560x128xi32, #tpu.memory_space<hbm>> -> memref<32x128xi32, #tpu.memory_space<hbm>>
          tpu.wait_dma2 semaphore(%run_scoped3A : memref<!tpu.dma_semaphore, #tpu.memory_space<semaphore_mem>>) src(%dma_wait3A_86 : memref<32x128xi32, #tpu.memory_space<hbm>>) dst(%arg9 : memref<32x128xi32, #tpu.memory_space<vmem>>)
          tpu.yield
        }) : () -> ()
        %dma_start3A = arith.constant 0 : i32
        %dma_start3A_66 = arith.constant 0 : i32
        %dma_start3A_67 = tpu.memref_slice %arg8[%dma_start3A, %dma_start3A_66] : memref<32x128xi32, #tpu.memory_space<vmem>> -> memref<1x128xi32, #tpu.memory_space<vmem>>
        %dma_start3A_68 = tpu.memref_squeeze %dma_start3A_67 : memref<1x128xi32, #tpu.memory_space<vmem>> -> memref<128xi32, #tpu.memory_space<vmem>>
        %dma_start3A_69 = arith.constant 0 : i32
        %dma_start3A_70 = arith.constant 0 : i32
        %dma_start3A_71 = tpu.memref_slice %arg4[%dma_start3A_69, %dma_start3A_70] : memref<10240x128xf32, #tpu.memory_space<hbm>> -> memref<10240x128xf32, #tpu.memory_space<hbm>>
        tpu.enqueue_indirect_dma source(%dma_start3A_71 : memref<10240x128xf32, #tpu.memory_space<hbm>>) target(%arg10 : memref<128x128xf32, #tpu.memory_space<vmem>>) offsets(%dma_start3A_68 : memref<128xi32, #tpu.memory_space<vmem>>) semaphore(%arg13 : memref<!tpu.dma_semaphore, #tpu.memory_space<semaphore_mem>>)
        %scan3A_72 = arith.constant 0 : i32
        %scan3A_73 = arith.constant 0 : i32
        %scan3A_74 = arith.constant 16 : i32
        %scan3A_75 = arith.addi %scan3A_73, %scan3A_74 : i32
        %scan3A_76 = arith.constant 1 : i32
        %scan3A_77 = scf.for %scan3A_80 = %scan3A_73 to %scan3A_75 step %scan3A_76 iter_args(%scan3A_81 = %scan3A_72) -> (i32)  : i32 {
          %mul3A_82 = arith.constant 2 : i32
          %mul3A_83 = arith.muli %scan3A_80, %mul3A_82 : i32
          %dma_wait3A = arith.constant 0 : i32
          %dma_wait3A_84 = tpu.memref_slice %arg8[%mul3A_83, %dma_wait3A] : memref<32x128xi32, #tpu.memory_space<vmem>> -> memref<1x128xi32, #tpu.memory_space<vmem>>
          %dma_wait3A_85 = tpu.memref_squeeze %dma_wait3A_84 : memref<1x128xi32, #tpu.memory_space<vmem>> -> memref<128xi32, #tpu.memory_space<vmem>>
          %dma_wait3A_86 = arith.constant 0 : i32
          %dma_wait3A_87 = arith.constant 0 : i32
          %dma_wait3A_88 = tpu.memref_slice %arg4[%dma_wait3A_86, %dma_wait3A_87] : memref<10240x128xf32, #tpu.memory_space<hbm>> -> memref<10240x128xf32, #tpu.memory_space<hbm>>
          tpu.wait_indirect_dma semaphore(%arg13 : memref<!tpu.dma_semaphore, #tpu.memory_space<semaphore_mem>>) src(%dma_wait3A_88 : memref<10240x128xf32, #tpu.memory_space<hbm>>) dst(%arg10 : memref<128x128xf32, #tpu.memory_space<vmem>>)
          %add3A_89 = arith.constant 1 : i32
          %add3A_90 = arith.addi %mul3A_83, %add3A_89 : i32
          %dma_start3A_91 = arith.constant 0 : i32
          %dma_start3A_92 = tpu.memref_slice %arg8[%add3A_90, %dma_start3A_91] : memref<32x128xi32, #tpu.memory_space<vmem>> -> memref<1x128xi32, #tpu.memory_space<vmem>>
          %dma_start3A_93 = tpu.memref_squeeze %dma_start3A_92 : memref<1x128xi32, #tpu.memory_space<vmem>> -> memref<128xi32, #tpu.memory_space<vmem>>
          %dma_start3A_94 = arith.constant 0 : i32
          %dma_start3A_95 = arith.constant 0 : i32
          %dma_start3A_96 = tpu.memref_slice %arg4[%dma_start3A_94, %dma_start3A_95] : memref<10240x128xf32, #tpu.memory_space<hbm>> -> memref<10240x128xf32, #tpu.memory_space<hbm>>
          tpu.enqueue_indirect_dma source(%dma_start3A_96 : memref<10240x128xf32, #tpu.memory_space<hbm>>) target(%arg11 : memref<128x128xf32, #tpu.memory_space<vmem>>) offsets(%dma_start3A_93 : memref<128xi32, #tpu.memory_space<vmem>>) semaphore(%arg14 : memref<!tpu.dma_semaphore, #tpu.memory_space<semaphore_mem>>)
          "tpu.region"() ({
            %run_scoped3A = tpu.sem_alloc : memref<!tpu.dma_semaphore, #tpu.memory_space<semaphore_mem>>
            %dma_start3A_114 = arith.constant 0 : i32
            %dma_start3A_115 = tpu.memref_slice %arg9[%mul3A_83, %dma_start3A_114] : memref<32x128xi32, #tpu.memory_space<vmem>> -> memref<1x128xi32, #tpu.memory_space<vmem>>
            %dma_start3A_116 = tpu.memref_squeeze %dma_start3A_115 : memref<1x128xi32, #tpu.memory_space<vmem>> -> memref<128xi32, #tpu.memory_space<vmem>>
            %dma_start3A_117 = arith.constant 0 : i32
            %dma_start3A_118 = arith.constant 0 : i32
            %dma_start3A_119 = tpu.memref_slice %arg12[%dma_start3A_117, %dma_start3A_118] : memref<10240x128xf32, #tpu.memory_space<vmem_shared>> -> memref<10240x128xf32, #tpu.memory_space<vmem_shared>>
            tpu.enqueue_indirect_dma source(%arg10 : memref<128x128xf32, #tpu.memory_space<vmem>>) target(%dma_start3A_119 : memref<10240x128xf32, #tpu.memory_space<vmem_shared>>) offsets(%dma_start3A_116 : memref<128xi32, #tpu.memory_space<vmem>>) semaphore(%run_scoped3A : memref<!tpu.dma_semaphore, #tpu.memory_space<semaphore_mem>>) {add = true}
            %dma_wait3A_120 = arith.constant 0 : i32
            %dma_wait3A_121 = tpu.memref_slice %arg9[%mul3A_83, %dma_wait3A_120] : memref<32x128xi32, #tpu.memory_space<vmem>> -> memref<1x128xi32, #tpu.memory_space<vmem>>
            %dma_wait3A_122 = tpu.memref_squeeze %dma_wait3A_121 : memref<1x128xi32, #tpu.memory_space<vmem>> -> memref<128xi32, #tpu.memory_space<vmem>>
            %dma_wait3A_123 = arith.constant 0 : i32
            %dma_wait3A_124 = arith.constant 0 : i32
            %dma_wait3A_125 = tpu.memref_slice %arg12[%dma_wait3A_123, %dma_wait3A_124] : memref<10240x128xf32, #tpu.memory_space<vmem_shared>> -> memref<10240x128xf32, #tpu.memory_space<vmem_shared>>
            tpu.wait_indirect_dma semaphore(%run_scoped3A : memref<!tpu.dma_semaphore, #tpu.memory_space<semaphore_mem>>) src(%arg10 : memref<128x128xf32, #tpu.memory_space<vmem>>) dst(%dma_wait3A_125 : memref<10240x128xf32, #tpu.memory_space<vmem_shared>>)
            tpu.yield
          }) : () -> ()
          %add3A_97 = arith.constant 1 : i32
          %add3A_98 = arith.addi %mul3A_83, %add3A_97 : i32
          %dma_wait3A_99 = arith.constant 0 : i32
          %dma_wait3A_100 = tpu.memref_slice %arg8[%add3A_98, %dma_wait3A_99] : memref<32x128xi32, #tpu.memory_space<vmem>> -> memref<1x128xi32, #tpu.memory_space<vmem>>
          %dma_wait3A_101 = tpu.memref_squeeze %dma_wait3A_100 : memref<1x128xi32, #tpu.memory_space<vmem>> -> memref<128xi32, #tpu.memory_space<vmem>>
          %dma_wait3A_102 = arith.constant 0 : i32
          %dma_wait3A_103 = arith.constant 0 : i32
          %dma_wait3A_104 = tpu.memref_slice %arg4[%dma_wait3A_102, %dma_wait3A_103] : memref<10240x128xf32, #tpu.memory_space<hbm>> -> memref<10240x128xf32, #tpu.memory_space<hbm>>
          tpu.wait_indirect_dma semaphore(%arg14 : memref<!tpu.dma_semaphore, #tpu.memory_space<semaphore_mem>>) src(%dma_wait3A_104 : memref<10240x128xf32, #tpu.memory_space<hbm>>) dst(%arg11 : memref<128x128xf32, #tpu.memory_space<vmem>>)
          %add3A_105 = arith.constant 1 : i32
          %add3A_106 = arith.addi %scan3A_80, %add3A_105 : i32
          %lt3A = arith.constant 16 : i32
          %lt3A_107 = arith.cmpi slt, %add3A_106, %lt3A : i32
          %convert_element_type3A_108 = arith.extui %lt3A_107 : i1 to i32
          %cond3A_109 = arith.constant 0 : i32
          %cond3A_110 = arith.cmpi ne, %convert_element_type3A_108, %cond3A_109 : i32
          scf.if %cond3A_110 {
            %add3A_114 = arith.constant 2 : i32
            %add3A_115 = arith.addi %mul3A_83, %add3A_114 : i32
            %dma_start3A_116 = arith.constant 0 : i32
            %dma_start3A_117 = tpu.memref_slice %arg8[%add3A_115, %dma_start3A_116] : memref<32x128xi32, #tpu.memory_space<vmem>> -> memref<1x128xi32, #tpu.memory_space<vmem>>
            %dma_start3A_118 = tpu.memref_squeeze %dma_start3A_117 : memref<1x128xi32, #tpu.memory_space<vmem>> -> memref<128xi32, #tpu.memory_space<vmem>>
            %dma_start3A_119 = arith.constant 0 : i32
            %dma_start3A_120 = arith.constant 0 : i32
            %dma_start3A_121 = tpu.memref_slice %arg4[%dma_start3A_119, %dma_start3A_120] : memref<10240x128xf32, #tpu.memory_space<hbm>> -> memref<10240x128xf32, #tpu.memory_space<hbm>>
            tpu.enqueue_indirect_dma source(%dma_start3A_121 : memref<10240x128xf32, #tpu.memory_space<hbm>>) target(%arg10 : memref<128x128xf32, #tpu.memory_space<vmem>>) offsets(%dma_start3A_118 : memref<128xi32, #tpu.memory_space<vmem>>) semaphore(%arg13 : memref<!tpu.dma_semaphore, #tpu.memory_space<semaphore_mem>>)
          } else {
          }
          %add3A_111 = arith.constant 1 : i32
          %add3A_112 = arith.addi %mul3A_83, %add3A_111 : i32
          "tpu.region"() ({
            %run_scoped3A = tpu.sem_alloc : memref<!tpu.dma_semaphore, #tpu.memory_space<semaphore_mem>>
            %dma_start3A_114 = arith.constant 0 : i32
            %dma_start3A_115 = tpu.memref_slice %arg9[%add3A_112, %dma_start3A_114] : memref<32x128xi32, #tpu.memory_space<vmem>> -> memref<1x128xi32, #tpu.memory_space<vmem>>
            %dma_start3A_116 = tpu.memref_squeeze %dma_start3A_115 : memref<1x128xi32, #tpu.memory_space<vmem>> -> memref<128xi32, #tpu.memory_space<vmem>>
            %dma_start3A_117 = arith.constant 0 : i32
            %dma_start3A_118 = arith.constant 0 : i32
            %dma_start3A_119 = tpu.memref_slice %arg12[%dma_start3A_117, %dma_start3A_118] : memref<10240x128xf32, #tpu.memory_space<vmem_shared>> -> memref<10240x128xf32, #tpu.memory_space<vmem_shared>>
            tpu.enqueue_indirect_dma source(%arg11 : memref<128x128xf32, #tpu.memory_space<vmem>>) target(%dma_start3A_119 : memref<10240x128xf32, #tpu.memory_space<vmem_shared>>) offsets(%dma_start3A_116 : memref<128xi32, #tpu.memory_space<vmem>>) semaphore(%run_scoped3A : memref<!tpu.dma_semaphore, #tpu.memory_space<semaphore_mem>>) {add = true}
            %dma_wait3A_120 = arith.constant 0 : i32
            %dma_wait3A_121 = tpu.memref_slice %arg9[%add3A_112, %dma_wait3A_120] : memref<32x128xi32, #tpu.memory_space<vmem>> -> memref<1x128xi32, #tpu.memory_space<vmem>>
            %dma_wait3A_122 = tpu.memref_squeeze %dma_wait3A_121 : memref<1x128xi32, #tpu.memory_space<vmem>> -> memref<128xi32, #tpu.memory_space<vmem>>
            %dma_wait3A_123 = arith.constant 0 : i32
            %dma_wait3A_124 = arith.constant 0 : i32
            %dma_wait3A_125 = tpu.memref_slice %arg12[%dma_wait3A_123, %dma_wait3A_124] : memref<10240x128xf32, #tpu.memory_space<vmem_shared>> -> memref<10240x128xf32, #tpu.memory_space<vmem_shared>>
            tpu.wait_indirect_dma semaphore(%run_scoped3A : memref<!tpu.dma_semaphore, #tpu.memory_space<semaphore_mem>>) src(%arg11 : memref<128x128xf32, #tpu.memory_space<vmem>>) dst(%dma_wait3A_125 : memref<10240x128xf32, #tpu.memory_space<vmem_shared>>)
            tpu.yield
          }) : () -> ()
          %scan3A_113 = arith.constant 0 : i32
          scf.yield %scan3A_113 : i32
        }
        %scan3A_78 = arith.constant 16 : i32
        %scan3A_79 = arith.constant 0 : i32
        scf.yield %scan3A_79 : i32
      }
      %scan3A_37 = arith.constant 5 : i32
      %barrier3A_38 = arith.constant 0 : index
      tpu.barrier barrier_id(%barrier3A_38)
      %mul3A_39 = arith.constant 640 : i32
      %mul3A_40 = arith.muli %arg1, %mul3A_39 : i32
      %add3A_41 = arith.constant 0 : i32
      %add3A_42 = arith.addi %mul3A_40, %add3A_41 : i32
      "tpu.region"() ({
        %run_scoped3A = tpu.sem_alloc : memref<!tpu.dma_semaphore, #tpu.memory_space<semaphore_mem>>
        %dma_start3A = arith.constant 0 : i32
        %dma_start3A_59 = tpu.memref_slice %arg6[%add3A_42, %dma_start3A] : memref<10240x128xf32, #tpu.memory_space<hbm>> -> memref<128x128xf32, #tpu.memory_space<hbm>>
        %dma_start3A_60 = arith.constant 0 : i32
        %dma_start3A_61 = tpu.memref_slice %arg12[%add3A_42, %dma_start3A_60] : memref<10240x128xf32, #tpu.memory_space<vmem_shared>> -> memref<128x128xf32, #tpu.memory_space<vmem_shared>>
        tpu.enqueue_dma source(%dma_start3A_61 : memref<128x128xf32, #tpu.memory_space<vmem_shared>>) target(%dma_start3A_59 : memref<128x128xf32, #tpu.memory_space<hbm>>) target_semaphore(%run_scoped3A : memref<!tpu.dma_semaphore, #tpu.memory_space<semaphore_mem>>)
        %dma_wait3A = arith.constant 0 : i32
        %dma_wait3A_62 = tpu.memref_slice %arg6[%add3A_42, %dma_wait3A] : memref<10240x128xf32, #tpu.memory_space<hbm>> -> memref<128x128xf32, #tpu.memory_space<hbm>>
        %dma_wait3A_63 = arith.constant 0 : i32
        %dma_wait3A_64 = tpu.memref_slice %arg12[%add3A_42, %dma_wait3A_63] : memref<10240x128xf32, #tpu.memory_space<vmem_shared>> -> memref<128x128xf32, #tpu.memory_space<vmem_shared>>
        tpu.wait_dma2 semaphore(%run_scoped3A : memref<!tpu.dma_semaphore, #tpu.memory_space<semaphore_mem>>) src(%dma_wait3A_64 : memref<128x128xf32, #tpu.memory_space<vmem_shared>>) dst(%dma_wait3A_62 : memref<128x128xf32, #tpu.memory_space<hbm>>)
        tpu.yield
      }) : () -> ()
      %mul3A_43 = arith.constant 640 : i32
      %mul3A_44 = arith.muli %arg1, %mul3A_43 : i32
      %add3A_45 = arith.constant 128 : i32
      %add3A_46 = arith.addi %mul3A_44, %add3A_45 : i32
      "tpu.region"() ({
        %run_scoped3A = tpu.sem_alloc : memref<!tpu.dma_semaphore, #tpu.memory_space<semaphore_mem>>
        %dma_start3A = arith.constant 0 : i32
        %dma_start3A_59 = tpu.memref_slice %arg6[%add3A_46, %dma_start3A] : memref<10240x128xf32, #tpu.memory_space<hbm>> -> memref<128x128xf32, #tpu.memory_space<hbm>>
        %dma_start3A_60 = arith.constant 0 : i32
        %dma_start3A_61 = tpu.memref_slice %arg12[%add3A_46, %dma_start3A_60] : memref<10240x128xf32, #tpu.memory_space<vmem_shared>> -> memref<128x128xf32, #tpu.memory_space<vmem_shared>>
        tpu.enqueue_dma source(%dma_start3A_61 : memref<128x128xf32, #tpu.memory_space<vmem_shared>>) target(%dma_start3A_59 : memref<128x128xf32, #tpu.memory_space<hbm>>) target_semaphore(%run_scoped3A : memref<!tpu.dma_semaphore, #tpu.memory_space<semaphore_mem>>)
        %dma_wait3A = arith.constant 0 : i32
        %dma_wait3A_62 = tpu.memref_slice %arg6[%add3A_46, %dma_wait3A] : memref<10240x128xf32, #tpu.memory_space<hbm>> -> memref<128x128xf32, #tpu.memory_space<hbm>>
        %dma_wait3A_63 = arith.constant 0 : i32
        %dma_wait3A_64 = tpu.memref_slice %arg12[%add3A_46, %dma_wait3A_63] : memref<10240x128xf32, #tpu.memory_space<vmem_shared>> -> memref<128x128xf32, #tpu.memory_space<vmem_shared>>
        tpu.wait_dma2 semaphore(%run_scoped3A : memref<!tpu.dma_semaphore, #tpu.memory_space<semaphore_mem>>) src(%dma_wait3A_64 : memref<128x128xf32, #tpu.memory_space<vmem_shared>>) dst(%dma_wait3A_62 : memref<128x128xf32, #tpu.memory_space<hbm>>)
        tpu.yield
      }) : () -> ()
      %mul3A_47 = arith.constant 640 : i32
      %mul3A_48 = arith.muli %arg1, %mul3A_47 : i32
      %add3A_49 = arith.constant 256 : i32
      %add3A_50 = arith.addi %mul3A_48, %add3A_49 : i32
      "tpu.region"() ({
        %run_scoped3A = tpu.sem_alloc : memref<!tpu.dma_semaphore, #tpu.memory_space<semaphore_mem>>
        %dma_start3A = arith.constant 0 : i32
        %dma_start3A_59 = tpu.memref_slice %arg6[%add3A_50, %dma_start3A] : memref<10240x128xf32, #tpu.memory_space<hbm>> -> memref<128x128xf32, #tpu.memory_space<hbm>>
        %dma_start3A_60 = arith.constant 0 : i32
        %dma_start3A_61 = tpu.memref_slice %arg12[%add3A_50, %dma_start3A_60] : memref<10240x128xf32, #tpu.memory_space<vmem_shared>> -> memref<128x128xf32, #tpu.memory_space<vmem_shared>>
        tpu.enqueue_dma source(%dma_start3A_61 : memref<128x128xf32, #tpu.memory_space<vmem_shared>>) target(%dma_start3A_59 : memref<128x128xf32, #tpu.memory_space<hbm>>) target_semaphore(%run_scoped3A : memref<!tpu.dma_semaphore, #tpu.memory_space<semaphore_mem>>)
        %dma_wait3A = arith.constant 0 : i32
        %dma_wait3A_62 = tpu.memref_slice %arg6[%add3A_50, %dma_wait3A] : memref<10240x128xf32, #tpu.memory_space<hbm>> -> memref<128x128xf32, #tpu.memory_space<hbm>>
        %dma_wait3A_63 = arith.constant 0 : i32
        %dma_wait3A_64 = tpu.memref_slice %arg12[%add3A_50, %dma_wait3A_63] : memref<10240x128xf32, #tpu.memory_space<vmem_shared>> -> memref<128x128xf32, #tpu.memory_space<vmem_shared>>
        tpu.wait_dma2 semaphore(%run_scoped3A : memref<!tpu.dma_semaphore, #tpu.memory_space<semaphore_mem>>) src(%dma_wait3A_64 : memref<128x128xf32, #tpu.memory_space<vmem_shared>>) dst(%dma_wait3A_62 : memref<128x128xf32, #tpu.memory_space<hbm>>)
        tpu.yield
      }) : () -> ()
      %mul3A_51 = arith.constant 640 : i32
      %mul3A_52 = arith.muli %arg1, %mul3A_51 : i32
      %add3A_53 = arith.constant 384 : i32
      %add3A_54 = arith.addi %mul3A_52, %add3A_53 : i32
      "tpu.region"() ({
        %run_scoped3A = tpu.sem_alloc : memref<!tpu.dma_semaphore, #tpu.memory_space<semaphore_mem>>
        %dma_start3A = arith.constant 0 : i32
        %dma_start3A_59 = tpu.memref_slice %arg6[%add3A_54, %dma_start3A] : memref<10240x128xf32, #tpu.memory_space<hbm>> -> memref<128x128xf32, #tpu.memory_space<hbm>>
        %dma_start3A_60 = arith.constant 0 : i32
        %dma_start3A_61 = tpu.memref_slice %arg12[%add3A_54, %dma_start3A_60] : memref<10240x128xf32, #tpu.memory_space<vmem_shared>> -> memref<128x128xf32, #tpu.memory_space<vmem_shared>>
        tpu.enqueue_dma source(%dma_start3A_61 : memref<128x128xf32, #tpu.memory_space<vmem_shared>>) target(%dma_start3A_59 : memref<128x128xf32, #tpu.memory_space<hbm>>) target_semaphore(%run_scoped3A : memref<!tpu.dma_semaphore, #tpu.memory_space<semaphore_mem>>)
        %dma_wait3A = arith.constant 0 : i32
        %dma_wait3A_62 = tpu.memref_slice %arg6[%add3A_54, %dma_wait3A] : memref<10240x128xf32, #tpu.memory_space<hbm>> -> memref<128x128xf32, #tpu.memory_space<hbm>>
        %dma_wait3A_63 = arith.constant 0 : i32
        %dma_wait3A_64 = tpu.memref_slice %arg12[%add3A_54, %dma_wait3A_63] : memref<10240x128xf32, #tpu.memory_space<vmem_shared>> -> memref<128x128xf32, #tpu.memory_space<vmem_shared>>
        tpu.wait_dma2 semaphore(%run_scoped3A : memref<!tpu.dma_semaphore, #tpu.memory_space<semaphore_mem>>) src(%dma_wait3A_64 : memref<128x128xf32, #tpu.memory_space<vmem_shared>>) dst(%dma_wait3A_62 : memref<128x128xf32, #tpu.memory_space<hbm>>)
        tpu.yield
      }) : () -> ()
      %mul3A_55 = arith.constant 640 : i32
      %mul3A_56 = arith.muli %arg1, %mul3A_55 : i32
      %add3A_57 = arith.constant 512 : i32
      %add3A_58 = arith.addi %mul3A_56, %add3A_57 : i32
      "tpu.region"() ({
        %run_scoped3A = tpu.sem_alloc : memref<!tpu.dma_semaphore, #tpu.memory_space<semaphore_mem>>
        %dma_start3A = arith.constant 0 : i32
        %dma_start3A_59 = tpu.memref_slice %arg6[%add3A_58, %dma_start3A] : memref<10240x128xf32, #tpu.memory_space<hbm>> -> memref<128x128xf32, #tpu.memory_space<hbm>>
        %dma_start3A_60 = arith.constant 0 : i32
        %dma_start3A_61 = tpu.memref_slice %arg12[%add3A_58, %dma_start3A_60] : memref<10240x128xf32, #tpu.memory_space<vmem_shared>> -> memref<128x128xf32, #tpu.memory_space<vmem_shared>>
        tpu.enqueue_dma source(%dma_start3A_61 : memref<128x128xf32, #tpu.memory_space<vmem_shared>>) target(%dma_start3A_59 : memref<128x128xf32, #tpu.memory_space<hbm>>) target_semaphore(%run_scoped3A : memref<!tpu.dma_semaphore, #tpu.memory_space<semaphore_mem>>)
        %dma_wait3A = arith.constant 0 : i32
        %dma_wait3A_62 = tpu.memref_slice %arg6[%add3A_58, %dma_wait3A] : memref<10240x128xf32, #tpu.memory_space<hbm>> -> memref<128x128xf32, #tpu.memory_space<hbm>>
        %dma_wait3A_63 = arith.constant 0 : i32
        %dma_wait3A_64 = tpu.memref_slice %arg12[%add3A_58, %dma_wait3A_63] : memref<10240x128xf32, #tpu.memory_space<vmem_shared>> -> memref<128x128xf32, #tpu.memory_space<vmem_shared>>
        tpu.wait_dma2 semaphore(%run_scoped3A : memref<!tpu.dma_semaphore, #tpu.memory_space<semaphore_mem>>) src(%dma_wait3A_64 : memref<128x128xf32, #tpu.memory_space<vmem_shared>>) dst(%dma_wait3A_62 : memref<128x128xf32, #tpu.memory_space<hbm>>)
        tpu.yield
      }) : () -> ()
    } else {
    }
    %eq3A_2 = arith.constant 1 : i32
    %eq3A_3 = arith.cmpi eq, %arg0, %eq3A_2 : i32
    %convert_element_type3A_4 = arith.extui %eq3A_3 : i1 to i32
    %cond3A_5 = arith.constant 0 : i32
    %cond3A_6 = arith.cmpi ne, %convert_element_type3A_4, %cond3A_5 : i32
    scf.if %cond3A_6 {
      %scan3A = arith.constant 0 : i32
      %scan3A_7 = arith.constant 0 : i32
      %scan3A_8 = arith.constant 128 : i32
      %scan3A_9 = arith.addi %scan3A_7, %scan3A_8 : i32
      %scan3A_10 = arith.constant 1 : i32
      %scan3A_11 = scf.for %scan3A_59 = %scan3A_7 to %scan3A_9 step %scan3A_10 iter_args(%scan3A_60 = %scan3A) -> (i32)  : i32 {
        %broadcast_in_dim3A = arith.constant 0.000000e+00 : f32
        %broadcast_in_dim3A_61 = vector.broadcast %broadcast_in_dim3A : f32 to vector<16xf32>
        %swap3A = arith.index_cast %scan3A_59 : i32 to index
        %swap3A_62 = arith.constant 0 : index
        %swap3A_63 = tpu.vector_load %arg10[%swap3A, %swap3A_62] {strides = array<i32>} : memref<128x128xf32, #tpu.memory_space<vmem>>, vector<1x16xf32>,
        %swap3A_64 = vector.shape_cast %swap3A_63 : vector<1x16xf32> to vector<16xf32>
        %swap3A_65 = vector.shape_cast %broadcast_in_dim3A_61 : vector<16xf32> to vector<1x16xf32>
        tpu.vector_store %arg10[%swap3A, %swap3A_62], %swap3A_65 {strides = array<i32>} : memref<128x128xf32, #tpu.memory_space<vmem>>, vector<1x16xf32>,
        %broadcast_in_dim3A_66 = arith.constant 0.000000e+00 : f32
        %broadcast_in_dim3A_67 = vector.broadcast %broadcast_in_dim3A_66 : f32 to vector<16xf32>
        %swap3A_68 = arith.index_cast %scan3A_59 : i32 to index
        %swap3A_69 = arith.constant 16 : index
        %swap3A_70 = tpu.vector_load %arg10[%swap3A_68, %swap3A_69] {strides = array<i32>} : memref<128x128xf32, #tpu.memory_space<vmem>>, vector<1x16xf32>,
        %swap3A_71 = vector.shape_cast %swap3A_70 : vector<1x16xf32> to vector<16xf32>
        %swap3A_72 = vector.shape_cast %broadcast_in_dim3A_67 : vector<16xf32> to vector<1x16xf32>
        tpu.vector_store %arg10[%swap3A_68, %swap3A_69], %swap3A_72 {strides = array<i32>} : memref<128x128xf32, #tpu.memory_space<vmem>>, vector<1x16xf32>,
        %broadcast_in_dim3A_73 = arith.constant 0.000000e+00 : f32
        %broadcast_in_dim3A_74 = vector.broadcast %broadcast_in_dim3A_73 : f32 to vector<16xf32>
        %swap3A_75 = arith.index_cast %scan3A_59 : i32 to index
        %swap3A_76 = arith.constant 32 : index
        %swap3A_77 = tpu.vector_load %arg10[%swap3A_75, %swap3A_76] {strides = array<i32>} : memref<128x128xf32, #tpu.memory_space<vmem>>, vector<1x16xf32>,
        %swap3A_78 = vector.shape_cast %swap3A_77 : vector<1x16xf32> to vector<16xf32>
        %swap3A_79 = vector.shape_cast %broadcast_in_dim3A_74 : vector<16xf32> to vector<1x16xf32>
        tpu.vector_store %arg10[%swap3A_75, %swap3A_76], %swap3A_79 {strides = array<i32>} : memref<128x128xf32, #tpu.memory_space<vmem>>, vector<1x16xf32>,
        %broadcast_in_dim3A_80 = arith.constant 0.000000e+00 : f32
        %broadcast_in_dim3A_81 = vector.broadcast %broadcast_in_dim3A_80 : f32 to vector<16xf32>
        %swap3A_82 = arith.index_cast %scan3A_59 : i32 to index
        %swap3A_83 = arith.constant 48 : index
        %swap3A_84 = tpu.vector_load %arg10[%swap3A_82, %swap3A_83] {strides = array<i32>} : memref<128x128xf32, #tpu.memory_space<vmem>>, vector<1x16xf32>,
        %swap3A_85 = vector.shape_cast %swap3A_84 : vector<1x16xf32> to vector<16xf32>
        %swap3A_86 = vector.shape_cast %broadcast_in_dim3A_81 : vector<16xf32> to vector<1x16xf32>
        tpu.vector_store %arg10[%swap3A_82, %swap3A_83], %swap3A_86 {strides = array<i32>} : memref<128x128xf32, #tpu.memory_space<vmem>>, vector<1x16xf32>,
        %broadcast_in_dim3A_87 = arith.constant 0.000000e+00 : f32
        %broadcast_in_dim3A_88 = vector.broadcast %broadcast_in_dim3A_87 : f32 to vector<16xf32>
        %swap3A_89 = arith.index_cast %scan3A_59 : i32 to index
        %swap3A_90 = arith.constant 64 : index
        %swap3A_91 = tpu.vector_load %arg10[%swap3A_89, %swap3A_90] {strides = array<i32>} : memref<128x128xf32, #tpu.memory_space<vmem>>, vector<1x16xf32>,
        %swap3A_92 = vector.shape_cast %swap3A_91 : vector<1x16xf32> to vector<16xf32>
        %swap3A_93 = vector.shape_cast %broadcast_in_dim3A_88 : vector<16xf32> to vector<1x16xf32>
        tpu.vector_store %arg10[%swap3A_89, %swap3A_90], %swap3A_93 {strides = array<i32>} : memref<128x128xf32, #tpu.memory_space<vmem>>, vector<1x16xf32>,
        %broadcast_in_dim3A_94 = arith.constant 0.000000e+00 : f32
        %broadcast_in_dim3A_95 = vector.broadcast %broadcast_in_dim3A_94 : f32 to vector<16xf32>
        %swap3A_96 = arith.index_cast %scan3A_59 : i32 to index
        %swap3A_97 = arith.constant 80 : index
        %swap3A_98 = tpu.vector_load %arg10[%swap3A_96, %swap3A_97] {strides = array<i32>} : memref<128x128xf32, #tpu.memory_space<vmem>>, vector<1x16xf32>,
        %swap3A_99 = vector.shape_cast %swap3A_98 : vector<1x16xf32> to vector<16xf32>
        %swap3A_100 = vector.shape_cast %broadcast_in_dim3A_95 : vector<16xf32> to vector<1x16xf32>
        tpu.vector_store %arg10[%swap3A_96, %swap3A_97], %swap3A_100 {strides = array<i32>} : memref<128x128xf32, #tpu.memory_space<vmem>>, vector<1x16xf32>,
        %broadcast_in_dim3A_101 = arith.constant 0.000000e+00 : f32
        %broadcast_in_dim3A_102 = vector.broadcast %broadcast_in_dim3A_101 : f32 to vector<16xf32>
        %swap3A_103 = arith.index_cast %scan3A_59 : i32 to index
        %swap3A_104 = arith.constant 96 : index
        %swap3A_105 = tpu.vector_load %arg10[%swap3A_103, %swap3A_104] {strides = array<i32>} : memref<128x128xf32, #tpu.memory_space<vmem>>, vector<1x16xf32>,
        %swap3A_106 = vector.shape_cast %swap3A_105 : vector<1x16xf32> to vector<16xf32>
        %swap3A_107 = vector.shape_cast %broadcast_in_dim3A_102 : vector<16xf32> to vector<1x16xf32>
        tpu.vector_store %arg10[%swap3A_103, %swap3A_104], %swap3A_107 {strides = array<i32>} : memref<128x128xf32, #tpu.memory_space<vmem>>, vector<1x16xf32>,
        %broadcast_in_dim3A_108 = arith.constant 0.000000e+00 : f32
        %broadcast_in_dim3A_109 = vector.broadcast %broadcast_in_dim3A_108 : f32 to vector<16xf32>
        %swap3A_110 = arith.index_cast %scan3A_59 : i32 to index
        %swap3A_111 = arith.constant 112 : index
        %swap3A_112 = tpu.vector_load %arg10[%swap3A_110, %swap3A_111] {strides = array<i32>} : memref<128x128xf32, #tpu.memory_space<vmem>>, vector<1x16xf32>,
        %swap3A_113 = vector.shape_cast %swap3A_112 : vector<1x16xf32> to vector<16xf32>
        %swap3A_114 = vector.shape_cast %broadcast_in_dim3A_109 : vector<16xf32> to vector<1x16xf32>
        tpu.vector_store %arg10[%swap3A_110, %swap3A_111], %swap3A_114 {strides = array<i32>} : memref<128x128xf32, #tpu.memory_space<vmem>>, vector<1x16xf32>,
        %scan3A_115 = arith.constant 0 : i32
        scf.yield %scan3A_115 : i32
      }
      %scan3A_12 = arith.constant 128 : i32
      %mul3A = arith.constant 640 : i32
      %mul3A_13 = arith.muli %arg1, %mul3A : i32
      %add3A = arith.constant 0 : i32
      %add3A_14 = arith.addi %mul3A_13, %add3A : i32
      "tpu.region"() ({
        %run_scoped3A = tpu.sem_alloc : memref<!tpu.dma_semaphore, #tpu.memory_space<semaphore_mem>>
        %dma_start3A = arith.constant 0 : i32
        %dma_start3A_59 = tpu.memref_slice %arg12[%add3A_14, %dma_start3A] : memref<10240x128xf32, #tpu.memory_space<vmem_shared>> -> memref<128x128xf32, #tpu.memory_space<vmem_shared>>
        %dma_start3A_60 = arith.constant 0 : i32
        %dma_start3A_61 = tpu.memref_slice %arg12[%add3A_14, %dma_start3A_60] : memref<10240x128xf32, #tpu.memory_space<vmem_shared>> -> memref<128x128xf32, #tpu.memory_space<vmem_shared>>
        tpu.enqueue_dma source(%arg10 : memref<128x128xf32, #tpu.memory_space<vmem>>) target(%dma_start3A_61 : memref<128x128xf32, #tpu.memory_space<vmem_shared>>) target_semaphore(%run_scoped3A : memref<!tpu.dma_semaphore, #tpu.memory_space<semaphore_mem>>)
        %dma_wait3A = arith.constant 0 : i32
        %dma_wait3A_62 = tpu.memref_slice %arg12[%add3A_14, %dma_wait3A] : memref<10240x128xf32, #tpu.memory_space<vmem_shared>> -> memref<128x128xf32, #tpu.memory_space<vmem_shared>>
        %dma_wait3A_63 = arith.constant 0 : i32
        %dma_wait3A_64 = tpu.memref_slice %arg12[%add3A_14, %dma_wait3A_63] : memref<10240x128xf32, #tpu.memory_space<vmem_shared>> -> memref<128x128xf32, #tpu.memory_space<vmem_shared>>
        tpu.wait_dma2 semaphore(%run_scoped3A : memref<!tpu.dma_semaphore, #tpu.memory_space<semaphore_mem>>) src(%arg10 : memref<128x128xf32, #tpu.memory_space<vmem>>) dst(%dma_wait3A_64 : memref<128x128xf32, #tpu.memory_space<vmem_shared>>)
        tpu.yield
      }) : () -> ()
      %mul3A_15 = arith.constant 640 : i32
      %mul3A_16 = arith.muli %arg1, %mul3A_15 : i32
      %add3A_17 = arith.constant 128 : i32
      %add3A_18 = arith.addi %mul3A_16, %add3A_17 : i32
      "tpu.region"() ({
        %run_scoped3A = tpu.sem_alloc : memref<!tpu.dma_semaphore, #tpu.memory_space<semaphore_mem>>
        %dma_start3A = arith.constant 0 : i32
        %dma_start3A_59 = tpu.memref_slice %arg12[%add3A_18, %dma_start3A] : memref<10240x128xf32, #tpu.memory_space<vmem_shared>> -> memref<128x128xf32, #tpu.memory_space<vmem_shared>>
        %dma_start3A_60 = arith.constant 0 : i32
        %dma_start3A_61 = tpu.memref_slice %arg12[%add3A_18, %dma_start3A_60] : memref<10240x128xf32, #tpu.memory_space<vmem_shared>> -> memref<128x128xf32, #tpu.memory_space<vmem_shared>>
        tpu.enqueue_dma source(%arg10 : memref<128x128xf32, #tpu.memory_space<vmem>>) target(%dma_start3A_61 : memref<128x128xf32, #tpu.memory_space<vmem_shared>>) target_semaphore(%run_scoped3A : memref<!tpu.dma_semaphore, #tpu.memory_space<semaphore_mem>>)
        %dma_wait3A = arith.constant 0 : i32
        %dma_wait3A_62 = tpu.memref_slice %arg12[%add3A_18, %dma_wait3A] : memref<10240x128xf32, #tpu.memory_space<vmem_shared>> -> memref<128x128xf32, #tpu.memory_space<vmem_shared>>
        %dma_wait3A_63 = arith.constant 0 : i32
        %dma_wait3A_64 = tpu.memref_slice %arg12[%add3A_18, %dma_wait3A_63] : memref<10240x128xf32, #tpu.memory_space<vmem_shared>> -> memref<128x128xf32, #tpu.memory_space<vmem_shared>>
        tpu.wait_dma2 semaphore(%run_scoped3A : memref<!tpu.dma_semaphore, #tpu.memory_space<semaphore_mem>>) src(%arg10 : memref<128x128xf32, #tpu.memory_space<vmem>>) dst(%dma_wait3A_64 : memref<128x128xf32, #tpu.memory_space<vmem_shared>>)
        tpu.yield
      }) : () -> ()
      %mul3A_19 = arith.constant 640 : i32
      %mul3A_20 = arith.muli %arg1, %mul3A_19 : i32
      %add3A_21 = arith.constant 256 : i32
      %add3A_22 = arith.addi %mul3A_20, %add3A_21 : i32
      "tpu.region"() ({
        %run_scoped3A = tpu.sem_alloc : memref<!tpu.dma_semaphore, #tpu.memory_space<semaphore_mem>>
        %dma_start3A = arith.constant 0 : i32
        %dma_start3A_59 = tpu.memref_slice %arg12[%add3A_22, %dma_start3A] : memref<10240x128xf32, #tpu.memory_space<vmem_shared>> -> memref<128x128xf32, #tpu.memory_space<vmem_shared>>
        %dma_start3A_60 = arith.constant 0 : i32
        %dma_start3A_61 = tpu.memref_slice %arg12[%add3A_22, %dma_start3A_60] : memref<10240x128xf32, #tpu.memory_space<vmem_shared>> -> memref<128x128xf32, #tpu.memory_space<vmem_shared>>
        tpu.enqueue_dma source(%arg10 : memref<128x128xf32, #tpu.memory_space<vmem>>) target(%dma_start3A_61 : memref<128x128xf32, #tpu.memory_space<vmem_shared>>) target_semaphore(%run_scoped3A : memref<!tpu.dma_semaphore, #tpu.memory_space<semaphore_mem>>)
        %dma_wait3A = arith.constant 0 : i32
        %dma_wait3A_62 = tpu.memref_slice %arg12[%add3A_22, %dma_wait3A] : memref<10240x128xf32, #tpu.memory_space<vmem_shared>> -> memref<128x128xf32, #tpu.memory_space<vmem_shared>>
        %dma_wait3A_63 = arith.constant 0 : i32
        %dma_wait3A_64 = tpu.memref_slice %arg12[%add3A_22, %dma_wait3A_63] : memref<10240x128xf32, #tpu.memory_space<vmem_shared>> -> memref<128x128xf32, #tpu.memory_space<vmem_shared>>
        tpu.wait_dma2 semaphore(%run_scoped3A : memref<!tpu.dma_semaphore, #tpu.memory_space<semaphore_mem>>) src(%arg10 : memref<128x128xf32, #tpu.memory_space<vmem>>) dst(%dma_wait3A_64 : memref<128x128xf32, #tpu.memory_space<vmem_shared>>)
        tpu.yield
      }) : () -> ()
      %mul3A_23 = arith.constant 640 : i32
      %mul3A_24 = arith.muli %arg1, %mul3A_23 : i32
      %add3A_25 = arith.constant 384 : i32
      %add3A_26 = arith.addi %mul3A_24, %add3A_25 : i32
      "tpu.region"() ({
        %run_scoped3A = tpu.sem_alloc : memref<!tpu.dma_semaphore, #tpu.memory_space<semaphore_mem>>
        %dma_start3A = arith.constant 0 : i32
        %dma_start3A_59 = tpu.memref_slice %arg12[%add3A_26, %dma_start3A] : memref<10240x128xf32, #tpu.memory_space<vmem_shared>> -> memref<128x128xf32, #tpu.memory_space<vmem_shared>>
        %dma_start3A_60 = arith.constant 0 : i32
        %dma_start3A_61 = tpu.memref_slice %arg12[%add3A_26, %dma_start3A_60] : memref<10240x128xf32, #tpu.memory_space<vmem_shared>> -> memref<128x128xf32, #tpu.memory_space<vmem_shared>>
        tpu.enqueue_dma source(%arg10 : memref<128x128xf32, #tpu.memory_space<vmem>>) target(%dma_start3A_61 : memref<128x128xf32, #tpu.memory_space<vmem_shared>>) target_semaphore(%run_scoped3A : memref<!tpu.dma_semaphore, #tpu.memory_space<semaphore_mem>>)
        %dma_wait3A = arith.constant 0 : i32
        %dma_wait3A_62 = tpu.memref_slice %arg12[%add3A_26, %dma_wait3A] : memref<10240x128xf32, #tpu.memory_space<vmem_shared>> -> memref<128x128xf32, #tpu.memory_space<vmem_shared>>
        %dma_wait3A_63 = arith.constant 0 : i32
        %dma_wait3A_64 = tpu.memref_slice %arg12[%add3A_26, %dma_wait3A_63] : memref<10240x128xf32, #tpu.memory_space<vmem_shared>> -> memref<128x128xf32, #tpu.memory_space<vmem_shared>>
        tpu.wait_dma2 semaphore(%run_scoped3A : memref<!tpu.dma_semaphore, #tpu.memory_space<semaphore_mem>>) src(%arg10 : memref<128x128xf32, #tpu.memory_space<vmem>>) dst(%dma_wait3A_64 : memref<128x128xf32, #tpu.memory_space<vmem_shared>>)
        tpu.yield
      }) : () -> ()
      %mul3A_27 = arith.constant 640 : i32
      %mul3A_28 = arith.muli %arg1, %mul3A_27 : i32
      %add3A_29 = arith.constant 512 : i32
      %add3A_30 = arith.addi %mul3A_28, %add3A_29 : i32
      "tpu.region"() ({
        %run_scoped3A = tpu.sem_alloc : memref<!tpu.dma_semaphore, #tpu.memory_space<semaphore_mem>>
        %dma_start3A = arith.constant 0 : i32
        %dma_start3A_59 = tpu.memref_slice %arg12[%add3A_30, %dma_start3A] : memref<10240x128xf32, #tpu.memory_space<vmem_shared>> -> memref<128x128xf32, #tpu.memory_space<vmem_shared>>
        %dma_start3A_60 = arith.constant 0 : i32
        %dma_start3A_61 = tpu.memref_slice %arg12[%add3A_30, %dma_start3A_60] : memref<10240x128xf32, #tpu.memory_space<vmem_shared>> -> memref<128x128xf32, #tpu.memory_space<vmem_shared>>
        tpu.enqueue_dma source(%arg10 : memref<128x128xf32, #tpu.memory_space<vmem>>) target(%dma_start3A_61 : memref<128x128xf32, #tpu.memory_space<vmem_shared>>) target_semaphore(%run_scoped3A : memref<!tpu.dma_semaphore, #tpu.memory_space<semaphore_mem>>)
        %dma_wait3A = arith.constant 0 : i32
        %dma_wait3A_62 = tpu.memref_slice %arg12[%add3A_30, %dma_wait3A] : memref<10240x128xf32, #tpu.memory_space<vmem_shared>> -> memref<128x128xf32, #tpu.memory_space<vmem_shared>>
        %dma_wait3A_63 = arith.constant 0 : i32
        %dma_wait3A_64 = tpu.memref_slice %arg12[%add3A_30, %dma_wait3A_63] : memref<10240x128xf32, #tpu.memory_space<vmem_shared>> -> memref<128x128xf32, #tpu.memory_space<vmem_shared>>
        tpu.wait_dma2 semaphore(%run_scoped3A : memref<!tpu.dma_semaphore, #tpu.memory_space<semaphore_mem>>) src(%arg10 : memref<128x128xf32, #tpu.memory_space<vmem>>) dst(%dma_wait3A_64 : memref<128x128xf32, #tpu.memory_space<vmem_shared>>)
        tpu.yield
      }) : () -> ()
      %barrier3A = arith.constant 0 : index
      tpu.barrier barrier_id(%barrier3A)
      %scan3A_31 = arith.constant 0 : i32
      %scan3A_32 = arith.constant 0 : i32
      %scan3A_33 = arith.constant 5 : i32
      %scan3A_34 = arith.addi %scan3A_32, %scan3A_33 : i32
      %scan3A_35 = arith.constant 1 : i32
      %scan3A_36 = scf.for %scan3A_59 = %scan3A_32 to %scan3A_34 step %scan3A_35 iter_args(%scan3A_60 = %scan3A_31) -> (i32)  : i32 {
        %mul3A_61 = arith.constant 160 : i32
        %mul3A_62 = arith.muli %arg1, %mul3A_61 : i32
        %mul3A_63 = arith.constant 32 : i32
        %mul3A_64 = arith.muli %scan3A_59, %mul3A_63 : i32
        %add3A_65 = arith.addi %mul3A_62, %mul3A_64 : i32
        "tpu.region"() ({
          %run_scoped3A = tpu.sem_alloc : memref<!tpu.dma_semaphore, #tpu.memory_space<semaphore_mem>>
          %dma_start3A_80 = arith.constant 0 : i32
          %dma_start3A_81 = tpu.memref_slice %arg2[%add3A_65, %dma_start3A_80] : memref<2560x128xi32, #tpu.memory_space<hbm>> -> memref<32x128xi32, #tpu.memory_space<hbm>>
          %dma_start3A_82 = arith.constant 0 : i32
          %dma_start3A_83 = tpu.memref_slice %arg2[%add3A_65, %dma_start3A_82] : memref<2560x128xi32, #tpu.memory_space<hbm>> -> memref<32x128xi32, #tpu.memory_space<hbm>>
          tpu.enqueue_dma source(%dma_start3A_83 : memref<32x128xi32, #tpu.memory_space<hbm>>) target(%arg8 : memref<32x128xi32, #tpu.memory_space<vmem>>) target_semaphore(%run_scoped3A : memref<!tpu.dma_semaphore, #tpu.memory_space<semaphore_mem>>)
          %dma_wait3A = arith.constant 0 : i32
          %dma_wait3A_84 = tpu.memref_slice %arg2[%add3A_65, %dma_wait3A] : memref<2560x128xi32, #tpu.memory_space<hbm>> -> memref<32x128xi32, #tpu.memory_space<hbm>>
          %dma_wait3A_85 = arith.constant 0 : i32
          %dma_wait3A_86 = tpu.memref_slice %arg2[%add3A_65, %dma_wait3A_85] : memref<2560x128xi32, #tpu.memory_space<hbm>> -> memref<32x128xi32, #tpu.memory_space<hbm>>
          tpu.wait_dma2 semaphore(%run_scoped3A : memref<!tpu.dma_semaphore, #tpu.memory_space<semaphore_mem>>) src(%dma_wait3A_86 : memref<32x128xi32, #tpu.memory_space<hbm>>) dst(%arg8 : memref<32x128xi32, #tpu.memory_space<vmem>>)
          tpu.yield
        }) : () -> ()
        "tpu.region"() ({
          %run_scoped3A = tpu.sem_alloc : memref<!tpu.dma_semaphore, #tpu.memory_space<semaphore_mem>>
          %dma_start3A_80 = arith.constant 0 : i32
          %dma_start3A_81 = tpu.memref_slice %arg3[%add3A_65, %dma_start3A_80] : memref<2560x128xi32, #tpu.memory_space<hbm>> -> memref<32x128xi32, #tpu.memory_space<hbm>>
          %dma_start3A_82 = arith.constant 0 : i32
          %dma_start3A_83 = tpu.memref_slice %arg3[%add3A_65, %dma_start3A_82] : memref<2560x128xi32, #tpu.memory_space<hbm>> -> memref<32x128xi32, #tpu.memory_space<hbm>>
          tpu.enqueue_dma source(%dma_start3A_83 : memref<32x128xi32, #tpu.memory_space<hbm>>) target(%arg9 : memref<32x128xi32, #tpu.memory_space<vmem>>) target_semaphore(%run_scoped3A : memref<!tpu.dma_semaphore, #tpu.memory_space<semaphore_mem>>)
          %dma_wait3A = arith.constant 0 : i32
          %dma_wait3A_84 = tpu.memref_slice %arg3[%add3A_65, %dma_wait3A] : memref<2560x128xi32, #tpu.memory_space<hbm>> -> memref<32x128xi32, #tpu.memory_space<hbm>>
          %dma_wait3A_85 = arith.constant 0 : i32
          %dma_wait3A_86 = tpu.memref_slice %arg3[%add3A_65, %dma_wait3A_85] : memref<2560x128xi32, #tpu.memory_space<hbm>> -> memref<32x128xi32, #tpu.memory_space<hbm>>
          tpu.wait_dma2 semaphore(%run_scoped3A : memref<!tpu.dma_semaphore, #tpu.memory_space<semaphore_mem>>) src(%dma_wait3A_86 : memref<32x128xi32, #tpu.memory_space<hbm>>) dst(%arg9 : memref<32x128xi32, #tpu.memory_space<vmem>>)
          tpu.yield
        }) : () -> ()
        %dma_start3A = arith.constant 0 : i32
        %dma_start3A_66 = arith.constant 0 : i32
        %dma_start3A_67 = tpu.memref_slice %arg8[%dma_start3A, %dma_start3A_66] : memref<32x128xi32, #tpu.memory_space<vmem>> -> memref<1x128xi32, #tpu.memory_space<vmem>>
        %dma_start3A_68 = tpu.memref_squeeze %dma_start3A_67 : memref<1x128xi32, #tpu.memory_space<vmem>> -> memref<128xi32, #tpu.memory_space<vmem>>
        %dma_start3A_69 = arith.constant 0 : i32
        %dma_start3A_70 = arith.constant 0 : i32
        %dma_start3A_71 = tpu.memref_slice %arg5[%dma_start3A_69, %dma_start3A_70] : memref<10240x128xf32, #tpu.memory_space<hbm>> -> memref<10240x128xf32, #tpu.memory_space<hbm>>
        tpu.enqueue_indirect_dma source(%dma_start3A_71 : memref<10240x128xf32, #tpu.memory_space<hbm>>) target(%arg10 : memref<128x128xf32, #tpu.memory_space<vmem>>) offsets(%dma_start3A_68 : memref<128xi32, #tpu.memory_space<vmem>>) semaphore(%arg13 : memref<!tpu.dma_semaphore, #tpu.memory_space<semaphore_mem>>)
        %scan3A_72 = arith.constant 0 : i32
        %scan3A_73 = arith.constant 0 : i32
        %scan3A_74 = arith.constant 16 : i32
        %scan3A_75 = arith.addi %scan3A_73, %scan3A_74 : i32
        %scan3A_76 = arith.constant 1 : i32
        %scan3A_77 = scf.for %scan3A_80 = %scan3A_73 to %scan3A_75 step %scan3A_76 iter_args(%scan3A_81 = %scan3A_72) -> (i32)  : i32 {
          %mul3A_82 = arith.constant 2 : i32
          %mul3A_83 = arith.muli %scan3A_80, %mul3A_82 : i32
          %dma_wait3A = arith.constant 0 : i32
          %dma_wait3A_84 = tpu.memref_slice %arg8[%mul3A_83, %dma_wait3A] : memref<32x128xi32, #tpu.memory_space<vmem>> -> memref<1x128xi32, #tpu.memory_space<vmem>>
          %dma_wait3A_85 = tpu.memref_squeeze %dma_wait3A_84 : memref<1x128xi32, #tpu.memory_space<vmem>> -> memref<128xi32, #tpu.memory_space<vmem>>
          %dma_wait3A_86 = arith.constant 0 : i32
          %dma_wait3A_87 = arith.constant 0 : i32
          %dma_wait3A_88 = tpu.memref_slice %arg5[%dma_wait3A_86, %dma_wait3A_87] : memref<10240x128xf32, #tpu.memory_space<hbm>> -> memref<10240x128xf32, #tpu.memory_space<hbm>>
          tpu.wait_indirect_dma semaphore(%arg13 : memref<!tpu.dma_semaphore, #tpu.memory_space<semaphore_mem>>) src(%dma_wait3A_88 : memref<10240x128xf32, #tpu.memory_space<hbm>>) dst(%arg10 : memref<128x128xf32, #tpu.memory_space<vmem>>)
          %add3A_89 = arith.constant 1 : i32
          %add3A_90 = arith.addi %mul3A_83, %add3A_89 : i32
          %dma_start3A_91 = arith.constant 0 : i32
          %dma_start3A_92 = tpu.memref_slice %arg8[%add3A_90, %dma_start3A_91] : memref<32x128xi32, #tpu.memory_space<vmem>> -> memref<1x128xi32, #tpu.memory_space<vmem>>
          %dma_start3A_93 = tpu.memref_squeeze %dma_start3A_92 : memref<1x128xi32, #tpu.memory_space<vmem>> -> memref<128xi32, #tpu.memory_space<vmem>>
          %dma_start3A_94 = arith.constant 0 : i32
          %dma_start3A_95 = arith.constant 0 : i32
          %dma_start3A_96 = tpu.memref_slice %arg5[%dma_start3A_94, %dma_start3A_95] : memref<10240x128xf32, #tpu.memory_space<hbm>> -> memref<10240x128xf32, #tpu.memory_space<hbm>>
          tpu.enqueue_indirect_dma source(%dma_start3A_96 : memref<10240x128xf32, #tpu.memory_space<hbm>>) target(%arg11 : memref<128x128xf32, #tpu.memory_space<vmem>>) offsets(%dma_start3A_93 : memref<128xi32, #tpu.memory_space<vmem>>) semaphore(%arg14 : memref<!tpu.dma_semaphore, #tpu.memory_space<semaphore_mem>>)
          "tpu.region"() ({
            %run_scoped3A = tpu.sem_alloc : memref<!tpu.dma_semaphore, #tpu.memory_space<semaphore_mem>>
            %dma_start3A_114 = arith.constant 0 : i32
            %dma_start3A_115 = tpu.memref_slice %arg9[%mul3A_83, %dma_start3A_114] : memref<32x128xi32, #tpu.memory_space<vmem>> -> memref<1x128xi32, #tpu.memory_space<vmem>>
            %dma_start3A_116 = tpu.memref_squeeze %dma_start3A_115 : memref<1x128xi32, #tpu.memory_space<vmem>> -> memref<128xi32, #tpu.memory_space<vmem>>
            %dma_start3A_117 = arith.constant 0 : i32
            %dma_start3A_118 = arith.constant 0 : i32
            %dma_start3A_119 = tpu.memref_slice %arg12[%dma_start3A_117, %dma_start3A_118] : memref<10240x128xf32, #tpu.memory_space<vmem_shared>> -> memref<10240x128xf32, #tpu.memory_space<vmem_shared>>
            tpu.enqueue_indirect_dma source(%arg10 : memref<128x128xf32, #tpu.memory_space<vmem>>) target(%dma_start3A_119 : memref<10240x128xf32, #tpu.memory_space<vmem_shared>>) offsets(%dma_start3A_116 : memref<128xi32, #tpu.memory_space<vmem>>) semaphore(%run_scoped3A : memref<!tpu.dma_semaphore, #tpu.memory_space<semaphore_mem>>) {add = true}
            %dma_wait3A_120 = arith.constant 0 : i32
            %dma_wait3A_121 = tpu.memref_slice %arg9[%mul3A_83, %dma_wait3A_120] : memref<32x128xi32, #tpu.memory_space<vmem>> -> memref<1x128xi32, #tpu.memory_space<vmem>>
            %dma_wait3A_122 = tpu.memref_squeeze %dma_wait3A_121 : memref<1x128xi32, #tpu.memory_space<vmem>> -> memref<128xi32, #tpu.memory_space<vmem>>
            %dma_wait3A_123 = arith.constant 0 : i32
            %dma_wait3A_124 = arith.constant 0 : i32
            %dma_wait3A_125 = tpu.memref_slice %arg12[%dma_wait3A_123, %dma_wait3A_124] : memref<10240x128xf32, #tpu.memory_space<vmem_shared>> -> memref<10240x128xf32, #tpu.memory_space<vmem_shared>>
            tpu.wait_indirect_dma semaphore(%run_scoped3A : memref<!tpu.dma_semaphore, #tpu.memory_space<semaphore_mem>>) src(%arg10 : memref<128x128xf32, #tpu.memory_space<vmem>>) dst(%dma_wait3A_125 : memref<10240x128xf32, #tpu.memory_space<vmem_shared>>)
            tpu.yield
          }) : () -> ()
          %add3A_97 = arith.constant 1 : i32
          %add3A_98 = arith.addi %mul3A_83, %add3A_97 : i32
          %dma_wait3A_99 = arith.constant 0 : i32
          %dma_wait3A_100 = tpu.memref_slice %arg8[%add3A_98, %dma_wait3A_99] : memref<32x128xi32, #tpu.memory_space<vmem>> -> memref<1x128xi32, #tpu.memory_space<vmem>>
          %dma_wait3A_101 = tpu.memref_squeeze %dma_wait3A_100 : memref<1x128xi32, #tpu.memory_space<vmem>> -> memref<128xi32, #tpu.memory_space<vmem>>
          %dma_wait3A_102 = arith.constant 0 : i32
          %dma_wait3A_103 = arith.constant 0 : i32
          %dma_wait3A_104 = tpu.memref_slice %arg5[%dma_wait3A_102, %dma_wait3A_103] : memref<10240x128xf32, #tpu.memory_space<hbm>> -> memref<10240x128xf32, #tpu.memory_space<hbm>>
          tpu.wait_indirect_dma semaphore(%arg14 : memref<!tpu.dma_semaphore, #tpu.memory_space<semaphore_mem>>) src(%dma_wait3A_104 : memref<10240x128xf32, #tpu.memory_space<hbm>>) dst(%arg11 : memref<128x128xf32, #tpu.memory_space<vmem>>)
          %add3A_105 = arith.constant 1 : i32
          %add3A_106 = arith.addi %scan3A_80, %add3A_105 : i32
          %lt3A = arith.constant 16 : i32
          %lt3A_107 = arith.cmpi slt, %add3A_106, %lt3A : i32
          %convert_element_type3A_108 = arith.extui %lt3A_107 : i1 to i32
          %cond3A_109 = arith.constant 0 : i32
          %cond3A_110 = arith.cmpi ne, %convert_element_type3A_108, %cond3A_109 : i32
          scf.if %cond3A_110 {
            %add3A_114 = arith.constant 2 : i32
            %add3A_115 = arith.addi %mul3A_83, %add3A_114 : i32
            %dma_start3A_116 = arith.constant 0 : i32
            %dma_start3A_117 = tpu.memref_slice %arg8[%add3A_115, %dma_start3A_116] : memref<32x128xi32, #tpu.memory_space<vmem>> -> memref<1x128xi32, #tpu.memory_space<vmem>>
            %dma_start3A_118 = tpu.memref_squeeze %dma_start3A_117 : memref<1x128xi32, #tpu.memory_space<vmem>> -> memref<128xi32, #tpu.memory_space<vmem>>
            %dma_start3A_119 = arith.constant 0 : i32
            %dma_start3A_120 = arith.constant 0 : i32
            %dma_start3A_121 = tpu.memref_slice %arg5[%dma_start3A_119, %dma_start3A_120] : memref<10240x128xf32, #tpu.memory_space<hbm>> -> memref<10240x128xf32, #tpu.memory_space<hbm>>
            tpu.enqueue_indirect_dma source(%dma_start3A_121 : memref<10240x128xf32, #tpu.memory_space<hbm>>) target(%arg10 : memref<128x128xf32, #tpu.memory_space<vmem>>) offsets(%dma_start3A_118 : memref<128xi32, #tpu.memory_space<vmem>>) semaphore(%arg13 : memref<!tpu.dma_semaphore, #tpu.memory_space<semaphore_mem>>)
          } else {
          }
          %add3A_111 = arith.constant 1 : i32
          %add3A_112 = arith.addi %mul3A_83, %add3A_111 : i32
          "tpu.region"() ({
            %run_scoped3A = tpu.sem_alloc : memref<!tpu.dma_semaphore, #tpu.memory_space<semaphore_mem>>
            %dma_start3A_114 = arith.constant 0 : i32
            %dma_start3A_115 = tpu.memref_slice %arg9[%add3A_112, %dma_start3A_114] : memref<32x128xi32, #tpu.memory_space<vmem>> -> memref<1x128xi32, #tpu.memory_space<vmem>>
            %dma_start3A_116 = tpu.memref_squeeze %dma_start3A_115 : memref<1x128xi32, #tpu.memory_space<vmem>> -> memref<128xi32, #tpu.memory_space<vmem>>
            %dma_start3A_117 = arith.constant 0 : i32
            %dma_start3A_118 = arith.constant 0 : i32
            %dma_start3A_119 = tpu.memref_slice %arg12[%dma_start3A_117, %dma_start3A_118] : memref<10240x128xf32, #tpu.memory_space<vmem_shared>> -> memref<10240x128xf32, #tpu.memory_space<vmem_shared>>
            tpu.enqueue_indirect_dma source(%arg11 : memref<128x128xf32, #tpu.memory_space<vmem>>) target(%dma_start3A_119 : memref<10240x128xf32, #tpu.memory_space<vmem_shared>>) offsets(%dma_start3A_116 : memref<128xi32, #tpu.memory_space<vmem>>) semaphore(%run_scoped3A : memref<!tpu.dma_semaphore, #tpu.memory_space<semaphore_mem>>) {add = true}
            %dma_wait3A_120 = arith.constant 0 : i32
            %dma_wait3A_121 = tpu.memref_slice %arg9[%add3A_112, %dma_wait3A_120] : memref<32x128xi32, #tpu.memory_space<vmem>> -> memref<1x128xi32, #tpu.memory_space<vmem>>
            %dma_wait3A_122 = tpu.memref_squeeze %dma_wait3A_121 : memref<1x128xi32, #tpu.memory_space<vmem>> -> memref<128xi32, #tpu.memory_space<vmem>>
            %dma_wait3A_123 = arith.constant 0 : i32
            %dma_wait3A_124 = arith.constant 0 : i32
            %dma_wait3A_125 = tpu.memref_slice %arg12[%dma_wait3A_123, %dma_wait3A_124] : memref<10240x128xf32, #tpu.memory_space<vmem_shared>> -> memref<10240x128xf32, #tpu.memory_space<vmem_shared>>
            tpu.wait_indirect_dma semaphore(%run_scoped3A : memref<!tpu.dma_semaphore, #tpu.memory_space<semaphore_mem>>) src(%arg11 : memref<128x128xf32, #tpu.memory_space<vmem>>) dst(%dma_wait3A_125 : memref<10240x128xf32, #tpu.memory_space<vmem_shared>>)
            tpu.yield
          }) : () -> ()
          %scan3A_113 = arith.constant 0 : i32
          scf.yield %scan3A_113 : i32
        }
        %scan3A_78 = arith.constant 16 : i32
        %scan3A_79 = arith.constant 0 : i32
        scf.yield %scan3A_79 : i32
      }
      %scan3A_37 = arith.constant 5 : i32
      %barrier3A_38 = arith.constant 0 : index
      tpu.barrier barrier_id(%barrier3A_38)
      %mul3A_39 = arith.constant 640 : i32
      %mul3A_40 = arith.muli %arg1, %mul3A_39 : i32
      %add3A_41 = arith.constant 0 : i32
      %add3A_42 = arith.addi %mul3A_40, %add3A_41 : i32
      "tpu.region"() ({
        %run_scoped3A = tpu.sem_alloc : memref<!tpu.dma_semaphore, #tpu.memory_space<semaphore_mem>>
        %dma_start3A = arith.constant 0 : i32
        %dma_start3A_59 = tpu.memref_slice %arg7[%add3A_42, %dma_start3A] : memref<10240x128xf32, #tpu.memory_space<hbm>> -> memref<128x128xf32, #tpu.memory_space<hbm>>
        %dma_start3A_60 = arith.constant 0 : i32
        %dma_start3A_61 = tpu.memref_slice %arg12[%add3A_42, %dma_start3A_60] : memref<10240x128xf32, #tpu.memory_space<vmem_shared>> -> memref<128x128xf32, #tpu.memory_space<vmem_shared>>
        tpu.enqueue_dma source(%dma_start3A_61 : memref<128x128xf32, #tpu.memory_space<vmem_shared>>) target(%dma_start3A_59 : memref<128x128xf32, #tpu.memory_space<hbm>>) target_semaphore(%run_scoped3A : memref<!tpu.dma_semaphore, #tpu.memory_space<semaphore_mem>>)
        %dma_wait3A = arith.constant 0 : i32
        %dma_wait3A_62 = tpu.memref_slice %arg7[%add3A_42, %dma_wait3A] : memref<10240x128xf32, #tpu.memory_space<hbm>> -> memref<128x128xf32, #tpu.memory_space<hbm>>
        %dma_wait3A_63 = arith.constant 0 : i32
        %dma_wait3A_64 = tpu.memref_slice %arg12[%add3A_42, %dma_wait3A_63] : memref<10240x128xf32, #tpu.memory_space<vmem_shared>> -> memref<128x128xf32, #tpu.memory_space<vmem_shared>>
        tpu.wait_dma2 semaphore(%run_scoped3A : memref<!tpu.dma_semaphore, #tpu.memory_space<semaphore_mem>>) src(%dma_wait3A_64 : memref<128x128xf32, #tpu.memory_space<vmem_shared>>) dst(%dma_wait3A_62 : memref<128x128xf32, #tpu.memory_space<hbm>>)
        tpu.yield
      }) : () -> ()
      %mul3A_43 = arith.constant 640 : i32
      %mul3A_44 = arith.muli %arg1, %mul3A_43 : i32
      %add3A_45 = arith.constant 128 : i32
      %add3A_46 = arith.addi %mul3A_44, %add3A_45 : i32
      "tpu.region"() ({
        %run_scoped3A = tpu.sem_alloc : memref<!tpu.dma_semaphore, #tpu.memory_space<semaphore_mem>>
        %dma_start3A = arith.constant 0 : i32
        %dma_start3A_59 = tpu.memref_slice %arg7[%add3A_46, %dma_start3A] : memref<10240x128xf32, #tpu.memory_space<hbm>> -> memref<128x128xf32, #tpu.memory_space<hbm>>
        %dma_start3A_60 = arith.constant 0 : i32
        %dma_start3A_61 = tpu.memref_slice %arg12[%add3A_46, %dma_start3A_60] : memref<10240x128xf32, #tpu.memory_space<vmem_shared>> -> memref<128x128xf32, #tpu.memory_space<vmem_shared>>
        tpu.enqueue_dma source(%dma_start3A_61 : memref<128x128xf32, #tpu.memory_space<vmem_shared>>) target(%dma_start3A_59 : memref<128x128xf32, #tpu.memory_space<hbm>>) target_semaphore(%run_scoped3A : memref<!tpu.dma_semaphore, #tpu.memory_space<semaphore_mem>>)
        %dma_wait3A = arith.constant 0 : i32
        %dma_wait3A_62 = tpu.memref_slice %arg7[%add3A_46, %dma_wait3A] : memref<10240x128xf32, #tpu.memory_space<hbm>> -> memref<128x128xf32, #tpu.memory_space<hbm>>
        %dma_wait3A_63 = arith.constant 0 : i32
        %dma_wait3A_64 = tpu.memref_slice %arg12[%add3A_46, %dma_wait3A_63] : memref<10240x128xf32, #tpu.memory_space<vmem_shared>> -> memref<128x128xf32, #tpu.memory_space<vmem_shared>>
        tpu.wait_dma2 semaphore(%run_scoped3A : memref<!tpu.dma_semaphore, #tpu.memory_space<semaphore_mem>>) src(%dma_wait3A_64 : memref<128x128xf32, #tpu.memory_space<vmem_shared>>) dst(%dma_wait3A_62 : memref<128x128xf32, #tpu.memory_space<hbm>>)
        tpu.yield
      }) : () -> ()
      %mul3A_47 = arith.constant 640 : i32
      %mul3A_48 = arith.muli %arg1, %mul3A_47 : i32
      %add3A_49 = arith.constant 256 : i32
      %add3A_50 = arith.addi %mul3A_48, %add3A_49 : i32
      "tpu.region"() ({
        %run_scoped3A = tpu.sem_alloc : memref<!tpu.dma_semaphore, #tpu.memory_space<semaphore_mem>>
        %dma_start3A = arith.constant 0 : i32
        %dma_start3A_59 = tpu.memref_slice %arg7[%add3A_50, %dma_start3A] : memref<10240x128xf32, #tpu.memory_space<hbm>> -> memref<128x128xf32, #tpu.memory_space<hbm>>
        %dma_start3A_60 = arith.constant 0 : i32
        %dma_start3A_61 = tpu.memref_slice %arg12[%add3A_50, %dma_start3A_60] : memref<10240x128xf32, #tpu.memory_space<vmem_shared>> -> memref<128x128xf32, #tpu.memory_space<vmem_shared>>
        tpu.enqueue_dma source(%dma_start3A_61 : memref<128x128xf32, #tpu.memory_space<vmem_shared>>) target(%dma_start3A_59 : memref<128x128xf32, #tpu.memory_space<hbm>>) target_semaphore(%run_scoped3A : memref<!tpu.dma_semaphore, #tpu.memory_space<semaphore_mem>>)
        %dma_wait3A = arith.constant 0 : i32
        %dma_wait3A_62 = tpu.memref_slice %arg7[%add3A_50, %dma_wait3A] : memref<10240x128xf32, #tpu.memory_space<hbm>> -> memref<128x128xf32, #tpu.memory_space<hbm>>
        %dma_wait3A_63 = arith.constant 0 : i32
        %dma_wait3A_64 = tpu.memref_slice %arg12[%add3A_50, %dma_wait3A_63] : memref<10240x128xf32, #tpu.memory_space<vmem_shared>> -> memref<128x128xf32, #tpu.memory_space<vmem_shared>>
        tpu.wait_dma2 semaphore(%run_scoped3A : memref<!tpu.dma_semaphore, #tpu.memory_space<semaphore_mem>>) src(%dma_wait3A_64 : memref<128x128xf32, #tpu.memory_space<vmem_shared>>) dst(%dma_wait3A_62 : memref<128x128xf32, #tpu.memory_space<hbm>>)
        tpu.yield
      }) : () -> ()
      %mul3A_51 = arith.constant 640 : i32
      %mul3A_52 = arith.muli %arg1, %mul3A_51 : i32
      %add3A_53 = arith.constant 384 : i32
      %add3A_54 = arith.addi %mul3A_52, %add3A_53 : i32
      "tpu.region"() ({
        %run_scoped3A = tpu.sem_alloc : memref<!tpu.dma_semaphore, #tpu.memory_space<semaphore_mem>>
        %dma_start3A = arith.constant 0 : i32
        %dma_start3A_59 = tpu.memref_slice %arg7[%add3A_54, %dma_start3A] : memref<10240x128xf32, #tpu.memory_space<hbm>> -> memref<128x128xf32, #tpu.memory_space<hbm>>
        %dma_start3A_60 = arith.constant 0 : i32
        %dma_start3A_61 = tpu.memref_slice %arg12[%add3A_54, %dma_start3A_60] : memref<10240x128xf32, #tpu.memory_space<vmem_shared>> -> memref<128x128xf32, #tpu.memory_space<vmem_shared>>
        tpu.enqueue_dma source(%dma_start3A_61 : memref<128x128xf32, #tpu.memory_space<vmem_shared>>) target(%dma_start3A_59 : memref<128x128xf32, #tpu.memory_space<hbm>>) target_semaphore(%run_scoped3A : memref<!tpu.dma_semaphore, #tpu.memory_space<semaphore_mem>>)
        %dma_wait3A = arith.constant 0 : i32
        %dma_wait3A_62 = tpu.memref_slice %arg7[%add3A_54, %dma_wait3A] : memref<10240x128xf32, #tpu.memory_space<hbm>> -> memref<128x128xf32, #tpu.memory_space<hbm>>
        %dma_wait3A_63 = arith.constant 0 : i32
        %dma_wait3A_64 = tpu.memref_slice %arg12[%add3A_54, %dma_wait3A_63] : memref<10240x128xf32, #tpu.memory_space<vmem_shared>> -> memref<128x128xf32, #tpu.memory_space<vmem_shared>>
        tpu.wait_dma2 semaphore(%run_scoped3A : memref<!tpu.dma_semaphore, #tpu.memory_space<semaphore_mem>>) src(%dma_wait3A_64 : memref<128x128xf32, #tpu.memory_space<vmem_shared>>) dst(%dma_wait3A_62 : memref<128x128xf32, #tpu.memory_space<hbm>>)
        tpu.yield
      }) : () -> ()
      %mul3A_55 = arith.constant 640 : i32
      %mul3A_56 = arith.muli %arg1, %mul3A_55 : i32
      %add3A_57 = arith.constant 512 : i32
      %add3A_58 = arith.addi %mul3A_56, %add3A_57 : i32
      "tpu.region"() ({
        %run_scoped3A = tpu.sem_alloc : memref<!tpu.dma_semaphore, #tpu.memory_space<semaphore_mem>>
        %dma_start3A = arith.constant 0 : i32
        %dma_start3A_59 = tpu.memref_slice %arg7[%add3A_58, %dma_start3A] : memref<10240x128xf32, #tpu.memory_space<hbm>> -> memref<128x128xf32, #tpu.memory_space<hbm>>
        %dma_start3A_60 = arith.constant 0 : i32
        %dma_start3A_61 = tpu.memref_slice %arg12[%add3A_58, %dma_start3A_60] : memref<10240x128xf32, #tpu.memory_space<vmem_shared>> -> memref<128x128xf32, #tpu.memory_space<vmem_shared>>
        tpu.enqueue_dma source(%dma_start3A_61 : memref<128x128xf32, #tpu.memory_space<vmem_shared>>) target(%dma_start3A_59 : memref<128x128xf32, #tpu.memory_space<hbm>>) target_semaphore(%run_scoped3A : memref<!tpu.dma_semaphore, #tpu.memory_space<semaphore_mem>>)
        %dma_wait3A = arith.constant 0 : i32
        %dma_wait3A_62 = tpu.memref_slice %arg7[%add3A_58, %dma_wait3A] : memref<10240x128xf32, #tpu.memory_space<hbm>> -> memref<128x128xf32, #tpu.memory_space<hbm>>
        %dma_wait3A_63 = arith.constant 0 : i32
        %dma_wait3A_64 = tpu.memref_slice %arg12[%add3A_58, %dma_wait3A_63] : memref<10240x128xf32, #tpu.memory_space<vmem_shared>> -> memref<128x128xf32, #tpu.memory_space<vmem_shared>>
        tpu.wait_dma2 semaphore(%run_scoped3A : memref<!tpu.dma_semaphore, #tpu.memory_space<semaphore_mem>>) src(%dma_wait3A_64 : memref<128x128xf32, #tpu.memory_space<vmem_shared>>) dst(%dma_wait3A_62 : memref<128x128xf32, #tpu.memory_space<hbm>>)
        tpu.yield
      }) : () -> ()
    } else {
    }
    return
  }
}

#map = affine_map<(d0, d1) -> (0, 0)>
module attributes {stable_mosaic.version = 14 : i64} {
  func.func @_sc_scatter(%arg0: i32, %arg1: i32, %arg2: memref<2560x128xi32, #tpu.memory_space<hbm>>, %arg3: memref<2560x128xi32, #tpu.memory_space<hbm>>, %arg4: memref<10240x128xf32, #tpu.memory_space<hbm>>, %arg5: memref<10240x128xf32, #tpu.memory_space<hbm>>, %arg6: memref<10240x128xf32, #tpu.memory_space<hbm>>, %arg7: memref<10240x128xf32, #tpu.memory_space<hbm>>, %arg8: memref<32x128xi32, #tpu.memory_space<vmem>>, %arg9: memref<32x128xi32, #tpu.memory_space<vmem>>, %arg10: memref<128x128xf32, #tpu.memory_space<vmem>>, %arg11: memref<128x128xf32, #tpu.memory_space<vmem>>, %arg12: memref<10240x128xf32, #tpu.memory_space<vmem_shared>>, %arg13: memref<!tpu.dma_semaphore, #tpu.memory_space<semaphore_mem>>, %arg14: memref<!tpu.dma_semaphore, #tpu.memory_space<semaphore_mem>>) attributes {dimension_semantics = [#tpu.dimension_semantics<core_parallel>, #tpu.dimension_semantics<subcore_parallel>], iteration_bounds = array<i64: 2, 16>, scalar_prefetch = 0 : i64, scratch_operands = 7 : i64, tpu.core_type = #tpu.core_type<sc_vector_subcore>, window_params = [{transform_indices = #map}, {transform_indices = #map}, {transform_indices = #map}, {transform_indices = #map}, {transform_indices = #map}, {transform_indices = #map}]} {
    %eq3A = arith.constant 0 : i32
    %eq3A_0 = arith.cmpi eq, %arg0, %eq3A : i32
    %convert_element_type3A = arith.extui %eq3A_0 : i1 to i32
    %cond3A = arith.constant 0 : i32
    %cond3A_1 = arith.cmpi ne, %convert_element_type3A, %cond3A : i32
    scf.if %cond3A_1 {
      %scan3A = arith.constant 0 : i32
      %scan3A_7 = arith.constant 0 : i32
      %scan3A_8 = arith.constant 128 : i32
      %scan3A_9 = arith.addi %scan3A_7, %scan3A_8 : i32
      %scan3A_10 = arith.constant 1 : i32
      %scan3A_11 = scf.for %scan3A_59 = %scan3A_7 to %scan3A_9 step %scan3A_10 iter_args(%scan3A_60 = %scan3A) -> (i32)  : i32 {
        %broadcast_in_dim3A = arith.constant 0.000000e+00 : f32
        %broadcast_in_dim3A_61 = vector.broadcast %broadcast_in_dim3A : f32 to vector<16xf32>
        %swap3A = arith.index_cast %scan3A_59 : i32 to index
        %swap3A_62 = arith.constant 0 : index
        %swap3A_63 = tpu.vector_load %arg10[%swap3A, %swap3A_62] {strides = array<i32>} : memref<128x128xf32, #tpu.memory_space<vmem>>, vector<1x16xf32>,
        %swap3A_64 = vector.shape_cast %swap3A_63 : vector<1x16xf32> to vector<16xf32>
        %swap3A_65 = vector.shape_cast %broadcast_in_dim3A_61 : vector<16xf32> to vector<1x16xf32>
        tpu.vector_store %arg10[%swap3A, %swap3A_62], %swap3A_65 {strides = array<i32>} : memref<128x128xf32, #tpu.memory_space<vmem>>, vector<1x16xf32>,
        %broadcast_in_dim3A_66 = arith.constant 0.000000e+00 : f32
        %broadcast_in_dim3A_67 = vector.broadcast %broadcast_in_dim3A_66 : f32 to vector<16xf32>
        %swap3A_68 = arith.index_cast %scan3A_59 : i32 to index
        %swap3A_69 = arith.constant 16 : index
        %swap3A_70 = tpu.vector_load %arg10[%swap3A_68, %swap3A_69] {strides = array<i32>} : memref<128x128xf32, #tpu.memory_space<vmem>>, vector<1x16xf32>,
        %swap3A_71 = vector.shape_cast %swap3A_70 : vector<1x16xf32> to vector<16xf32>
        %swap3A_72 = vector.shape_cast %broadcast_in_dim3A_67 : vector<16xf32> to vector<1x16xf32>
        tpu.vector_store %arg10[%swap3A_68, %swap3A_69], %swap3A_72 {strides = array<i32>} : memref<128x128xf32, #tpu.memory_space<vmem>>, vector<1x16xf32>,
        %broadcast_in_dim3A_73 = arith.constant 0.000000e+00 : f32
        %broadcast_in_dim3A_74 = vector.broadcast %broadcast_in_dim3A_73 : f32 to vector<16xf32>
        %swap3A_75 = arith.index_cast %scan3A_59 : i32 to index
        %swap3A_76 = arith.constant 32 : index
        %swap3A_77 = tpu.vector_load %arg10[%swap3A_75, %swap3A_76] {strides = array<i32>} : memref<128x128xf32, #tpu.memory_space<vmem>>, vector<1x16xf32>,
        %swap3A_78 = vector.shape_cast %swap3A_77 : vector<1x16xf32> to vector<16xf32>
        %swap3A_79 = vector.shape_cast %broadcast_in_dim3A_74 : vector<16xf32> to vector<1x16xf32>
        tpu.vector_store %arg10[%swap3A_75, %swap3A_76], %swap3A_79 {strides = array<i32>} : memref<128x128xf32, #tpu.memory_space<vmem>>, vector<1x16xf32>,
        %broadcast_in_dim3A_80 = arith.constant 0.000000e+00 : f32
        %broadcast_in_dim3A_81 = vector.broadcast %broadcast_in_dim3A_80 : f32 to vector<16xf32>
        %swap3A_82 = arith.index_cast %scan3A_59 : i32 to index
        %swap3A_83 = arith.constant 48 : index
        %swap3A_84 = tpu.vector_load %arg10[%swap3A_82, %swap3A_83] {strides = array<i32>} : memref<128x128xf32, #tpu.memory_space<vmem>>, vector<1x16xf32>,
        %swap3A_85 = vector.shape_cast %swap3A_84 : vector<1x16xf32> to vector<16xf32>
        %swap3A_86 = vector.shape_cast %broadcast_in_dim3A_81 : vector<16xf32> to vector<1x16xf32>
        tpu.vector_store %arg10[%swap3A_82, %swap3A_83], %swap3A_86 {strides = array<i32>} : memref<128x128xf32, #tpu.memory_space<vmem>>, vector<1x16xf32>,
        %broadcast_in_dim3A_87 = arith.constant 0.000000e+00 : f32
        %broadcast_in_dim3A_88 = vector.broadcast %broadcast_in_dim3A_87 : f32 to vector<16xf32>
        %swap3A_89 = arith.index_cast %scan3A_59 : i32 to index
        %swap3A_90 = arith.constant 64 : index
        %swap3A_91 = tpu.vector_load %arg10[%swap3A_89, %swap3A_90] {strides = array<i32>} : memref<128x128xf32, #tpu.memory_space<vmem>>, vector<1x16xf32>,
        %swap3A_92 = vector.shape_cast %swap3A_91 : vector<1x16xf32> to vector<16xf32>
        %swap3A_93 = vector.shape_cast %broadcast_in_dim3A_88 : vector<16xf32> to vector<1x16xf32>
        tpu.vector_store %arg10[%swap3A_89, %swap3A_90], %swap3A_93 {strides = array<i32>} : memref<128x128xf32, #tpu.memory_space<vmem>>, vector<1x16xf32>,
        %broadcast_in_dim3A_94 = arith.constant 0.000000e+00 : f32
        %broadcast_in_dim3A_95 = vector.broadcast %broadcast_in_dim3A_94 : f32 to vector<16xf32>
        %swap3A_96 = arith.index_cast %scan3A_59 : i32 to index
        %swap3A_97 = arith.constant 80 : index
        %swap3A_98 = tpu.vector_load %arg10[%swap3A_96, %swap3A_97] {strides = array<i32>} : memref<128x128xf32, #tpu.memory_space<vmem>>, vector<1x16xf32>,
        %swap3A_99 = vector.shape_cast %swap3A_98 : vector<1x16xf32> to vector<16xf32>
        %swap3A_100 = vector.shape_cast %broadcast_in_dim3A_95 : vector<16xf32> to vector<1x16xf32>
        tpu.vector_store %arg10[%swap3A_96, %swap3A_97], %swap3A_100 {strides = array<i32>} : memref<128x128xf32, #tpu.memory_space<vmem>>, vector<1x16xf32>,
        %broadcast_in_dim3A_101 = arith.constant 0.000000e+00 : f32
        %broadcast_in_dim3A_102 = vector.broadcast %broadcast_in_dim3A_101 : f32 to vector<16xf32>
        %swap3A_103 = arith.index_cast %scan3A_59 : i32 to index
        %swap3A_104 = arith.constant 96 : index
        %swap3A_105 = tpu.vector_load %arg10[%swap3A_103, %swap3A_104] {strides = array<i32>} : memref<128x128xf32, #tpu.memory_space<vmem>>, vector<1x16xf32>,
        %swap3A_106 = vector.shape_cast %swap3A_105 : vector<1x16xf32> to vector<16xf32>
        %swap3A_107 = vector.shape_cast %broadcast_in_dim3A_102 : vector<16xf32> to vector<1x16xf32>
        tpu.vector_store %arg10[%swap3A_103, %swap3A_104], %swap3A_107 {strides = array<i32>} : memref<128x128xf32, #tpu.memory_space<vmem>>, vector<1x16xf32>,
        %broadcast_in_dim3A_108 = arith.constant 0.000000e+00 : f32
        %broadcast_in_dim3A_109 = vector.broadcast %broadcast_in_dim3A_108 : f32 to vector<16xf32>
        %swap3A_110 = arith.index_cast %scan3A_59 : i32 to index
        %swap3A_111 = arith.constant 112 : index
        %swap3A_112 = tpu.vector_load %arg10[%swap3A_110, %swap3A_111] {strides = array<i32>} : memref<128x128xf32, #tpu.memory_space<vmem>>, vector<1x16xf32>,
        %swap3A_113 = vector.shape_cast %swap3A_112 : vector<1x16xf32> to vector<16xf32>
        %swap3A_114 = vector.shape_cast %broadcast_in_dim3A_109 : vector<16xf32> to vector<1x16xf32>
        tpu.vector_store %arg10[%swap3A_110, %swap3A_111], %swap3A_114 {strides = array<i32>} : memref<128x128xf32, #tpu.memory_space<vmem>>, vector<1x16xf32>,
        %scan3A_115 = arith.constant 0 : i32
        scf.yield %scan3A_115 : i32
      }
      %scan3A_12 = arith.constant 128 : i32
      %mul3A = arith.constant 640 : i32
      %mul3A_13 = arith.muli %arg1, %mul3A : i32
      %add3A = arith.constant 0 : i32
      %add3A_14 = arith.addi %mul3A_13, %add3A : i32
      "tpu.region"() ({
        %run_scoped3A = tpu.sem_alloc : memref<!tpu.dma_semaphore, #tpu.memory_space<semaphore_mem>>
        %dma_start3A = arith.constant 0 : i32
        %dma_start3A_59 = tpu.memref_slice %arg12[%add3A_14, %dma_start3A] : memref<10240x128xf32, #tpu.memory_space<vmem_shared>> -> memref<128x128xf32, #tpu.memory_space<vmem_shared>>
        %dma_start3A_60 = arith.constant 0 : i32
        %dma_start3A_61 = tpu.memref_slice %arg12[%add3A_14, %dma_start3A_60] : memref<10240x128xf32, #tpu.memory_space<vmem_shared>> -> memref<128x128xf32, #tpu.memory_space<vmem_shared>>
        tpu.enqueue_dma source(%arg10 : memref<128x128xf32, #tpu.memory_space<vmem>>) target(%dma_start3A_61 : memref<128x128xf32, #tpu.memory_space<vmem_shared>>) target_semaphore(%run_scoped3A : memref<!tpu.dma_semaphore, #tpu.memory_space<semaphore_mem>>)
        %dma_wait3A = arith.constant 0 : i32
        %dma_wait3A_62 = tpu.memref_slice %arg12[%add3A_14, %dma_wait3A] : memref<10240x128xf32, #tpu.memory_space<vmem_shared>> -> memref<128x128xf32, #tpu.memory_space<vmem_shared>>
        %dma_wait3A_63 = arith.constant 0 : i32
        %dma_wait3A_64 = tpu.memref_slice %arg12[%add3A_14, %dma_wait3A_63] : memref<10240x128xf32, #tpu.memory_space<vmem_shared>> -> memref<128x128xf32, #tpu.memory_space<vmem_shared>>
        tpu.wait_dma2 semaphore(%run_scoped3A : memref<!tpu.dma_semaphore, #tpu.memory_space<semaphore_mem>>) src(%arg10 : memref<128x128xf32, #tpu.memory_space<vmem>>) dst(%dma_wait3A_64 : memref<128x128xf32, #tpu.memory_space<vmem_shared>>)
        tpu.yield
      }) : () -> ()
      %mul3A_15 = arith.constant 640 : i32
      %mul3A_16 = arith.muli %arg1, %mul3A_15 : i32
      %add3A_17 = arith.constant 128 : i32
      %add3A_18 = arith.addi %mul3A_16, %add3A_17 : i32
      "tpu.region"() ({
        %run_scoped3A = tpu.sem_alloc : memref<!tpu.dma_semaphore, #tpu.memory_space<semaphore_mem>>
        %dma_start3A = arith.constant 0 : i32
        %dma_start3A_59 = tpu.memref_slice %arg12[%add3A_18, %dma_start3A] : memref<10240x128xf32, #tpu.memory_space<vmem_shared>> -> memref<128x128xf32, #tpu.memory_space<vmem_shared>>
        %dma_start3A_60 = arith.constant 0 : i32
        %dma_start3A_61 = tpu.memref_slice %arg12[%add3A_18, %dma_start3A_60] : memref<10240x128xf32, #tpu.memory_space<vmem_shared>> -> memref<128x128xf32, #tpu.memory_space<vmem_shared>>
        tpu.enqueue_dma source(%arg10 : memref<128x128xf32, #tpu.memory_space<vmem>>) target(%dma_start3A_61 : memref<128x128xf32, #tpu.memory_space<vmem_shared>>) target_semaphore(%run_scoped3A : memref<!tpu.dma_semaphore, #tpu.memory_space<semaphore_mem>>)
        %dma_wait3A = arith.constant 0 : i32
        %dma_wait3A_62 = tpu.memref_slice %arg12[%add3A_18, %dma_wait3A] : memref<10240x128xf32, #tpu.memory_space<vmem_shared>> -> memref<128x128xf32, #tpu.memory_space<vmem_shared>>
        %dma_wait3A_63 = arith.constant 0 : i32
        %dma_wait3A_64 = tpu.memref_slice %arg12[%add3A_18, %dma_wait3A_63] : memref<10240x128xf32, #tpu.memory_space<vmem_shared>> -> memref<128x128xf32, #tpu.memory_space<vmem_shared>>
        tpu.wait_dma2 semaphore(%run_scoped3A : memref<!tpu.dma_semaphore, #tpu.memory_space<semaphore_mem>>) src(%arg10 : memref<128x128xf32, #tpu.memory_space<vmem>>) dst(%dma_wait3A_64 : memref<128x128xf32, #tpu.memory_space<vmem_shared>>)
        tpu.yield
      }) : () -> ()
      %mul3A_19 = arith.constant 640 : i32
      %mul3A_20 = arith.muli %arg1, %mul3A_19 : i32
      %add3A_21 = arith.constant 256 : i32
      %add3A_22 = arith.addi %mul3A_20, %add3A_21 : i32
      "tpu.region"() ({
        %run_scoped3A = tpu.sem_alloc : memref<!tpu.dma_semaphore, #tpu.memory_space<semaphore_mem>>
        %dma_start3A = arith.constant 0 : i32
        %dma_start3A_59 = tpu.memref_slice %arg12[%add3A_22, %dma_start3A] : memref<10240x128xf32, #tpu.memory_space<vmem_shared>> -> memref<128x128xf32, #tpu.memory_space<vmem_shared>>
        %dma_start3A_60 = arith.constant 0 : i32
        %dma_start3A_61 = tpu.memref_slice %arg12[%add3A_22, %dma_start3A_60] : memref<10240x128xf32, #tpu.memory_space<vmem_shared>> -> memref<128x128xf32, #tpu.memory_space<vmem_shared>>
        tpu.enqueue_dma source(%arg10 : memref<128x128xf32, #tpu.memory_space<vmem>>) target(%dma_start3A_61 : memref<128x128xf32, #tpu.memory_space<vmem_shared>>) target_semaphore(%run_scoped3A : memref<!tpu.dma_semaphore, #tpu.memory_space<semaphore_mem>>)
        %dma_wait3A = arith.constant 0 : i32
        %dma_wait3A_62 = tpu.memref_slice %arg12[%add3A_22, %dma_wait3A] : memref<10240x128xf32, #tpu.memory_space<vmem_shared>> -> memref<128x128xf32, #tpu.memory_space<vmem_shared>>
        %dma_wait3A_63 = arith.constant 0 : i32
        %dma_wait3A_64 = tpu.memref_slice %arg12[%add3A_22, %dma_wait3A_63] : memref<10240x128xf32, #tpu.memory_space<vmem_shared>> -> memref<128x128xf32, #tpu.memory_space<vmem_shared>>
        tpu.wait_dma2 semaphore(%run_scoped3A : memref<!tpu.dma_semaphore, #tpu.memory_space<semaphore_mem>>) src(%arg10 : memref<128x128xf32, #tpu.memory_space<vmem>>) dst(%dma_wait3A_64 : memref<128x128xf32, #tpu.memory_space<vmem_shared>>)
        tpu.yield
      }) : () -> ()
      %mul3A_23 = arith.constant 640 : i32
      %mul3A_24 = arith.muli %arg1, %mul3A_23 : i32
      %add3A_25 = arith.constant 384 : i32
      %add3A_26 = arith.addi %mul3A_24, %add3A_25 : i32
      "tpu.region"() ({
        %run_scoped3A = tpu.sem_alloc : memref<!tpu.dma_semaphore, #tpu.memory_space<semaphore_mem>>
        %dma_start3A = arith.constant 0 : i32
        %dma_start3A_59 = tpu.memref_slice %arg12[%add3A_26, %dma_start3A] : memref<10240x128xf32, #tpu.memory_space<vmem_shared>> -> memref<128x128xf32, #tpu.memory_space<vmem_shared>>
        %dma_start3A_60 = arith.constant 0 : i32
        %dma_start3A_61 = tpu.memref_slice %arg12[%add3A_26, %dma_start3A_60] : memref<10240x128xf32, #tpu.memory_space<vmem_shared>> -> memref<128x128xf32, #tpu.memory_space<vmem_shared>>
        tpu.enqueue_dma source(%arg10 : memref<128x128xf32, #tpu.memory_space<vmem>>) target(%dma_start3A_61 : memref<128x128xf32, #tpu.memory_space<vmem_shared>>) target_semaphore(%run_scoped3A : memref<!tpu.dma_semaphore, #tpu.memory_space<semaphore_mem>>)
        %dma_wait3A = arith.constant 0 : i32
        %dma_wait3A_62 = tpu.memref_slice %arg12[%add3A_26, %dma_wait3A] : memref<10240x128xf32, #tpu.memory_space<vmem_shared>> -> memref<128x128xf32, #tpu.memory_space<vmem_shared>>
        %dma_wait3A_63 = arith.constant 0 : i32
        %dma_wait3A_64 = tpu.memref_slice %arg12[%add3A_26, %dma_wait3A_63] : memref<10240x128xf32, #tpu.memory_space<vmem_shared>> -> memref<128x128xf32, #tpu.memory_space<vmem_shared>>
        tpu.wait_dma2 semaphore(%run_scoped3A : memref<!tpu.dma_semaphore, #tpu.memory_space<semaphore_mem>>) src(%arg10 : memref<128x128xf32, #tpu.memory_space<vmem>>) dst(%dma_wait3A_64 : memref<128x128xf32, #tpu.memory_space<vmem_shared>>)
        tpu.yield
      }) : () -> ()
      %mul3A_27 = arith.constant 640 : i32
      %mul3A_28 = arith.muli %arg1, %mul3A_27 : i32
      %add3A_29 = arith.constant 512 : i32
      %add3A_30 = arith.addi %mul3A_28, %add3A_29 : i32
      "tpu.region"() ({
        %run_scoped3A = tpu.sem_alloc : memref<!tpu.dma_semaphore, #tpu.memory_space<semaphore_mem>>
        %dma_start3A = arith.constant 0 : i32
        %dma_start3A_59 = tpu.memref_slice %arg12[%add3A_30, %dma_start3A] : memref<10240x128xf32, #tpu.memory_space<vmem_shared>> -> memref<128x128xf32, #tpu.memory_space<vmem_shared>>
        %dma_start3A_60 = arith.constant 0 : i32
        %dma_start3A_61 = tpu.memref_slice %arg12[%add3A_30, %dma_start3A_60] : memref<10240x128xf32, #tpu.memory_space<vmem_shared>> -> memref<128x128xf32, #tpu.memory_space<vmem_shared>>
        tpu.enqueue_dma source(%arg10 : memref<128x128xf32, #tpu.memory_space<vmem>>) target(%dma_start3A_61 : memref<128x128xf32, #tpu.memory_space<vmem_shared>>) target_semaphore(%run_scoped3A : memref<!tpu.dma_semaphore, #tpu.memory_space<semaphore_mem>>)
        %dma_wait3A = arith.constant 0 : i32
        %dma_wait3A_62 = tpu.memref_slice %arg12[%add3A_30, %dma_wait3A] : memref<10240x128xf32, #tpu.memory_space<vmem_shared>> -> memref<128x128xf32, #tpu.memory_space<vmem_shared>>
        %dma_wait3A_63 = arith.constant 0 : i32
        %dma_wait3A_64 = tpu.memref_slice %arg12[%add3A_30, %dma_wait3A_63] : memref<10240x128xf32, #tpu.memory_space<vmem_shared>> -> memref<128x128xf32, #tpu.memory_space<vmem_shared>>
        tpu.wait_dma2 semaphore(%run_scoped3A : memref<!tpu.dma_semaphore, #tpu.memory_space<semaphore_mem>>) src(%arg10 : memref<128x128xf32, #tpu.memory_space<vmem>>) dst(%dma_wait3A_64 : memref<128x128xf32, #tpu.memory_space<vmem_shared>>)
        tpu.yield
      }) : () -> ()
      %barrier3A = arith.constant 0 : index
      tpu.barrier barrier_id(%barrier3A)
      %scan3A_31 = arith.constant 0 : i32
      %scan3A_32 = arith.constant 0 : i32
      %scan3A_33 = arith.constant 5 : i32
      %scan3A_34 = arith.addi %scan3A_32, %scan3A_33 : i32
      %scan3A_35 = arith.constant 1 : i32
      %scan3A_36 = scf.for %scan3A_59 = %scan3A_32 to %scan3A_34 step %scan3A_35 iter_args(%scan3A_60 = %scan3A_31) -> (i32)  : i32 {
        %mul3A_61 = arith.constant 160 : i32
        %mul3A_62 = arith.muli %arg1, %mul3A_61 : i32
        %mul3A_63 = arith.constant 32 : i32
        %mul3A_64 = arith.muli %scan3A_59, %mul3A_63 : i32
        %add3A_65 = arith.addi %mul3A_62, %mul3A_64 : i32
        "tpu.region"() ({
          %run_scoped3A = tpu.sem_alloc : memref<!tpu.dma_semaphore, #tpu.memory_space<semaphore_mem>>
          %dma_start3A_80 = arith.constant 0 : i32
          %dma_start3A_81 = tpu.memref_slice %arg2[%add3A_65, %dma_start3A_80] : memref<2560x128xi32, #tpu.memory_space<hbm>> -> memref<32x128xi32, #tpu.memory_space<hbm>>
          %dma_start3A_82 = arith.constant 0 : i32
          %dma_start3A_83 = tpu.memref_slice %arg2[%add3A_65, %dma_start3A_82] : memref<2560x128xi32, #tpu.memory_space<hbm>> -> memref<32x128xi32, #tpu.memory_space<hbm>>
          tpu.enqueue_dma source(%dma_start3A_83 : memref<32x128xi32, #tpu.memory_space<hbm>>) target(%arg8 : memref<32x128xi32, #tpu.memory_space<vmem>>) target_semaphore(%run_scoped3A : memref<!tpu.dma_semaphore, #tpu.memory_space<semaphore_mem>>)
          %dma_wait3A = arith.constant 0 : i32
          %dma_wait3A_84 = tpu.memref_slice %arg2[%add3A_65, %dma_wait3A] : memref<2560x128xi32, #tpu.memory_space<hbm>> -> memref<32x128xi32, #tpu.memory_space<hbm>>
          %dma_wait3A_85 = arith.constant 0 : i32
          %dma_wait3A_86 = tpu.memref_slice %arg2[%add3A_65, %dma_wait3A_85] : memref<2560x128xi32, #tpu.memory_space<hbm>> -> memref<32x128xi32, #tpu.memory_space<hbm>>
          tpu.wait_dma2 semaphore(%run_scoped3A : memref<!tpu.dma_semaphore, #tpu.memory_space<semaphore_mem>>) src(%dma_wait3A_86 : memref<32x128xi32, #tpu.memory_space<hbm>>) dst(%arg8 : memref<32x128xi32, #tpu.memory_space<vmem>>)
          tpu.yield
        }) : () -> ()
        "tpu.region"() ({
          %run_scoped3A = tpu.sem_alloc : memref<!tpu.dma_semaphore, #tpu.memory_space<semaphore_mem>>
          %dma_start3A_80 = arith.constant 0 : i32
          %dma_start3A_81 = tpu.memref_slice %arg3[%add3A_65, %dma_start3A_80] : memref<2560x128xi32, #tpu.memory_space<hbm>> -> memref<32x128xi32, #tpu.memory_space<hbm>>
          %dma_start3A_82 = arith.constant 0 : i32
          %dma_start3A_83 = tpu.memref_slice %arg3[%add3A_65, %dma_start3A_82] : memref<2560x128xi32, #tpu.memory_space<hbm>> -> memref<32x128xi32, #tpu.memory_space<hbm>>
          tpu.enqueue_dma source(%dma_start3A_83 : memref<32x128xi32, #tpu.memory_space<hbm>>) target(%arg9 : memref<32x128xi32, #tpu.memory_space<vmem>>) target_semaphore(%run_scoped3A : memref<!tpu.dma_semaphore, #tpu.memory_space<semaphore_mem>>)
          %dma_wait3A = arith.constant 0 : i32
          %dma_wait3A_84 = tpu.memref_slice %arg3[%add3A_65, %dma_wait3A] : memref<2560x128xi32, #tpu.memory_space<hbm>> -> memref<32x128xi32, #tpu.memory_space<hbm>>
          %dma_wait3A_85 = arith.constant 0 : i32
          %dma_wait3A_86 = tpu.memref_slice %arg3[%add3A_65, %dma_wait3A_85] : memref<2560x128xi32, #tpu.memory_space<hbm>> -> memref<32x128xi32, #tpu.memory_space<hbm>>
          tpu.wait_dma2 semaphore(%run_scoped3A : memref<!tpu.dma_semaphore, #tpu.memory_space<semaphore_mem>>) src(%dma_wait3A_86 : memref<32x128xi32, #tpu.memory_space<hbm>>) dst(%arg9 : memref<32x128xi32, #tpu.memory_space<vmem>>)
          tpu.yield
        }) : () -> ()
        %dma_start3A = arith.constant 0 : i32
        %dma_start3A_66 = arith.constant 0 : i32
        %dma_start3A_67 = tpu.memref_slice %arg8[%dma_start3A, %dma_start3A_66] : memref<32x128xi32, #tpu.memory_space<vmem>> -> memref<1x128xi32, #tpu.memory_space<vmem>>
        %dma_start3A_68 = tpu.memref_squeeze %dma_start3A_67 : memref<1x128xi32, #tpu.memory_space<vmem>> -> memref<128xi32, #tpu.memory_space<vmem>>
        %dma_start3A_69 = arith.constant 0 : i32
        %dma_start3A_70 = arith.constant 0 : i32
        %dma_start3A_71 = tpu.memref_slice %arg4[%dma_start3A_69, %dma_start3A_70] : memref<10240x128xf32, #tpu.memory_space<hbm>> -> memref<10240x128xf32, #tpu.memory_space<hbm>>
        tpu.enqueue_indirect_dma source(%dma_start3A_71 : memref<10240x128xf32, #tpu.memory_space<hbm>>) target(%arg10 : memref<128x128xf32, #tpu.memory_space<vmem>>) offsets(%dma_start3A_68 : memref<128xi32, #tpu.memory_space<vmem>>) semaphore(%arg13 : memref<!tpu.dma_semaphore, #tpu.memory_space<semaphore_mem>>)
        %scan3A_72 = arith.constant 0 : i32
        %scan3A_73 = arith.constant 0 : i32
        %scan3A_74 = arith.constant 16 : i32
        %scan3A_75 = arith.addi %scan3A_73, %scan3A_74 : i32
        %scan3A_76 = arith.constant 1 : i32
        %scan3A_77 = scf.for %scan3A_80 = %scan3A_73 to %scan3A_75 step %scan3A_76 iter_args(%scan3A_81 = %scan3A_72) -> (i32)  : i32 {
          %mul3A_82 = arith.constant 2 : i32
          %mul3A_83 = arith.muli %scan3A_80, %mul3A_82 : i32
          %dma_wait3A = arith.constant 0 : i32
          %dma_wait3A_84 = tpu.memref_slice %arg8[%mul3A_83, %dma_wait3A] : memref<32x128xi32, #tpu.memory_space<vmem>> -> memref<1x128xi32, #tpu.memory_space<vmem>>
          %dma_wait3A_85 = tpu.memref_squeeze %dma_wait3A_84 : memref<1x128xi32, #tpu.memory_space<vmem>> -> memref<128xi32, #tpu.memory_space<vmem>>
          %dma_wait3A_86 = arith.constant 0 : i32
          %dma_wait3A_87 = arith.constant 0 : i32
          %dma_wait3A_88 = tpu.memref_slice %arg4[%dma_wait3A_86, %dma_wait3A_87] : memref<10240x128xf32, #tpu.memory_space<hbm>> -> memref<10240x128xf32, #tpu.memory_space<hbm>>
          tpu.wait_indirect_dma semaphore(%arg13 : memref<!tpu.dma_semaphore, #tpu.memory_space<semaphore_mem>>) src(%dma_wait3A_88 : memref<10240x128xf32, #tpu.memory_space<hbm>>) dst(%arg10 : memref<128x128xf32, #tpu.memory_space<vmem>>)
          %add3A_89 = arith.constant 1 : i32
          %add3A_90 = arith.addi %mul3A_83, %add3A_89 : i32
          %dma_start3A_91 = arith.constant 0 : i32
          %dma_start3A_92 = tpu.memref_slice %arg8[%add3A_90, %dma_start3A_91] : memref<32x128xi32, #tpu.memory_space<vmem>> -> memref<1x128xi32, #tpu.memory_space<vmem>>
          %dma_start3A_93 = tpu.memref_squeeze %dma_start3A_92 : memref<1x128xi32, #tpu.memory_space<vmem>> -> memref<128xi32, #tpu.memory_space<vmem>>
          %dma_start3A_94 = arith.constant 0 : i32
          %dma_start3A_95 = arith.constant 0 : i32
          %dma_start3A_96 = tpu.memref_slice %arg4[%dma_start3A_94, %dma_start3A_95] : memref<10240x128xf32, #tpu.memory_space<hbm>> -> memref<10240x128xf32, #tpu.memory_space<hbm>>
          tpu.enqueue_indirect_dma source(%dma_start3A_96 : memref<10240x128xf32, #tpu.memory_space<hbm>>) target(%arg11 : memref<128x128xf32, #tpu.memory_space<vmem>>) offsets(%dma_start3A_93 : memref<128xi32, #tpu.memory_space<vmem>>) semaphore(%arg14 : memref<!tpu.dma_semaphore, #tpu.memory_space<semaphore_mem>>)
          "tpu.region"() ({
            %run_scoped3A = tpu.sem_alloc : memref<!tpu.dma_semaphore, #tpu.memory_space<semaphore_mem>>
            %dma_start3A_114 = arith.constant 0 : i32
            %dma_start3A_115 = tpu.memref_slice %arg9[%mul3A_83, %dma_start3A_114] : memref<32x128xi32, #tpu.memory_space<vmem>> -> memref<1x128xi32, #tpu.memory_space<vmem>>
            %dma_start3A_116 = tpu.memref_squeeze %dma_start3A_115 : memref<1x128xi32, #tpu.memory_space<vmem>> -> memref<128xi32, #tpu.memory_space<vmem>>
            %dma_start3A_117 = arith.constant 0 : i32
            %dma_start3A_118 = arith.constant 0 : i32
            %dma_start3A_119 = tpu.memref_slice %arg12[%dma_start3A_117, %dma_start3A_118] : memref<10240x128xf32, #tpu.memory_space<vmem_shared>> -> memref<10240x128xf32, #tpu.memory_space<vmem_shared>>
            tpu.enqueue_indirect_dma source(%arg10 : memref<128x128xf32, #tpu.memory_space<vmem>>) target(%dma_start3A_119 : memref<10240x128xf32, #tpu.memory_space<vmem_shared>>) offsets(%dma_start3A_116 : memref<128xi32, #tpu.memory_space<vmem>>) semaphore(%run_scoped3A : memref<!tpu.dma_semaphore, #tpu.memory_space<semaphore_mem>>) {add = true}
            %dma_wait3A_120 = arith.constant 0 : i32
            %dma_wait3A_121 = tpu.memref_slice %arg9[%mul3A_83, %dma_wait3A_120] : memref<32x128xi32, #tpu.memory_space<vmem>> -> memref<1x128xi32, #tpu.memory_space<vmem>>
            %dma_wait3A_122 = tpu.memref_squeeze %dma_wait3A_121 : memref<1x128xi32, #tpu.memory_space<vmem>> -> memref<128xi32, #tpu.memory_space<vmem>>
            %dma_wait3A_123 = arith.constant 0 : i32
            %dma_wait3A_124 = arith.constant 0 : i32
            %dma_wait3A_125 = tpu.memref_slice %arg12[%dma_wait3A_123, %dma_wait3A_124] : memref<10240x128xf32, #tpu.memory_space<vmem_shared>> -> memref<10240x128xf32, #tpu.memory_space<vmem_shared>>
            tpu.wait_indirect_dma semaphore(%run_scoped3A : memref<!tpu.dma_semaphore, #tpu.memory_space<semaphore_mem>>) src(%arg10 : memref<128x128xf32, #tpu.memory_space<vmem>>) dst(%dma_wait3A_125 : memref<10240x128xf32, #tpu.memory_space<vmem_shared>>)
            tpu.yield
          }) : () -> ()
          %add3A_97 = arith.constant 1 : i32
          %add3A_98 = arith.addi %mul3A_83, %add3A_97 : i32
          %dma_wait3A_99 = arith.constant 0 : i32
          %dma_wait3A_100 = tpu.memref_slice %arg8[%add3A_98, %dma_wait3A_99] : memref<32x128xi32, #tpu.memory_space<vmem>> -> memref<1x128xi32, #tpu.memory_space<vmem>>
          %dma_wait3A_101 = tpu.memref_squeeze %dma_wait3A_100 : memref<1x128xi32, #tpu.memory_space<vmem>> -> memref<128xi32, #tpu.memory_space<vmem>>
          %dma_wait3A_102 = arith.constant 0 : i32
          %dma_wait3A_103 = arith.constant 0 : i32
          %dma_wait3A_104 = tpu.memref_slice %arg4[%dma_wait3A_102, %dma_wait3A_103] : memref<10240x128xf32, #tpu.memory_space<hbm>> -> memref<10240x128xf32, #tpu.memory_space<hbm>>
          tpu.wait_indirect_dma semaphore(%arg14 : memref<!tpu.dma_semaphore, #tpu.memory_space<semaphore_mem>>) src(%dma_wait3A_104 : memref<10240x128xf32, #tpu.memory_space<hbm>>) dst(%arg11 : memref<128x128xf32, #tpu.memory_space<vmem>>)
          %add3A_105 = arith.constant 1 : i32
          %add3A_106 = arith.addi %scan3A_80, %add3A_105 : i32
          %lt3A = arith.constant 16 : i32
          %lt3A_107 = arith.cmpi slt, %add3A_106, %lt3A : i32
          %convert_element_type3A_108 = arith.extui %lt3A_107 : i1 to i32
          %cond3A_109 = arith.constant 0 : i32
          %cond3A_110 = arith.cmpi ne, %convert_element_type3A_108, %cond3A_109 : i32
          scf.if %cond3A_110 {
            %add3A_114 = arith.constant 2 : i32
            %add3A_115 = arith.addi %mul3A_83, %add3A_114 : i32
            %dma_start3A_116 = arith.constant 0 : i32
            %dma_start3A_117 = tpu.memref_slice %arg8[%add3A_115, %dma_start3A_116] : memref<32x128xi32, #tpu.memory_space<vmem>> -> memref<1x128xi32, #tpu.memory_space<vmem>>
            %dma_start3A_118 = tpu.memref_squeeze %dma_start3A_117 : memref<1x128xi32, #tpu.memory_space<vmem>> -> memref<128xi32, #tpu.memory_space<vmem>>
            %dma_start3A_119 = arith.constant 0 : i32
            %dma_start3A_120 = arith.constant 0 : i32
            %dma_start3A_121 = tpu.memref_slice %arg4[%dma_start3A_119, %dma_start3A_120] : memref<10240x128xf32, #tpu.memory_space<hbm>> -> memref<10240x128xf32, #tpu.memory_space<hbm>>
            tpu.enqueue_indirect_dma source(%dma_start3A_121 : memref<10240x128xf32, #tpu.memory_space<hbm>>) target(%arg10 : memref<128x128xf32, #tpu.memory_space<vmem>>) offsets(%dma_start3A_118 : memref<128xi32, #tpu.memory_space<vmem>>) semaphore(%arg13 : memref<!tpu.dma_semaphore, #tpu.memory_space<semaphore_mem>>)
          } else {
          }
          %add3A_111 = arith.constant 1 : i32
          %add3A_112 = arith.addi %mul3A_83, %add3A_111 : i32
          "tpu.region"() ({
            %run_scoped3A = tpu.sem_alloc : memref<!tpu.dma_semaphore, #tpu.memory_space<semaphore_mem>>
            %dma_start3A_114 = arith.constant 0 : i32
            %dma_start3A_115 = tpu.memref_slice %arg9[%add3A_112, %dma_start3A_114] : memref<32x128xi32, #tpu.memory_space<vmem>> -> memref<1x128xi32, #tpu.memory_space<vmem>>
            %dma_start3A_116 = tpu.memref_squeeze %dma_start3A_115 : memref<1x128xi32, #tpu.memory_space<vmem>> -> memref<128xi32, #tpu.memory_space<vmem>>
            %dma_start3A_117 = arith.constant 0 : i32
            %dma_start3A_118 = arith.constant 0 : i32
            %dma_start3A_119 = tpu.memref_slice %arg12[%dma_start3A_117, %dma_start3A_118] : memref<10240x128xf32, #tpu.memory_space<vmem_shared>> -> memref<10240x128xf32, #tpu.memory_space<vmem_shared>>
            tpu.enqueue_indirect_dma source(%arg11 : memref<128x128xf32, #tpu.memory_space<vmem>>) target(%dma_start3A_119 : memref<10240x128xf32, #tpu.memory_space<vmem_shared>>) offsets(%dma_start3A_116 : memref<128xi32, #tpu.memory_space<vmem>>) semaphore(%run_scoped3A : memref<!tpu.dma_semaphore, #tpu.memory_space<semaphore_mem>>) {add = true}
            %dma_wait3A_120 = arith.constant 0 : i32
            %dma_wait3A_121 = tpu.memref_slice %arg9[%add3A_112, %dma_wait3A_120] : memref<32x128xi32, #tpu.memory_space<vmem>> -> memref<1x128xi32, #tpu.memory_space<vmem>>
            %dma_wait3A_122 = tpu.memref_squeeze %dma_wait3A_121 : memref<1x128xi32, #tpu.memory_space<vmem>> -> memref<128xi32, #tpu.memory_space<vmem>>
            %dma_wait3A_123 = arith.constant 0 : i32
            %dma_wait3A_124 = arith.constant 0 : i32
            %dma_wait3A_125 = tpu.memref_slice %arg12[%dma_wait3A_123, %dma_wait3A_124] : memref<10240x128xf32, #tpu.memory_space<vmem_shared>> -> memref<10240x128xf32, #tpu.memory_space<vmem_shared>>
            tpu.wait_indirect_dma semaphore(%run_scoped3A : memref<!tpu.dma_semaphore, #tpu.memory_space<semaphore_mem>>) src(%arg11 : memref<128x128xf32, #tpu.memory_space<vmem>>) dst(%dma_wait3A_125 : memref<10240x128xf32, #tpu.memory_space<vmem_shared>>)
            tpu.yield
          }) : () -> ()
          %scan3A_113 = arith.constant 0 : i32
          scf.yield %scan3A_113 : i32
        }
        %scan3A_78 = arith.constant 16 : i32
        %scan3A_79 = arith.constant 0 : i32
        scf.yield %scan3A_79 : i32
      }
      %scan3A_37 = arith.constant 5 : i32
      %barrier3A_38 = arith.constant 0 : index
      tpu.barrier barrier_id(%barrier3A_38)
      %mul3A_39 = arith.constant 640 : i32
      %mul3A_40 = arith.muli %arg1, %mul3A_39 : i32
      %add3A_41 = arith.constant 0 : i32
      %add3A_42 = arith.addi %mul3A_40, %add3A_41 : i32
      "tpu.region"() ({
        %run_scoped3A = tpu.sem_alloc : memref<!tpu.dma_semaphore, #tpu.memory_space<semaphore_mem>>
        %dma_start3A = arith.constant 0 : i32
        %dma_start3A_59 = tpu.memref_slice %arg6[%add3A_42, %dma_start3A] : memref<10240x128xf32, #tpu.memory_space<hbm>> -> memref<128x128xf32, #tpu.memory_space<hbm>>
        %dma_start3A_60 = arith.constant 0 : i32
        %dma_start3A_61 = tpu.memref_slice %arg12[%add3A_42, %dma_start3A_60] : memref<10240x128xf32, #tpu.memory_space<vmem_shared>> -> memref<128x128xf32, #tpu.memory_space<vmem_shared>>
        tpu.enqueue_dma source(%dma_start3A_61 : memref<128x128xf32, #tpu.memory_space<vmem_shared>>) target(%dma_start3A_59 : memref<128x128xf32, #tpu.memory_space<hbm>>) target_semaphore(%run_scoped3A : memref<!tpu.dma_semaphore, #tpu.memory_space<semaphore_mem>>)
        %dma_wait3A = arith.constant 0 : i32
        %dma_wait3A_62 = tpu.memref_slice %arg6[%add3A_42, %dma_wait3A] : memref<10240x128xf32, #tpu.memory_space<hbm>> -> memref<128x128xf32, #tpu.memory_space<hbm>>
        %dma_wait3A_63 = arith.constant 0 : i32
        %dma_wait3A_64 = tpu.memref_slice %arg12[%add3A_42, %dma_wait3A_63] : memref<10240x128xf32, #tpu.memory_space<vmem_shared>> -> memref<128x128xf32, #tpu.memory_space<vmem_shared>>
        tpu.wait_dma2 semaphore(%run_scoped3A : memref<!tpu.dma_semaphore, #tpu.memory_space<semaphore_mem>>) src(%dma_wait3A_64 : memref<128x128xf32, #tpu.memory_space<vmem_shared>>) dst(%dma_wait3A_62 : memref<128x128xf32, #tpu.memory_space<hbm>>)
        tpu.yield
      }) : () -> ()
      %mul3A_43 = arith.constant 640 : i32
      %mul3A_44 = arith.muli %arg1, %mul3A_43 : i32
      %add3A_45 = arith.constant 128 : i32
      %add3A_46 = arith.addi %mul3A_44, %add3A_45 : i32
      "tpu.region"() ({
        %run_scoped3A = tpu.sem_alloc : memref<!tpu.dma_semaphore, #tpu.memory_space<semaphore_mem>>
        %dma_start3A = arith.constant 0 : i32
        %dma_start3A_59 = tpu.memref_slice %arg6[%add3A_46, %dma_start3A] : memref<10240x128xf32, #tpu.memory_space<hbm>> -> memref<128x128xf32, #tpu.memory_space<hbm>>
        %dma_start3A_60 = arith.constant 0 : i32
        %dma_start3A_61 = tpu.memref_slice %arg12[%add3A_46, %dma_start3A_60] : memref<10240x128xf32, #tpu.memory_space<vmem_shared>> -> memref<128x128xf32, #tpu.memory_space<vmem_shared>>
        tpu.enqueue_dma source(%dma_start3A_61 : memref<128x128xf32, #tpu.memory_space<vmem_shared>>) target(%dma_start3A_59 : memref<128x128xf32, #tpu.memory_space<hbm>>) target_semaphore(%run_scoped3A : memref<!tpu.dma_semaphore, #tpu.memory_space<semaphore_mem>>)
        %dma_wait3A = arith.constant 0 : i32
        %dma_wait3A_62 = tpu.memref_slice %arg6[%add3A_46, %dma_wait3A] : memref<10240x128xf32, #tpu.memory_space<hbm>> -> memref<128x128xf32, #tpu.memory_space<hbm>>
        %dma_wait3A_63 = arith.constant 0 : i32
        %dma_wait3A_64 = tpu.memref_slice %arg12[%add3A_46, %dma_wait3A_63] : memref<10240x128xf32, #tpu.memory_space<vmem_shared>> -> memref<128x128xf32, #tpu.memory_space<vmem_shared>>
        tpu.wait_dma2 semaphore(%run_scoped3A : memref<!tpu.dma_semaphore, #tpu.memory_space<semaphore_mem>>) src(%dma_wait3A_64 : memref<128x128xf32, #tpu.memory_space<vmem_shared>>) dst(%dma_wait3A_62 : memref<128x128xf32, #tpu.memory_space<hbm>>)
        tpu.yield
      }) : () -> ()
      %mul3A_47 = arith.constant 640 : i32
      %mul3A_48 = arith.muli %arg1, %mul3A_47 : i32
      %add3A_49 = arith.constant 256 : i32
      %add3A_50 = arith.addi %mul3A_48, %add3A_49 : i32
      "tpu.region"() ({
        %run_scoped3A = tpu.sem_alloc : memref<!tpu.dma_semaphore, #tpu.memory_space<semaphore_mem>>
        %dma_start3A = arith.constant 0 : i32
        %dma_start3A_59 = tpu.memref_slice %arg6[%add3A_50, %dma_start3A] : memref<10240x128xf32, #tpu.memory_space<hbm>> -> memref<128x128xf32, #tpu.memory_space<hbm>>
        %dma_start3A_60 = arith.constant 0 : i32
        %dma_start3A_61 = tpu.memref_slice %arg12[%add3A_50, %dma_start3A_60] : memref<10240x128xf32, #tpu.memory_space<vmem_shared>> -> memref<128x128xf32, #tpu.memory_space<vmem_shared>>
        tpu.enqueue_dma source(%dma_start3A_61 : memref<128x128xf32, #tpu.memory_space<vmem_shared>>) target(%dma_start3A_59 : memref<128x128xf32, #tpu.memory_space<hbm>>) target_semaphore(%run_scoped3A : memref<!tpu.dma_semaphore, #tpu.memory_space<semaphore_mem>>)
        %dma_wait3A = arith.constant 0 : i32
        %dma_wait3A_62 = tpu.memref_slice %arg6[%add3A_50, %dma_wait3A] : memref<10240x128xf32, #tpu.memory_space<hbm>> -> memref<128x128xf32, #tpu.memory_space<hbm>>
        %dma_wait3A_63 = arith.constant 0 : i32
        %dma_wait3A_64 = tpu.memref_slice %arg12[%add3A_50, %dma_wait3A_63] : memref<10240x128xf32, #tpu.memory_space<vmem_shared>> -> memref<128x128xf32, #tpu.memory_space<vmem_shared>>
        tpu.wait_dma2 semaphore(%run_scoped3A : memref<!tpu.dma_semaphore, #tpu.memory_space<semaphore_mem>>) src(%dma_wait3A_64 : memref<128x128xf32, #tpu.memory_space<vmem_shared>>) dst(%dma_wait3A_62 : memref<128x128xf32, #tpu.memory_space<hbm>>)
        tpu.yield
      }) : () -> ()
      %mul3A_51 = arith.constant 640 : i32
      %mul3A_52 = arith.muli %arg1, %mul3A_51 : i32
      %add3A_53 = arith.constant 384 : i32
      %add3A_54 = arith.addi %mul3A_52, %add3A_53 : i32
      "tpu.region"() ({
        %run_scoped3A = tpu.sem_alloc : memref<!tpu.dma_semaphore, #tpu.memory_space<semaphore_mem>>
        %dma_start3A = arith.constant 0 : i32
        %dma_start3A_59 = tpu.memref_slice %arg6[%add3A_54, %dma_start3A] : memref<10240x128xf32, #tpu.memory_space<hbm>> -> memref<128x128xf32, #tpu.memory_space<hbm>>
        %dma_start3A_60 = arith.constant 0 : i32
        %dma_start3A_61 = tpu.memref_slice %arg12[%add3A_54, %dma_start3A_60] : memref<10240x128xf32, #tpu.memory_space<vmem_shared>> -> memref<128x128xf32, #tpu.memory_space<vmem_shared>>
        tpu.enqueue_dma source(%dma_start3A_61 : memref<128x128xf32, #tpu.memory_space<vmem_shared>>) target(%dma_start3A_59 : memref<128x128xf32, #tpu.memory_space<hbm>>) target_semaphore(%run_scoped3A : memref<!tpu.dma_semaphore, #tpu.memory_space<semaphore_mem>>)
        %dma_wait3A = arith.constant 0 : i32
        %dma_wait3A_62 = tpu.memref_slice %arg6[%add3A_54, %dma_wait3A] : memref<10240x128xf32, #tpu.memory_space<hbm>> -> memref<128x128xf32, #tpu.memory_space<hbm>>
        %dma_wait3A_63 = arith.constant 0 : i32
        %dma_wait3A_64 = tpu.memref_slice %arg12[%add3A_54, %dma_wait3A_63] : memref<10240x128xf32, #tpu.memory_space<vmem_shared>> -> memref<128x128xf32, #tpu.memory_space<vmem_shared>>
        tpu.wait_dma2 semaphore(%run_scoped3A : memref<!tpu.dma_semaphore, #tpu.memory_space<semaphore_mem>>) src(%dma_wait3A_64 : memref<128x128xf32, #tpu.memory_space<vmem_shared>>) dst(%dma_wait3A_62 : memref<128x128xf32, #tpu.memory_space<hbm>>)
        tpu.yield
      }) : () -> ()
      %mul3A_55 = arith.constant 640 : i32
      %mul3A_56 = arith.muli %arg1, %mul3A_55 : i32
      %add3A_57 = arith.constant 512 : i32
      %add3A_58 = arith.addi %mul3A_56, %add3A_57 : i32
      "tpu.region"() ({
        %run_scoped3A = tpu.sem_alloc : memref<!tpu.dma_semaphore, #tpu.memory_space<semaphore_mem>>
        %dma_start3A = arith.constant 0 : i32
        %dma_start3A_59 = tpu.memref_slice %arg6[%add3A_58, %dma_start3A] : memref<10240x128xf32, #tpu.memory_space<hbm>> -> memref<128x128xf32, #tpu.memory_space<hbm>>
        %dma_start3A_60 = arith.constant 0 : i32
        %dma_start3A_61 = tpu.memref_slice %arg12[%add3A_58, %dma_start3A_60] : memref<10240x128xf32, #tpu.memory_space<vmem_shared>> -> memref<128x128xf32, #tpu.memory_space<vmem_shared>>
        tpu.enqueue_dma source(%dma_start3A_61 : memref<128x128xf32, #tpu.memory_space<vmem_shared>>) target(%dma_start3A_59 : memref<128x128xf32, #tpu.memory_space<hbm>>) target_semaphore(%run_scoped3A : memref<!tpu.dma_semaphore, #tpu.memory_space<semaphore_mem>>)
        %dma_wait3A = arith.constant 0 : i32
        %dma_wait3A_62 = tpu.memref_slice %arg6[%add3A_58, %dma_wait3A] : memref<10240x128xf32, #tpu.memory_space<hbm>> -> memref<128x128xf32, #tpu.memory_space<hbm>>
        %dma_wait3A_63 = arith.constant 0 : i32
        %dma_wait3A_64 = tpu.memref_slice %arg12[%add3A_58, %dma_wait3A_63] : memref<10240x128xf32, #tpu.memory_space<vmem_shared>> -> memref<128x128xf32, #tpu.memory_space<vmem_shared>>
        tpu.wait_dma2 semaphore(%run_scoped3A : memref<!tpu.dma_semaphore, #tpu.memory_space<semaphore_mem>>) src(%dma_wait3A_64 : memref<128x128xf32, #tpu.memory_space<vmem_shared>>) dst(%dma_wait3A_62 : memref<128x128xf32, #tpu.memory_space<hbm>>)
        tpu.yield
      }) : () -> ()
    } else {
    }
    %eq3A_2 = arith.constant 1 : i32
    %eq3A_3 = arith.cmpi eq, %arg0, %eq3A_2 : i32
    %convert_element_type3A_4 = arith.extui %eq3A_3 : i1 to i32
    %cond3A_5 = arith.constant 0 : i32
    %cond3A_6 = arith.cmpi ne, %convert_element_type3A_4, %cond3A_5 : i32
    scf.if %cond3A_6 {
      %scan3A = arith.constant 0 : i32
      %scan3A_7 = arith.constant 0 : i32
      %scan3A_8 = arith.constant 128 : i32
      %scan3A_9 = arith.addi %scan3A_7, %scan3A_8 : i32
      %scan3A_10 = arith.constant 1 : i32
      %scan3A_11 = scf.for %scan3A_59 = %scan3A_7 to %scan3A_9 step %scan3A_10 iter_args(%scan3A_60 = %scan3A) -> (i32)  : i32 {
        %broadcast_in_dim3A = arith.constant 0.000000e+00 : f32
        %broadcast_in_dim3A_61 = vector.broadcast %broadcast_in_dim3A : f32 to vector<16xf32>
        %swap3A = arith.index_cast %scan3A_59 : i32 to index
        %swap3A_62 = arith.constant 0 : index
        %swap3A_63 = tpu.vector_load %arg10[%swap3A, %swap3A_62] {strides = array<i32>} : memref<128x128xf32, #tpu.memory_space<vmem>>, vector<1x16xf32>,
        %swap3A_64 = vector.shape_cast %swap3A_63 : vector<1x16xf32> to vector<16xf32>
        %swap3A_65 = vector.shape_cast %broadcast_in_dim3A_61 : vector<16xf32> to vector<1x16xf32>
        tpu.vector_store %arg10[%swap3A, %swap3A_62], %swap3A_65 {strides = array<i32>} : memref<128x128xf32, #tpu.memory_space<vmem>>, vector<1x16xf32>,
        %broadcast_in_dim3A_66 = arith.constant 0.000000e+00 : f32
        %broadcast_in_dim3A_67 = vector.broadcast %broadcast_in_dim3A_66 : f32 to vector<16xf32>
        %swap3A_68 = arith.index_cast %scan3A_59 : i32 to index
        %swap3A_69 = arith.constant 16 : index
        %swap3A_70 = tpu.vector_load %arg10[%swap3A_68, %swap3A_69] {strides = array<i32>} : memref<128x128xf32, #tpu.memory_space<vmem>>, vector<1x16xf32>,
        %swap3A_71 = vector.shape_cast %swap3A_70 : vector<1x16xf32> to vector<16xf32>
        %swap3A_72 = vector.shape_cast %broadcast_in_dim3A_67 : vector<16xf32> to vector<1x16xf32>
        tpu.vector_store %arg10[%swap3A_68, %swap3A_69], %swap3A_72 {strides = array<i32>} : memref<128x128xf32, #tpu.memory_space<vmem>>, vector<1x16xf32>,
        %broadcast_in_dim3A_73 = arith.constant 0.000000e+00 : f32
        %broadcast_in_dim3A_74 = vector.broadcast %broadcast_in_dim3A_73 : f32 to vector<16xf32>
        %swap3A_75 = arith.index_cast %scan3A_59 : i32 to index
        %swap3A_76 = arith.constant 32 : index
        %swap3A_77 = tpu.vector_load %arg10[%swap3A_75, %swap3A_76] {strides = array<i32>} : memref<128x128xf32, #tpu.memory_space<vmem>>, vector<1x16xf32>,
        %swap3A_78 = vector.shape_cast %swap3A_77 : vector<1x16xf32> to vector<16xf32>
        %swap3A_79 = vector.shape_cast %broadcast_in_dim3A_74 : vector<16xf32> to vector<1x16xf32>
        tpu.vector_store %arg10[%swap3A_75, %swap3A_76], %swap3A_79 {strides = array<i32>} : memref<128x128xf32, #tpu.memory_space<vmem>>, vector<1x16xf32>,
        %broadcast_in_dim3A_80 = arith.constant 0.000000e+00 : f32
        %broadcast_in_dim3A_81 = vector.broadcast %broadcast_in_dim3A_80 : f32 to vector<16xf32>
        %swap3A_82 = arith.index_cast %scan3A_59 : i32 to index
        %swap3A_83 = arith.constant 48 : index
        %swap3A_84 = tpu.vector_load %arg10[%swap3A_82, %swap3A_83] {strides = array<i32>} : memref<128x128xf32, #tpu.memory_space<vmem>>, vector<1x16xf32>,
        %swap3A_85 = vector.shape_cast %swap3A_84 : vector<1x16xf32> to vector<16xf32>
        %swap3A_86 = vector.shape_cast %broadcast_in_dim3A_81 : vector<16xf32> to vector<1x16xf32>
        tpu.vector_store %arg10[%swap3A_82, %swap3A_83], %swap3A_86 {strides = array<i32>} : memref<128x128xf32, #tpu.memory_space<vmem>>, vector<1x16xf32>,
        %broadcast_in_dim3A_87 = arith.constant 0.000000e+00 : f32
        %broadcast_in_dim3A_88 = vector.broadcast %broadcast_in_dim3A_87 : f32 to vector<16xf32>
        %swap3A_89 = arith.index_cast %scan3A_59 : i32 to index
        %swap3A_90 = arith.constant 64 : index
        %swap3A_91 = tpu.vector_load %arg10[%swap3A_89, %swap3A_90] {strides = array<i32>} : memref<128x128xf32, #tpu.memory_space<vmem>>, vector<1x16xf32>,
        %swap3A_92 = vector.shape_cast %swap3A_91 : vector<1x16xf32> to vector<16xf32>
        %swap3A_93 = vector.shape_cast %broadcast_in_dim3A_88 : vector<16xf32> to vector<1x16xf32>
        tpu.vector_store %arg10[%swap3A_89, %swap3A_90], %swap3A_93 {strides = array<i32>} : memref<128x128xf32, #tpu.memory_space<vmem>>, vector<1x16xf32>,
        %broadcast_in_dim3A_94 = arith.constant 0.000000e+00 : f32
        %broadcast_in_dim3A_95 = vector.broadcast %broadcast_in_dim3A_94 : f32 to vector<16xf32>
        %swap3A_96 = arith.index_cast %scan3A_59 : i32 to index
        %swap3A_97 = arith.constant 80 : index
        %swap3A_98 = tpu.vector_load %arg10[%swap3A_96, %swap3A_97] {strides = array<i32>} : memref<128x128xf32, #tpu.memory_space<vmem>>, vector<1x16xf32>,
        %swap3A_99 = vector.shape_cast %swap3A_98 : vector<1x16xf32> to vector<16xf32>
        %swap3A_100 = vector.shape_cast %broadcast_in_dim3A_95 : vector<16xf32> to vector<1x16xf32>
        tpu.vector_store %arg10[%swap3A_96, %swap3A_97], %swap3A_100 {strides = array<i32>} : memref<128x128xf32, #tpu.memory_space<vmem>>, vector<1x16xf32>,
        %broadcast_in_dim3A_101 = arith.constant 0.000000e+00 : f32
        %broadcast_in_dim3A_102 = vector.broadcast %broadcast_in_dim3A_101 : f32 to vector<16xf32>
        %swap3A_103 = arith.index_cast %scan3A_59 : i32 to index
        %swap3A_104 = arith.constant 96 : index
        %swap3A_105 = tpu.vector_load %arg10[%swap3A_103, %swap3A_104] {strides = array<i32>} : memref<128x128xf32, #tpu.memory_space<vmem>>, vector<1x16xf32>,
        %swap3A_106 = vector.shape_cast %swap3A_105 : vector<1x16xf32> to vector<16xf32>
        %swap3A_107 = vector.shape_cast %broadcast_in_dim3A_102 : vector<16xf32> to vector<1x16xf32>
        tpu.vector_store %arg10[%swap3A_103, %swap3A_104], %swap3A_107 {strides = array<i32>} : memref<128x128xf32, #tpu.memory_space<vmem>>, vector<1x16xf32>,
        %broadcast_in_dim3A_108 = arith.constant 0.000000e+00 : f32
        %broadcast_in_dim3A_109 = vector.broadcast %broadcast_in_dim3A_108 : f32 to vector<16xf32>
        %swap3A_110 = arith.index_cast %scan3A_59 : i32 to index
        %swap3A_111 = arith.constant 112 : index
        %swap3A_112 = tpu.vector_load %arg10[%swap3A_110, %swap3A_111] {strides = array<i32>} : memref<128x128xf32, #tpu.memory_space<vmem>>, vector<1x16xf32>,
        %swap3A_113 = vector.shape_cast %swap3A_112 : vector<1x16xf32> to vector<16xf32>
        %swap3A_114 = vector.shape_cast %broadcast_in_dim3A_109 : vector<16xf32> to vector<1x16xf32>
        tpu.vector_store %arg10[%swap3A_110, %swap3A_111], %swap3A_114 {strides = array<i32>} : memref<128x128xf32, #tpu.memory_space<vmem>>, vector<1x16xf32>,
        %scan3A_115 = arith.constant 0 : i32
        scf.yield %scan3A_115 : i32
      }
      %scan3A_12 = arith.constant 128 : i32
      %mul3A = arith.constant 640 : i32
      %mul3A_13 = arith.muli %arg1, %mul3A : i32
      %add3A = arith.constant 0 : i32
      %add3A_14 = arith.addi %mul3A_13, %add3A : i32
      "tpu.region"() ({
        %run_scoped3A = tpu.sem_alloc : memref<!tpu.dma_semaphore, #tpu.memory_space<semaphore_mem>>
        %dma_start3A = arith.constant 0 : i32
        %dma_start3A_59 = tpu.memref_slice %arg12[%add3A_14, %dma_start3A] : memref<10240x128xf32, #tpu.memory_space<vmem_shared>> -> memref<128x128xf32, #tpu.memory_space<vmem_shared>>
        %dma_start3A_60 = arith.constant 0 : i32
        %dma_start3A_61 = tpu.memref_slice %arg12[%add3A_14, %dma_start3A_60] : memref<10240x128xf32, #tpu.memory_space<vmem_shared>> -> memref<128x128xf32, #tpu.memory_space<vmem_shared>>
        tpu.enqueue_dma source(%arg10 : memref<128x128xf32, #tpu.memory_space<vmem>>) target(%dma_start3A_61 : memref<128x128xf32, #tpu.memory_space<vmem_shared>>) target_semaphore(%run_scoped3A : memref<!tpu.dma_semaphore, #tpu.memory_space<semaphore_mem>>)
        %dma_wait3A = arith.constant 0 : i32
        %dma_wait3A_62 = tpu.memref_slice %arg12[%add3A_14, %dma_wait3A] : memref<10240x128xf32, #tpu.memory_space<vmem_shared>> -> memref<128x128xf32, #tpu.memory_space<vmem_shared>>
        %dma_wait3A_63 = arith.constant 0 : i32
        %dma_wait3A_64 = tpu.memref_slice %arg12[%add3A_14, %dma_wait3A_63] : memref<10240x128xf32, #tpu.memory_space<vmem_shared>> -> memref<128x128xf32, #tpu.memory_space<vmem_shared>>
        tpu.wait_dma2 semaphore(%run_scoped3A : memref<!tpu.dma_semaphore, #tpu.memory_space<semaphore_mem>>) src(%arg10 : memref<128x128xf32, #tpu.memory_space<vmem>>) dst(%dma_wait3A_64 : memref<128x128xf32, #tpu.memory_space<vmem_shared>>)
        tpu.yield
      }) : () -> ()
      %mul3A_15 = arith.constant 640 : i32
      %mul3A_16 = arith.muli %arg1, %mul3A_15 : i32
      %add3A_17 = arith.constant 128 : i32
      %add3A_18 = arith.addi %mul3A_16, %add3A_17 : i32
      "tpu.region"() ({
        %run_scoped3A = tpu.sem_alloc : memref<!tpu.dma_semaphore, #tpu.memory_space<semaphore_mem>>
        %dma_start3A = arith.constant 0 : i32
        %dma_start3A_59 = tpu.memref_slice %arg12[%add3A_18, %dma_start3A] : memref<10240x128xf32, #tpu.memory_space<vmem_shared>> -> memref<128x128xf32, #tpu.memory_space<vmem_shared>>
        %dma_start3A_60 = arith.constant 0 : i32
        %dma_start3A_61 = tpu.memref_slice %arg12[%add3A_18, %dma_start3A_60] : memref<10240x128xf32, #tpu.memory_space<vmem_shared>> -> memref<128x128xf32, #tpu.memory_space<vmem_shared>>
        tpu.enqueue_dma source(%arg10 : memref<128x128xf32, #tpu.memory_space<vmem>>) target(%dma_start3A_61 : memref<128x128xf32, #tpu.memory_space<vmem_shared>>) target_semaphore(%run_scoped3A : memref<!tpu.dma_semaphore, #tpu.memory_space<semaphore_mem>>)
        %dma_wait3A = arith.constant 0 : i32
        %dma_wait3A_62 = tpu.memref_slice %arg12[%add3A_18, %dma_wait3A] : memref<10240x128xf32, #tpu.memory_space<vmem_shared>> -> memref<128x128xf32, #tpu.memory_space<vmem_shared>>
        %dma_wait3A_63 = arith.constant 0 : i32
        %dma_wait3A_64 = tpu.memref_slice %arg12[%add3A_18, %dma_wait3A_63] : memref<10240x128xf32, #tpu.memory_space<vmem_shared>> -> memref<128x128xf32, #tpu.memory_space<vmem_shared>>
        tpu.wait_dma2 semaphore(%run_scoped3A : memref<!tpu.dma_semaphore, #tpu.memory_space<semaphore_mem>>) src(%arg10 : memref<128x128xf32, #tpu.memory_space<vmem>>) dst(%dma_wait3A_64 : memref<128x128xf32, #tpu.memory_space<vmem_shared>>)
        tpu.yield
      }) : () -> ()
      %mul3A_19 = arith.constant 640 : i32
      %mul3A_20 = arith.muli %arg1, %mul3A_19 : i32
      %add3A_21 = arith.constant 256 : i32
      %add3A_22 = arith.addi %mul3A_20, %add3A_21 : i32
      "tpu.region"() ({
        %run_scoped3A = tpu.sem_alloc : memref<!tpu.dma_semaphore, #tpu.memory_space<semaphore_mem>>
        %dma_start3A = arith.constant 0 : i32
        %dma_start3A_59 = tpu.memref_slice %arg12[%add3A_22, %dma_start3A] : memref<10240x128xf32, #tpu.memory_space<vmem_shared>> -> memref<128x128xf32, #tpu.memory_space<vmem_shared>>
        %dma_start3A_60 = arith.constant 0 : i32
        %dma_start3A_61 = tpu.memref_slice %arg12[%add3A_22, %dma_start3A_60] : memref<10240x128xf32, #tpu.memory_space<vmem_shared>> -> memref<128x128xf32, #tpu.memory_space<vmem_shared>>
        tpu.enqueue_dma source(%arg10 : memref<128x128xf32, #tpu.memory_space<vmem>>) target(%dma_start3A_61 : memref<128x128xf32, #tpu.memory_space<vmem_shared>>) target_semaphore(%run_scoped3A : memref<!tpu.dma_semaphore, #tpu.memory_space<semaphore_mem>>)
        %dma_wait3A = arith.constant 0 : i32
        %dma_wait3A_62 = tpu.memref_slice %arg12[%add3A_22, %dma_wait3A] : memref<10240x128xf32, #tpu.memory_space<vmem_shared>> -> memref<128x128xf32, #tpu.memory_space<vmem_shared>>
        %dma_wait3A_63 = arith.constant 0 : i32
        %dma_wait3A_64 = tpu.memref_slice %arg12[%add3A_22, %dma_wait3A_63] : memref<10240x128xf32, #tpu.memory_space<vmem_shared>> -> memref<128x128xf32, #tpu.memory_space<vmem_shared>>
        tpu.wait_dma2 semaphore(%run_scoped3A : memref<!tpu.dma_semaphore, #tpu.memory_space<semaphore_mem>>) src(%arg10 : memref<128x128xf32, #tpu.memory_space<vmem>>) dst(%dma_wait3A_64 : memref<128x128xf32, #tpu.memory_space<vmem_shared>>)
        tpu.yield
      }) : () -> ()
      %mul3A_23 = arith.constant 640 : i32
      %mul3A_24 = arith.muli %arg1, %mul3A_23 : i32
      %add3A_25 = arith.constant 384 : i32
      %add3A_26 = arith.addi %mul3A_24, %add3A_25 : i32
      "tpu.region"() ({
        %run_scoped3A = tpu.sem_alloc : memref<!tpu.dma_semaphore, #tpu.memory_space<semaphore_mem>>
        %dma_start3A = arith.constant 0 : i32
        %dma_start3A_59 = tpu.memref_slice %arg12[%add3A_26, %dma_start3A] : memref<10240x128xf32, #tpu.memory_space<vmem_shared>> -> memref<128x128xf32, #tpu.memory_space<vmem_shared>>
        %dma_start3A_60 = arith.constant 0 : i32
        %dma_start3A_61 = tpu.memref_slice %arg12[%add3A_26, %dma_start3A_60] : memref<10240x128xf32, #tpu.memory_space<vmem_shared>> -> memref<128x128xf32, #tpu.memory_space<vmem_shared>>
        tpu.enqueue_dma source(%arg10 : memref<128x128xf32, #tpu.memory_space<vmem>>) target(%dma_start3A_61 : memref<128x128xf32, #tpu.memory_space<vmem_shared>>) target_semaphore(%run_scoped3A : memref<!tpu.dma_semaphore, #tpu.memory_space<semaphore_mem>>)
        %dma_wait3A = arith.constant 0 : i32
        %dma_wait3A_62 = tpu.memref_slice %arg12[%add3A_26, %dma_wait3A] : memref<10240x128xf32, #tpu.memory_space<vmem_shared>> -> memref<128x128xf32, #tpu.memory_space<vmem_shared>>
        %dma_wait3A_63 = arith.constant 0 : i32
        %dma_wait3A_64 = tpu.memref_slice %arg12[%add3A_26, %dma_wait3A_63] : memref<10240x128xf32, #tpu.memory_space<vmem_shared>> -> memref<128x128xf32, #tpu.memory_space<vmem_shared>>
        tpu.wait_dma2 semaphore(%run_scoped3A : memref<!tpu.dma_semaphore, #tpu.memory_space<semaphore_mem>>) src(%arg10 : memref<128x128xf32, #tpu.memory_space<vmem>>) dst(%dma_wait3A_64 : memref<128x128xf32, #tpu.memory_space<vmem_shared>>)
        tpu.yield
      }) : () -> ()
      %mul3A_27 = arith.constant 640 : i32
      %mul3A_28 = arith.muli %arg1, %mul3A_27 : i32
      %add3A_29 = arith.constant 512 : i32
      %add3A_30 = arith.addi %mul3A_28, %add3A_29 : i32
      "tpu.region"() ({
        %run_scoped3A = tpu.sem_alloc : memref<!tpu.dma_semaphore, #tpu.memory_space<semaphore_mem>>
        %dma_start3A = arith.constant 0 : i32
        %dma_start3A_59 = tpu.memref_slice %arg12[%add3A_30, %dma_start3A] : memref<10240x128xf32, #tpu.memory_space<vmem_shared>> -> memref<128x128xf32, #tpu.memory_space<vmem_shared>>
        %dma_start3A_60 = arith.constant 0 : i32
        %dma_start3A_61 = tpu.memref_slice %arg12[%add3A_30, %dma_start3A_60] : memref<10240x128xf32, #tpu.memory_space<vmem_shared>> -> memref<128x128xf32, #tpu.memory_space<vmem_shared>>
        tpu.enqueue_dma source(%arg10 : memref<128x128xf32, #tpu.memory_space<vmem>>) target(%dma_start3A_61 : memref<128x128xf32, #tpu.memory_space<vmem_shared>>) target_semaphore(%run_scoped3A : memref<!tpu.dma_semaphore, #tpu.memory_space<semaphore_mem>>)
        %dma_wait3A = arith.constant 0 : i32
        %dma_wait3A_62 = tpu.memref_slice %arg12[%add3A_30, %dma_wait3A] : memref<10240x128xf32, #tpu.memory_space<vmem_shared>> -> memref<128x128xf32, #tpu.memory_space<vmem_shared>>
        %dma_wait3A_63 = arith.constant 0 : i32
        %dma_wait3A_64 = tpu.memref_slice %arg12[%add3A_30, %dma_wait3A_63] : memref<10240x128xf32, #tpu.memory_space<vmem_shared>> -> memref<128x128xf32, #tpu.memory_space<vmem_shared>>
        tpu.wait_dma2 semaphore(%run_scoped3A : memref<!tpu.dma_semaphore, #tpu.memory_space<semaphore_mem>>) src(%arg10 : memref<128x128xf32, #tpu.memory_space<vmem>>) dst(%dma_wait3A_64 : memref<128x128xf32, #tpu.memory_space<vmem_shared>>)
        tpu.yield
      }) : () -> ()
      %barrier3A = arith.constant 0 : index
      tpu.barrier barrier_id(%barrier3A)
      %scan3A_31 = arith.constant 0 : i32
      %scan3A_32 = arith.constant 0 : i32
      %scan3A_33 = arith.constant 5 : i32
      %scan3A_34 = arith.addi %scan3A_32, %scan3A_33 : i32
      %scan3A_35 = arith.constant 1 : i32
      %scan3A_36 = scf.for %scan3A_59 = %scan3A_32 to %scan3A_34 step %scan3A_35 iter_args(%scan3A_60 = %scan3A_31) -> (i32)  : i32 {
        %mul3A_61 = arith.constant 160 : i32
        %mul3A_62 = arith.muli %arg1, %mul3A_61 : i32
        %mul3A_63 = arith.constant 32 : i32
        %mul3A_64 = arith.muli %scan3A_59, %mul3A_63 : i32
        %add3A_65 = arith.addi %mul3A_62, %mul3A_64 : i32
        "tpu.region"() ({
          %run_scoped3A = tpu.sem_alloc : memref<!tpu.dma_semaphore, #tpu.memory_space<semaphore_mem>>
          %dma_start3A_80 = arith.constant 0 : i32
          %dma_start3A_81 = tpu.memref_slice %arg2[%add3A_65, %dma_start3A_80] : memref<2560x128xi32, #tpu.memory_space<hbm>> -> memref<32x128xi32, #tpu.memory_space<hbm>>
          %dma_start3A_82 = arith.constant 0 : i32
          %dma_start3A_83 = tpu.memref_slice %arg2[%add3A_65, %dma_start3A_82] : memref<2560x128xi32, #tpu.memory_space<hbm>> -> memref<32x128xi32, #tpu.memory_space<hbm>>
          tpu.enqueue_dma source(%dma_start3A_83 : memref<32x128xi32, #tpu.memory_space<hbm>>) target(%arg8 : memref<32x128xi32, #tpu.memory_space<vmem>>) target_semaphore(%run_scoped3A : memref<!tpu.dma_semaphore, #tpu.memory_space<semaphore_mem>>)
          %dma_wait3A = arith.constant 0 : i32
          %dma_wait3A_84 = tpu.memref_slice %arg2[%add3A_65, %dma_wait3A] : memref<2560x128xi32, #tpu.memory_space<hbm>> -> memref<32x128xi32, #tpu.memory_space<hbm>>
          %dma_wait3A_85 = arith.constant 0 : i32
          %dma_wait3A_86 = tpu.memref_slice %arg2[%add3A_65, %dma_wait3A_85] : memref<2560x128xi32, #tpu.memory_space<hbm>> -> memref<32x128xi32, #tpu.memory_space<hbm>>
          tpu.wait_dma2 semaphore(%run_scoped3A : memref<!tpu.dma_semaphore, #tpu.memory_space<semaphore_mem>>) src(%dma_wait3A_86 : memref<32x128xi32, #tpu.memory_space<hbm>>) dst(%arg8 : memref<32x128xi32, #tpu.memory_space<vmem>>)
          tpu.yield
        }) : () -> ()
        "tpu.region"() ({
          %run_scoped3A = tpu.sem_alloc : memref<!tpu.dma_semaphore, #tpu.memory_space<semaphore_mem>>
          %dma_start3A_80 = arith.constant 0 : i32
          %dma_start3A_81 = tpu.memref_slice %arg3[%add3A_65, %dma_start3A_80] : memref<2560x128xi32, #tpu.memory_space<hbm>> -> memref<32x128xi32, #tpu.memory_space<hbm>>
          %dma_start3A_82 = arith.constant 0 : i32
          %dma_start3A_83 = tpu.memref_slice %arg3[%add3A_65, %dma_start3A_82] : memref<2560x128xi32, #tpu.memory_space<hbm>> -> memref<32x128xi32, #tpu.memory_space<hbm>>
          tpu.enqueue_dma source(%dma_start3A_83 : memref<32x128xi32, #tpu.memory_space<hbm>>) target(%arg9 : memref<32x128xi32, #tpu.memory_space<vmem>>) target_semaphore(%run_scoped3A : memref<!tpu.dma_semaphore, #tpu.memory_space<semaphore_mem>>)
          %dma_wait3A = arith.constant 0 : i32
          %dma_wait3A_84 = tpu.memref_slice %arg3[%add3A_65, %dma_wait3A] : memref<2560x128xi32, #tpu.memory_space<hbm>> -> memref<32x128xi32, #tpu.memory_space<hbm>>
          %dma_wait3A_85 = arith.constant 0 : i32
          %dma_wait3A_86 = tpu.memref_slice %arg3[%add3A_65, %dma_wait3A_85] : memref<2560x128xi32, #tpu.memory_space<hbm>> -> memref<32x128xi32, #tpu.memory_space<hbm>>
          tpu.wait_dma2 semaphore(%run_scoped3A : memref<!tpu.dma_semaphore, #tpu.memory_space<semaphore_mem>>) src(%dma_wait3A_86 : memref<32x128xi32, #tpu.memory_space<hbm>>) dst(%arg9 : memref<32x128xi32, #tpu.memory_space<vmem>>)
          tpu.yield
        }) : () -> ()
        %dma_start3A = arith.constant 0 : i32
        %dma_start3A_66 = arith.constant 0 : i32
        %dma_start3A_67 = tpu.memref_slice %arg8[%dma_start3A, %dma_start3A_66] : memref<32x128xi32, #tpu.memory_space<vmem>> -> memref<1x128xi32, #tpu.memory_space<vmem>>
        %dma_start3A_68 = tpu.memref_squeeze %dma_start3A_67 : memref<1x128xi32, #tpu.memory_space<vmem>> -> memref<128xi32, #tpu.memory_space<vmem>>
        %dma_start3A_69 = arith.constant 0 : i32
        %dma_start3A_70 = arith.constant 0 : i32
        %dma_start3A_71 = tpu.memref_slice %arg5[%dma_start3A_69, %dma_start3A_70] : memref<10240x128xf32, #tpu.memory_space<hbm>> -> memref<10240x128xf32, #tpu.memory_space<hbm>>
        tpu.enqueue_indirect_dma source(%dma_start3A_71 : memref<10240x128xf32, #tpu.memory_space<hbm>>) target(%arg10 : memref<128x128xf32, #tpu.memory_space<vmem>>) offsets(%dma_start3A_68 : memref<128xi32, #tpu.memory_space<vmem>>) semaphore(%arg13 : memref<!tpu.dma_semaphore, #tpu.memory_space<semaphore_mem>>)
        %scan3A_72 = arith.constant 0 : i32
        %scan3A_73 = arith.constant 0 : i32
        %scan3A_74 = arith.constant 16 : i32
        %scan3A_75 = arith.addi %scan3A_73, %scan3A_74 : i32
        %scan3A_76 = arith.constant 1 : i32
        %scan3A_77 = scf.for %scan3A_80 = %scan3A_73 to %scan3A_75 step %scan3A_76 iter_args(%scan3A_81 = %scan3A_72) -> (i32)  : i32 {
          %mul3A_82 = arith.constant 2 : i32
          %mul3A_83 = arith.muli %scan3A_80, %mul3A_82 : i32
          %dma_wait3A = arith.constant 0 : i32
          %dma_wait3A_84 = tpu.memref_slice %arg8[%mul3A_83, %dma_wait3A] : memref<32x128xi32, #tpu.memory_space<vmem>> -> memref<1x128xi32, #tpu.memory_space<vmem>>
          %dma_wait3A_85 = tpu.memref_squeeze %dma_wait3A_84 : memref<1x128xi32, #tpu.memory_space<vmem>> -> memref<128xi32, #tpu.memory_space<vmem>>
          %dma_wait3A_86 = arith.constant 0 : i32
          %dma_wait3A_87 = arith.constant 0 : i32
          %dma_wait3A_88 = tpu.memref_slice %arg5[%dma_wait3A_86, %dma_wait3A_87] : memref<10240x128xf32, #tpu.memory_space<hbm>> -> memref<10240x128xf32, #tpu.memory_space<hbm>>
          tpu.wait_indirect_dma semaphore(%arg13 : memref<!tpu.dma_semaphore, #tpu.memory_space<semaphore_mem>>) src(%dma_wait3A_88 : memref<10240x128xf32, #tpu.memory_space<hbm>>) dst(%arg10 : memref<128x128xf32, #tpu.memory_space<vmem>>)
          %add3A_89 = arith.constant 1 : i32
          %add3A_90 = arith.addi %mul3A_83, %add3A_89 : i32
          %dma_start3A_91 = arith.constant 0 : i32
          %dma_start3A_92 = tpu.memref_slice %arg8[%add3A_90, %dma_start3A_91] : memref<32x128xi32, #tpu.memory_space<vmem>> -> memref<1x128xi32, #tpu.memory_space<vmem>>
          %dma_start3A_93 = tpu.memref_squeeze %dma_start3A_92 : memref<1x128xi32, #tpu.memory_space<vmem>> -> memref<128xi32, #tpu.memory_space<vmem>>
          %dma_start3A_94 = arith.constant 0 : i32
          %dma_start3A_95 = arith.constant 0 : i32
          %dma_start3A_96 = tpu.memref_slice %arg5[%dma_start3A_94, %dma_start3A_95] : memref<10240x128xf32, #tpu.memory_space<hbm>> -> memref<10240x128xf32, #tpu.memory_space<hbm>>
          tpu.enqueue_indirect_dma source(%dma_start3A_96 : memref<10240x128xf32, #tpu.memory_space<hbm>>) target(%arg11 : memref<128x128xf32, #tpu.memory_space<vmem>>) offsets(%dma_start3A_93 : memref<128xi32, #tpu.memory_space<vmem>>) semaphore(%arg14 : memref<!tpu.dma_semaphore, #tpu.memory_space<semaphore_mem>>)
          "tpu.region"() ({
            %run_scoped3A = tpu.sem_alloc : memref<!tpu.dma_semaphore, #tpu.memory_space<semaphore_mem>>
            %dma_start3A_114 = arith.constant 0 : i32
            %dma_start3A_115 = tpu.memref_slice %arg9[%mul3A_83, %dma_start3A_114] : memref<32x128xi32, #tpu.memory_space<vmem>> -> memref<1x128xi32, #tpu.memory_space<vmem>>
            %dma_start3A_116 = tpu.memref_squeeze %dma_start3A_115 : memref<1x128xi32, #tpu.memory_space<vmem>> -> memref<128xi32, #tpu.memory_space<vmem>>
            %dma_start3A_117 = arith.constant 0 : i32
            %dma_start3A_118 = arith.constant 0 : i32
            %dma_start3A_119 = tpu.memref_slice %arg12[%dma_start3A_117, %dma_start3A_118] : memref<10240x128xf32, #tpu.memory_space<vmem_shared>> -> memref<10240x128xf32, #tpu.memory_space<vmem_shared>>
            tpu.enqueue_indirect_dma source(%arg10 : memref<128x128xf32, #tpu.memory_space<vmem>>) target(%dma_start3A_119 : memref<10240x128xf32, #tpu.memory_space<vmem_shared>>) offsets(%dma_start3A_116 : memref<128xi32, #tpu.memory_space<vmem>>) semaphore(%run_scoped3A : memref<!tpu.dma_semaphore, #tpu.memory_space<semaphore_mem>>) {add = true}
            %dma_wait3A_120 = arith.constant 0 : i32
            %dma_wait3A_121 = tpu.memref_slice %arg9[%mul3A_83, %dma_wait3A_120] : memref<32x128xi32, #tpu.memory_space<vmem>> -> memref<1x128xi32, #tpu.memory_space<vmem>>
            %dma_wait3A_122 = tpu.memref_squeeze %dma_wait3A_121 : memref<1x128xi32, #tpu.memory_space<vmem>> -> memref<128xi32, #tpu.memory_space<vmem>>
            %dma_wait3A_123 = arith.constant 0 : i32
            %dma_wait3A_124 = arith.constant 0 : i32
            %dma_wait3A_125 = tpu.memref_slice %arg12[%dma_wait3A_123, %dma_wait3A_124] : memref<10240x128xf32, #tpu.memory_space<vmem_shared>> -> memref<10240x128xf32, #tpu.memory_space<vmem_shared>>
            tpu.wait_indirect_dma semaphore(%run_scoped3A : memref<!tpu.dma_semaphore, #tpu.memory_space<semaphore_mem>>) src(%arg10 : memref<128x128xf32, #tpu.memory_space<vmem>>) dst(%dma_wait3A_125 : memref<10240x128xf32, #tpu.memory_space<vmem_shared>>)
            tpu.yield
          }) : () -> ()
          %add3A_97 = arith.constant 1 : i32
          %add3A_98 = arith.addi %mul3A_83, %add3A_97 : i32
          %dma_wait3A_99 = arith.constant 0 : i32
          %dma_wait3A_100 = tpu.memref_slice %arg8[%add3A_98, %dma_wait3A_99] : memref<32x128xi32, #tpu.memory_space<vmem>> -> memref<1x128xi32, #tpu.memory_space<vmem>>
          %dma_wait3A_101 = tpu.memref_squeeze %dma_wait3A_100 : memref<1x128xi32, #tpu.memory_space<vmem>> -> memref<128xi32, #tpu.memory_space<vmem>>
          %dma_wait3A_102 = arith.constant 0 : i32
          %dma_wait3A_103 = arith.constant 0 : i32
          %dma_wait3A_104 = tpu.memref_slice %arg5[%dma_wait3A_102, %dma_wait3A_103] : memref<10240x128xf32, #tpu.memory_space<hbm>> -> memref<10240x128xf32, #tpu.memory_space<hbm>>
          tpu.wait_indirect_dma semaphore(%arg14 : memref<!tpu.dma_semaphore, #tpu.memory_space<semaphore_mem>>) src(%dma_wait3A_104 : memref<10240x128xf32, #tpu.memory_space<hbm>>) dst(%arg11 : memref<128x128xf32, #tpu.memory_space<vmem>>)
          %add3A_105 = arith.constant 1 : i32
          %add3A_106 = arith.addi %scan3A_80, %add3A_105 : i32
          %lt3A = arith.constant 16 : i32
          %lt3A_107 = arith.cmpi slt, %add3A_106, %lt3A : i32
          %convert_element_type3A_108 = arith.extui %lt3A_107 : i1 to i32
          %cond3A_109 = arith.constant 0 : i32
          %cond3A_110 = arith.cmpi ne, %convert_element_type3A_108, %cond3A_109 : i32
          scf.if %cond3A_110 {
            %add3A_114 = arith.constant 2 : i32
            %add3A_115 = arith.addi %mul3A_83, %add3A_114 : i32
            %dma_start3A_116 = arith.constant 0 : i32
            %dma_start3A_117 = tpu.memref_slice %arg8[%add3A_115, %dma_start3A_116] : memref<32x128xi32, #tpu.memory_space<vmem>> -> memref<1x128xi32, #tpu.memory_space<vmem>>
            %dma_start3A_118 = tpu.memref_squeeze %dma_start3A_117 : memref<1x128xi32, #tpu.memory_space<vmem>> -> memref<128xi32, #tpu.memory_space<vmem>>
            %dma_start3A_119 = arith.constant 0 : i32
            %dma_start3A_120 = arith.constant 0 : i32
            %dma_start3A_121 = tpu.memref_slice %arg5[%dma_start3A_119, %dma_start3A_120] : memref<10240x128xf32, #tpu.memory_space<hbm>> -> memref<10240x128xf32, #tpu.memory_space<hbm>>
            tpu.enqueue_indirect_dma source(%dma_start3A_121 : memref<10240x128xf32, #tpu.memory_space<hbm>>) target(%arg10 : memref<128x128xf32, #tpu.memory_space<vmem>>) offsets(%dma_start3A_118 : memref<128xi32, #tpu.memory_space<vmem>>) semaphore(%arg13 : memref<!tpu.dma_semaphore, #tpu.memory_space<semaphore_mem>>)
          } else {
          }
          %add3A_111 = arith.constant 1 : i32
          %add3A_112 = arith.addi %mul3A_83, %add3A_111 : i32
          "tpu.region"() ({
            %run_scoped3A = tpu.sem_alloc : memref<!tpu.dma_semaphore, #tpu.memory_space<semaphore_mem>>
            %dma_start3A_114 = arith.constant 0 : i32
            %dma_start3A_115 = tpu.memref_slice %arg9[%add3A_112, %dma_start3A_114] : memref<32x128xi32, #tpu.memory_space<vmem>> -> memref<1x128xi32, #tpu.memory_space<vmem>>
            %dma_start3A_116 = tpu.memref_squeeze %dma_start3A_115 : memref<1x128xi32, #tpu.memory_space<vmem>> -> memref<128xi32, #tpu.memory_space<vmem>>
            %dma_start3A_117 = arith.constant 0 : i32
            %dma_start3A_118 = arith.constant 0 : i32
            %dma_start3A_119 = tpu.memref_slice %arg12[%dma_start3A_117, %dma_start3A_118] : memref<10240x128xf32, #tpu.memory_space<vmem_shared>> -> memref<10240x128xf32, #tpu.memory_space<vmem_shared>>
            tpu.enqueue_indirect_dma source(%arg11 : memref<128x128xf32, #tpu.memory_space<vmem>>) target(%dma_start3A_119 : memref<10240x128xf32, #tpu.memory_space<vmem_shared>>) offsets(%dma_start3A_116 : memref<128xi32, #tpu.memory_space<vmem>>) semaphore(%run_scoped3A : memref<!tpu.dma_semaphore, #tpu.memory_space<semaphore_mem>>) {add = true}
            %dma_wait3A_120 = arith.constant 0 : i32
            %dma_wait3A_121 = tpu.memref_slice %arg9[%add3A_112, %dma_wait3A_120] : memref<32x128xi32, #tpu.memory_space<vmem>> -> memref<1x128xi32, #tpu.memory_space<vmem>>
            %dma_wait3A_122 = tpu.memref_squeeze %dma_wait3A_121 : memref<1x128xi32, #tpu.memory_space<vmem>> -> memref<128xi32, #tpu.memory_space<vmem>>
            %dma_wait3A_123 = arith.constant 0 : i32
            %dma_wait3A_124 = arith.constant 0 : i32
            %dma_wait3A_125 = tpu.memref_slice %arg12[%dma_wait3A_123, %dma_wait3A_124] : memref<10240x128xf32, #tpu.memory_space<vmem_shared>> -> memref<10240x128xf32, #tpu.memory_space<vmem_shared>>
            tpu.wait_indirect_dma semaphore(%run_scoped3A : memref<!tpu.dma_semaphore, #tpu.memory_space<semaphore_mem>>) src(%arg11 : memref<128x128xf32, #tpu.memory_space<vmem>>) dst(%dma_wait3A_125 : memref<10240x128xf32, #tpu.memory_space<vmem_shared>>)
            tpu.yield
          }) : () -> ()
          %scan3A_113 = arith.constant 0 : i32
          scf.yield %scan3A_113 : i32
        }
        %scan3A_78 = arith.constant 16 : i32
        %scan3A_79 = arith.constant 0 : i32
        scf.yield %scan3A_79 : i32
      }
      %scan3A_37 = arith.constant 5 : i32
      %barrier3A_38 = arith.constant 0 : index
      tpu.barrier barrier_id(%barrier3A_38)
      %mul3A_39 = arith.constant 640 : i32
      %mul3A_40 = arith.muli %arg1, %mul3A_39 : i32
      %add3A_41 = arith.constant 0 : i32
      %add3A_42 = arith.addi %mul3A_40, %add3A_41 : i32
      "tpu.region"() ({
        %run_scoped3A = tpu.sem_alloc : memref<!tpu.dma_semaphore, #tpu.memory_space<semaphore_mem>>
        %dma_start3A = arith.constant 0 : i32
        %dma_start3A_59 = tpu.memref_slice %arg7[%add3A_42, %dma_start3A] : memref<10240x128xf32, #tpu.memory_space<hbm>> -> memref<128x128xf32, #tpu.memory_space<hbm>>
        %dma_start3A_60 = arith.constant 0 : i32
        %dma_start3A_61 = tpu.memref_slice %arg12[%add3A_42, %dma_start3A_60] : memref<10240x128xf32, #tpu.memory_space<vmem_shared>> -> memref<128x128xf32, #tpu.memory_space<vmem_shared>>
        tpu.enqueue_dma source(%dma_start3A_61 : memref<128x128xf32, #tpu.memory_space<vmem_shared>>) target(%dma_start3A_59 : memref<128x128xf32, #tpu.memory_space<hbm>>) target_semaphore(%run_scoped3A : memref<!tpu.dma_semaphore, #tpu.memory_space<semaphore_mem>>)
        %dma_wait3A = arith.constant 0 : i32
        %dma_wait3A_62 = tpu.memref_slice %arg7[%add3A_42, %dma_wait3A] : memref<10240x128xf32, #tpu.memory_space<hbm>> -> memref<128x128xf32, #tpu.memory_space<hbm>>
        %dma_wait3A_63 = arith.constant 0 : i32
        %dma_wait3A_64 = tpu.memref_slice %arg12[%add3A_42, %dma_wait3A_63] : memref<10240x128xf32, #tpu.memory_space<vmem_shared>> -> memref<128x128xf32, #tpu.memory_space<vmem_shared>>
        tpu.wait_dma2 semaphore(%run_scoped3A : memref<!tpu.dma_semaphore, #tpu.memory_space<semaphore_mem>>) src(%dma_wait3A_64 : memref<128x128xf32, #tpu.memory_space<vmem_shared>>) dst(%dma_wait3A_62 : memref<128x128xf32, #tpu.memory_space<hbm>>)
        tpu.yield
      }) : () -> ()
      %mul3A_43 = arith.constant 640 : i32
      %mul3A_44 = arith.muli %arg1, %mul3A_43 : i32
      %add3A_45 = arith.constant 128 : i32
      %add3A_46 = arith.addi %mul3A_44, %add3A_45 : i32
      "tpu.region"() ({
        %run_scoped3A = tpu.sem_alloc : memref<!tpu.dma_semaphore, #tpu.memory_space<semaphore_mem>>
        %dma_start3A = arith.constant 0 : i32
        %dma_start3A_59 = tpu.memref_slice %arg7[%add3A_46, %dma_start3A] : memref<10240x128xf32, #tpu.memory_space<hbm>> -> memref<128x128xf32, #tpu.memory_space<hbm>>
        %dma_start3A_60 = arith.constant 0 : i32
        %dma_start3A_61 = tpu.memref_slice %arg12[%add3A_46, %dma_start3A_60] : memref<10240x128xf32, #tpu.memory_space<vmem_shared>> -> memref<128x128xf32, #tpu.memory_space<vmem_shared>>
        tpu.enqueue_dma source(%dma_start3A_61 : memref<128x128xf32, #tpu.memory_space<vmem_shared>>) target(%dma_start3A_59 : memref<128x128xf32, #tpu.memory_space<hbm>>) target_semaphore(%run_scoped3A : memref<!tpu.dma_semaphore, #tpu.memory_space<semaphore_mem>>)
        %dma_wait3A = arith.constant 0 : i32
        %dma_wait3A_62 = tpu.memref_slice %arg7[%add3A_46, %dma_wait3A] : memref<10240x128xf32, #tpu.memory_space<hbm>> -> memref<128x128xf32, #tpu.memory_space<hbm>>
        %dma_wait3A_63 = arith.constant 0 : i32
        %dma_wait3A_64 = tpu.memref_slice %arg12[%add3A_46, %dma_wait3A_63] : memref<10240x128xf32, #tpu.memory_space<vmem_shared>> -> memref<128x128xf32, #tpu.memory_space<vmem_shared>>
        tpu.wait_dma2 semaphore(%run_scoped3A : memref<!tpu.dma_semaphore, #tpu.memory_space<semaphore_mem>>) src(%dma_wait3A_64 : memref<128x128xf32, #tpu.memory_space<vmem_shared>>) dst(%dma_wait3A_62 : memref<128x128xf32, #tpu.memory_space<hbm>>)
        tpu.yield
      }) : () -> ()
      %mul3A_47 = arith.constant 640 : i32
      %mul3A_48 = arith.muli %arg1, %mul3A_47 : i32
      %add3A_49 = arith.constant 256 : i32
      %add3A_50 = arith.addi %mul3A_48, %add3A_49 : i32
      "tpu.region"() ({
        %run_scoped3A = tpu.sem_alloc : memref<!tpu.dma_semaphore, #tpu.memory_space<semaphore_mem>>
        %dma_start3A = arith.constant 0 : i32
        %dma_start3A_59 = tpu.memref_slice %arg7[%add3A_50, %dma_start3A] : memref<10240x128xf32, #tpu.memory_space<hbm>> -> memref<128x128xf32, #tpu.memory_space<hbm>>
        %dma_start3A_60 = arith.constant 0 : i32
        %dma_start3A_61 = tpu.memref_slice %arg12[%add3A_50, %dma_start3A_60] : memref<10240x128xf32, #tpu.memory_space<vmem_shared>> -> memref<128x128xf32, #tpu.memory_space<vmem_shared>>
        tpu.enqueue_dma source(%dma_start3A_61 : memref<128x128xf32, #tpu.memory_space<vmem_shared>>) target(%dma_start3A_59 : memref<128x128xf32, #tpu.memory_space<hbm>>) target_semaphore(%run_scoped3A : memref<!tpu.dma_semaphore, #tpu.memory_space<semaphore_mem>>)
        %dma_wait3A = arith.constant 0 : i32
        %dma_wait3A_62 = tpu.memref_slice %arg7[%add3A_50, %dma_wait3A] : memref<10240x128xf32, #tpu.memory_space<hbm>> -> memref<128x128xf32, #tpu.memory_space<hbm>>
        %dma_wait3A_63 = arith.constant 0 : i32
        %dma_wait3A_64 = tpu.memref_slice %arg12[%add3A_50, %dma_wait3A_63] : memref<10240x128xf32, #tpu.memory_space<vmem_shared>> -> memref<128x128xf32, #tpu.memory_space<vmem_shared>>
        tpu.wait_dma2 semaphore(%run_scoped3A : memref<!tpu.dma_semaphore, #tpu.memory_space<semaphore_mem>>) src(%dma_wait3A_64 : memref<128x128xf32, #tpu.memory_space<vmem_shared>>) dst(%dma_wait3A_62 : memref<128x128xf32, #tpu.memory_space<hbm>>)
        tpu.yield
      }) : () -> ()
      %mul3A_51 = arith.constant 640 : i32
      %mul3A_52 = arith.muli %arg1, %mul3A_51 : i32
      %add3A_53 = arith.constant 384 : i32
      %add3A_54 = arith.addi %mul3A_52, %add3A_53 : i32
      "tpu.region"() ({
        %run_scoped3A = tpu.sem_alloc : memref<!tpu.dma_semaphore, #tpu.memory_space<semaphore_mem>>
        %dma_start3A = arith.constant 0 : i32
        %dma_start3A_59 = tpu.memref_slice %arg7[%add3A_54, %dma_start3A] : memref<10240x128xf32, #tpu.memory_space<hbm>> -> memref<128x128xf32, #tpu.memory_space<hbm>>
        %dma_start3A_60 = arith.constant 0 : i32
        %dma_start3A_61 = tpu.memref_slice %arg12[%add3A_54, %dma_start3A_60] : memref<10240x128xf32, #tpu.memory_space<vmem_shared>> -> memref<128x128xf32, #tpu.memory_space<vmem_shared>>
        tpu.enqueue_dma source(%dma_start3A_61 : memref<128x128xf32, #tpu.memory_space<vmem_shared>>) target(%dma_start3A_59 : memref<128x128xf32, #tpu.memory_space<hbm>>) target_semaphore(%run_scoped3A : memref<!tpu.dma_semaphore, #tpu.memory_space<semaphore_mem>>)
        %dma_wait3A = arith.constant 0 : i32
        %dma_wait3A_62 = tpu.memref_slice %arg7[%add3A_54, %dma_wait3A] : memref<10240x128xf32, #tpu.memory_space<hbm>> -> memref<128x128xf32, #tpu.memory_space<hbm>>
        %dma_wait3A_63 = arith.constant 0 : i32
        %dma_wait3A_64 = tpu.memref_slice %arg12[%add3A_54, %dma_wait3A_63] : memref<10240x128xf32, #tpu.memory_space<vmem_shared>> -> memref<128x128xf32, #tpu.memory_space<vmem_shared>>
        tpu.wait_dma2 semaphore(%run_scoped3A : memref<!tpu.dma_semaphore, #tpu.memory_space<semaphore_mem>>) src(%dma_wait3A_64 : memref<128x128xf32, #tpu.memory_space<vmem_shared>>) dst(%dma_wait3A_62 : memref<128x128xf32, #tpu.memory_space<hbm>>)
        tpu.yield
      }) : () -> ()
      %mul3A_55 = arith.constant 640 : i32
      %mul3A_56 = arith.muli %arg1, %mul3A_55 : i32
      %add3A_57 = arith.constant 512 : i32
      %add3A_58 = arith.addi %mul3A_56, %add3A_57 : i32
      "tpu.region"() ({
        %run_scoped3A = tpu.sem_alloc : memref<!tpu.dma_semaphore, #tpu.memory_space<semaphore_mem>>
        %dma_start3A = arith.constant 0 : i32
        %dma_start3A_59 = tpu.memref_slice %arg7[%add3A_58, %dma_start3A] : memref<10240x128xf32, #tpu.memory_space<hbm>> -> memref<128x128xf32, #tpu.memory_space<hbm>>
        %dma_start3A_60 = arith.constant 0 : i32
        %dma_start3A_61 = tpu.memref_slice %arg12[%add3A_58, %dma_start3A_60] : memref<10240x128xf32, #tpu.memory_space<vmem_shared>> -> memref<128x128xf32, #tpu.memory_space<vmem_shared>>
        tpu.enqueue_dma source(%dma_start3A_61 : memref<128x128xf32, #tpu.memory_space<vmem_shared>>) target(%dma_start3A_59 : memref<128x128xf32, #tpu.memory_space<hbm>>) target_semaphore(%run_scoped3A : memref<!tpu.dma_semaphore, #tpu.memory_space<semaphore_mem>>)
        %dma_wait3A = arith.constant 0 : i32
        %dma_wait3A_62 = tpu.memref_slice %arg7[%add3A_58, %dma_wait3A] : memref<10240x128xf32, #tpu.memory_space<hbm>> -> memref<128x128xf32, #tpu.memory_space<hbm>>
        %dma_wait3A_63 = arith.constant 0 : i32
        %dma_wait3A_64 = tpu.memref_slice %arg12[%add3A_58, %dma_wait3A_63] : memref<10240x128xf32, #tpu.memory_space<vmem_shared>> -> memref<128x128xf32, #tpu.memory_space<vmem_shared>>
        tpu.wait_dma2 semaphore(%run_scoped3A : memref<!tpu.dma_semaphore, #tpu.memory_space<semaphore_mem>>) src(%dma_wait3A_64 : memref<128x128xf32, #tpu.memory_space<vmem_shared>>) dst(%dma_wait3A_62 : memref<128x128xf32, #tpu.memory_space<hbm>>)
        tpu.yield
      }) : () -> ()
    } else {
    }
    return
  }
}

#map = affine_map<(d0, d1) -> (0, 0)>
#map1 = affine_map<(d0, d1) -> (0)>
module attributes {stable_mosaic.version = 14 : i64} {
  func.func @_sc_degree(%arg0: i32, %arg1: i32, %arg2: memref<2560x128xi32, #tpu.memory_space<hbm>>, %arg3: memref<10240xf32, #tpu.memory_space<hbm>>, %arg4: memref<10240xf32, #tpu.memory_space<hbm>>, %arg5: memref<80x128xi32, #tpu.memory_space<vmem>>, %arg6: memref<128xf32, #tpu.memory_space<vmem>>, %arg7: memref<640xf32, #tpu.memory_space<vmem>>, %arg8: memref<10240xf32, #tpu.memory_space<vmem_shared>>) attributes {dimension_semantics = [#tpu.dimension_semantics<core_parallel>, #tpu.dimension_semantics<subcore_parallel>], iteration_bounds = array<i64: 2, 16>, scalar_prefetch = 0 : i64, scratch_operands = 4 : i64, tpu.core_type = #tpu.core_type<sc_vector_subcore>, window_params = [{transform_indices = #map}, {transform_indices = #map1}, {transform_indices = #map1}]} {
    %scan3A = arith.constant 0 : i32
    %scan3A_0 = arith.constant 0 : i32
    %scan3A_1 = arith.constant 8 : i32
    %scan3A_2 = arith.addi %scan3A_0, %scan3A_1 : i32
    %scan3A_3 = arith.constant 1 : i32
    %scan3A_4 = scf.for %scan3A_35 = %scan3A_0 to %scan3A_2 step %scan3A_3 iter_args(%scan3A_36 = %scan3A) -> (i32)  : i32 {
      %broadcast_in_dim3A = arith.constant 1.000000e+00 : f32
      %broadcast_in_dim3A_37 = vector.broadcast %broadcast_in_dim3A : f32 to vector<16xf32>
      %mul3A_38 = arith.constant 16 : i32
      %mul3A_39 = arith.muli %scan3A_35, %mul3A_38 : i32
      %swap3A = arith.index_cast %mul3A_39 : i32 to index
      %swap3A_40 = tpu.vector_load %arg6[%swap3A] {strides = array<i32>} : memref<128xf32, #tpu.memory_space<vmem>>, vector<16xf32>,
      %swap3A_41 = vector.shape_cast %swap3A_40 : vector<16xf32> to vector<16xf32>
      %swap3A_42 = vector.shape_cast %broadcast_in_dim3A_37 : vector<16xf32> to vector<16xf32>
      tpu.vector_store %arg6[%swap3A], %swap3A_42 {strides = array<i32>} : memref<128xf32, #tpu.memory_space<vmem>>, vector<16xf32>,
      %scan3A_43 = arith.constant 0 : i32
      scf.yield %scan3A_43 : i32
    }
    %scan3A_5 = arith.constant 8 : i32
    %scan3A_6 = arith.constant 0 : i32
    %scan3A_7 = arith.constant 0 : i32
    %scan3A_8 = arith.constant 40 : i32
    %scan3A_9 = arith.addi %scan3A_7, %scan3A_8 : i32
    %scan3A_10 = arith.constant 1 : i32
    %scan3A_11 = scf.for %scan3A_35 = %scan3A_7 to %scan3A_9 step %scan3A_10 iter_args(%scan3A_36 = %scan3A_6) -> (i32)  : i32 {
      %broadcast_in_dim3A = arith.constant 0.000000e+00 : f32
      %broadcast_in_dim3A_37 = vector.broadcast %broadcast_in_dim3A : f32 to vector<16xf32>
      %mul3A_38 = arith.constant 16 : i32
      %mul3A_39 = arith.muli %scan3A_35, %mul3A_38 : i32
      %swap3A = arith.index_cast %mul3A_39 : i32 to index
      %swap3A_40 = tpu.vector_load %arg7[%swap3A] {strides = array<i32>} : memref<640xf32, #tpu.memory_space<vmem>>, vector<16xf32>,
      %swap3A_41 = vector.shape_cast %swap3A_40 : vector<16xf32> to vector<16xf32>
      %swap3A_42 = vector.shape_cast %broadcast_in_dim3A_37 : vector<16xf32> to vector<16xf32>
      tpu.vector_store %arg7[%swap3A], %swap3A_42 {strides = array<i32>} : memref<640xf32, #tpu.memory_space<vmem>>, vector<16xf32>,
      %scan3A_43 = arith.constant 0 : i32
      scf.yield %scan3A_43 : i32
    }
    %scan3A_12 = arith.constant 40 : i32
    %mul3A = arith.constant 16 : i32
    %mul3A_13 = arith.muli %arg0, %mul3A : i32
    %add3A = arith.addi %mul3A_13, %arg1 : i32
    %mul3A_14 = arith.constant 80 : i32
    %mul3A_15 = arith.muli %add3A, %mul3A_14 : i32
    "tpu.region"() ({
      %run_scoped3A = tpu.sem_alloc : memref<!tpu.dma_semaphore, #tpu.memory_space<semaphore_mem>>
      %dma_start3A = arith.constant 0 : i32
      %dma_start3A_35 = tpu.memref_slice %arg2[%mul3A_15, %dma_start3A] : memref<2560x128xi32, #tpu.memory_space<hbm>> -> memref<80x128xi32, #tpu.memory_space<hbm>>
      %dma_start3A_36 = arith.constant 0 : i32
      %dma_start3A_37 = tpu.memref_slice %arg2[%mul3A_15, %dma_start3A_36] : memref<2560x128xi32, #tpu.memory_space<hbm>> -> memref<80x128xi32, #tpu.memory_space<hbm>>
      tpu.enqueue_dma source(%dma_start3A_37 : memref<80x128xi32, #tpu.memory_space<hbm>>) target(%arg5 : memref<80x128xi32, #tpu.memory_space<vmem>>) target_semaphore(%run_scoped3A : memref<!tpu.dma_semaphore, #tpu.memory_space<semaphore_mem>>)
      %dma_wait3A = arith.constant 0 : i32
      %dma_wait3A_38 = tpu.memref_slice %arg2[%mul3A_15, %dma_wait3A] : memref<2560x128xi32, #tpu.memory_space<hbm>> -> memref<80x128xi32, #tpu.memory_space<hbm>>
      %dma_wait3A_39 = arith.constant 0 : i32
      %dma_wait3A_40 = tpu.memref_slice %arg2[%mul3A_15, %dma_wait3A_39] : memref<2560x128xi32, #tpu.memory_space<hbm>> -> memref<80x128xi32, #tpu.memory_space<hbm>>
      tpu.wait_dma2 semaphore(%run_scoped3A : memref<!tpu.dma_semaphore, #tpu.memory_space<semaphore_mem>>) src(%dma_wait3A_40 : memref<80x128xi32, #tpu.memory_space<hbm>>) dst(%arg5 : memref<80x128xi32, #tpu.memory_space<vmem>>)
      tpu.yield
    }) : () -> ()
    %mul3A_16 = arith.constant 640 : i32
    %mul3A_17 = arith.muli %arg1, %mul3A_16 : i32
    "tpu.region"() ({
      %run_scoped3A = tpu.sem_alloc : memref<!tpu.dma_semaphore, #tpu.memory_space<semaphore_mem>>
      %dma_start3A = tpu.memref_slice %arg8[%mul3A_17] : memref<10240xf32, #tpu.memory_space<vmem_shared>> -> memref<640xf32, #tpu.memory_space<vmem_shared>>
      %dma_start3A_35 = tpu.memref_slice %arg8[%mul3A_17] : memref<10240xf32, #tpu.memory_space<vmem_shared>> -> memref<640xf32, #tpu.memory_space<vmem_shared>>
      tpu.enqueue_dma source(%arg7 : memref<640xf32, #tpu.memory_space<vmem>>) target(%dma_start3A_35 : memref<640xf32, #tpu.memory_space<vmem_shared>>) target_semaphore(%run_scoped3A : memref<!tpu.dma_semaphore, #tpu.memory_space<semaphore_mem>>)
      %dma_wait3A = tpu.memref_slice %arg8[%mul3A_17] : memref<10240xf32, #tpu.memory_space<vmem_shared>> -> memref<640xf32, #tpu.memory_space<vmem_shared>>
      %dma_wait3A_36 = tpu.memref_slice %arg8[%mul3A_17] : memref<10240xf32, #tpu.memory_space<vmem_shared>> -> memref<640xf32, #tpu.memory_space<vmem_shared>>
      tpu.wait_dma2 semaphore(%run_scoped3A : memref<!tpu.dma_semaphore, #tpu.memory_space<semaphore_mem>>) src(%arg7 : memref<640xf32, #tpu.memory_space<vmem>>) dst(%dma_wait3A_36 : memref<640xf32, #tpu.memory_space<vmem_shared>>)
      tpu.yield
    }) : () -> ()
    %barrier3A = arith.constant 0 : index
    tpu.barrier barrier_id(%barrier3A)
    %scan3A_18 = arith.constant 0 : i32
    %scan3A_19 = arith.constant 0 : i32
    %scan3A_20 = arith.constant 80 : i32
    %scan3A_21 = arith.addi %scan3A_19, %scan3A_20 : i32
    %scan3A_22 = arith.constant 1 : i32
    %scan3A_23 = scf.for %scan3A_35 = %scan3A_19 to %scan3A_21 step %scan3A_22 iter_args(%scan3A_36 = %scan3A_18) -> (i32)  : i32 {
      "tpu.region"() ({
        %run_scoped3A = tpu.sem_alloc : memref<!tpu.dma_semaphore, #tpu.memory_space<semaphore_mem>>
        %dma_start3A = arith.constant 0 : i32
        %dma_start3A_38 = tpu.memref_slice %arg5[%scan3A_35, %dma_start3A] : memref<80x128xi32, #tpu.memory_space<vmem>> -> memref<1x128xi32, #tpu.memory_space<vmem>>
        %dma_start3A_39 = tpu.memref_squeeze %dma_start3A_38 : memref<1x128xi32, #tpu.memory_space<vmem>> -> memref<128xi32, #tpu.memory_space<vmem>>
        %dma_start3A_40 = arith.constant 0 : i32
        %dma_start3A_41 = tpu.memref_slice %arg8[%dma_start3A_40] : memref<10240xf32, #tpu.memory_space<vmem_shared>> -> memref<10240xf32, #tpu.memory_space<vmem_shared>>
        tpu.enqueue_indirect_dma source(%arg6 : memref<128xf32, #tpu.memory_space<vmem>>) target(%dma_start3A_41 : memref<10240xf32, #tpu.memory_space<vmem_shared>>) offsets(%dma_start3A_39 : memref<128xi32, #tpu.memory_space<vmem>>) semaphore(%run_scoped3A : memref<!tpu.dma_semaphore, #tpu.memory_space<semaphore_mem>>) {add = true}
        %dma_wait3A = arith.constant 0 : i32
        %dma_wait3A_42 = tpu.memref_slice %arg5[%scan3A_35, %dma_wait3A] : memref<80x128xi32, #tpu.memory_space<vmem>> -> memref<1x128xi32, #tpu.memory_space<vmem>>
        %dma_wait3A_43 = tpu.memref_squeeze %dma_wait3A_42 : memref<1x128xi32, #tpu.memory_space<vmem>> -> memref<128xi32, #tpu.memory_space<vmem>>
        %dma_wait3A_44 = arith.constant 0 : i32
        %dma_wait3A_45 = tpu.memref_slice %arg8[%dma_wait3A_44] : memref<10240xf32, #tpu.memory_space<vmem_shared>> -> memref<10240xf32, #tpu.memory_space<vmem_shared>>
        tpu.wait_indirect_dma semaphore(%run_scoped3A : memref<!tpu.dma_semaphore, #tpu.memory_space<semaphore_mem>>) src(%arg6 : memref<128xf32, #tpu.memory_space<vmem>>) dst(%dma_wait3A_45 : memref<10240xf32, #tpu.memory_space<vmem_shared>>)
        tpu.yield
      }) : () -> ()
      %scan3A_37 = arith.constant 0 : i32
      scf.yield %scan3A_37 : i32
    }
    %scan3A_24 = arith.constant 80 : i32
    %barrier3A_25 = arith.constant 0 : index
    tpu.barrier barrier_id(%barrier3A_25)
    %mul3A_26 = arith.constant 640 : i32
    %mul3A_27 = arith.muli %arg1, %mul3A_26 : i32
    %eq3A = arith.constant 0 : i32
    %eq3A_28 = arith.cmpi eq, %arg0, %eq3A : i32
    %convert_element_type3A = arith.extui %eq3A_28 : i1 to i32
    %cond3A = arith.constant 0 : i32
    %cond3A_29 = arith.cmpi ne, %convert_element_type3A, %cond3A : i32
    scf.if %cond3A_29 {
      "tpu.region"() ({
        %run_scoped3A = tpu.sem_alloc : memref<!tpu.dma_semaphore, #tpu.memory_space<semaphore_mem>>
        %dma_start3A = tpu.memref_slice %arg3[%mul3A_27] : memref<10240xf32, #tpu.memory_space<hbm>> -> memref<640xf32, #tpu.memory_space<hbm>>
        %dma_start3A_35 = tpu.memref_slice %arg8[%mul3A_27] : memref<10240xf32, #tpu.memory_space<vmem_shared>> -> memref<640xf32, #tpu.memory_space<vmem_shared>>
        tpu.enqueue_dma source(%dma_start3A_35 : memref<640xf32, #tpu.memory_space<vmem_shared>>) target(%dma_start3A : memref<640xf32, #tpu.memory_space<hbm>>) target_semaphore(%run_scoped3A : memref<!tpu.dma_semaphore, #tpu.memory_space<semaphore_mem>>)
        %dma_wait3A = tpu.memref_slice %arg3[%mul3A_27] : memref<10240xf32, #tpu.memory_space<hbm>> -> memref<640xf32, #tpu.memory_space<hbm>>
        %dma_wait3A_36 = tpu.memref_slice %arg8[%mul3A_27] : memref<10240xf32, #tpu.memory_space<vmem_shared>> -> memref<640xf32, #tpu.memory_space<vmem_shared>>
        tpu.wait_dma2 semaphore(%run_scoped3A : memref<!tpu.dma_semaphore, #tpu.memory_space<semaphore_mem>>) src(%dma_wait3A_36 : memref<640xf32, #tpu.memory_space<vmem_shared>>) dst(%dma_wait3A : memref<640xf32, #tpu.memory_space<hbm>>)
        tpu.yield
      }) : () -> ()
    } else {
    }
    %eq3A_30 = arith.constant 1 : i32
    %eq3A_31 = arith.cmpi eq, %arg0, %eq3A_30 : i32
    %convert_element_type3A_32 = arith.extui %eq3A_31 : i1 to i32
    %cond3A_33 = arith.constant 0 : i32
    %cond3A_34 = arith.cmpi ne, %convert_element_type3A_32, %cond3A_33 : i32
    scf.if %cond3A_34 {
      "tpu.region"() ({
        %run_scoped3A = tpu.sem_alloc : memref<!tpu.dma_semaphore, #tpu.memory_space<semaphore_mem>>
        %dma_start3A = tpu.memref_slice %arg4[%mul3A_27] : memref<10240xf32, #tpu.memory_space<hbm>> -> memref<640xf32, #tpu.memory_space<hbm>>
        %dma_start3A_35 = tpu.memref_slice %arg8[%mul3A_27] : memref<10240xf32, #tpu.memory_space<vmem_shared>> -> memref<640xf32, #tpu.memory_space<vmem_shared>>
        tpu.enqueue_dma source(%dma_start3A_35 : memref<640xf32, #tpu.memory_space<vmem_shared>>) target(%dma_start3A : memref<640xf32, #tpu.memory_space<hbm>>) target_semaphore(%run_scoped3A : memref<!tpu.dma_semaphore, #tpu.memory_space<semaphore_mem>>)
        %dma_wait3A = tpu.memref_slice %arg4[%mul3A_27] : memref<10240xf32, #tpu.memory_space<hbm>> -> memref<640xf32, #tpu.memory_space<hbm>>
        %dma_wait3A_36 = tpu.memref_slice %arg8[%mul3A_27] : memref<10240xf32, #tpu.memory_space<vmem_shared>> -> memref<640xf32, #tpu.memory_space<vmem_shared>>
        tpu.wait_dma2 semaphore(%run_scoped3A : memref<!tpu.dma_semaphore, #tpu.memory_space<semaphore_mem>>) src(%dma_wait3A_36 : memref<640xf32, #tpu.memory_space<vmem_shared>>) dst(%dma_wait3A : memref<640xf32, #tpu.memory_space<hbm>>)
        tpu.yield
      }) : () -> ()
    } else {
    }
    return
  }
}

#map = affine_map<(d0, d1) -> (0, 0)>
module attributes {stable_mosaic.version = 14 : i64} {
  func.func @_sc_scatter(%arg0: i32, %arg1: i32, %arg2: memref<2560x128xi32, #tpu.memory_space<hbm>>, %arg3: memref<2560x128xi32, #tpu.memory_space<hbm>>, %arg4: memref<10240x128xf32, #tpu.memory_space<hbm>>, %arg5: memref<10240x128xf32, #tpu.memory_space<hbm>>, %arg6: memref<10240x128xf32, #tpu.memory_space<hbm>>, %arg7: memref<10240x128xf32, #tpu.memory_space<hbm>>, %arg8: memref<32x128xi32, #tpu.memory_space<vmem>>, %arg9: memref<32x128xi32, #tpu.memory_space<vmem>>, %arg10: memref<128x128xf32, #tpu.memory_space<vmem>>, %arg11: memref<128x128xf32, #tpu.memory_space<vmem>>, %arg12: memref<10240x128xf32, #tpu.memory_space<vmem_shared>>, %arg13: memref<!tpu.dma_semaphore, #tpu.memory_space<semaphore_mem>>, %arg14: memref<!tpu.dma_semaphore, #tpu.memory_space<semaphore_mem>>) attributes {dimension_semantics = [#tpu.dimension_semantics<core_parallel>, #tpu.dimension_semantics<subcore_parallel>], iteration_bounds = array<i64: 2, 16>, scalar_prefetch = 0 : i64, scratch_operands = 7 : i64, tpu.core_type = #tpu.core_type<sc_vector_subcore>, window_params = [{transform_indices = #map}, {transform_indices = #map}, {transform_indices = #map}, {transform_indices = #map}, {transform_indices = #map}, {transform_indices = #map}]} {
    %eq3A = arith.constant 0 : i32
    %eq3A_0 = arith.cmpi eq, %arg0, %eq3A : i32
    %convert_element_type3A = arith.extui %eq3A_0 : i1 to i32
    %cond3A = arith.constant 0 : i32
    %cond3A_1 = arith.cmpi ne, %convert_element_type3A, %cond3A : i32
    scf.if %cond3A_1 {
      %scan3A = arith.constant 0 : i32
      %scan3A_7 = arith.constant 0 : i32
      %scan3A_8 = arith.constant 128 : i32
      %scan3A_9 = arith.addi %scan3A_7, %scan3A_8 : i32
      %scan3A_10 = arith.constant 1 : i32
      %scan3A_11 = scf.for %scan3A_59 = %scan3A_7 to %scan3A_9 step %scan3A_10 iter_args(%scan3A_60 = %scan3A) -> (i32)  : i32 {
        %broadcast_in_dim3A = arith.constant 0.000000e+00 : f32
        %broadcast_in_dim3A_61 = vector.broadcast %broadcast_in_dim3A : f32 to vector<16xf32>
        %swap3A = arith.index_cast %scan3A_59 : i32 to index
        %swap3A_62 = arith.constant 0 : index
        %swap3A_63 = tpu.vector_load %arg10[%swap3A, %swap3A_62] {strides = array<i32>} : memref<128x128xf32, #tpu.memory_space<vmem>>, vector<1x16xf32>,
        %swap3A_64 = vector.shape_cast %swap3A_63 : vector<1x16xf32> to vector<16xf32>
        %swap3A_65 = vector.shape_cast %broadcast_in_dim3A_61 : vector<16xf32> to vector<1x16xf32>
        tpu.vector_store %arg10[%swap3A, %swap3A_62], %swap3A_65 {strides = array<i32>} : memref<128x128xf32, #tpu.memory_space<vmem>>, vector<1x16xf32>,
        %broadcast_in_dim3A_66 = arith.constant 0.000000e+00 : f32
        %broadcast_in_dim3A_67 = vector.broadcast %broadcast_in_dim3A_66 : f32 to vector<16xf32>
        %swap3A_68 = arith.index_cast %scan3A_59 : i32 to index
        %swap3A_69 = arith.constant 16 : index
        %swap3A_70 = tpu.vector_load %arg10[%swap3A_68, %swap3A_69] {strides = array<i32>} : memref<128x128xf32, #tpu.memory_space<vmem>>, vector<1x16xf32>,
        %swap3A_71 = vector.shape_cast %swap3A_70 : vector<1x16xf32> to vector<16xf32>
        %swap3A_72 = vector.shape_cast %broadcast_in_dim3A_67 : vector<16xf32> to vector<1x16xf32>
        tpu.vector_store %arg10[%swap3A_68, %swap3A_69], %swap3A_72 {strides = array<i32>} : memref<128x128xf32, #tpu.memory_space<vmem>>, vector<1x16xf32>,
        %broadcast_in_dim3A_73 = arith.constant 0.000000e+00 : f32
        %broadcast_in_dim3A_74 = vector.broadcast %broadcast_in_dim3A_73 : f32 to vector<16xf32>
        %swap3A_75 = arith.index_cast %scan3A_59 : i32 to index
        %swap3A_76 = arith.constant 32 : index
        %swap3A_77 = tpu.vector_load %arg10[%swap3A_75, %swap3A_76] {strides = array<i32>} : memref<128x128xf32, #tpu.memory_space<vmem>>, vector<1x16xf32>,
        %swap3A_78 = vector.shape_cast %swap3A_77 : vector<1x16xf32> to vector<16xf32>
        %swap3A_79 = vector.shape_cast %broadcast_in_dim3A_74 : vector<16xf32> to vector<1x16xf32>
        tpu.vector_store %arg10[%swap3A_75, %swap3A_76], %swap3A_79 {strides = array<i32>} : memref<128x128xf32, #tpu.memory_space<vmem>>, vector<1x16xf32>,
        %broadcast_in_dim3A_80 = arith.constant 0.000000e+00 : f32
        %broadcast_in_dim3A_81 = vector.broadcast %broadcast_in_dim3A_80 : f32 to vector<16xf32>
        %swap3A_82 = arith.index_cast %scan3A_59 : i32 to index
        %swap3A_83 = arith.constant 48 : index
        %swap3A_84 = tpu.vector_load %arg10[%swap3A_82, %swap3A_83] {strides = array<i32>} : memref<128x128xf32, #tpu.memory_space<vmem>>, vector<1x16xf32>,
        %swap3A_85 = vector.shape_cast %swap3A_84 : vector<1x16xf32> to vector<16xf32>
        %swap3A_86 = vector.shape_cast %broadcast_in_dim3A_81 : vector<16xf32> to vector<1x16xf32>
        tpu.vector_store %arg10[%swap3A_82, %swap3A_83], %swap3A_86 {strides = array<i32>} : memref<128x128xf32, #tpu.memory_space<vmem>>, vector<1x16xf32>,
        %broadcast_in_dim3A_87 = arith.constant 0.000000e+00 : f32
        %broadcast_in_dim3A_88 = vector.broadcast %broadcast_in_dim3A_87 : f32 to vector<16xf32>
        %swap3A_89 = arith.index_cast %scan3A_59 : i32 to index
        %swap3A_90 = arith.constant 64 : index
        %swap3A_91 = tpu.vector_load %arg10[%swap3A_89, %swap3A_90] {strides = array<i32>} : memref<128x128xf32, #tpu.memory_space<vmem>>, vector<1x16xf32>,
        %swap3A_92 = vector.shape_cast %swap3A_91 : vector<1x16xf32> to vector<16xf32>
        %swap3A_93 = vector.shape_cast %broadcast_in_dim3A_88 : vector<16xf32> to vector<1x16xf32>
        tpu.vector_store %arg10[%swap3A_89, %swap3A_90], %swap3A_93 {strides = array<i32>} : memref<128x128xf32, #tpu.memory_space<vmem>>, vector<1x16xf32>,
        %broadcast_in_dim3A_94 = arith.constant 0.000000e+00 : f32
        %broadcast_in_dim3A_95 = vector.broadcast %broadcast_in_dim3A_94 : f32 to vector<16xf32>
        %swap3A_96 = arith.index_cast %scan3A_59 : i32 to index
        %swap3A_97 = arith.constant 80 : index
        %swap3A_98 = tpu.vector_load %arg10[%swap3A_96, %swap3A_97] {strides = array<i32>} : memref<128x128xf32, #tpu.memory_space<vmem>>, vector<1x16xf32>,
        %swap3A_99 = vector.shape_cast %swap3A_98 : vector<1x16xf32> to vector<16xf32>
        %swap3A_100 = vector.shape_cast %broadcast_in_dim3A_95 : vector<16xf32> to vector<1x16xf32>
        tpu.vector_store %arg10[%swap3A_96, %swap3A_97], %swap3A_100 {strides = array<i32>} : memref<128x128xf32, #tpu.memory_space<vmem>>, vector<1x16xf32>,
        %broadcast_in_dim3A_101 = arith.constant 0.000000e+00 : f32
        %broadcast_in_dim3A_102 = vector.broadcast %broadcast_in_dim3A_101 : f32 to vector<16xf32>
        %swap3A_103 = arith.index_cast %scan3A_59 : i32 to index
        %swap3A_104 = arith.constant 96 : index
        %swap3A_105 = tpu.vector_load %arg10[%swap3A_103, %swap3A_104] {strides = array<i32>} : memref<128x128xf32, #tpu.memory_space<vmem>>, vector<1x16xf32>,
        %swap3A_106 = vector.shape_cast %swap3A_105 : vector<1x16xf32> to vector<16xf32>
        %swap3A_107 = vector.shape_cast %broadcast_in_dim3A_102 : vector<16xf32> to vector<1x16xf32>
        tpu.vector_store %arg10[%swap3A_103, %swap3A_104], %swap3A_107 {strides = array<i32>} : memref<128x128xf32, #tpu.memory_space<vmem>>, vector<1x16xf32>,
        %broadcast_in_dim3A_108 = arith.constant 0.000000e+00 : f32
        %broadcast_in_dim3A_109 = vector.broadcast %broadcast_in_dim3A_108 : f32 to vector<16xf32>
        %swap3A_110 = arith.index_cast %scan3A_59 : i32 to index
        %swap3A_111 = arith.constant 112 : index
        %swap3A_112 = tpu.vector_load %arg10[%swap3A_110, %swap3A_111] {strides = array<i32>} : memref<128x128xf32, #tpu.memory_space<vmem>>, vector<1x16xf32>,
        %swap3A_113 = vector.shape_cast %swap3A_112 : vector<1x16xf32> to vector<16xf32>
        %swap3A_114 = vector.shape_cast %broadcast_in_dim3A_109 : vector<16xf32> to vector<1x16xf32>
        tpu.vector_store %arg10[%swap3A_110, %swap3A_111], %swap3A_114 {strides = array<i32>} : memref<128x128xf32, #tpu.memory_space<vmem>>, vector<1x16xf32>,
        %scan3A_115 = arith.constant 0 : i32
        scf.yield %scan3A_115 : i32
      }
      %scan3A_12 = arith.constant 128 : i32
      %mul3A = arith.constant 640 : i32
      %mul3A_13 = arith.muli %arg1, %mul3A : i32
      %add3A = arith.constant 0 : i32
      %add3A_14 = arith.addi %mul3A_13, %add3A : i32
      "tpu.region"() ({
        %run_scoped3A = tpu.sem_alloc : memref<!tpu.dma_semaphore, #tpu.memory_space<semaphore_mem>>
        %dma_start3A = arith.constant 0 : i32
        %dma_start3A_59 = tpu.memref_slice %arg12[%add3A_14, %dma_start3A] : memref<10240x128xf32, #tpu.memory_space<vmem_shared>> -> memref<128x128xf32, #tpu.memory_space<vmem_shared>>
        %dma_start3A_60 = arith.constant 0 : i32
        %dma_start3A_61 = tpu.memref_slice %arg12[%add3A_14, %dma_start3A_60] : memref<10240x128xf32, #tpu.memory_space<vmem_shared>> -> memref<128x128xf32, #tpu.memory_space<vmem_shared>>
        tpu.enqueue_dma source(%arg10 : memref<128x128xf32, #tpu.memory_space<vmem>>) target(%dma_start3A_61 : memref<128x128xf32, #tpu.memory_space<vmem_shared>>) target_semaphore(%run_scoped3A : memref<!tpu.dma_semaphore, #tpu.memory_space<semaphore_mem>>)
        %dma_wait3A = arith.constant 0 : i32
        %dma_wait3A_62 = tpu.memref_slice %arg12[%add3A_14, %dma_wait3A] : memref<10240x128xf32, #tpu.memory_space<vmem_shared>> -> memref<128x128xf32, #tpu.memory_space<vmem_shared>>
        %dma_wait3A_63 = arith.constant 0 : i32
        %dma_wait3A_64 = tpu.memref_slice %arg12[%add3A_14, %dma_wait3A_63] : memref<10240x128xf32, #tpu.memory_space<vmem_shared>> -> memref<128x128xf32, #tpu.memory_space<vmem_shared>>
        tpu.wait_dma2 semaphore(%run_scoped3A : memref<!tpu.dma_semaphore, #tpu.memory_space<semaphore_mem>>) src(%arg10 : memref<128x128xf32, #tpu.memory_space<vmem>>) dst(%dma_wait3A_64 : memref<128x128xf32, #tpu.memory_space<vmem_shared>>)
        tpu.yield
      }) : () -> ()
      %mul3A_15 = arith.constant 640 : i32
      %mul3A_16 = arith.muli %arg1, %mul3A_15 : i32
      %add3A_17 = arith.constant 128 : i32
      %add3A_18 = arith.addi %mul3A_16, %add3A_17 : i32
      "tpu.region"() ({
        %run_scoped3A = tpu.sem_alloc : memref<!tpu.dma_semaphore, #tpu.memory_space<semaphore_mem>>
        %dma_start3A = arith.constant 0 : i32
        %dma_start3A_59 = tpu.memref_slice %arg12[%add3A_18, %dma_start3A] : memref<10240x128xf32, #tpu.memory_space<vmem_shared>> -> memref<128x128xf32, #tpu.memory_space<vmem_shared>>
        %dma_start3A_60 = arith.constant 0 : i32
        %dma_start3A_61 = tpu.memref_slice %arg12[%add3A_18, %dma_start3A_60] : memref<10240x128xf32, #tpu.memory_space<vmem_shared>> -> memref<128x128xf32, #tpu.memory_space<vmem_shared>>
        tpu.enqueue_dma source(%arg10 : memref<128x128xf32, #tpu.memory_space<vmem>>) target(%dma_start3A_61 : memref<128x128xf32, #tpu.memory_space<vmem_shared>>) target_semaphore(%run_scoped3A : memref<!tpu.dma_semaphore, #tpu.memory_space<semaphore_mem>>)
        %dma_wait3A = arith.constant 0 : i32
        %dma_wait3A_62 = tpu.memref_slice %arg12[%add3A_18, %dma_wait3A] : memref<10240x128xf32, #tpu.memory_space<vmem_shared>> -> memref<128x128xf32, #tpu.memory_space<vmem_shared>>
        %dma_wait3A_63 = arith.constant 0 : i32
        %dma_wait3A_64 = tpu.memref_slice %arg12[%add3A_18, %dma_wait3A_63] : memref<10240x128xf32, #tpu.memory_space<vmem_shared>> -> memref<128x128xf32, #tpu.memory_space<vmem_shared>>
        tpu.wait_dma2 semaphore(%run_scoped3A : memref<!tpu.dma_semaphore, #tpu.memory_space<semaphore_mem>>) src(%arg10 : memref<128x128xf32, #tpu.memory_space<vmem>>) dst(%dma_wait3A_64 : memref<128x128xf32, #tpu.memory_space<vmem_shared>>)
        tpu.yield
      }) : () -> ()
      %mul3A_19 = arith.constant 640 : i32
      %mul3A_20 = arith.muli %arg1, %mul3A_19 : i32
      %add3A_21 = arith.constant 256 : i32
      %add3A_22 = arith.addi %mul3A_20, %add3A_21 : i32
      "tpu.region"() ({
        %run_scoped3A = tpu.sem_alloc : memref<!tpu.dma_semaphore, #tpu.memory_space<semaphore_mem>>
        %dma_start3A = arith.constant 0 : i32
        %dma_start3A_59 = tpu.memref_slice %arg12[%add3A_22, %dma_start3A] : memref<10240x128xf32, #tpu.memory_space<vmem_shared>> -> memref<128x128xf32, #tpu.memory_space<vmem_shared>>
        %dma_start3A_60 = arith.constant 0 : i32
        %dma_start3A_61 = tpu.memref_slice %arg12[%add3A_22, %dma_start3A_60] : memref<10240x128xf32, #tpu.memory_space<vmem_shared>> -> memref<128x128xf32, #tpu.memory_space<vmem_shared>>
        tpu.enqueue_dma source(%arg10 : memref<128x128xf32, #tpu.memory_space<vmem>>) target(%dma_start3A_61 : memref<128x128xf32, #tpu.memory_space<vmem_shared>>) target_semaphore(%run_scoped3A : memref<!tpu.dma_semaphore, #tpu.memory_space<semaphore_mem>>)
        %dma_wait3A = arith.constant 0 : i32
        %dma_wait3A_62 = tpu.memref_slice %arg12[%add3A_22, %dma_wait3A] : memref<10240x128xf32, #tpu.memory_space<vmem_shared>> -> memref<128x128xf32, #tpu.memory_space<vmem_shared>>
        %dma_wait3A_63 = arith.constant 0 : i32
        %dma_wait3A_64 = tpu.memref_slice %arg12[%add3A_22, %dma_wait3A_63] : memref<10240x128xf32, #tpu.memory_space<vmem_shared>> -> memref<128x128xf32, #tpu.memory_space<vmem_shared>>
        tpu.wait_dma2 semaphore(%run_scoped3A : memref<!tpu.dma_semaphore, #tpu.memory_space<semaphore_mem>>) src(%arg10 : memref<128x128xf32, #tpu.memory_space<vmem>>) dst(%dma_wait3A_64 : memref<128x128xf32, #tpu.memory_space<vmem_shared>>)
        tpu.yield
      }) : () -> ()
      %mul3A_23 = arith.constant 640 : i32
      %mul3A_24 = arith.muli %arg1, %mul3A_23 : i32
      %add3A_25 = arith.constant 384 : i32
      %add3A_26 = arith.addi %mul3A_24, %add3A_25 : i32
      "tpu.region"() ({
        %run_scoped3A = tpu.sem_alloc : memref<!tpu.dma_semaphore, #tpu.memory_space<semaphore_mem>>
        %dma_start3A = arith.constant 0 : i32
        %dma_start3A_59 = tpu.memref_slice %arg12[%add3A_26, %dma_start3A] : memref<10240x128xf32, #tpu.memory_space<vmem_shared>> -> memref<128x128xf32, #tpu.memory_space<vmem_shared>>
        %dma_start3A_60 = arith.constant 0 : i32
        %dma_start3A_61 = tpu.memref_slice %arg12[%add3A_26, %dma_start3A_60] : memref<10240x128xf32, #tpu.memory_space<vmem_shared>> -> memref<128x128xf32, #tpu.memory_space<vmem_shared>>
        tpu.enqueue_dma source(%arg10 : memref<128x128xf32, #tpu.memory_space<vmem>>) target(%dma_start3A_61 : memref<128x128xf32, #tpu.memory_space<vmem_shared>>) target_semaphore(%run_scoped3A : memref<!tpu.dma_semaphore, #tpu.memory_space<semaphore_mem>>)
        %dma_wait3A = arith.constant 0 : i32
        %dma_wait3A_62 = tpu.memref_slice %arg12[%add3A_26, %dma_wait3A] : memref<10240x128xf32, #tpu.memory_space<vmem_shared>> -> memref<128x128xf32, #tpu.memory_space<vmem_shared>>
        %dma_wait3A_63 = arith.constant 0 : i32
        %dma_wait3A_64 = tpu.memref_slice %arg12[%add3A_26, %dma_wait3A_63] : memref<10240x128xf32, #tpu.memory_space<vmem_shared>> -> memref<128x128xf32, #tpu.memory_space<vmem_shared>>
        tpu.wait_dma2 semaphore(%run_scoped3A : memref<!tpu.dma_semaphore, #tpu.memory_space<semaphore_mem>>) src(%arg10 : memref<128x128xf32, #tpu.memory_space<vmem>>) dst(%dma_wait3A_64 : memref<128x128xf32, #tpu.memory_space<vmem_shared>>)
        tpu.yield
      }) : () -> ()
      %mul3A_27 = arith.constant 640 : i32
      %mul3A_28 = arith.muli %arg1, %mul3A_27 : i32
      %add3A_29 = arith.constant 512 : i32
      %add3A_30 = arith.addi %mul3A_28, %add3A_29 : i32
      "tpu.region"() ({
        %run_scoped3A = tpu.sem_alloc : memref<!tpu.dma_semaphore, #tpu.memory_space<semaphore_mem>>
        %dma_start3A = arith.constant 0 : i32
        %dma_start3A_59 = tpu.memref_slice %arg12[%add3A_30, %dma_start3A] : memref<10240x128xf32, #tpu.memory_space<vmem_shared>> -> memref<128x128xf32, #tpu.memory_space<vmem_shared>>
        %dma_start3A_60 = arith.constant 0 : i32
        %dma_start3A_61 = tpu.memref_slice %arg12[%add3A_30, %dma_start3A_60] : memref<10240x128xf32, #tpu.memory_space<vmem_shared>> -> memref<128x128xf32, #tpu.memory_space<vmem_shared>>
        tpu.enqueue_dma source(%arg10 : memref<128x128xf32, #tpu.memory_space<vmem>>) target(%dma_start3A_61 : memref<128x128xf32, #tpu.memory_space<vmem_shared>>) target_semaphore(%run_scoped3A : memref<!tpu.dma_semaphore, #tpu.memory_space<semaphore_mem>>)
        %dma_wait3A = arith.constant 0 : i32
        %dma_wait3A_62 = tpu.memref_slice %arg12[%add3A_30, %dma_wait3A] : memref<10240x128xf32, #tpu.memory_space<vmem_shared>> -> memref<128x128xf32, #tpu.memory_space<vmem_shared>>
        %dma_wait3A_63 = arith.constant 0 : i32
        %dma_wait3A_64 = tpu.memref_slice %arg12[%add3A_30, %dma_wait3A_63] : memref<10240x128xf32, #tpu.memory_space<vmem_shared>> -> memref<128x128xf32, #tpu.memory_space<vmem_shared>>
        tpu.wait_dma2 semaphore(%run_scoped3A : memref<!tpu.dma_semaphore, #tpu.memory_space<semaphore_mem>>) src(%arg10 : memref<128x128xf32, #tpu.memory_space<vmem>>) dst(%dma_wait3A_64 : memref<128x128xf32, #tpu.memory_space<vmem_shared>>)
        tpu.yield
      }) : () -> ()
      %barrier3A = arith.constant 0 : index
      tpu.barrier barrier_id(%barrier3A)
      %scan3A_31 = arith.constant 0 : i32
      %scan3A_32 = arith.constant 0 : i32
      %scan3A_33 = arith.constant 5 : i32
      %scan3A_34 = arith.addi %scan3A_32, %scan3A_33 : i32
      %scan3A_35 = arith.constant 1 : i32
      %scan3A_36 = scf.for %scan3A_59 = %scan3A_32 to %scan3A_34 step %scan3A_35 iter_args(%scan3A_60 = %scan3A_31) -> (i32)  : i32 {
        %mul3A_61 = arith.constant 160 : i32
        %mul3A_62 = arith.muli %arg1, %mul3A_61 : i32
        %mul3A_63 = arith.constant 32 : i32
        %mul3A_64 = arith.muli %scan3A_59, %mul3A_63 : i32
        %add3A_65 = arith.addi %mul3A_62, %mul3A_64 : i32
        "tpu.region"() ({
          %run_scoped3A = tpu.sem_alloc : memref<!tpu.dma_semaphore, #tpu.memory_space<semaphore_mem>>
          %dma_start3A_80 = arith.constant 0 : i32
          %dma_start3A_81 = tpu.memref_slice %arg2[%add3A_65, %dma_start3A_80] : memref<2560x128xi32, #tpu.memory_space<hbm>> -> memref<32x128xi32, #tpu.memory_space<hbm>>
          %dma_start3A_82 = arith.constant 0 : i32
          %dma_start3A_83 = tpu.memref_slice %arg2[%add3A_65, %dma_start3A_82] : memref<2560x128xi32, #tpu.memory_space<hbm>> -> memref<32x128xi32, #tpu.memory_space<hbm>>
          tpu.enqueue_dma source(%dma_start3A_83 : memref<32x128xi32, #tpu.memory_space<hbm>>) target(%arg8 : memref<32x128xi32, #tpu.memory_space<vmem>>) target_semaphore(%run_scoped3A : memref<!tpu.dma_semaphore, #tpu.memory_space<semaphore_mem>>)
          %dma_wait3A = arith.constant 0 : i32
          %dma_wait3A_84 = tpu.memref_slice %arg2[%add3A_65, %dma_wait3A] : memref<2560x128xi32, #tpu.memory_space<hbm>> -> memref<32x128xi32, #tpu.memory_space<hbm>>
          %dma_wait3A_85 = arith.constant 0 : i32
          %dma_wait3A_86 = tpu.memref_slice %arg2[%add3A_65, %dma_wait3A_85] : memref<2560x128xi32, #tpu.memory_space<hbm>> -> memref<32x128xi32, #tpu.memory_space<hbm>>
          tpu.wait_dma2 semaphore(%run_scoped3A : memref<!tpu.dma_semaphore, #tpu.memory_space<semaphore_mem>>) src(%dma_wait3A_86 : memref<32x128xi32, #tpu.memory_space<hbm>>) dst(%arg8 : memref<32x128xi32, #tpu.memory_space<vmem>>)
          tpu.yield
        }) : () -> ()
        "tpu.region"() ({
          %run_scoped3A = tpu.sem_alloc : memref<!tpu.dma_semaphore, #tpu.memory_space<semaphore_mem>>
          %dma_start3A_80 = arith.constant 0 : i32
          %dma_start3A_81 = tpu.memref_slice %arg3[%add3A_65, %dma_start3A_80] : memref<2560x128xi32, #tpu.memory_space<hbm>> -> memref<32x128xi32, #tpu.memory_space<hbm>>
          %dma_start3A_82 = arith.constant 0 : i32
          %dma_start3A_83 = tpu.memref_slice %arg3[%add3A_65, %dma_start3A_82] : memref<2560x128xi32, #tpu.memory_space<hbm>> -> memref<32x128xi32, #tpu.memory_space<hbm>>
          tpu.enqueue_dma source(%dma_start3A_83 : memref<32x128xi32, #tpu.memory_space<hbm>>) target(%arg9 : memref<32x128xi32, #tpu.memory_space<vmem>>) target_semaphore(%run_scoped3A : memref<!tpu.dma_semaphore, #tpu.memory_space<semaphore_mem>>)
          %dma_wait3A = arith.constant 0 : i32
          %dma_wait3A_84 = tpu.memref_slice %arg3[%add3A_65, %dma_wait3A] : memref<2560x128xi32, #tpu.memory_space<hbm>> -> memref<32x128xi32, #tpu.memory_space<hbm>>
          %dma_wait3A_85 = arith.constant 0 : i32
          %dma_wait3A_86 = tpu.memref_slice %arg3[%add3A_65, %dma_wait3A_85] : memref<2560x128xi32, #tpu.memory_space<hbm>> -> memref<32x128xi32, #tpu.memory_space<hbm>>
          tpu.wait_dma2 semaphore(%run_scoped3A : memref<!tpu.dma_semaphore, #tpu.memory_space<semaphore_mem>>) src(%dma_wait3A_86 : memref<32x128xi32, #tpu.memory_space<hbm>>) dst(%arg9 : memref<32x128xi32, #tpu.memory_space<vmem>>)
          tpu.yield
        }) : () -> ()
        %dma_start3A = arith.constant 0 : i32
        %dma_start3A_66 = arith.constant 0 : i32
        %dma_start3A_67 = tpu.memref_slice %arg8[%dma_start3A, %dma_start3A_66] : memref<32x128xi32, #tpu.memory_space<vmem>> -> memref<1x128xi32, #tpu.memory_space<vmem>>
        %dma_start3A_68 = tpu.memref_squeeze %dma_start3A_67 : memref<1x128xi32, #tpu.memory_space<vmem>> -> memref<128xi32, #tpu.memory_space<vmem>>
        %dma_start3A_69 = arith.constant 0 : i32
        %dma_start3A_70 = arith.constant 0 : i32
        %dma_start3A_71 = tpu.memref_slice %arg4[%dma_start3A_69, %dma_start3A_70] : memref<10240x128xf32, #tpu.memory_space<hbm>> -> memref<10240x128xf32, #tpu.memory_space<hbm>>
        tpu.enqueue_indirect_dma source(%dma_start3A_71 : memref<10240x128xf32, #tpu.memory_space<hbm>>) target(%arg10 : memref<128x128xf32, #tpu.memory_space<vmem>>) offsets(%dma_start3A_68 : memref<128xi32, #tpu.memory_space<vmem>>) semaphore(%arg13 : memref<!tpu.dma_semaphore, #tpu.memory_space<semaphore_mem>>)
        %scan3A_72 = arith.constant 0 : i32
        %scan3A_73 = arith.constant 0 : i32
        %scan3A_74 = arith.constant 16 : i32
        %scan3A_75 = arith.addi %scan3A_73, %scan3A_74 : i32
        %scan3A_76 = arith.constant 1 : i32
        %scan3A_77 = scf.for %scan3A_80 = %scan3A_73 to %scan3A_75 step %scan3A_76 iter_args(%scan3A_81 = %scan3A_72) -> (i32)  : i32 {
          %mul3A_82 = arith.constant 2 : i32
          %mul3A_83 = arith.muli %scan3A_80, %mul3A_82 : i32
          %dma_wait3A = arith.constant 0 : i32
          %dma_wait3A_84 = tpu.memref_slice %arg8[%mul3A_83, %dma_wait3A] : memref<32x128xi32, #tpu.memory_space<vmem>> -> memref<1x128xi32, #tpu.memory_space<vmem>>
          %dma_wait3A_85 = tpu.memref_squeeze %dma_wait3A_84 : memref<1x128xi32, #tpu.memory_space<vmem>> -> memref<128xi32, #tpu.memory_space<vmem>>
          %dma_wait3A_86 = arith.constant 0 : i32
          %dma_wait3A_87 = arith.constant 0 : i32
          %dma_wait3A_88 = tpu.memref_slice %arg4[%dma_wait3A_86, %dma_wait3A_87] : memref<10240x128xf32, #tpu.memory_space<hbm>> -> memref<10240x128xf32, #tpu.memory_space<hbm>>
          tpu.wait_indirect_dma semaphore(%arg13 : memref<!tpu.dma_semaphore, #tpu.memory_space<semaphore_mem>>) src(%dma_wait3A_88 : memref<10240x128xf32, #tpu.memory_space<hbm>>) dst(%arg10 : memref<128x128xf32, #tpu.memory_space<vmem>>)
          %add3A_89 = arith.constant 1 : i32
          %add3A_90 = arith.addi %mul3A_83, %add3A_89 : i32
          %dma_start3A_91 = arith.constant 0 : i32
          %dma_start3A_92 = tpu.memref_slice %arg8[%add3A_90, %dma_start3A_91] : memref<32x128xi32, #tpu.memory_space<vmem>> -> memref<1x128xi32, #tpu.memory_space<vmem>>
          %dma_start3A_93 = tpu.memref_squeeze %dma_start3A_92 : memref<1x128xi32, #tpu.memory_space<vmem>> -> memref<128xi32, #tpu.memory_space<vmem>>
          %dma_start3A_94 = arith.constant 0 : i32
          %dma_start3A_95 = arith.constant 0 : i32
          %dma_start3A_96 = tpu.memref_slice %arg4[%dma_start3A_94, %dma_start3A_95] : memref<10240x128xf32, #tpu.memory_space<hbm>> -> memref<10240x128xf32, #tpu.memory_space<hbm>>
          tpu.enqueue_indirect_dma source(%dma_start3A_96 : memref<10240x128xf32, #tpu.memory_space<hbm>>) target(%arg11 : memref<128x128xf32, #tpu.memory_space<vmem>>) offsets(%dma_start3A_93 : memref<128xi32, #tpu.memory_space<vmem>>) semaphore(%arg14 : memref<!tpu.dma_semaphore, #tpu.memory_space<semaphore_mem>>)
          "tpu.region"() ({
            %run_scoped3A = tpu.sem_alloc : memref<!tpu.dma_semaphore, #tpu.memory_space<semaphore_mem>>
            %dma_start3A_114 = arith.constant 0 : i32
            %dma_start3A_115 = tpu.memref_slice %arg9[%mul3A_83, %dma_start3A_114] : memref<32x128xi32, #tpu.memory_space<vmem>> -> memref<1x128xi32, #tpu.memory_space<vmem>>
            %dma_start3A_116 = tpu.memref_squeeze %dma_start3A_115 : memref<1x128xi32, #tpu.memory_space<vmem>> -> memref<128xi32, #tpu.memory_space<vmem>>
            %dma_start3A_117 = arith.constant 0 : i32
            %dma_start3A_118 = arith.constant 0 : i32
            %dma_start3A_119 = tpu.memref_slice %arg12[%dma_start3A_117, %dma_start3A_118] : memref<10240x128xf32, #tpu.memory_space<vmem_shared>> -> memref<10240x128xf32, #tpu.memory_space<vmem_shared>>
            tpu.enqueue_indirect_dma source(%arg10 : memref<128x128xf32, #tpu.memory_space<vmem>>) target(%dma_start3A_119 : memref<10240x128xf32, #tpu.memory_space<vmem_shared>>) offsets(%dma_start3A_116 : memref<128xi32, #tpu.memory_space<vmem>>) semaphore(%run_scoped3A : memref<!tpu.dma_semaphore, #tpu.memory_space<semaphore_mem>>) {add = true}
            %dma_wait3A_120 = arith.constant 0 : i32
            %dma_wait3A_121 = tpu.memref_slice %arg9[%mul3A_83, %dma_wait3A_120] : memref<32x128xi32, #tpu.memory_space<vmem>> -> memref<1x128xi32, #tpu.memory_space<vmem>>
            %dma_wait3A_122 = tpu.memref_squeeze %dma_wait3A_121 : memref<1x128xi32, #tpu.memory_space<vmem>> -> memref<128xi32, #tpu.memory_space<vmem>>
            %dma_wait3A_123 = arith.constant 0 : i32
            %dma_wait3A_124 = arith.constant 0 : i32
            %dma_wait3A_125 = tpu.memref_slice %arg12[%dma_wait3A_123, %dma_wait3A_124] : memref<10240x128xf32, #tpu.memory_space<vmem_shared>> -> memref<10240x128xf32, #tpu.memory_space<vmem_shared>>
            tpu.wait_indirect_dma semaphore(%run_scoped3A : memref<!tpu.dma_semaphore, #tpu.memory_space<semaphore_mem>>) src(%arg10 : memref<128x128xf32, #tpu.memory_space<vmem>>) dst(%dma_wait3A_125 : memref<10240x128xf32, #tpu.memory_space<vmem_shared>>)
            tpu.yield
          }) : () -> ()
          %add3A_97 = arith.constant 1 : i32
          %add3A_98 = arith.addi %mul3A_83, %add3A_97 : i32
          %dma_wait3A_99 = arith.constant 0 : i32
          %dma_wait3A_100 = tpu.memref_slice %arg8[%add3A_98, %dma_wait3A_99] : memref<32x128xi32, #tpu.memory_space<vmem>> -> memref<1x128xi32, #tpu.memory_space<vmem>>
          %dma_wait3A_101 = tpu.memref_squeeze %dma_wait3A_100 : memref<1x128xi32, #tpu.memory_space<vmem>> -> memref<128xi32, #tpu.memory_space<vmem>>
          %dma_wait3A_102 = arith.constant 0 : i32
          %dma_wait3A_103 = arith.constant 0 : i32
          %dma_wait3A_104 = tpu.memref_slice %arg4[%dma_wait3A_102, %dma_wait3A_103] : memref<10240x128xf32, #tpu.memory_space<hbm>> -> memref<10240x128xf32, #tpu.memory_space<hbm>>
          tpu.wait_indirect_dma semaphore(%arg14 : memref<!tpu.dma_semaphore, #tpu.memory_space<semaphore_mem>>) src(%dma_wait3A_104 : memref<10240x128xf32, #tpu.memory_space<hbm>>) dst(%arg11 : memref<128x128xf32, #tpu.memory_space<vmem>>)
          %add3A_105 = arith.constant 1 : i32
          %add3A_106 = arith.addi %scan3A_80, %add3A_105 : i32
          %lt3A = arith.constant 16 : i32
          %lt3A_107 = arith.cmpi slt, %add3A_106, %lt3A : i32
          %convert_element_type3A_108 = arith.extui %lt3A_107 : i1 to i32
          %cond3A_109 = arith.constant 0 : i32
          %cond3A_110 = arith.cmpi ne, %convert_element_type3A_108, %cond3A_109 : i32
          scf.if %cond3A_110 {
            %add3A_114 = arith.constant 2 : i32
            %add3A_115 = arith.addi %mul3A_83, %add3A_114 : i32
            %dma_start3A_116 = arith.constant 0 : i32
            %dma_start3A_117 = tpu.memref_slice %arg8[%add3A_115, %dma_start3A_116] : memref<32x128xi32, #tpu.memory_space<vmem>> -> memref<1x128xi32, #tpu.memory_space<vmem>>
            %dma_start3A_118 = tpu.memref_squeeze %dma_start3A_117 : memref<1x128xi32, #tpu.memory_space<vmem>> -> memref<128xi32, #tpu.memory_space<vmem>>
            %dma_start3A_119 = arith.constant 0 : i32
            %dma_start3A_120 = arith.constant 0 : i32
            %dma_start3A_121 = tpu.memref_slice %arg4[%dma_start3A_119, %dma_start3A_120] : memref<10240x128xf32, #tpu.memory_space<hbm>> -> memref<10240x128xf32, #tpu.memory_space<hbm>>
            tpu.enqueue_indirect_dma source(%dma_start3A_121 : memref<10240x128xf32, #tpu.memory_space<hbm>>) target(%arg10 : memref<128x128xf32, #tpu.memory_space<vmem>>) offsets(%dma_start3A_118 : memref<128xi32, #tpu.memory_space<vmem>>) semaphore(%arg13 : memref<!tpu.dma_semaphore, #tpu.memory_space<semaphore_mem>>)
          } else {
          }
          %add3A_111 = arith.constant 1 : i32
          %add3A_112 = arith.addi %mul3A_83, %add3A_111 : i32
          "tpu.region"() ({
            %run_scoped3A = tpu.sem_alloc : memref<!tpu.dma_semaphore, #tpu.memory_space<semaphore_mem>>
            %dma_start3A_114 = arith.constant 0 : i32
            %dma_start3A_115 = tpu.memref_slice %arg9[%add3A_112, %dma_start3A_114] : memref<32x128xi32, #tpu.memory_space<vmem>> -> memref<1x128xi32, #tpu.memory_space<vmem>>
            %dma_start3A_116 = tpu.memref_squeeze %dma_start3A_115 : memref<1x128xi32, #tpu.memory_space<vmem>> -> memref<128xi32, #tpu.memory_space<vmem>>
            %dma_start3A_117 = arith.constant 0 : i32
            %dma_start3A_118 = arith.constant 0 : i32
            %dma_start3A_119 = tpu.memref_slice %arg12[%dma_start3A_117, %dma_start3A_118] : memref<10240x128xf32, #tpu.memory_space<vmem_shared>> -> memref<10240x128xf32, #tpu.memory_space<vmem_shared>>
            tpu.enqueue_indirect_dma source(%arg11 : memref<128x128xf32, #tpu.memory_space<vmem>>) target(%dma_start3A_119 : memref<10240x128xf32, #tpu.memory_space<vmem_shared>>) offsets(%dma_start3A_116 : memref<128xi32, #tpu.memory_space<vmem>>) semaphore(%run_scoped3A : memref<!tpu.dma_semaphore, #tpu.memory_space<semaphore_mem>>) {add = true}
            %dma_wait3A_120 = arith.constant 0 : i32
            %dma_wait3A_121 = tpu.memref_slice %arg9[%add3A_112, %dma_wait3A_120] : memref<32x128xi32, #tpu.memory_space<vmem>> -> memref<1x128xi32, #tpu.memory_space<vmem>>
            %dma_wait3A_122 = tpu.memref_squeeze %dma_wait3A_121 : memref<1x128xi32, #tpu.memory_space<vmem>> -> memref<128xi32, #tpu.memory_space<vmem>>
            %dma_wait3A_123 = arith.constant 0 : i32
            %dma_wait3A_124 = arith.constant 0 : i32
            %dma_wait3A_125 = tpu.memref_slice %arg12[%dma_wait3A_123, %dma_wait3A_124] : memref<10240x128xf32, #tpu.memory_space<vmem_shared>> -> memref<10240x128xf32, #tpu.memory_space<vmem_shared>>
            tpu.wait_indirect_dma semaphore(%run_scoped3A : memref<!tpu.dma_semaphore, #tpu.memory_space<semaphore_mem>>) src(%arg11 : memref<128x128xf32, #tpu.memory_space<vmem>>) dst(%dma_wait3A_125 : memref<10240x128xf32, #tpu.memory_space<vmem_shared>>)
            tpu.yield
          }) : () -> ()
          %scan3A_113 = arith.constant 0 : i32
          scf.yield %scan3A_113 : i32
        }
        %scan3A_78 = arith.constant 16 : i32
        %scan3A_79 = arith.constant 0 : i32
        scf.yield %scan3A_79 : i32
      }
      %scan3A_37 = arith.constant 5 : i32
      %barrier3A_38 = arith.constant 0 : index
      tpu.barrier barrier_id(%barrier3A_38)
      %mul3A_39 = arith.constant 640 : i32
      %mul3A_40 = arith.muli %arg1, %mul3A_39 : i32
      %add3A_41 = arith.constant 0 : i32
      %add3A_42 = arith.addi %mul3A_40, %add3A_41 : i32
      "tpu.region"() ({
        %run_scoped3A = tpu.sem_alloc : memref<!tpu.dma_semaphore, #tpu.memory_space<semaphore_mem>>
        %dma_start3A = arith.constant 0 : i32
        %dma_start3A_59 = tpu.memref_slice %arg6[%add3A_42, %dma_start3A] : memref<10240x128xf32, #tpu.memory_space<hbm>> -> memref<128x128xf32, #tpu.memory_space<hbm>>
        %dma_start3A_60 = arith.constant 0 : i32
        %dma_start3A_61 = tpu.memref_slice %arg12[%add3A_42, %dma_start3A_60] : memref<10240x128xf32, #tpu.memory_space<vmem_shared>> -> memref<128x128xf32, #tpu.memory_space<vmem_shared>>
        tpu.enqueue_dma source(%dma_start3A_61 : memref<128x128xf32, #tpu.memory_space<vmem_shared>>) target(%dma_start3A_59 : memref<128x128xf32, #tpu.memory_space<hbm>>) target_semaphore(%run_scoped3A : memref<!tpu.dma_semaphore, #tpu.memory_space<semaphore_mem>>)
        %dma_wait3A = arith.constant 0 : i32
        %dma_wait3A_62 = tpu.memref_slice %arg6[%add3A_42, %dma_wait3A] : memref<10240x128xf32, #tpu.memory_space<hbm>> -> memref<128x128xf32, #tpu.memory_space<hbm>>
        %dma_wait3A_63 = arith.constant 0 : i32
        %dma_wait3A_64 = tpu.memref_slice %arg12[%add3A_42, %dma_wait3A_63] : memref<10240x128xf32, #tpu.memory_space<vmem_shared>> -> memref<128x128xf32, #tpu.memory_space<vmem_shared>>
        tpu.wait_dma2 semaphore(%run_scoped3A : memref<!tpu.dma_semaphore, #tpu.memory_space<semaphore_mem>>) src(%dma_wait3A_64 : memref<128x128xf32, #tpu.memory_space<vmem_shared>>) dst(%dma_wait3A_62 : memref<128x128xf32, #tpu.memory_space<hbm>>)
        tpu.yield
      }) : () -> ()
      %mul3A_43 = arith.constant 640 : i32
      %mul3A_44 = arith.muli %arg1, %mul3A_43 : i32
      %add3A_45 = arith.constant 128 : i32
      %add3A_46 = arith.addi %mul3A_44, %add3A_45 : i32
      "tpu.region"() ({
        %run_scoped3A = tpu.sem_alloc : memref<!tpu.dma_semaphore, #tpu.memory_space<semaphore_mem>>
        %dma_start3A = arith.constant 0 : i32
        %dma_start3A_59 = tpu.memref_slice %arg6[%add3A_46, %dma_start3A] : memref<10240x128xf32, #tpu.memory_space<hbm>> -> memref<128x128xf32, #tpu.memory_space<hbm>>
        %dma_start3A_60 = arith.constant 0 : i32
        %dma_start3A_61 = tpu.memref_slice %arg12[%add3A_46, %dma_start3A_60] : memref<10240x128xf32, #tpu.memory_space<vmem_shared>> -> memref<128x128xf32, #tpu.memory_space<vmem_shared>>
        tpu.enqueue_dma source(%dma_start3A_61 : memref<128x128xf32, #tpu.memory_space<vmem_shared>>) target(%dma_start3A_59 : memref<128x128xf32, #tpu.memory_space<hbm>>) target_semaphore(%run_scoped3A : memref<!tpu.dma_semaphore, #tpu.memory_space<semaphore_mem>>)
        %dma_wait3A = arith.constant 0 : i32
        %dma_wait3A_62 = tpu.memref_slice %arg6[%add3A_46, %dma_wait3A] : memref<10240x128xf32, #tpu.memory_space<hbm>> -> memref<128x128xf32, #tpu.memory_space<hbm>>
        %dma_wait3A_63 = arith.constant 0 : i32
        %dma_wait3A_64 = tpu.memref_slice %arg12[%add3A_46, %dma_wait3A_63] : memref<10240x128xf32, #tpu.memory_space<vmem_shared>> -> memref<128x128xf32, #tpu.memory_space<vmem_shared>>
        tpu.wait_dma2 semaphore(%run_scoped3A : memref<!tpu.dma_semaphore, #tpu.memory_space<semaphore_mem>>) src(%dma_wait3A_64 : memref<128x128xf32, #tpu.memory_space<vmem_shared>>) dst(%dma_wait3A_62 : memref<128x128xf32, #tpu.memory_space<hbm>>)
        tpu.yield
      }) : () -> ()
      %mul3A_47 = arith.constant 640 : i32
      %mul3A_48 = arith.muli %arg1, %mul3A_47 : i32
      %add3A_49 = arith.constant 256 : i32
      %add3A_50 = arith.addi %mul3A_48, %add3A_49 : i32
      "tpu.region"() ({
        %run_scoped3A = tpu.sem_alloc : memref<!tpu.dma_semaphore, #tpu.memory_space<semaphore_mem>>
        %dma_start3A = arith.constant 0 : i32
        %dma_start3A_59 = tpu.memref_slice %arg6[%add3A_50, %dma_start3A] : memref<10240x128xf32, #tpu.memory_space<hbm>> -> memref<128x128xf32, #tpu.memory_space<hbm>>
        %dma_start3A_60 = arith.constant 0 : i32
        %dma_start3A_61 = tpu.memref_slice %arg12[%add3A_50, %dma_start3A_60] : memref<10240x128xf32, #tpu.memory_space<vmem_shared>> -> memref<128x128xf32, #tpu.memory_space<vmem_shared>>
        tpu.enqueue_dma source(%dma_start3A_61 : memref<128x128xf32, #tpu.memory_space<vmem_shared>>) target(%dma_start3A_59 : memref<128x128xf32, #tpu.memory_space<hbm>>) target_semaphore(%run_scoped3A : memref<!tpu.dma_semaphore, #tpu.memory_space<semaphore_mem>>)
        %dma_wait3A = arith.constant 0 : i32
        %dma_wait3A_62 = tpu.memref_slice %arg6[%add3A_50, %dma_wait3A] : memref<10240x128xf32, #tpu.memory_space<hbm>> -> memref<128x128xf32, #tpu.memory_space<hbm>>
        %dma_wait3A_63 = arith.constant 0 : i32
        %dma_wait3A_64 = tpu.memref_slice %arg12[%add3A_50, %dma_wait3A_63] : memref<10240x128xf32, #tpu.memory_space<vmem_shared>> -> memref<128x128xf32, #tpu.memory_space<vmem_shared>>
        tpu.wait_dma2 semaphore(%run_scoped3A : memref<!tpu.dma_semaphore, #tpu.memory_space<semaphore_mem>>) src(%dma_wait3A_64 : memref<128x128xf32, #tpu.memory_space<vmem_shared>>) dst(%dma_wait3A_62 : memref<128x128xf32, #tpu.memory_space<hbm>>)
        tpu.yield
      }) : () -> ()
      %mul3A_51 = arith.constant 640 : i32
      %mul3A_52 = arith.muli %arg1, %mul3A_51 : i32
      %add3A_53 = arith.constant 384 : i32
      %add3A_54 = arith.addi %mul3A_52, %add3A_53 : i32
      "tpu.region"() ({
        %run_scoped3A = tpu.sem_alloc : memref<!tpu.dma_semaphore, #tpu.memory_space<semaphore_mem>>
        %dma_start3A = arith.constant 0 : i32
        %dma_start3A_59 = tpu.memref_slice %arg6[%add3A_54, %dma_start3A] : memref<10240x128xf32, #tpu.memory_space<hbm>> -> memref<128x128xf32, #tpu.memory_space<hbm>>
        %dma_start3A_60 = arith.constant 0 : i32
        %dma_start3A_61 = tpu.memref_slice %arg12[%add3A_54, %dma_start3A_60] : memref<10240x128xf32, #tpu.memory_space<vmem_shared>> -> memref<128x128xf32, #tpu.memory_space<vmem_shared>>
        tpu.enqueue_dma source(%dma_start3A_61 : memref<128x128xf32, #tpu.memory_space<vmem_shared>>) target(%dma_start3A_59 : memref<128x128xf32, #tpu.memory_space<hbm>>) target_semaphore(%run_scoped3A : memref<!tpu.dma_semaphore, #tpu.memory_space<semaphore_mem>>)
        %dma_wait3A = arith.constant 0 : i32
        %dma_wait3A_62 = tpu.memref_slice %arg6[%add3A_54, %dma_wait3A] : memref<10240x128xf32, #tpu.memory_space<hbm>> -> memref<128x128xf32, #tpu.memory_space<hbm>>
        %dma_wait3A_63 = arith.constant 0 : i32
        %dma_wait3A_64 = tpu.memref_slice %arg12[%add3A_54, %dma_wait3A_63] : memref<10240x128xf32, #tpu.memory_space<vmem_shared>> -> memref<128x128xf32, #tpu.memory_space<vmem_shared>>
        tpu.wait_dma2 semaphore(%run_scoped3A : memref<!tpu.dma_semaphore, #tpu.memory_space<semaphore_mem>>) src(%dma_wait3A_64 : memref<128x128xf32, #tpu.memory_space<vmem_shared>>) dst(%dma_wait3A_62 : memref<128x128xf32, #tpu.memory_space<hbm>>)
        tpu.yield
      }) : () -> ()
      %mul3A_55 = arith.constant 640 : i32
      %mul3A_56 = arith.muli %arg1, %mul3A_55 : i32
      %add3A_57 = arith.constant 512 : i32
      %add3A_58 = arith.addi %mul3A_56, %add3A_57 : i32
      "tpu.region"() ({
        %run_scoped3A = tpu.sem_alloc : memref<!tpu.dma_semaphore, #tpu.memory_space<semaphore_mem>>
        %dma_start3A = arith.constant 0 : i32
        %dma_start3A_59 = tpu.memref_slice %arg6[%add3A_58, %dma_start3A] : memref<10240x128xf32, #tpu.memory_space<hbm>> -> memref<128x128xf32, #tpu.memory_space<hbm>>
        %dma_start3A_60 = arith.constant 0 : i32
        %dma_start3A_61 = tpu.memref_slice %arg12[%add3A_58, %dma_start3A_60] : memref<10240x128xf32, #tpu.memory_space<vmem_shared>> -> memref<128x128xf32, #tpu.memory_space<vmem_shared>>
        tpu.enqueue_dma source(%dma_start3A_61 : memref<128x128xf32, #tpu.memory_space<vmem_shared>>) target(%dma_start3A_59 : memref<128x128xf32, #tpu.memory_space<hbm>>) target_semaphore(%run_scoped3A : memref<!tpu.dma_semaphore, #tpu.memory_space<semaphore_mem>>)
        %dma_wait3A = arith.constant 0 : i32
        %dma_wait3A_62 = tpu.memref_slice %arg6[%add3A_58, %dma_wait3A] : memref<10240x128xf32, #tpu.memory_space<hbm>> -> memref<128x128xf32, #tpu.memory_space<hbm>>
        %dma_wait3A_63 = arith.constant 0 : i32
        %dma_wait3A_64 = tpu.memref_slice %arg12[%add3A_58, %dma_wait3A_63] : memref<10240x128xf32, #tpu.memory_space<vmem_shared>> -> memref<128x128xf32, #tpu.memory_space<vmem_shared>>
        tpu.wait_dma2 semaphore(%run_scoped3A : memref<!tpu.dma_semaphore, #tpu.memory_space<semaphore_mem>>) src(%dma_wait3A_64 : memref<128x128xf32, #tpu.memory_space<vmem_shared>>) dst(%dma_wait3A_62 : memref<128x128xf32, #tpu.memory_space<hbm>>)
        tpu.yield
      }) : () -> ()
    } else {
    }
    %eq3A_2 = arith.constant 1 : i32
    %eq3A_3 = arith.cmpi eq, %arg0, %eq3A_2 : i32
    %convert_element_type3A_4 = arith.extui %eq3A_3 : i1 to i32
    %cond3A_5 = arith.constant 0 : i32
    %cond3A_6 = arith.cmpi ne, %convert_element_type3A_4, %cond3A_5 : i32
    scf.if %cond3A_6 {
      %scan3A = arith.constant 0 : i32
      %scan3A_7 = arith.constant 0 : i32
      %scan3A_8 = arith.constant 128 : i32
      %scan3A_9 = arith.addi %scan3A_7, %scan3A_8 : i32
      %scan3A_10 = arith.constant 1 : i32
      %scan3A_11 = scf.for %scan3A_59 = %scan3A_7 to %scan3A_9 step %scan3A_10 iter_args(%scan3A_60 = %scan3A) -> (i32)  : i32 {
        %broadcast_in_dim3A = arith.constant 0.000000e+00 : f32
        %broadcast_in_dim3A_61 = vector.broadcast %broadcast_in_dim3A : f32 to vector<16xf32>
        %swap3A = arith.index_cast %scan3A_59 : i32 to index
        %swap3A_62 = arith.constant 0 : index
        %swap3A_63 = tpu.vector_load %arg10[%swap3A, %swap3A_62] {strides = array<i32>} : memref<128x128xf32, #tpu.memory_space<vmem>>, vector<1x16xf32>,
        %swap3A_64 = vector.shape_cast %swap3A_63 : vector<1x16xf32> to vector<16xf32>
        %swap3A_65 = vector.shape_cast %broadcast_in_dim3A_61 : vector<16xf32> to vector<1x16xf32>
        tpu.vector_store %arg10[%swap3A, %swap3A_62], %swap3A_65 {strides = array<i32>} : memref<128x128xf32, #tpu.memory_space<vmem>>, vector<1x16xf32>,
        %broadcast_in_dim3A_66 = arith.constant 0.000000e+00 : f32
        %broadcast_in_dim3A_67 = vector.broadcast %broadcast_in_dim3A_66 : f32 to vector<16xf32>
        %swap3A_68 = arith.index_cast %scan3A_59 : i32 to index
        %swap3A_69 = arith.constant 16 : index
        %swap3A_70 = tpu.vector_load %arg10[%swap3A_68, %swap3A_69] {strides = array<i32>} : memref<128x128xf32, #tpu.memory_space<vmem>>, vector<1x16xf32>,
        %swap3A_71 = vector.shape_cast %swap3A_70 : vector<1x16xf32> to vector<16xf32>
        %swap3A_72 = vector.shape_cast %broadcast_in_dim3A_67 : vector<16xf32> to vector<1x16xf32>
        tpu.vector_store %arg10[%swap3A_68, %swap3A_69], %swap3A_72 {strides = array<i32>} : memref<128x128xf32, #tpu.memory_space<vmem>>, vector<1x16xf32>,
        %broadcast_in_dim3A_73 = arith.constant 0.000000e+00 : f32
        %broadcast_in_dim3A_74 = vector.broadcast %broadcast_in_dim3A_73 : f32 to vector<16xf32>
        %swap3A_75 = arith.index_cast %scan3A_59 : i32 to index
        %swap3A_76 = arith.constant 32 : index
        %swap3A_77 = tpu.vector_load %arg10[%swap3A_75, %swap3A_76] {strides = array<i32>} : memref<128x128xf32, #tpu.memory_space<vmem>>, vector<1x16xf32>,
        %swap3A_78 = vector.shape_cast %swap3A_77 : vector<1x16xf32> to vector<16xf32>
        %swap3A_79 = vector.shape_cast %broadcast_in_dim3A_74 : vector<16xf32> to vector<1x16xf32>
        tpu.vector_store %arg10[%swap3A_75, %swap3A_76], %swap3A_79 {strides = array<i32>} : memref<128x128xf32, #tpu.memory_space<vmem>>, vector<1x16xf32>,
        %broadcast_in_dim3A_80 = arith.constant 0.000000e+00 : f32
        %broadcast_in_dim3A_81 = vector.broadcast %broadcast_in_dim3A_80 : f32 to vector<16xf32>
        %swap3A_82 = arith.index_cast %scan3A_59 : i32 to index
        %swap3A_83 = arith.constant 48 : index
        %swap3A_84 = tpu.vector_load %arg10[%swap3A_82, %swap3A_83] {strides = array<i32>} : memref<128x128xf32, #tpu.memory_space<vmem>>, vector<1x16xf32>,
        %swap3A_85 = vector.shape_cast %swap3A_84 : vector<1x16xf32> to vector<16xf32>
        %swap3A_86 = vector.shape_cast %broadcast_in_dim3A_81 : vector<16xf32> to vector<1x16xf32>
        tpu.vector_store %arg10[%swap3A_82, %swap3A_83], %swap3A_86 {strides = array<i32>} : memref<128x128xf32, #tpu.memory_space<vmem>>, vector<1x16xf32>,
        %broadcast_in_dim3A_87 = arith.constant 0.000000e+00 : f32
        %broadcast_in_dim3A_88 = vector.broadcast %broadcast_in_dim3A_87 : f32 to vector<16xf32>
        %swap3A_89 = arith.index_cast %scan3A_59 : i32 to index
        %swap3A_90 = arith.constant 64 : index
        %swap3A_91 = tpu.vector_load %arg10[%swap3A_89, %swap3A_90] {strides = array<i32>} : memref<128x128xf32, #tpu.memory_space<vmem>>, vector<1x16xf32>,
        %swap3A_92 = vector.shape_cast %swap3A_91 : vector<1x16xf32> to vector<16xf32>
        %swap3A_93 = vector.shape_cast %broadcast_in_dim3A_88 : vector<16xf32> to vector<1x16xf32>
        tpu.vector_store %arg10[%swap3A_89, %swap3A_90], %swap3A_93 {strides = array<i32>} : memref<128x128xf32, #tpu.memory_space<vmem>>, vector<1x16xf32>,
        %broadcast_in_dim3A_94 = arith.constant 0.000000e+00 : f32
        %broadcast_in_dim3A_95 = vector.broadcast %broadcast_in_dim3A_94 : f32 to vector<16xf32>
        %swap3A_96 = arith.index_cast %scan3A_59 : i32 to index
        %swap3A_97 = arith.constant 80 : index
        %swap3A_98 = tpu.vector_load %arg10[%swap3A_96, %swap3A_97] {strides = array<i32>} : memref<128x128xf32, #tpu.memory_space<vmem>>, vector<1x16xf32>,
        %swap3A_99 = vector.shape_cast %swap3A_98 : vector<1x16xf32> to vector<16xf32>
        %swap3A_100 = vector.shape_cast %broadcast_in_dim3A_95 : vector<16xf32> to vector<1x16xf32>
        tpu.vector_store %arg10[%swap3A_96, %swap3A_97], %swap3A_100 {strides = array<i32>} : memref<128x128xf32, #tpu.memory_space<vmem>>, vector<1x16xf32>,
        %broadcast_in_dim3A_101 = arith.constant 0.000000e+00 : f32
        %broadcast_in_dim3A_102 = vector.broadcast %broadcast_in_dim3A_101 : f32 to vector<16xf32>
        %swap3A_103 = arith.index_cast %scan3A_59 : i32 to index
        %swap3A_104 = arith.constant 96 : index
        %swap3A_105 = tpu.vector_load %arg10[%swap3A_103, %swap3A_104] {strides = array<i32>} : memref<128x128xf32, #tpu.memory_space<vmem>>, vector<1x16xf32>,
        %swap3A_106 = vector.shape_cast %swap3A_105 : vector<1x16xf32> to vector<16xf32>
        %swap3A_107 = vector.shape_cast %broadcast_in_dim3A_102 : vector<16xf32> to vector<1x16xf32>
        tpu.vector_store %arg10[%swap3A_103, %swap3A_104], %swap3A_107 {strides = array<i32>} : memref<128x128xf32, #tpu.memory_space<vmem>>, vector<1x16xf32>,
        %broadcast_in_dim3A_108 = arith.constant 0.000000e+00 : f32
        %broadcast_in_dim3A_109 = vector.broadcast %broadcast_in_dim3A_108 : f32 to vector<16xf32>
        %swap3A_110 = arith.index_cast %scan3A_59 : i32 to index
        %swap3A_111 = arith.constant 112 : index
        %swap3A_112 = tpu.vector_load %arg10[%swap3A_110, %swap3A_111] {strides = array<i32>} : memref<128x128xf32, #tpu.memory_space<vmem>>, vector<1x16xf32>,
        %swap3A_113 = vector.shape_cast %swap3A_112 : vector<1x16xf32> to vector<16xf32>
        %swap3A_114 = vector.shape_cast %broadcast_in_dim3A_109 : vector<16xf32> to vector<1x16xf32>
        tpu.vector_store %arg10[%swap3A_110, %swap3A_111], %swap3A_114 {strides = array<i32>} : memref<128x128xf32, #tpu.memory_space<vmem>>, vector<1x16xf32>,
        %scan3A_115 = arith.constant 0 : i32
        scf.yield %scan3A_115 : i32
      }
      %scan3A_12 = arith.constant 128 : i32
      %mul3A = arith.constant 640 : i32
      %mul3A_13 = arith.muli %arg1, %mul3A : i32
      %add3A = arith.constant 0 : i32
      %add3A_14 = arith.addi %mul3A_13, %add3A : i32
      "tpu.region"() ({
        %run_scoped3A = tpu.sem_alloc : memref<!tpu.dma_semaphore, #tpu.memory_space<semaphore_mem>>
        %dma_start3A = arith.constant 0 : i32
        %dma_start3A_59 = tpu.memref_slice %arg12[%add3A_14, %dma_start3A] : memref<10240x128xf32, #tpu.memory_space<vmem_shared>> -> memref<128x128xf32, #tpu.memory_space<vmem_shared>>
        %dma_start3A_60 = arith.constant 0 : i32
        %dma_start3A_61 = tpu.memref_slice %arg12[%add3A_14, %dma_start3A_60] : memref<10240x128xf32, #tpu.memory_space<vmem_shared>> -> memref<128x128xf32, #tpu.memory_space<vmem_shared>>
        tpu.enqueue_dma source(%arg10 : memref<128x128xf32, #tpu.memory_space<vmem>>) target(%dma_start3A_61 : memref<128x128xf32, #tpu.memory_space<vmem_shared>>) target_semaphore(%run_scoped3A : memref<!tpu.dma_semaphore, #tpu.memory_space<semaphore_mem>>)
        %dma_wait3A = arith.constant 0 : i32
        %dma_wait3A_62 = tpu.memref_slice %arg12[%add3A_14, %dma_wait3A] : memref<10240x128xf32, #tpu.memory_space<vmem_shared>> -> memref<128x128xf32, #tpu.memory_space<vmem_shared>>
        %dma_wait3A_63 = arith.constant 0 : i32
        %dma_wait3A_64 = tpu.memref_slice %arg12[%add3A_14, %dma_wait3A_63] : memref<10240x128xf32, #tpu.memory_space<vmem_shared>> -> memref<128x128xf32, #tpu.memory_space<vmem_shared>>
        tpu.wait_dma2 semaphore(%run_scoped3A : memref<!tpu.dma_semaphore, #tpu.memory_space<semaphore_mem>>) src(%arg10 : memref<128x128xf32, #tpu.memory_space<vmem>>) dst(%dma_wait3A_64 : memref<128x128xf32, #tpu.memory_space<vmem_shared>>)
        tpu.yield
      }) : () -> ()
      %mul3A_15 = arith.constant 640 : i32
      %mul3A_16 = arith.muli %arg1, %mul3A_15 : i32
      %add3A_17 = arith.constant 128 : i32
      %add3A_18 = arith.addi %mul3A_16, %add3A_17 : i32
      "tpu.region"() ({
        %run_scoped3A = tpu.sem_alloc : memref<!tpu.dma_semaphore, #tpu.memory_space<semaphore_mem>>
        %dma_start3A = arith.constant 0 : i32
        %dma_start3A_59 = tpu.memref_slice %arg12[%add3A_18, %dma_start3A] : memref<10240x128xf32, #tpu.memory_space<vmem_shared>> -> memref<128x128xf32, #tpu.memory_space<vmem_shared>>
        %dma_start3A_60 = arith.constant 0 : i32
        %dma_start3A_61 = tpu.memref_slice %arg12[%add3A_18, %dma_start3A_60] : memref<10240x128xf32, #tpu.memory_space<vmem_shared>> -> memref<128x128xf32, #tpu.memory_space<vmem_shared>>
        tpu.enqueue_dma source(%arg10 : memref<128x128xf32, #tpu.memory_space<vmem>>) target(%dma_start3A_61 : memref<128x128xf32, #tpu.memory_space<vmem_shared>>) target_semaphore(%run_scoped3A : memref<!tpu.dma_semaphore, #tpu.memory_space<semaphore_mem>>)
        %dma_wait3A = arith.constant 0 : i32
        %dma_wait3A_62 = tpu.memref_slice %arg12[%add3A_18, %dma_wait3A] : memref<10240x128xf32, #tpu.memory_space<vmem_shared>> -> memref<128x128xf32, #tpu.memory_space<vmem_shared>>
        %dma_wait3A_63 = arith.constant 0 : i32
        %dma_wait3A_64 = tpu.memref_slice %arg12[%add3A_18, %dma_wait3A_63] : memref<10240x128xf32, #tpu.memory_space<vmem_shared>> -> memref<128x128xf32, #tpu.memory_space<vmem_shared>>
        tpu.wait_dma2 semaphore(%run_scoped3A : memref<!tpu.dma_semaphore, #tpu.memory_space<semaphore_mem>>) src(%arg10 : memref<128x128xf32, #tpu.memory_space<vmem>>) dst(%dma_wait3A_64 : memref<128x128xf32, #tpu.memory_space<vmem_shared>>)
        tpu.yield
      }) : () -> ()
      %mul3A_19 = arith.constant 640 : i32
      %mul3A_20 = arith.muli %arg1, %mul3A_19 : i32
      %add3A_21 = arith.constant 256 : i32
      %add3A_22 = arith.addi %mul3A_20, %add3A_21 : i32
      "tpu.region"() ({
        %run_scoped3A = tpu.sem_alloc : memref<!tpu.dma_semaphore, #tpu.memory_space<semaphore_mem>>
        %dma_start3A = arith.constant 0 : i32
        %dma_start3A_59 = tpu.memref_slice %arg12[%add3A_22, %dma_start3A] : memref<10240x128xf32, #tpu.memory_space<vmem_shared>> -> memref<128x128xf32, #tpu.memory_space<vmem_shared>>
        %dma_start3A_60 = arith.constant 0 : i32
        %dma_start3A_61 = tpu.memref_slice %arg12[%add3A_22, %dma_start3A_60] : memref<10240x128xf32, #tpu.memory_space<vmem_shared>> -> memref<128x128xf32, #tpu.memory_space<vmem_shared>>
        tpu.enqueue_dma source(%arg10 : memref<128x128xf32, #tpu.memory_space<vmem>>) target(%dma_start3A_61 : memref<128x128xf32, #tpu.memory_space<vmem_shared>>) target_semaphore(%run_scoped3A : memref<!tpu.dma_semaphore, #tpu.memory_space<semaphore_mem>>)
        %dma_wait3A = arith.constant 0 : i32
        %dma_wait3A_62 = tpu.memref_slice %arg12[%add3A_22, %dma_wait3A] : memref<10240x128xf32, #tpu.memory_space<vmem_shared>> -> memref<128x128xf32, #tpu.memory_space<vmem_shared>>
        %dma_wait3A_63 = arith.constant 0 : i32
        %dma_wait3A_64 = tpu.memref_slice %arg12[%add3A_22, %dma_wait3A_63] : memref<10240x128xf32, #tpu.memory_space<vmem_shared>> -> memref<128x128xf32, #tpu.memory_space<vmem_shared>>
        tpu.wait_dma2 semaphore(%run_scoped3A : memref<!tpu.dma_semaphore, #tpu.memory_space<semaphore_mem>>) src(%arg10 : memref<128x128xf32, #tpu.memory_space<vmem>>) dst(%dma_wait3A_64 : memref<128x128xf32, #tpu.memory_space<vmem_shared>>)
        tpu.yield
      }) : () -> ()
      %mul3A_23 = arith.constant 640 : i32
      %mul3A_24 = arith.muli %arg1, %mul3A_23 : i32
      %add3A_25 = arith.constant 384 : i32
      %add3A_26 = arith.addi %mul3A_24, %add3A_25 : i32
      "tpu.region"() ({
        %run_scoped3A = tpu.sem_alloc : memref<!tpu.dma_semaphore, #tpu.memory_space<semaphore_mem>>
        %dma_start3A = arith.constant 0 : i32
        %dma_start3A_59 = tpu.memref_slice %arg12[%add3A_26, %dma_start3A] : memref<10240x128xf32, #tpu.memory_space<vmem_shared>> -> memref<128x128xf32, #tpu.memory_space<vmem_shared>>
        %dma_start3A_60 = arith.constant 0 : i32
        %dma_start3A_61 = tpu.memref_slice %arg12[%add3A_26, %dma_start3A_60] : memref<10240x128xf32, #tpu.memory_space<vmem_shared>> -> memref<128x128xf32, #tpu.memory_space<vmem_shared>>
        tpu.enqueue_dma source(%arg10 : memref<128x128xf32, #tpu.memory_space<vmem>>) target(%dma_start3A_61 : memref<128x128xf32, #tpu.memory_space<vmem_shared>>) target_semaphore(%run_scoped3A : memref<!tpu.dma_semaphore, #tpu.memory_space<semaphore_mem>>)
        %dma_wait3A = arith.constant 0 : i32
        %dma_wait3A_62 = tpu.memref_slice %arg12[%add3A_26, %dma_wait3A] : memref<10240x128xf32, #tpu.memory_space<vmem_shared>> -> memref<128x128xf32, #tpu.memory_space<vmem_shared>>
        %dma_wait3A_63 = arith.constant 0 : i32
        %dma_wait3A_64 = tpu.memref_slice %arg12[%add3A_26, %dma_wait3A_63] : memref<10240x128xf32, #tpu.memory_space<vmem_shared>> -> memref<128x128xf32, #tpu.memory_space<vmem_shared>>
        tpu.wait_dma2 semaphore(%run_scoped3A : memref<!tpu.dma_semaphore, #tpu.memory_space<semaphore_mem>>) src(%arg10 : memref<128x128xf32, #tpu.memory_space<vmem>>) dst(%dma_wait3A_64 : memref<128x128xf32, #tpu.memory_space<vmem_shared>>)
        tpu.yield
      }) : () -> ()
      %mul3A_27 = arith.constant 640 : i32
      %mul3A_28 = arith.muli %arg1, %mul3A_27 : i32
      %add3A_29 = arith.constant 512 : i32
      %add3A_30 = arith.addi %mul3A_28, %add3A_29 : i32
      "tpu.region"() ({
        %run_scoped3A = tpu.sem_alloc : memref<!tpu.dma_semaphore, #tpu.memory_space<semaphore_mem>>
        %dma_start3A = arith.constant 0 : i32
        %dma_start3A_59 = tpu.memref_slice %arg12[%add3A_30, %dma_start3A] : memref<10240x128xf32, #tpu.memory_space<vmem_shared>> -> memref<128x128xf32, #tpu.memory_space<vmem_shared>>
        %dma_start3A_60 = arith.constant 0 : i32
        %dma_start3A_61 = tpu.memref_slice %arg12[%add3A_30, %dma_start3A_60] : memref<10240x128xf32, #tpu.memory_space<vmem_shared>> -> memref<128x128xf32, #tpu.memory_space<vmem_shared>>
        tpu.enqueue_dma source(%arg10 : memref<128x128xf32, #tpu.memory_space<vmem>>) target(%dma_start3A_61 : memref<128x128xf32, #tpu.memory_space<vmem_shared>>) target_semaphore(%run_scoped3A : memref<!tpu.dma_semaphore, #tpu.memory_space<semaphore_mem>>)
        %dma_wait3A = arith.constant 0 : i32
        %dma_wait3A_62 = tpu.memref_slice %arg12[%add3A_30, %dma_wait3A] : memref<10240x128xf32, #tpu.memory_space<vmem_shared>> -> memref<128x128xf32, #tpu.memory_space<vmem_shared>>
        %dma_wait3A_63 = arith.constant 0 : i32
        %dma_wait3A_64 = tpu.memref_slice %arg12[%add3A_30, %dma_wait3A_63] : memref<10240x128xf32, #tpu.memory_space<vmem_shared>> -> memref<128x128xf32, #tpu.memory_space<vmem_shared>>
        tpu.wait_dma2 semaphore(%run_scoped3A : memref<!tpu.dma_semaphore, #tpu.memory_space<semaphore_mem>>) src(%arg10 : memref<128x128xf32, #tpu.memory_space<vmem>>) dst(%dma_wait3A_64 : memref<128x128xf32, #tpu.memory_space<vmem_shared>>)
        tpu.yield
      }) : () -> ()
      %barrier3A = arith.constant 0 : index
      tpu.barrier barrier_id(%barrier3A)
      %scan3A_31 = arith.constant 0 : i32
      %scan3A_32 = arith.constant 0 : i32
      %scan3A_33 = arith.constant 5 : i32
      %scan3A_34 = arith.addi %scan3A_32, %scan3A_33 : i32
      %scan3A_35 = arith.constant 1 : i32
      %scan3A_36 = scf.for %scan3A_59 = %scan3A_32 to %scan3A_34 step %scan3A_35 iter_args(%scan3A_60 = %scan3A_31) -> (i32)  : i32 {
        %mul3A_61 = arith.constant 160 : i32
        %mul3A_62 = arith.muli %arg1, %mul3A_61 : i32
        %mul3A_63 = arith.constant 32 : i32
        %mul3A_64 = arith.muli %scan3A_59, %mul3A_63 : i32
        %add3A_65 = arith.addi %mul3A_62, %mul3A_64 : i32
        "tpu.region"() ({
          %run_scoped3A = tpu.sem_alloc : memref<!tpu.dma_semaphore, #tpu.memory_space<semaphore_mem>>
          %dma_start3A_80 = arith.constant 0 : i32
          %dma_start3A_81 = tpu.memref_slice %arg2[%add3A_65, %dma_start3A_80] : memref<2560x128xi32, #tpu.memory_space<hbm>> -> memref<32x128xi32, #tpu.memory_space<hbm>>
          %dma_start3A_82 = arith.constant 0 : i32
          %dma_start3A_83 = tpu.memref_slice %arg2[%add3A_65, %dma_start3A_82] : memref<2560x128xi32, #tpu.memory_space<hbm>> -> memref<32x128xi32, #tpu.memory_space<hbm>>
          tpu.enqueue_dma source(%dma_start3A_83 : memref<32x128xi32, #tpu.memory_space<hbm>>) target(%arg8 : memref<32x128xi32, #tpu.memory_space<vmem>>) target_semaphore(%run_scoped3A : memref<!tpu.dma_semaphore, #tpu.memory_space<semaphore_mem>>)
          %dma_wait3A = arith.constant 0 : i32
          %dma_wait3A_84 = tpu.memref_slice %arg2[%add3A_65, %dma_wait3A] : memref<2560x128xi32, #tpu.memory_space<hbm>> -> memref<32x128xi32, #tpu.memory_space<hbm>>
          %dma_wait3A_85 = arith.constant 0 : i32
          %dma_wait3A_86 = tpu.memref_slice %arg2[%add3A_65, %dma_wait3A_85] : memref<2560x128xi32, #tpu.memory_space<hbm>> -> memref<32x128xi32, #tpu.memory_space<hbm>>
          tpu.wait_dma2 semaphore(%run_scoped3A : memref<!tpu.dma_semaphore, #tpu.memory_space<semaphore_mem>>) src(%dma_wait3A_86 : memref<32x128xi32, #tpu.memory_space<hbm>>) dst(%arg8 : memref<32x128xi32, #tpu.memory_space<vmem>>)
          tpu.yield
        }) : () -> ()
        "tpu.region"() ({
          %run_scoped3A = tpu.sem_alloc : memref<!tpu.dma_semaphore, #tpu.memory_space<semaphore_mem>>
          %dma_start3A_80 = arith.constant 0 : i32
          %dma_start3A_81 = tpu.memref_slice %arg3[%add3A_65, %dma_start3A_80] : memref<2560x128xi32, #tpu.memory_space<hbm>> -> memref<32x128xi32, #tpu.memory_space<hbm>>
          %dma_start3A_82 = arith.constant 0 : i32
          %dma_start3A_83 = tpu.memref_slice %arg3[%add3A_65, %dma_start3A_82] : memref<2560x128xi32, #tpu.memory_space<hbm>> -> memref<32x128xi32, #tpu.memory_space<hbm>>
          tpu.enqueue_dma source(%dma_start3A_83 : memref<32x128xi32, #tpu.memory_space<hbm>>) target(%arg9 : memref<32x128xi32, #tpu.memory_space<vmem>>) target_semaphore(%run_scoped3A : memref<!tpu.dma_semaphore, #tpu.memory_space<semaphore_mem>>)
          %dma_wait3A = arith.constant 0 : i32
          %dma_wait3A_84 = tpu.memref_slice %arg3[%add3A_65, %dma_wait3A] : memref<2560x128xi32, #tpu.memory_space<hbm>> -> memref<32x128xi32, #tpu.memory_space<hbm>>
          %dma_wait3A_85 = arith.constant 0 : i32
          %dma_wait3A_86 = tpu.memref_slice %arg3[%add3A_65, %dma_wait3A_85] : memref<2560x128xi32, #tpu.memory_space<hbm>> -> memref<32x128xi32, #tpu.memory_space<hbm>>
          tpu.wait_dma2 semaphore(%run_scoped3A : memref<!tpu.dma_semaphore, #tpu.memory_space<semaphore_mem>>) src(%dma_wait3A_86 : memref<32x128xi32, #tpu.memory_space<hbm>>) dst(%arg9 : memref<32x128xi32, #tpu.memory_space<vmem>>)
          tpu.yield
        }) : () -> ()
        %dma_start3A = arith.constant 0 : i32
        %dma_start3A_66 = arith.constant 0 : i32
        %dma_start3A_67 = tpu.memref_slice %arg8[%dma_start3A, %dma_start3A_66] : memref<32x128xi32, #tpu.memory_space<vmem>> -> memref<1x128xi32, #tpu.memory_space<vmem>>
        %dma_start3A_68 = tpu.memref_squeeze %dma_start3A_67 : memref<1x128xi32, #tpu.memory_space<vmem>> -> memref<128xi32, #tpu.memory_space<vmem>>
        %dma_start3A_69 = arith.constant 0 : i32
        %dma_start3A_70 = arith.constant 0 : i32
        %dma_start3A_71 = tpu.memref_slice %arg5[%dma_start3A_69, %dma_start3A_70] : memref<10240x128xf32, #tpu.memory_space<hbm>> -> memref<10240x128xf32, #tpu.memory_space<hbm>>
        tpu.enqueue_indirect_dma source(%dma_start3A_71 : memref<10240x128xf32, #tpu.memory_space<hbm>>) target(%arg10 : memref<128x128xf32, #tpu.memory_space<vmem>>) offsets(%dma_start3A_68 : memref<128xi32, #tpu.memory_space<vmem>>) semaphore(%arg13 : memref<!tpu.dma_semaphore, #tpu.memory_space<semaphore_mem>>)
        %scan3A_72 = arith.constant 0 : i32
        %scan3A_73 = arith.constant 0 : i32
        %scan3A_74 = arith.constant 16 : i32
        %scan3A_75 = arith.addi %scan3A_73, %scan3A_74 : i32
        %scan3A_76 = arith.constant 1 : i32
        %scan3A_77 = scf.for %scan3A_80 = %scan3A_73 to %scan3A_75 step %scan3A_76 iter_args(%scan3A_81 = %scan3A_72) -> (i32)  : i32 {
          %mul3A_82 = arith.constant 2 : i32
          %mul3A_83 = arith.muli %scan3A_80, %mul3A_82 : i32
          %dma_wait3A = arith.constant 0 : i32
          %dma_wait3A_84 = tpu.memref_slice %arg8[%mul3A_83, %dma_wait3A] : memref<32x128xi32, #tpu.memory_space<vmem>> -> memref<1x128xi32, #tpu.memory_space<vmem>>
          %dma_wait3A_85 = tpu.memref_squeeze %dma_wait3A_84 : memref<1x128xi32, #tpu.memory_space<vmem>> -> memref<128xi32, #tpu.memory_space<vmem>>
          %dma_wait3A_86 = arith.constant 0 : i32
          %dma_wait3A_87 = arith.constant 0 : i32
          %dma_wait3A_88 = tpu.memref_slice %arg5[%dma_wait3A_86, %dma_wait3A_87] : memref<10240x128xf32, #tpu.memory_space<hbm>> -> memref<10240x128xf32, #tpu.memory_space<hbm>>
          tpu.wait_indirect_dma semaphore(%arg13 : memref<!tpu.dma_semaphore, #tpu.memory_space<semaphore_mem>>) src(%dma_wait3A_88 : memref<10240x128xf32, #tpu.memory_space<hbm>>) dst(%arg10 : memref<128x128xf32, #tpu.memory_space<vmem>>)
          %add3A_89 = arith.constant 1 : i32
          %add3A_90 = arith.addi %mul3A_83, %add3A_89 : i32
          %dma_start3A_91 = arith.constant 0 : i32
          %dma_start3A_92 = tpu.memref_slice %arg8[%add3A_90, %dma_start3A_91] : memref<32x128xi32, #tpu.memory_space<vmem>> -> memref<1x128xi32, #tpu.memory_space<vmem>>
          %dma_start3A_93 = tpu.memref_squeeze %dma_start3A_92 : memref<1x128xi32, #tpu.memory_space<vmem>> -> memref<128xi32, #tpu.memory_space<vmem>>
          %dma_start3A_94 = arith.constant 0 : i32
          %dma_start3A_95 = arith.constant 0 : i32
          %dma_start3A_96 = tpu.memref_slice %arg5[%dma_start3A_94, %dma_start3A_95] : memref<10240x128xf32, #tpu.memory_space<hbm>> -> memref<10240x128xf32, #tpu.memory_space<hbm>>
          tpu.enqueue_indirect_dma source(%dma_start3A_96 : memref<10240x128xf32, #tpu.memory_space<hbm>>) target(%arg11 : memref<128x128xf32, #tpu.memory_space<vmem>>) offsets(%dma_start3A_93 : memref<128xi32, #tpu.memory_space<vmem>>) semaphore(%arg14 : memref<!tpu.dma_semaphore, #tpu.memory_space<semaphore_mem>>)
          "tpu.region"() ({
            %run_scoped3A = tpu.sem_alloc : memref<!tpu.dma_semaphore, #tpu.memory_space<semaphore_mem>>
            %dma_start3A_114 = arith.constant 0 : i32
            %dma_start3A_115 = tpu.memref_slice %arg9[%mul3A_83, %dma_start3A_114] : memref<32x128xi32, #tpu.memory_space<vmem>> -> memref<1x128xi32, #tpu.memory_space<vmem>>
            %dma_start3A_116 = tpu.memref_squeeze %dma_start3A_115 : memref<1x128xi32, #tpu.memory_space<vmem>> -> memref<128xi32, #tpu.memory_space<vmem>>
            %dma_start3A_117 = arith.constant 0 : i32
            %dma_start3A_118 = arith.constant 0 : i32
            %dma_start3A_119 = tpu.memref_slice %arg12[%dma_start3A_117, %dma_start3A_118] : memref<10240x128xf32, #tpu.memory_space<vmem_shared>> -> memref<10240x128xf32, #tpu.memory_space<vmem_shared>>
            tpu.enqueue_indirect_dma source(%arg10 : memref<128x128xf32, #tpu.memory_space<vmem>>) target(%dma_start3A_119 : memref<10240x128xf32, #tpu.memory_space<vmem_shared>>) offsets(%dma_start3A_116 : memref<128xi32, #tpu.memory_space<vmem>>) semaphore(%run_scoped3A : memref<!tpu.dma_semaphore, #tpu.memory_space<semaphore_mem>>) {add = true}
            %dma_wait3A_120 = arith.constant 0 : i32
            %dma_wait3A_121 = tpu.memref_slice %arg9[%mul3A_83, %dma_wait3A_120] : memref<32x128xi32, #tpu.memory_space<vmem>> -> memref<1x128xi32, #tpu.memory_space<vmem>>
            %dma_wait3A_122 = tpu.memref_squeeze %dma_wait3A_121 : memref<1x128xi32, #tpu.memory_space<vmem>> -> memref<128xi32, #tpu.memory_space<vmem>>
            %dma_wait3A_123 = arith.constant 0 : i32
            %dma_wait3A_124 = arith.constant 0 : i32
            %dma_wait3A_125 = tpu.memref_slice %arg12[%dma_wait3A_123, %dma_wait3A_124] : memref<10240x128xf32, #tpu.memory_space<vmem_shared>> -> memref<10240x128xf32, #tpu.memory_space<vmem_shared>>
            tpu.wait_indirect_dma semaphore(%run_scoped3A : memref<!tpu.dma_semaphore, #tpu.memory_space<semaphore_mem>>) src(%arg10 : memref<128x128xf32, #tpu.memory_space<vmem>>) dst(%dma_wait3A_125 : memref<10240x128xf32, #tpu.memory_space<vmem_shared>>)
            tpu.yield
          }) : () -> ()
          %add3A_97 = arith.constant 1 : i32
          %add3A_98 = arith.addi %mul3A_83, %add3A_97 : i32
          %dma_wait3A_99 = arith.constant 0 : i32
          %dma_wait3A_100 = tpu.memref_slice %arg8[%add3A_98, %dma_wait3A_99] : memref<32x128xi32, #tpu.memory_space<vmem>> -> memref<1x128xi32, #tpu.memory_space<vmem>>
          %dma_wait3A_101 = tpu.memref_squeeze %dma_wait3A_100 : memref<1x128xi32, #tpu.memory_space<vmem>> -> memref<128xi32, #tpu.memory_space<vmem>>
          %dma_wait3A_102 = arith.constant 0 : i32
          %dma_wait3A_103 = arith.constant 0 : i32
          %dma_wait3A_104 = tpu.memref_slice %arg5[%dma_wait3A_102, %dma_wait3A_103] : memref<10240x128xf32, #tpu.memory_space<hbm>> -> memref<10240x128xf32, #tpu.memory_space<hbm>>
          tpu.wait_indirect_dma semaphore(%arg14 : memref<!tpu.dma_semaphore, #tpu.memory_space<semaphore_mem>>) src(%dma_wait3A_104 : memref<10240x128xf32, #tpu.memory_space<hbm>>) dst(%arg11 : memref<128x128xf32, #tpu.memory_space<vmem>>)
          %add3A_105 = arith.constant 1 : i32
          %add3A_106 = arith.addi %scan3A_80, %add3A_105 : i32
          %lt3A = arith.constant 16 : i32
          %lt3A_107 = arith.cmpi slt, %add3A_106, %lt3A : i32
          %convert_element_type3A_108 = arith.extui %lt3A_107 : i1 to i32
          %cond3A_109 = arith.constant 0 : i32
          %cond3A_110 = arith.cmpi ne, %convert_element_type3A_108, %cond3A_109 : i32
          scf.if %cond3A_110 {
            %add3A_114 = arith.constant 2 : i32
            %add3A_115 = arith.addi %mul3A_83, %add3A_114 : i32
            %dma_start3A_116 = arith.constant 0 : i32
            %dma_start3A_117 = tpu.memref_slice %arg8[%add3A_115, %dma_start3A_116] : memref<32x128xi32, #tpu.memory_space<vmem>> -> memref<1x128xi32, #tpu.memory_space<vmem>>
            %dma_start3A_118 = tpu.memref_squeeze %dma_start3A_117 : memref<1x128xi32, #tpu.memory_space<vmem>> -> memref<128xi32, #tpu.memory_space<vmem>>
            %dma_start3A_119 = arith.constant 0 : i32
            %dma_start3A_120 = arith.constant 0 : i32
            %dma_start3A_121 = tpu.memref_slice %arg5[%dma_start3A_119, %dma_start3A_120] : memref<10240x128xf32, #tpu.memory_space<hbm>> -> memref<10240x128xf32, #tpu.memory_space<hbm>>
            tpu.enqueue_indirect_dma source(%dma_start3A_121 : memref<10240x128xf32, #tpu.memory_space<hbm>>) target(%arg10 : memref<128x128xf32, #tpu.memory_space<vmem>>) offsets(%dma_start3A_118 : memref<128xi32, #tpu.memory_space<vmem>>) semaphore(%arg13 : memref<!tpu.dma_semaphore, #tpu.memory_space<semaphore_mem>>)
          } else {
          }
          %add3A_111 = arith.constant 1 : i32
          %add3A_112 = arith.addi %mul3A_83, %add3A_111 : i32
          "tpu.region"() ({
            %run_scoped3A = tpu.sem_alloc : memref<!tpu.dma_semaphore, #tpu.memory_space<semaphore_mem>>
            %dma_start3A_114 = arith.constant 0 : i32
            %dma_start3A_115 = tpu.memref_slice %arg9[%add3A_112, %dma_start3A_114] : memref<32x128xi32, #tpu.memory_space<vmem>> -> memref<1x128xi32, #tpu.memory_space<vmem>>
            %dma_start3A_116 = tpu.memref_squeeze %dma_start3A_115 : memref<1x128xi32, #tpu.memory_space<vmem>> -> memref<128xi32, #tpu.memory_space<vmem>>
            %dma_start3A_117 = arith.constant 0 : i32
            %dma_start3A_118 = arith.constant 0 : i32
            %dma_start3A_119 = tpu.memref_slice %arg12[%dma_start3A_117, %dma_start3A_118] : memref<10240x128xf32, #tpu.memory_space<vmem_shared>> -> memref<10240x128xf32, #tpu.memory_space<vmem_shared>>
            tpu.enqueue_indirect_dma source(%arg11 : memref<128x128xf32, #tpu.memory_space<vmem>>) target(%dma_start3A_119 : memref<10240x128xf32, #tpu.memory_space<vmem_shared>>) offsets(%dma_start3A_116 : memref<128xi32, #tpu.memory_space<vmem>>) semaphore(%run_scoped3A : memref<!tpu.dma_semaphore, #tpu.memory_space<semaphore_mem>>) {add = true}
            %dma_wait3A_120 = arith.constant 0 : i32
            %dma_wait3A_121 = tpu.memref_slice %arg9[%add3A_112, %dma_wait3A_120] : memref<32x128xi32, #tpu.memory_space<vmem>> -> memref<1x128xi32, #tpu.memory_space<vmem>>
            %dma_wait3A_122 = tpu.memref_squeeze %dma_wait3A_121 : memref<1x128xi32, #tpu.memory_space<vmem>> -> memref<128xi32, #tpu.memory_space<vmem>>
            %dma_wait3A_123 = arith.constant 0 : i32
            %dma_wait3A_124 = arith.constant 0 : i32
            %dma_wait3A_125 = tpu.memref_slice %arg12[%dma_wait3A_123, %dma_wait3A_124] : memref<10240x128xf32, #tpu.memory_space<vmem_shared>> -> memref<10240x128xf32, #tpu.memory_space<vmem_shared>>
            tpu.wait_indirect_dma semaphore(%run_scoped3A : memref<!tpu.dma_semaphore, #tpu.memory_space<semaphore_mem>>) src(%arg11 : memref<128x128xf32, #tpu.memory_space<vmem>>) dst(%dma_wait3A_125 : memref<10240x128xf32, #tpu.memory_space<vmem_shared>>)
            tpu.yield
          }) : () -> ()
          %scan3A_113 = arith.constant 0 : i32
          scf.yield %scan3A_113 : i32
        }
        %scan3A_78 = arith.constant 16 : i32
        %scan3A_79 = arith.constant 0 : i32
        scf.yield %scan3A_79 : i32
      }
      %scan3A_37 = arith.constant 5 : i32
      %barrier3A_38 = arith.constant 0 : index
      tpu.barrier barrier_id(%barrier3A_38)
      %mul3A_39 = arith.constant 640 : i32
      %mul3A_40 = arith.muli %arg1, %mul3A_39 : i32
      %add3A_41 = arith.constant 0 : i32
      %add3A_42 = arith.addi %mul3A_40, %add3A_41 : i32
      "tpu.region"() ({
        %run_scoped3A = tpu.sem_alloc : memref<!tpu.dma_semaphore, #tpu.memory_space<semaphore_mem>>
        %dma_start3A = arith.constant 0 : i32
        %dma_start3A_59 = tpu.memref_slice %arg7[%add3A_42, %dma_start3A] : memref<10240x128xf32, #tpu.memory_space<hbm>> -> memref<128x128xf32, #tpu.memory_space<hbm>>
        %dma_start3A_60 = arith.constant 0 : i32
        %dma_start3A_61 = tpu.memref_slice %arg12[%add3A_42, %dma_start3A_60] : memref<10240x128xf32, #tpu.memory_space<vmem_shared>> -> memref<128x128xf32, #tpu.memory_space<vmem_shared>>
        tpu.enqueue_dma source(%dma_start3A_61 : memref<128x128xf32, #tpu.memory_space<vmem_shared>>) target(%dma_start3A_59 : memref<128x128xf32, #tpu.memory_space<hbm>>) target_semaphore(%run_scoped3A : memref<!tpu.dma_semaphore, #tpu.memory_space<semaphore_mem>>)
        %dma_wait3A = arith.constant 0 : i32
        %dma_wait3A_62 = tpu.memref_slice %arg7[%add3A_42, %dma_wait3A] : memref<10240x128xf32, #tpu.memory_space<hbm>> -> memref<128x128xf32, #tpu.memory_space<hbm>>
        %dma_wait3A_63 = arith.constant 0 : i32
        %dma_wait3A_64 = tpu.memref_slice %arg12[%add3A_42, %dma_wait3A_63] : memref<10240x128xf32, #tpu.memory_space<vmem_shared>> -> memref<128x128xf32, #tpu.memory_space<vmem_shared>>
        tpu.wait_dma2 semaphore(%run_scoped3A : memref<!tpu.dma_semaphore, #tpu.memory_space<semaphore_mem>>) src(%dma_wait3A_64 : memref<128x128xf32, #tpu.memory_space<vmem_shared>>) dst(%dma_wait3A_62 : memref<128x128xf32, #tpu.memory_space<hbm>>)
        tpu.yield
      }) : () -> ()
      %mul3A_43 = arith.constant 640 : i32
      %mul3A_44 = arith.muli %arg1, %mul3A_43 : i32
      %add3A_45 = arith.constant 128 : i32
      %add3A_46 = arith.addi %mul3A_44, %add3A_45 : i32
      "tpu.region"() ({
        %run_scoped3A = tpu.sem_alloc : memref<!tpu.dma_semaphore, #tpu.memory_space<semaphore_mem>>
        %dma_start3A = arith.constant 0 : i32
        %dma_start3A_59 = tpu.memref_slice %arg7[%add3A_46, %dma_start3A] : memref<10240x128xf32, #tpu.memory_space<hbm>> -> memref<128x128xf32, #tpu.memory_space<hbm>>
        %dma_start3A_60 = arith.constant 0 : i32
        %dma_start3A_61 = tpu.memref_slice %arg12[%add3A_46, %dma_start3A_60] : memref<10240x128xf32, #tpu.memory_space<vmem_shared>> -> memref<128x128xf32, #tpu.memory_space<vmem_shared>>
        tpu.enqueue_dma source(%dma_start3A_61 : memref<128x128xf32, #tpu.memory_space<vmem_shared>>) target(%dma_start3A_59 : memref<128x128xf32, #tpu.memory_space<hbm>>) target_semaphore(%run_scoped3A : memref<!tpu.dma_semaphore, #tpu.memory_space<semaphore_mem>>)
        %dma_wait3A = arith.constant 0 : i32
        %dma_wait3A_62 = tpu.memref_slice %arg7[%add3A_46, %dma_wait3A] : memref<10240x128xf32, #tpu.memory_space<hbm>> -> memref<128x128xf32, #tpu.memory_space<hbm>>
        %dma_wait3A_63 = arith.constant 0 : i32
        %dma_wait3A_64 = tpu.memref_slice %arg12[%add3A_46, %dma_wait3A_63] : memref<10240x128xf32, #tpu.memory_space<vmem_shared>> -> memref<128x128xf32, #tpu.memory_space<vmem_shared>>
        tpu.wait_dma2 semaphore(%run_scoped3A : memref<!tpu.dma_semaphore, #tpu.memory_space<semaphore_mem>>) src(%dma_wait3A_64 : memref<128x128xf32, #tpu.memory_space<vmem_shared>>) dst(%dma_wait3A_62 : memref<128x128xf32, #tpu.memory_space<hbm>>)
        tpu.yield
      }) : () -> ()
      %mul3A_47 = arith.constant 640 : i32
      %mul3A_48 = arith.muli %arg1, %mul3A_47 : i32
      %add3A_49 = arith.constant 256 : i32
      %add3A_50 = arith.addi %mul3A_48, %add3A_49 : i32
      "tpu.region"() ({
        %run_scoped3A = tpu.sem_alloc : memref<!tpu.dma_semaphore, #tpu.memory_space<semaphore_mem>>
        %dma_start3A = arith.constant 0 : i32
        %dma_start3A_59 = tpu.memref_slice %arg7[%add3A_50, %dma_start3A] : memref<10240x128xf32, #tpu.memory_space<hbm>> -> memref<128x128xf32, #tpu.memory_space<hbm>>
        %dma_start3A_60 = arith.constant 0 : i32
        %dma_start3A_61 = tpu.memref_slice %arg12[%add3A_50, %dma_start3A_60] : memref<10240x128xf32, #tpu.memory_space<vmem_shared>> -> memref<128x128xf32, #tpu.memory_space<vmem_shared>>
        tpu.enqueue_dma source(%dma_start3A_61 : memref<128x128xf32, #tpu.memory_space<vmem_shared>>) target(%dma_start3A_59 : memref<128x128xf32, #tpu.memory_space<hbm>>) target_semaphore(%run_scoped3A : memref<!tpu.dma_semaphore, #tpu.memory_space<semaphore_mem>>)
        %dma_wait3A = arith.constant 0 : i32
        %dma_wait3A_62 = tpu.memref_slice %arg7[%add3A_50, %dma_wait3A] : memref<10240x128xf32, #tpu.memory_space<hbm>> -> memref<128x128xf32, #tpu.memory_space<hbm>>
        %dma_wait3A_63 = arith.constant 0 : i32
        %dma_wait3A_64 = tpu.memref_slice %arg12[%add3A_50, %dma_wait3A_63] : memref<10240x128xf32, #tpu.memory_space<vmem_shared>> -> memref<128x128xf32, #tpu.memory_space<vmem_shared>>
        tpu.wait_dma2 semaphore(%run_scoped3A : memref<!tpu.dma_semaphore, #tpu.memory_space<semaphore_mem>>) src(%dma_wait3A_64 : memref<128x128xf32, #tpu.memory_space<vmem_shared>>) dst(%dma_wait3A_62 : memref<128x128xf32, #tpu.memory_space<hbm>>)
        tpu.yield
      }) : () -> ()
      %mul3A_51 = arith.constant 640 : i32
      %mul3A_52 = arith.muli %arg1, %mul3A_51 : i32
      %add3A_53 = arith.constant 384 : i32
      %add3A_54 = arith.addi %mul3A_52, %add3A_53 : i32
      "tpu.region"() ({
        %run_scoped3A = tpu.sem_alloc : memref<!tpu.dma_semaphore, #tpu.memory_space<semaphore_mem>>
        %dma_start3A = arith.constant 0 : i32
        %dma_start3A_59 = tpu.memref_slice %arg7[%add3A_54, %dma_start3A] : memref<10240x128xf32, #tpu.memory_space<hbm>> -> memref<128x128xf32, #tpu.memory_space<hbm>>
        %dma_start3A_60 = arith.constant 0 : i32
        %dma_start3A_61 = tpu.memref_slice %arg12[%add3A_54, %dma_start3A_60] : memref<10240x128xf32, #tpu.memory_space<vmem_shared>> -> memref<128x128xf32, #tpu.memory_space<vmem_shared>>
        tpu.enqueue_dma source(%dma_start3A_61 : memref<128x128xf32, #tpu.memory_space<vmem_shared>>) target(%dma_start3A_59 : memref<128x128xf32, #tpu.memory_space<hbm>>) target_semaphore(%run_scoped3A : memref<!tpu.dma_semaphore, #tpu.memory_space<semaphore_mem>>)
        %dma_wait3A = arith.constant 0 : i32
        %dma_wait3A_62 = tpu.memref_slice %arg7[%add3A_54, %dma_wait3A] : memref<10240x128xf32, #tpu.memory_space<hbm>> -> memref<128x128xf32, #tpu.memory_space<hbm>>
        %dma_wait3A_63 = arith.constant 0 : i32
        %dma_wait3A_64 = tpu.memref_slice %arg12[%add3A_54, %dma_wait3A_63] : memref<10240x128xf32, #tpu.memory_space<vmem_shared>> -> memref<128x128xf32, #tpu.memory_space<vmem_shared>>
        tpu.wait_dma2 semaphore(%run_scoped3A : memref<!tpu.dma_semaphore, #tpu.memory_space<semaphore_mem>>) src(%dma_wait3A_64 : memref<128x128xf32, #tpu.memory_space<vmem_shared>>) dst(%dma_wait3A_62 : memref<128x128xf32, #tpu.memory_space<hbm>>)
        tpu.yield
      }) : () -> ()
      %mul3A_55 = arith.constant 640 : i32
      %mul3A_56 = arith.muli %arg1, %mul3A_55 : i32
      %add3A_57 = arith.constant 512 : i32
      %add3A_58 = arith.addi %mul3A_56, %add3A_57 : i32
      "tpu.region"() ({
        %run_scoped3A = tpu.sem_alloc : memref<!tpu.dma_semaphore, #tpu.memory_space<semaphore_mem>>
        %dma_start3A = arith.constant 0 : i32
        %dma_start3A_59 = tpu.memref_slice %arg7[%add3A_58, %dma_start3A] : memref<10240x128xf32, #tpu.memory_space<hbm>> -> memref<128x128xf32, #tpu.memory_space<hbm>>
        %dma_start3A_60 = arith.constant 0 : i32
        %dma_start3A_61 = tpu.memref_slice %arg12[%add3A_58, %dma_start3A_60] : memref<10240x128xf32, #tpu.memory_space<vmem_shared>> -> memref<128x128xf32, #tpu.memory_space<vmem_shared>>
        tpu.enqueue_dma source(%dma_start3A_61 : memref<128x128xf32, #tpu.memory_space<vmem_shared>>) target(%dma_start3A_59 : memref<128x128xf32, #tpu.memory_space<hbm>>) target_semaphore(%run_scoped3A : memref<!tpu.dma_semaphore, #tpu.memory_space<semaphore_mem>>)
        %dma_wait3A = arith.constant 0 : i32
        %dma_wait3A_62 = tpu.memref_slice %arg7[%add3A_58, %dma_wait3A] : memref<10240x128xf32, #tpu.memory_space<hbm>> -> memref<128x128xf32, #tpu.memory_space<hbm>>
        %dma_wait3A_63 = arith.constant 0 : i32
        %dma_wait3A_64 = tpu.memref_slice %arg12[%add3A_58, %dma_wait3A_63] : memref<10240x128xf32, #tpu.memory_space<vmem_shared>> -> memref<128x128xf32, #tpu.memory_space<vmem_shared>>
        tpu.wait_dma2 semaphore(%run_scoped3A : memref<!tpu.dma_semaphore, #tpu.memory_space<semaphore_mem>>) src(%dma_wait3A_64 : memref<128x128xf32, #tpu.memory_space<vmem_shared>>) dst(%dma_wait3A_62 : memref<128x128xf32, #tpu.memory_space<hbm>>)
        tpu.yield
      }) : () -> ()
    } else {
    }
    return
  }
}

module attributes {stable_mosaic.version = 14 : i64} {
  func.func @_tc_b2(%arg0: i32, %arg1: memref<1024x128xf32, #tpu.memory_space<vmem>>, %arg2: memref<1024x128xf32, #tpu.memory_space<vmem>>, %arg3: memref<1024x128xf32, #tpu.memory_space<vmem>>, %arg4: memref<1024x128xf32, #tpu.memory_space<vmem>>, %arg5: memref<1024x256xf32, #tpu.memory_space<vmem>>, %arg6: memref<1024x1xf32, #tpu.memory_space<vmem>>, %arg7: memref<1x256xf32, #tpu.memory_space<vmem>>, %arg8: memref<1x1xf32, #tpu.memory_space<vmem>>, %arg9: memref<1x256xf32, #tpu.memory_space<vmem>>, %arg10: memref<1x256xf32, #tpu.memory_space<vmem>>, %arg11: memref<256x256xf32, #tpu.memory_space<vmem>>, %arg12: memref<1024x256xf32, #tpu.memory_space<vmem>>, %arg13: memref<1024x128xf32, #tpu.memory_space<vmem>>, %arg14: memref<1024x128xf32, #tpu.memory_space<vmem>>) attributes {dimension_semantics = [#tpu.dimension_semantics<arbitrary>], iteration_bounds = array<i64: 10>, scalar_prefetch = 0 : i64, scratch_operands = 0 : i64, tpu.core_type = #tpu.core_type<tc>, window_params = [{transform_indices = @transform_0, window_bounds = array<i64: 1024, 128>}, {transform_indices = @transform_1, window_bounds = array<i64: 1024, 128>}, {transform_indices = @transform_2, window_bounds = array<i64: 1024, 128>}, {transform_indices = @transform_3, window_bounds = array<i64: 1024, 128>}, {transform_indices = @transform_4, window_bounds = array<i64: 1024, 256>}, {transform_indices = @transform_5, window_bounds = array<i64: 1024, 1>}, {pipeline_mode = #tpu.pipeline_mode<synchronous>, transform_indices = @transform_6, window_bounds = array<i64: 1, 256>}, {pipeline_mode = #tpu.pipeline_mode<synchronous>, transform_indices = @transform_7, window_bounds = array<i64: 1, 1>}, {pipeline_mode = #tpu.pipeline_mode<synchronous>, transform_indices = @transform_8, window_bounds = array<i64: 1, 256>}, {pipeline_mode = #tpu.pipeline_mode<synchronous>, transform_indices = @transform_9, window_bounds = array<i64: 1, 256>}, {pipeline_mode = #tpu.pipeline_mode<synchronous>, transform_indices = @transform_10, window_bounds = array<i64: 256, 256>}, {transform_indices = @transform_11, window_bounds = array<i64: 1024, 256>}, {transform_indices = @transform_12, window_bounds = array<i64: 1024, 128>}, {transform_indices = @transform_13, window_bounds = array<i64: 1024, 128>}]} {
    %get3A = arith.constant 0 : index
    %get3A_0 = arith.constant 0 : index
    %get3A_1 = vector.load %arg1[%get3A, %get3A_0] : memref<1024x128xf32, #tpu.memory_space<vmem>>, vector<1024x128xf32>
    %get3A_2 = arith.constant 0 : index
    %get3A_3 = arith.constant 0 : index
    %get3A_4 = vector.load %arg3[%get3A_2, %get3A_3] : memref<1024x128xf32, #tpu.memory_space<vmem>>, vector<1024x128xf32>
    %add3A = arith.addf %get3A_1, %get3A_4 : vector<1024x128xf32>
    %get3A_5 = arith.constant 0 : index
    %get3A_6 = arith.constant 0 : index
    %get3A_7 = vector.load %arg2[%get3A_5, %get3A_6] : memref<1024x128xf32, #tpu.memory_space<vmem>>, vector<1024x128xf32>
    %get3A_8 = arith.constant 0 : index
    %get3A_9 = arith.constant 0 : index
    %get3A_10 = vector.load %arg4[%get3A_8, %get3A_9] : memref<1024x128xf32, #tpu.memory_space<vmem>>, vector<1024x128xf32>
    %add3A_11 = arith.addf %get3A_7, %get3A_10 : vector<1024x128xf32>
    %concatenate3A = tpu.concatenate %add3A, %add3A_11 in 1 : vector<1024x128xf32>, vector<1024x128xf32> -> vector<1024x256xf32>
    %get3A_12 = arith.constant 0 : index
    %get3A_13 = arith.constant 0 : index
    %get3A_14 = vector.load %arg6[%get3A_12, %get3A_13] : memref<1024x1xf32, #tpu.memory_space<vmem>>, vector<1024x1xf32>
    %mul3A = vector.broadcast %get3A_14 : vector<1024x1xf32> to vector<1024x256xf32>
    %mul3A_15 = arith.mulf %mul3A, %concatenate3A : vector<1024x256xf32>
    %get3A_16 = arith.constant 0 : index
    %get3A_17 = arith.constant 0 : index
    %get3A_18 = vector.load %arg7[%get3A_16, %get3A_17] : memref<1x256xf32, #tpu.memory_space<vmem>>, vector<1x256xf32>
    %add3A_19 = vector.broadcast %get3A_18 : vector<1x256xf32> to vector<1024x256xf32>
    %add3A_20 = arith.addf %mul3A_15, %add3A_19 : vector<1024x256xf32>
    %get3A_21 = arith.constant 0 : index
    %get3A_22 = arith.constant 0 : index
    %get3A_23 = vector.load %arg8[%get3A_21, %get3A_22] : memref<1x1xf32, #tpu.memory_space<vmem>>, vector<1x1xf32>
    %get3A_24 = vector.extract %get3A_23[0, 0] : f32 from vector<1x1xf32>
    %ge3A = arith.constant 0.000000e+00 : f32
    %ge3A_25 = vector.broadcast %ge3A : f32 to vector<1024x256xf32>
    %ge3A_26 = arith.cmpf oge, %add3A_20, %ge3A_25 : vector<1024x256xf32>
    %mul3A_27 = vector.broadcast %get3A_24 : f32 to vector<1024x256xf32>
    %mul3A_28 = arith.mulf %mul3A_27, %add3A_20 : vector<1024x256xf32>
    %select_n3A = arith.select %ge3A_26, %add3A_20, %mul3A_28 : vector<1024x256xi1>, vector<1024x256xf32>
    %get3A_29 = arith.constant 0 : index
    %get3A_30 = arith.constant 0 : index
    %get3A_31 = vector.load %arg5[%get3A_29, %get3A_30] : memref<1024x256xf32, #tpu.memory_space<vmem>>, vector<1024x256xf32>
    %add3A_32 = arith.addf %get3A_31, %select_n3A : vector<1024x256xf32>
    %get3A_33 = arith.constant 0 : index
    %get3A_34 = arith.constant 0 : index
    %get3A_35 = vector.load %arg9[%get3A_33, %get3A_34] : memref<1x256xf32, #tpu.memory_space<vmem>>, vector<1x256xf32>
    %get3A_36 = arith.constant 0 : index
    %get3A_37 = arith.constant 0 : index
    %get3A_38 = vector.load %arg10[%get3A_36, %get3A_37] : memref<1x256xf32, #tpu.memory_space<vmem>>, vector<1x256xf32>
    %reduce_sum3A = arith.constant dense<0.000000e+00> : vector<1024xf32>
    %reduce_sum3A_39 = vector.multi_reduction <add>, %add3A_32, %reduce_sum3A [1] : vector<1024x256xf32> to vector<1024xf32>
    %broadcast_in_dim3A = vector.shape_cast %reduce_sum3A_39 : vector<1024xf32> to vector<1024x1xf32>
    %div3A = arith.constant 2.560000e+02 : f32
    %div3A_40 = vector.broadcast %div3A : f32 to vector<1024x1xf32>
    %div3A_41 = arith.divf %broadcast_in_dim3A, %div3A_40 : vector<1024x1xf32>
    %sub3A = vector.broadcast %div3A_41 : vector<1024x1xf32> to vector<1024x256xf32>
    %sub3A_42 = arith.subf %add3A_32, %sub3A : vector<1024x256xf32>
    %integer_pow3A = arith.mulf %sub3A_42, %sub3A_42 : vector<1024x256xf32>
    %reduce_sum3A_43 = arith.constant dense<0.000000e+00> : vector<1024xf32>
    %reduce_sum3A_44 = vector.multi_reduction <add>, %integer_pow3A, %reduce_sum3A_43 [1] : vector<1024x256xf32> to vector<1024xf32>
    %broadcast_in_dim3A_45 = vector.shape_cast %reduce_sum3A_44 : vector<1024xf32> to vector<1024x1xf32>
    %div3A_46 = arith.constant 2.560000e+02 : f32
    %div3A_47 = vector.broadcast %div3A_46 : f32 to vector<1024x1xf32>
    %div3A_48 = arith.divf %broadcast_in_dim3A_45, %div3A_47 : vector<1024x1xf32>
    %sub3A_49 = vector.broadcast %div3A_41 : vector<1024x1xf32> to vector<1024x256xf32>
    %sub3A_50 = arith.subf %add3A_32, %sub3A_49 : vector<1024x256xf32>
    %add3A_51 = arith.constant 9.99999974E-6 : f32
    %add3A_52 = vector.broadcast %add3A_51 : f32 to vector<1024x1xf32>
    %add3A_53 = arith.addf %div3A_48, %add3A_52 : vector<1024x1xf32>
    %sqrt3A = math.sqrt %add3A_53 : vector<1024x1xf32>
    %div3A_54 = vector.broadcast %sqrt3A : vector<1024x1xf32> to vector<1024x256xf32>
    %div3A_55 = arith.divf %sub3A_50, %div3A_54 : vector<1024x256xf32>
    %mul3A_56 = vector.broadcast %get3A_35 : vector<1x256xf32> to vector<1024x256xf32>
    %mul3A_57 = arith.mulf %div3A_55, %mul3A_56 : vector<1024x256xf32>
    %add3A_58 = vector.broadcast %get3A_38 : vector<1x256xf32> to vector<1024x256xf32>
    %add3A_59 = arith.addf %mul3A_57, %add3A_58 : vector<1024x256xf32>
    %get3A_60 = arith.constant 0 : index
    %get3A_61 = arith.constant 0 : index
    %get3A_62 = vector.load %arg11[%get3A_60, %get3A_61] : memref<256x256xf32, #tpu.memory_space<vmem>>, vector<256x256xf32>
    %dot_general3A = arith.constant dense<0.000000e+00> : vector<1024x256xf32>
    %dot_general3A_63 = tpu.matmul %add3A_59, %get3A_62, %dot_general3A {dimension_numbers = #tpu.dot_dimension_numbers<[1], [0], [0], [1], [0, 0, 1, 1], [], []>, transpose_lhs_hint = false} : vector<1024x256xf32>, vector<256x256xf32>, vector<1024x256xf32> -> vector<1024x256xf32>
    %mul3A_64 = vector.broadcast %get3A_14 : vector<1024x1xf32> to vector<1024x256xf32>
    %mul3A_65 = arith.mulf %mul3A_64, %dot_general3A_63 : vector<1024x256xf32>
    %swap3A = arith.constant 0 : index
    %swap3A_66 = arith.constant 0 : index
    %swap3A_67 = vector.load %arg12[%swap3A, %swap3A_66] : memref<1024x256xf32, #tpu.memory_space<vmem>>, vector<1024x256xf32>
    tpu.vector_store %arg12[%swap3A, %swap3A_66], %add3A_32 {strides = array<i32>} : memref<1024x256xf32, #tpu.memory_space<vmem>>, vector<1024x256xf32>,
    %slice3A = vector.extract_strided_slice %mul3A_65 {offsets = [0, 0], sizes = [1024, 128], strides = [1, 1]} : vector<1024x256xf32> to vector<1024x128xf32>
    %swap3A_68 = arith.constant 0 : index
    %swap3A_69 = arith.constant 0 : index
    %swap3A_70 = vector.load %arg13[%swap3A_68, %swap3A_69] : memref<1024x128xf32, #tpu.memory_space<vmem>>, vector<1024x128xf32>
    tpu.vector_store %arg13[%swap3A_68, %swap3A_69], %slice3A {strides = array<i32>} : memref<1024x128xf32, #tpu.memory_space<vmem>>, vector<1024x128xf32>,
    %slice3A_71 = vector.extract_strided_slice %mul3A_65 {offsets = [0, 128], sizes = [1024, 128], strides = [1, 1]} : vector<1024x256xf32> to vector<1024x128xf32>
    %swap3A_72 = arith.constant 0 : index
    %swap3A_73 = arith.constant 0 : index
    %swap3A_74 = vector.load %arg14[%swap3A_72, %swap3A_73] : memref<1024x128xf32, #tpu.memory_space<vmem>>, vector<1024x128xf32>
    tpu.vector_store %arg14[%swap3A_72, %swap3A_73], %slice3A_71 {strides = array<i32>} : memref<1024x128xf32, #tpu.memory_space<vmem>>, vector<1024x128xf32>,
    return
  }
  func.func @transform_0(%arg0: i32) -> (i32, i32) {
    %c0_i32 = arith.constant 0 : i32
    %c0_i32_0 = arith.constant 0 : i32
    return %arg0, %c0_i32 : i32, i32
  }
  func.func @transform_1(%arg0: i32) -> (i32, i32) {
    %c0_i32 = arith.constant 0 : i32
    %c0_i32_0 = arith.constant 0 : i32
    return %arg0, %c0_i32 : i32, i32
  }
  func.func @transform_2(%arg0: i32) -> (i32, i32) {
    %c0_i32 = arith.constant 0 : i32
    %c0_i32_0 = arith.constant 0 : i32
    return %arg0, %c0_i32 : i32, i32
  }
  func.func @transform_3(%arg0: i32) -> (i32, i32) {
    %c0_i32 = arith.constant 0 : i32
    %c0_i32_0 = arith.constant 0 : i32
    return %arg0, %c0_i32 : i32, i32
  }
  func.func @transform_4(%arg0: i32) -> (i32, i32) {
    %c0_i32 = arith.constant 0 : i32
    %c0_i32_0 = arith.constant 0 : i32
    return %arg0, %c0_i32 : i32, i32
  }
  func.func @transform_5(%arg0: i32) -> (i32, i32) {
    %c0_i32 = arith.constant 0 : i32
    %c0_i32_0 = arith.constant 0 : i32
    return %arg0, %c0_i32 : i32, i32
  }
  func.func @transform_6(%arg0: i32) -> (i32, i32) {
    %c0_i32 = arith.constant 0 : i32
    %c0_i32_0 = arith.constant 0 : i32
    %c0_i32_1 = arith.constant 0 : i32
    return %c0_i32, %c0_i32_0 : i32, i32
  }
  func.func @transform_7(%arg0: i32) -> (i32, i32) {
    %c0_i32 = arith.constant 0 : i32
    %c0_i32_0 = arith.constant 0 : i32
    %c0_i32_1 = arith.constant 0 : i32
    return %c0_i32, %c0_i32_0 : i32, i32
  }
  func.func @transform_8(%arg0: i32) -> (i32, i32) {
    %c0_i32 = arith.constant 0 : i32
    %c0_i32_0 = arith.constant 0 : i32
    %c0_i32_1 = arith.constant 0 : i32
    return %c0_i32, %c0_i32_0 : i32, i32
  }
  func.func @transform_9(%arg0: i32) -> (i32, i32) {
    %c0_i32 = arith.constant 0 : i32
    %c0_i32_0 = arith.constant 0 : i32
    %c0_i32_1 = arith.constant 0 : i32
    return %c0_i32, %c0_i32_0 : i32, i32
  }
  func.func @transform_10(%arg0: i32) -> (i32, i32) {
    %c0_i32 = arith.constant 0 : i32
    %c0_i32_0 = arith.constant 0 : i32
    %c0_i32_1 = arith.constant 0 : i32
    return %c0_i32, %c0_i32_0 : i32, i32
  }
  func.func @transform_11(%arg0: i32) -> (i32, i32) {
    %c0_i32 = arith.constant 0 : i32
    %c0_i32_0 = arith.constant 0 : i32
    return %arg0, %c0_i32 : i32, i32
  }
  func.func @transform_12(%arg0: i32) -> (i32, i32) {
    %c0_i32 = arith.constant 0 : i32
    %c0_i32_0 = arith.constant 0 : i32
    return %arg0, %c0_i32 : i32, i32
  }
  func.func @transform_13(%arg0: i32) -> (i32, i32) {
    %c0_i32 = arith.constant 0 : i32
    %c0_i32_0 = arith.constant 0 : i32
    return %arg0, %c0_i32 : i32, i32
  }
}

module attributes {stable_mosaic.version = 14 : i64} {
  func.func @_tc_a(%arg0: i32, %arg1: memref<1024x128xf32, #tpu.memory_space<vmem>>, %arg2: memref<128x256xf32, #tpu.memory_space<vmem>>, %arg3: memref<1024x1xf32, #tpu.memory_space<vmem>>, %arg4: memref<1024x128xf32, #tpu.memory_space<vmem>>, %arg5: memref<1024x128xf32, #tpu.memory_space<vmem>>) attributes {dimension_semantics = [#tpu.dimension_semantics<arbitrary>], iteration_bounds = array<i64: 10>, scalar_prefetch = 0 : i64, scratch_operands = 0 : i64, tpu.core_type = #tpu.core_type<tc>, window_params = [{transform_indices = @transform_0, window_bounds = array<i64: 1024, 128>}, {pipeline_mode = #tpu.pipeline_mode<synchronous>, transform_indices = @transform_1, window_bounds = array<i64: 128, 256>}, {transform_indices = @transform_2, window_bounds = array<i64: 1024, 1>}, {transform_indices = @transform_3, window_bounds = array<i64: 1024, 128>}, {transform_indices = @transform_4, window_bounds = array<i64: 1024, 128>}]} {
    %get3A = arith.constant 0 : index
    %get3A_0 = arith.constant 0 : index
    %get3A_1 = vector.load %arg1[%get3A, %get3A_0] : memref<1024x128xf32, #tpu.memory_space<vmem>>, vector<1024x128xf32>
    %get3A_2 = arith.constant 0 : index
    %get3A_3 = arith.constant 0 : index
    %get3A_4 = vector.load %arg2[%get3A_2, %get3A_3] : memref<128x256xf32, #tpu.memory_space<vmem>>, vector<128x256xf32>
    %dot_general3A = arith.constant dense<0.000000e+00> : vector<1024x256xf32>
    %dot_general3A_5 = tpu.matmul %get3A_1, %get3A_4, %dot_general3A {dimension_numbers = #tpu.dot_dimension_numbers<[1], [0], [0], [1], [0, 0, 1, 1], [], []>, transpose_lhs_hint = false} : vector<1024x128xf32>, vector<128x256xf32>, vector<1024x256xf32> -> vector<1024x256xf32>
    %get3A_6 = arith.constant 0 : index
    %get3A_7 = arith.constant 0 : index
    %get3A_8 = vector.load %arg3[%get3A_6, %get3A_7] : memref<1024x1xf32, #tpu.memory_space<vmem>>, vector<1024x1xf32>
    %mul3A = vector.broadcast %get3A_8 : vector<1024x1xf32> to vector<1024x256xf32>
    %mul3A_9 = arith.mulf %mul3A, %dot_general3A_5 : vector<1024x256xf32>
    %slice3A = vector.extract_strided_slice %mul3A_9 {offsets = [0, 0], sizes = [1024, 128], strides = [1, 1]} : vector<1024x256xf32> to vector<1024x128xf32>
    %swap3A = arith.constant 0 : index
    %swap3A_10 = arith.constant 0 : index
    %swap3A_11 = vector.load %arg4[%swap3A, %swap3A_10] : memref<1024x128xf32, #tpu.memory_space<vmem>>, vector<1024x128xf32>
    tpu.vector_store %arg4[%swap3A, %swap3A_10], %slice3A {strides = array<i32>} : memref<1024x128xf32, #tpu.memory_space<vmem>>, vector<1024x128xf32>,
    %slice3A_12 = vector.extract_strided_slice %mul3A_9 {offsets = [0, 128], sizes = [1024, 128], strides = [1, 1]} : vector<1024x256xf32> to vector<1024x128xf32>
    %swap3A_13 = arith.constant 0 : index
    %swap3A_14 = arith.constant 0 : index
    %swap3A_15 = vector.load %arg5[%swap3A_13, %swap3A_14] : memref<1024x128xf32, #tpu.memory_space<vmem>>, vector<1024x128xf32>
    tpu.vector_store %arg5[%swap3A_13, %swap3A_14], %slice3A_12 {strides = array<i32>} : memref<1024x128xf32, #tpu.memory_space<vmem>>, vector<1024x128xf32>,
    return
  }
  func.func @transform_0(%arg0: i32) -> (i32, i32) {
    %c0_i32 = arith.constant 0 : i32
    %c0_i32_0 = arith.constant 0 : i32
    return %arg0, %c0_i32 : i32, i32
  }
  func.func @transform_1(%arg0: i32) -> (i32, i32) {
    %c0_i32 = arith.constant 0 : i32
    %c0_i32_0 = arith.constant 0 : i32
    %c0_i32_1 = arith.constant 0 : i32
    return %c0_i32, %c0_i32_0 : i32, i32
  }
  func.func @transform_2(%arg0: i32) -> (i32, i32) {
    %c0_i32 = arith.constant 0 : i32
    %c0_i32_0 = arith.constant 0 : i32
    return %arg0, %c0_i32 : i32, i32
  }
  func.func @transform_3(%arg0: i32) -> (i32, i32) {
    %c0_i32 = arith.constant 0 : i32
    %c0_i32_0 = arith.constant 0 : i32
    return %arg0, %c0_i32 : i32, i32
  }
  func.func @transform_4(%arg0: i32) -> (i32, i32) {
    %c0_i32 = arith.constant 0 : i32
    %c0_i32_0 = arith.constant 0 : i32
    return %arg0, %c0_i32 : i32, i32
  }
}

module attributes {stable_mosaic.version = 14 : i64} {
  func.func @_tc_b1(%arg0: i32, %arg1: memref<1024x128xf32, #tpu.memory_space<vmem>>, %arg2: memref<1024x128xf32, #tpu.memory_space<vmem>>, %arg3: memref<1024x128xf32, #tpu.memory_space<vmem>>, %arg4: memref<1024x128xf32, #tpu.memory_space<vmem>>, %arg5: memref<1024x1xf32, #tpu.memory_space<vmem>>, %arg6: memref<1x256xf32, #tpu.memory_space<vmem>>, %arg7: memref<1x256xf32, #tpu.memory_space<vmem>>, %arg8: memref<1x256xf32, #tpu.memory_space<vmem>>, %arg9: memref<1x1xf32, #tpu.memory_space<vmem>>, %arg10: memref<1x256xf32, #tpu.memory_space<vmem>>, %arg11: memref<1x256xf32, #tpu.memory_space<vmem>>, %arg12: memref<256x256xf32, #tpu.memory_space<vmem>>, %arg13: memref<1024x256xf32, #tpu.memory_space<vmem>>, %arg14: memref<1024x128xf32, #tpu.memory_space<vmem>>, %arg15: memref<1024x128xf32, #tpu.memory_space<vmem>>) attributes {dimension_semantics = [#tpu.dimension_semantics<arbitrary>], iteration_bounds = array<i64: 10>, scalar_prefetch = 0 : i64, scratch_operands = 0 : i64, tpu.core_type = #tpu.core_type<tc>, window_params = [{transform_indices = @transform_0, window_bounds = array<i64: 1024, 128>}, {transform_indices = @transform_1, window_bounds = array<i64: 1024, 128>}, {transform_indices = @transform_2, window_bounds = array<i64: 1024, 128>}, {transform_indices = @transform_3, window_bounds = array<i64: 1024, 128>}, {transform_indices = @transform_4, window_bounds = array<i64: 1024, 1>}, {pipeline_mode = #tpu.pipeline_mode<synchronous>, transform_indices = @transform_5, window_bounds = array<i64: 1, 256>}, {pipeline_mode = #tpu.pipeline_mode<synchronous>, transform_indices = @transform_6, window_bounds = array<i64: 1, 256>}, {pipeline_mode = #tpu.pipeline_mode<synchronous>, transform_indices = @transform_7, window_bounds = array<i64: 1, 256>}, {pipeline_mode = #tpu.pipeline_mode<synchronous>, transform_indices = @transform_8, window_bounds = array<i64: 1, 1>}, {pipeline_mode = #tpu.pipeline_mode<synchronous>, transform_indices = @transform_9, window_bounds = array<i64: 1, 256>}, {pipeline_mode = #tpu.pipeline_mode<synchronous>, transform_indices = @transform_10, window_bounds = array<i64: 1, 256>}, {pipeline_mode = #tpu.pipeline_mode<synchronous>, transform_indices = @transform_11, window_bounds = array<i64: 256, 256>}, {transform_indices = @transform_12, window_bounds = array<i64: 1024, 256>}, {transform_indices = @transform_13, window_bounds = array<i64: 1024, 128>}, {transform_indices = @transform_14, window_bounds = array<i64: 1024, 128>}]} {
    %get3A = arith.constant 0 : index
    %get3A_0 = arith.constant 0 : index
    %get3A_1 = vector.load %arg1[%get3A, %get3A_0] : memref<1024x128xf32, #tpu.memory_space<vmem>>, vector<1024x128xf32>
    %get3A_2 = arith.constant 0 : index
    %get3A_3 = arith.constant 0 : index
    %get3A_4 = vector.load %arg3[%get3A_2, %get3A_3] : memref<1024x128xf32, #tpu.memory_space<vmem>>, vector<1024x128xf32>
    %add3A = arith.addf %get3A_1, %get3A_4 : vector<1024x128xf32>
    %get3A_5 = arith.constant 0 : index
    %get3A_6 = arith.constant 0 : index
    %get3A_7 = vector.load %arg2[%get3A_5, %get3A_6] : memref<1024x128xf32, #tpu.memory_space<vmem>>, vector<1024x128xf32>
    %get3A_8 = arith.constant 0 : index
    %get3A_9 = arith.constant 0 : index
    %get3A_10 = vector.load %arg4[%get3A_8, %get3A_9] : memref<1024x128xf32, #tpu.memory_space<vmem>>, vector<1024x128xf32>
    %add3A_11 = arith.addf %get3A_7, %get3A_10 : vector<1024x128xf32>
    %concatenate3A = tpu.concatenate %add3A, %add3A_11 in 1 : vector<1024x128xf32>, vector<1024x128xf32> -> vector<1024x256xf32>
    %get3A_12 = arith.constant 0 : index
    %get3A_13 = arith.constant 0 : index
    %get3A_14 = vector.load %arg5[%get3A_12, %get3A_13] : memref<1024x1xf32, #tpu.memory_space<vmem>>, vector<1024x1xf32>
    %mul3A = vector.broadcast %get3A_14 : vector<1024x1xf32> to vector<1024x256xf32>
    %mul3A_15 = arith.mulf %mul3A, %concatenate3A : vector<1024x256xf32>
    %get3A_16 = arith.constant 0 : index
    %get3A_17 = arith.constant 0 : index
    %get3A_18 = vector.load %arg6[%get3A_16, %get3A_17] : memref<1x256xf32, #tpu.memory_space<vmem>>, vector<1x256xf32>
    %add3A_19 = vector.broadcast %get3A_18 : vector<1x256xf32> to vector<1024x256xf32>
    %add3A_20 = arith.addf %mul3A_15, %add3A_19 : vector<1024x256xf32>
    %get3A_21 = arith.constant 0 : index
    %get3A_22 = arith.constant 0 : index
    %get3A_23 = vector.load %arg7[%get3A_21, %get3A_22] : memref<1x256xf32, #tpu.memory_space<vmem>>, vector<1x256xf32>
    %get3A_24 = arith.constant 0 : index
    %get3A_25 = arith.constant 0 : index
    %get3A_26 = vector.load %arg8[%get3A_24, %get3A_25] : memref<1x256xf32, #tpu.memory_space<vmem>>, vector<1x256xf32>
    %reduce_sum3A = arith.constant dense<0.000000e+00> : vector<1024xf32>
    %reduce_sum3A_27 = vector.multi_reduction <add>, %add3A_20, %reduce_sum3A [1] : vector<1024x256xf32> to vector<1024xf32>
    %broadcast_in_dim3A = vector.shape_cast %reduce_sum3A_27 : vector<1024xf32> to vector<1024x1xf32>
    %div3A = arith.constant 2.560000e+02 : f32
    %div3A_28 = vector.broadcast %div3A : f32 to vector<1024x1xf32>
    %div3A_29 = arith.divf %broadcast_in_dim3A, %div3A_28 : vector<1024x1xf32>
    %sub3A = vector.broadcast %div3A_29 : vector<1024x1xf32> to vector<1024x256xf32>
    %sub3A_30 = arith.subf %add3A_20, %sub3A : vector<1024x256xf32>
    %integer_pow3A = arith.mulf %sub3A_30, %sub3A_30 : vector<1024x256xf32>
    %reduce_sum3A_31 = arith.constant dense<0.000000e+00> : vector<1024xf32>
    %reduce_sum3A_32 = vector.multi_reduction <add>, %integer_pow3A, %reduce_sum3A_31 [1] : vector<1024x256xf32> to vector<1024xf32>
    %broadcast_in_dim3A_33 = vector.shape_cast %reduce_sum3A_32 : vector<1024xf32> to vector<1024x1xf32>
    %div3A_34 = arith.constant 2.560000e+02 : f32
    %div3A_35 = vector.broadcast %div3A_34 : f32 to vector<1024x1xf32>
    %div3A_36 = arith.divf %broadcast_in_dim3A_33, %div3A_35 : vector<1024x1xf32>
    %sub3A_37 = vector.broadcast %div3A_29 : vector<1024x1xf32> to vector<1024x256xf32>
    %sub3A_38 = arith.subf %add3A_20, %sub3A_37 : vector<1024x256xf32>
    %add3A_39 = arith.constant 9.99999974E-6 : f32
    %add3A_40 = vector.broadcast %add3A_39 : f32 to vector<1024x1xf32>
    %add3A_41 = arith.addf %div3A_36, %add3A_40 : vector<1024x1xf32>
    %sqrt3A = math.sqrt %add3A_41 : vector<1024x1xf32>
    %div3A_42 = vector.broadcast %sqrt3A : vector<1024x1xf32> to vector<1024x256xf32>
    %div3A_43 = arith.divf %sub3A_38, %div3A_42 : vector<1024x256xf32>
    %mul3A_44 = vector.broadcast %get3A_23 : vector<1x256xf32> to vector<1024x256xf32>
    %mul3A_45 = arith.mulf %div3A_43, %mul3A_44 : vector<1024x256xf32>
    %add3A_46 = vector.broadcast %get3A_26 : vector<1x256xf32> to vector<1024x256xf32>
    %add3A_47 = arith.addf %mul3A_45, %add3A_46 : vector<1024x256xf32>
    %get3A_48 = arith.constant 0 : index
    %get3A_49 = arith.constant 0 : index
    %get3A_50 = vector.load %arg9[%get3A_48, %get3A_49] : memref<1x1xf32, #tpu.memory_space<vmem>>, vector<1x1xf32>
    %get3A_51 = vector.extract %get3A_50[0, 0] : f32 from vector<1x1xf32>
    %ge3A = arith.constant 0.000000e+00 : f32
    %ge3A_52 = vector.broadcast %ge3A : f32 to vector<1024x256xf32>
    %ge3A_53 = arith.cmpf oge, %add3A_47, %ge3A_52 : vector<1024x256xf32>
    %mul3A_54 = vector.broadcast %get3A_51 : f32 to vector<1024x256xf32>
    %mul3A_55 = arith.mulf %mul3A_54, %add3A_47 : vector<1024x256xf32>
    %select_n3A = arith.select %ge3A_53, %add3A_47, %mul3A_55 : vector<1024x256xi1>, vector<1024x256xf32>
    %get3A_56 = arith.constant 0 : index
    %get3A_57 = arith.constant 0 : index
    %get3A_58 = vector.load %arg10[%get3A_56, %get3A_57] : memref<1x256xf32, #tpu.memory_space<vmem>>, vector<1x256xf32>
    %get3A_59 = arith.constant 0 : index
    %get3A_60 = arith.constant 0 : index
    %get3A_61 = vector.load %arg11[%get3A_59, %get3A_60] : memref<1x256xf32, #tpu.memory_space<vmem>>, vector<1x256xf32>
    %reduce_sum3A_62 = arith.constant dense<0.000000e+00> : vector<1024xf32>
    %reduce_sum3A_63 = vector.multi_reduction <add>, %select_n3A, %reduce_sum3A_62 [1] : vector<1024x256xf32> to vector<1024xf32>
    %broadcast_in_dim3A_64 = vector.shape_cast %reduce_sum3A_63 : vector<1024xf32> to vector<1024x1xf32>
    %div3A_65 = arith.constant 2.560000e+02 : f32
    %div3A_66 = vector.broadcast %div3A_65 : f32 to vector<1024x1xf32>
    %div3A_67 = arith.divf %broadcast_in_dim3A_64, %div3A_66 : vector<1024x1xf32>
    %sub3A_68 = vector.broadcast %div3A_67 : vector<1024x1xf32> to vector<1024x256xf32>
    %sub3A_69 = arith.subf %select_n3A, %sub3A_68 : vector<1024x256xf32>
    %integer_pow3A_70 = arith.mulf %sub3A_69, %sub3A_69 : vector<1024x256xf32>
    %reduce_sum3A_71 = arith.constant dense<0.000000e+00> : vector<1024xf32>
    %reduce_sum3A_72 = vector.multi_reduction <add>, %integer_pow3A_70, %reduce_sum3A_71 [1] : vector<1024x256xf32> to vector<1024xf32>
    %broadcast_in_dim3A_73 = vector.shape_cast %reduce_sum3A_72 : vector<1024xf32> to vector<1024x1xf32>
    %div3A_74 = arith.constant 2.560000e+02 : f32
    %div3A_75 = vector.broadcast %div3A_74 : f32 to vector<1024x1xf32>
    %div3A_76 = arith.divf %broadcast_in_dim3A_73, %div3A_75 : vector<1024x1xf32>
    %sub3A_77 = vector.broadcast %div3A_67 : vector<1024x1xf32> to vector<1024x256xf32>
    %sub3A_78 = arith.subf %select_n3A, %sub3A_77 : vector<1024x256xf32>
    %add3A_79 = arith.constant 9.99999974E-6 : f32
    %add3A_80 = vector.broadcast %add3A_79 : f32 to vector<1024x1xf32>
    %add3A_81 = arith.addf %div3A_76, %add3A_80 : vector<1024x1xf32>
    %sqrt3A_82 = math.sqrt %add3A_81 : vector<1024x1xf32>
    %div3A_83 = vector.broadcast %sqrt3A_82 : vector<1024x1xf32> to vector<1024x256xf32>
    %div3A_84 = arith.divf %sub3A_78, %div3A_83 : vector<1024x256xf32>
    %mul3A_85 = vector.broadcast %get3A_58 : vector<1x256xf32> to vector<1024x256xf32>
    %mul3A_86 = arith.mulf %div3A_84, %mul3A_85 : vector<1024x256xf32>
    %add3A_87 = vector.broadcast %get3A_61 : vector<1x256xf32> to vector<1024x256xf32>
    %add3A_88 = arith.addf %mul3A_86, %add3A_87 : vector<1024x256xf32>
    %get3A_89 = arith.constant 0 : index
    %get3A_90 = arith.constant 0 : index
    %get3A_91 = vector.load %arg12[%get3A_89, %get3A_90] : memref<256x256xf32, #tpu.memory_space<vmem>>, vector<256x256xf32>
    %dot_general3A = arith.constant dense<0.000000e+00> : vector<1024x256xf32>
    %dot_general3A_92 = tpu.matmul %add3A_88, %get3A_91, %dot_general3A {dimension_numbers = #tpu.dot_dimension_numbers<[1], [0], [0], [1], [0, 0, 1, 1], [], []>, transpose_lhs_hint = false} : vector<1024x256xf32>, vector<256x256xf32>, vector<1024x256xf32> -> vector<1024x256xf32>
    %mul3A_93 = vector.broadcast %get3A_14 : vector<1024x1xf32> to vector<1024x256xf32>
    %mul3A_94 = arith.mulf %mul3A_93, %dot_general3A_92 : vector<1024x256xf32>
    %swap3A = arith.constant 0 : index
    %swap3A_95 = arith.constant 0 : index
    %swap3A_96 = vector.load %arg13[%swap3A, %swap3A_95] : memref<1024x256xf32, #tpu.memory_space<vmem>>, vector<1024x256xf32>
    tpu.vector_store %arg13[%swap3A, %swap3A_95], %select_n3A {strides = array<i32>} : memref<1024x256xf32, #tpu.memory_space<vmem>>, vector<1024x256xf32>,
    %slice3A = vector.extract_strided_slice %mul3A_94 {offsets = [0, 0], sizes = [1024, 128], strides = [1, 1]} : vector<1024x256xf32> to vector<1024x128xf32>
    %swap3A_97 = arith.constant 0 : index
    %swap3A_98 = arith.constant 0 : index
    %swap3A_99 = vector.load %arg14[%swap3A_97, %swap3A_98] : memref<1024x128xf32, #tpu.memory_space<vmem>>, vector<1024x128xf32>
    tpu.vector_store %arg14[%swap3A_97, %swap3A_98], %slice3A {strides = array<i32>} : memref<1024x128xf32, #tpu.memory_space<vmem>>, vector<1024x128xf32>,
    %slice3A_100 = vector.extract_strided_slice %mul3A_94 {offsets = [0, 128], sizes = [1024, 128], strides = [1, 1]} : vector<1024x256xf32> to vector<1024x128xf32>
    %swap3A_101 = arith.constant 0 : index
    %swap3A_102 = arith.constant 0 : index
    %swap3A_103 = vector.load %arg15[%swap3A_101, %swap3A_102] : memref<1024x128xf32, #tpu.memory_space<vmem>>, vector<1024x128xf32>
    tpu.vector_store %arg15[%swap3A_101, %swap3A_102], %slice3A_100 {strides = array<i32>} : memref<1024x128xf32, #tpu.memory_space<vmem>>, vector<1024x128xf32>,
    return
  }
  func.func @transform_0(%arg0: i32) -> (i32, i32) {
    %c0_i32 = arith.constant 0 : i32
    %c0_i32_0 = arith.constant 0 : i32
    return %arg0, %c0_i32 : i32, i32
  }
  func.func @transform_1(%arg0: i32) -> (i32, i32) {
    %c0_i32 = arith.constant 0 : i32
    %c0_i32_0 = arith.constant 0 : i32
    return %arg0, %c0_i32 : i32, i32
  }
  func.func @transform_2(%arg0: i32) -> (i32, i32) {
    %c0_i32 = arith.constant 0 : i32
    %c0_i32_0 = arith.constant 0 : i32
    return %arg0, %c0_i32 : i32, i32
  }
  func.func @transform_3(%arg0: i32) -> (i32, i32) {
    %c0_i32 = arith.constant 0 : i32
    %c0_i32_0 = arith.constant 0 : i32
    return %arg0, %c0_i32 : i32, i32
  }
  func.func @transform_4(%arg0: i32) -> (i32, i32) {
    %c0_i32 = arith.constant 0 : i32
    %c0_i32_0 = arith.constant 0 : i32
    return %arg0, %c0_i32 : i32, i32
  }
  func.func @transform_5(%arg0: i32) -> (i32, i32) {
    %c0_i32 = arith.constant 0 : i32
    %c0_i32_0 = arith.constant 0 : i32
    %c0_i32_1 = arith.constant 0 : i32
    return %c0_i32, %c0_i32_0 : i32, i32
  }
  func.func @transform_6(%arg0: i32) -> (i32, i32) {
    %c0_i32 = arith.constant 0 : i32
    %c0_i32_0 = arith.constant 0 : i32
    %c0_i32_1 = arith.constant 0 : i32
    return %c0_i32, %c0_i32_0 : i32, i32
  }
  func.func @transform_7(%arg0: i32) -> (i32, i32) {
    %c0_i32 = arith.constant 0 : i32
    %c0_i32_0 = arith.constant 0 : i32
    %c0_i32_1 = arith.constant 0 : i32
    return %c0_i32, %c0_i32_0 : i32, i32
  }
  func.func @transform_8(%arg0: i32) -> (i32, i32) {
    %c0_i32 = arith.constant 0 : i32
    %c0_i32_0 = arith.constant 0 : i32
    %c0_i32_1 = arith.constant 0 : i32
    return %c0_i32, %c0_i32_0 : i32, i32
  }
  func.func @transform_9(%arg0: i32) -> (i32, i32) {
    %c0_i32 = arith.constant 0 : i32
    %c0_i32_0 = arith.constant 0 : i32
    %c0_i32_1 = arith.constant 0 : i32
    return %c0_i32, %c0_i32_0 : i32, i32
  }
  func.func @transform_10(%arg0: i32) -> (i32, i32) {
    %c0_i32 = arith.constant 0 : i32
    %c0_i32_0 = arith.constant 0 : i32
    %c0_i32_1 = arith.constant 0 : i32
    return %c0_i32, %c0_i32_0 : i32, i32
  }
  func.func @transform_11(%arg0: i32) -> (i32, i32) {
    %c0_i32 = arith.constant 0 : i32
    %c0_i32_0 = arith.constant 0 : i32
    %c0_i32_1 = arith.constant 0 : i32
    return %c0_i32, %c0_i32_0 : i32, i32
  }
  func.func @transform_12(%arg0: i32) -> (i32, i32) {
    %c0_i32 = arith.constant 0 : i32
    %c0_i32_0 = arith.constant 0 : i32
    return %arg0, %c0_i32 : i32, i32
  }
  func.func @transform_13(%arg0: i32) -> (i32, i32) {
    %c0_i32 = arith.constant 0 : i32
    %c0_i32_0 = arith.constant 0 : i32
    return %arg0, %c0_i32 : i32, i32
  }
  func.func @transform_14(%arg0: i32) -> (i32, i32) {
    %c0_i32 = arith.constant 0 : i32
    %c0_i32_0 = arith.constant 0 : i32
    return %arg0, %c0_i32 : i32, i32
  }
}

module attributes {stable_mosaic.version = 14 : i64} {
  func.func @_tc_b3(%arg0: i32, %arg1: memref<1024x128xf32, #tpu.memory_space<vmem>>, %arg2: memref<1024x128xf32, #tpu.memory_space<vmem>>, %arg3: memref<1024x128xf32, #tpu.memory_space<vmem>>, %arg4: memref<1024x128xf32, #tpu.memory_space<vmem>>, %arg5: memref<1024x256xf32, #tpu.memory_space<vmem>>, %arg6: memref<1024x1xf32, #tpu.memory_space<vmem>>, %arg7: memref<1x256xf32, #tpu.memory_space<vmem>>, %arg8: memref<1024x256xf32, #tpu.memory_space<vmem>>) attributes {dimension_semantics = [#tpu.dimension_semantics<arbitrary>], iteration_bounds = array<i64: 10>, scalar_prefetch = 0 : i64, scratch_operands = 0 : i64, tpu.core_type = #tpu.core_type<tc>, window_params = [{transform_indices = @transform_0, window_bounds = array<i64: 1024, 128>}, {transform_indices = @transform_1, window_bounds = array<i64: 1024, 128>}, {transform_indices = @transform_2, window_bounds = array<i64: 1024, 128>}, {transform_indices = @transform_3, window_bounds = array<i64: 1024, 128>}, {transform_indices = @transform_4, window_bounds = array<i64: 1024, 256>}, {transform_indices = @transform_5, window_bounds = array<i64: 1024, 1>}, {pipeline_mode = #tpu.pipeline_mode<synchronous>, transform_indices = @transform_6, window_bounds = array<i64: 1, 256>}, {transform_indices = @transform_7, window_bounds = array<i64: 1024, 256>}]} {
    %get3A = arith.constant 0 : index
    %get3A_0 = arith.constant 0 : index
    %get3A_1 = vector.load %arg1[%get3A, %get3A_0] : memref<1024x128xf32, #tpu.memory_space<vmem>>, vector<1024x128xf32>
    %get3A_2 = arith.constant 0 : index
    %get3A_3 = arith.constant 0 : index
    %get3A_4 = vector.load %arg3[%get3A_2, %get3A_3] : memref<1024x128xf32, #tpu.memory_space<vmem>>, vector<1024x128xf32>
    %add3A = arith.addf %get3A_1, %get3A_4 : vector<1024x128xf32>
    %get3A_5 = arith.constant 0 : index
    %get3A_6 = arith.constant 0 : index
    %get3A_7 = vector.load %arg2[%get3A_5, %get3A_6] : memref<1024x128xf32, #tpu.memory_space<vmem>>, vector<1024x128xf32>
    %get3A_8 = arith.constant 0 : index
    %get3A_9 = arith.constant 0 : index
    %get3A_10 = vector.load %arg4[%get3A_8, %get3A_9] : memref<1024x128xf32, #tpu.memory_space<vmem>>, vector<1024x128xf32>
    %add3A_11 = arith.addf %get3A_7, %get3A_10 : vector<1024x128xf32>
    %concatenate3A = tpu.concatenate %add3A, %add3A_11 in 1 : vector<1024x128xf32>, vector<1024x128xf32> -> vector<1024x256xf32>
    %get3A_12 = arith.constant 0 : index
    %get3A_13 = arith.constant 0 : index
    %get3A_14 = vector.load %arg5[%get3A_12, %get3A_13] : memref<1024x256xf32, #tpu.memory_space<vmem>>, vector<1024x256xf32>
    %get3A_15 = arith.constant 0 : index
    %get3A_16 = arith.constant 0 : index
    %get3A_17 = vector.load %arg6[%get3A_15, %get3A_16] : memref<1024x1xf32, #tpu.memory_space<vmem>>, vector<1024x1xf32>
    %mul3A = vector.broadcast %get3A_17 : vector<1024x1xf32> to vector<1024x256xf32>
    %mul3A_18 = arith.mulf %mul3A, %concatenate3A : vector<1024x256xf32>
    %add3A_19 = arith.addf %get3A_14, %mul3A_18 : vector<1024x256xf32>
    %get3A_20 = arith.constant 0 : index
    %get3A_21 = arith.constant 0 : index
    %get3A_22 = vector.load %arg7[%get3A_20, %get3A_21] : memref<1x256xf32, #tpu.memory_space<vmem>>, vector<1x256xf32>
    %add3A_23 = vector.broadcast %get3A_22 : vector<1x256xf32> to vector<1024x256xf32>
    %add3A_24 = arith.addf %add3A_19, %add3A_23 : vector<1024x256xf32>
    %swap3A = arith.constant 0 : index
    %swap3A_25 = arith.constant 0 : index
    %swap3A_26 = vector.load %arg8[%swap3A, %swap3A_25] : memref<1024x256xf32, #tpu.memory_space<vmem>>, vector<1024x256xf32>
    tpu.vector_store %arg8[%swap3A, %swap3A_25], %add3A_24 {strides = array<i32>} : memref<1024x256xf32, #tpu.memory_space<vmem>>, vector<1024x256xf32>,
    return
  }
  func.func @transform_0(%arg0: i32) -> (i32, i32) {
    %c0_i32 = arith.constant 0 : i32
    %c0_i32_0 = arith.constant 0 : i32
    return %arg0, %c0_i32 : i32, i32
  }
  func.func @transform_1(%arg0: i32) -> (i32, i32) {
    %c0_i32 = arith.constant 0 : i32
    %c0_i32_0 = arith.constant 0 : i32
    return %arg0, %c0_i32 : i32, i32
  }
  func.func @transform_2(%arg0: i32) -> (i32, i32) {
    %c0_i32 = arith.constant 0 : i32
    %c0_i32_0 = arith.constant 0 : i32
    return %arg0, %c0_i32 : i32, i32
  }
  func.func @transform_3(%arg0: i32) -> (i32, i32) {
    %c0_i32 = arith.constant 0 : i32
    %c0_i32_0 = arith.constant 0 : i32
    return %arg0, %c0_i32 : i32, i32
  }
  func.func @transform_4(%arg0: i32) -> (i32, i32) {
    %c0_i32 = arith.constant 0 : i32
    %c0_i32_0 = arith.constant 0 : i32
    return %arg0, %c0_i32 : i32, i32
  }
  func.func @transform_5(%arg0: i32) -> (i32, i32) {
    %c0_i32 = arith.constant 0 : i32
    %c0_i32_0 = arith.constant 0 : i32
    return %arg0, %c0_i32 : i32, i32
  }
  func.func @transform_6(%arg0: i32) -> (i32, i32) {
    %c0_i32 = arith.constant 0 : i32
    %c0_i32_0 = arith.constant 0 : i32
    %c0_i32_1 = arith.constant 0 : i32
    return %c0_i32, %c0_i32_0 : i32, i32
  }
  func.func @transform_7(%arg0: i32) -> (i32, i32) {
    %c0_i32 = arith.constant 0 : i32
    %c0_i32_0 = arith.constant 0 : i32
    return %arg0, %c0_i32 : i32, i32
  }
}

</mosaic_0001>

<sc_bundles>
// kernel: kernel.10.cloned.1.call-start
scs
__scs_entry_jumppad:
0x0: {  	(pc) =	sbr.rel $0x88, $3  }
0x1: {  	(tag) =	ssettag $0x0;
	lr =	simm.s32 $0x1  }
0x2: {  	[smem:$0x3F92] =	sst lr;
	_ =	strace $0xD0000000  }
0x3: {  	_ = 	snop  }
0x4: {  	_ = 	snop  }
0x5: {  	_ = 	snop  }
0x6: {  	_ = 	snop  }
0x7: {  	_ = 	snop  }
__scs_overlays_trampoline_lowered:
0x8: {  	[smem:$0x3FA1] =	sst s0  }
0x9: {  	[smem:$0x3FA2] =	sst s1  }
0xa: {  	[smem:$0x3FA3] =	sst s2  }
0xb: {  	[smem:$0x3FA4] =	sst s3  }
0xc: {  	[smem:$0x3FA5] =	sst s4  }
0xd: {  	[smem:$0x3FA6] =	sst s5  }
0xe: {  	[smem:$0x3FA7] =	sst s6  }
0xf: {  	[smem:$0x3FA8] =	sst s7  }
0x10: {  	[smem:$0x3FA9] =	sst s8  }
0x11: {  	[smem:$0x3FAA] =	sst s9;
	s0 =	simm.s32 @!p0 $0x0  }
0x12: {  	s1 =	sld [smem:$0x3F90];
	s0 =	simm.s32 @p0 $0x1  }
0x13: {  	[smem:$0x3FAB] =	sst s0;
	s0 =	simm.s32 @!p1 $0x0  }
0x14: {  	s2 =	sld [smem:$0x3F8F];
	s0 =	simm.s32 @p1 $0x1  }
0x15: {  	[smem:$0x3FAC] =	sst s0;
	s0 =	simm.s32 @!p2 $0x0  }
0x16: {  	s3 =	sld [smem:$0x3FDB];
	s0 =	simm.s32 @p2 $0x1  }
0x17: {  	s4 =	simm.s32 $0x1BF5;
	[smem:$0x3FAE] =	sst s0  }
0x18: {  	s0 =	sld [smem:$0x3F91];
	_ =	swait.ge [sflag:s4], $0x0  }
0x19: {  	s7 =	sld [smem:$0x3F92]  }
0x1a: {  	s8 =	sadd.s32 $0xFFFFE003, lr  }
0x1b: {  	s9 =	sadd.s32 $0xFFFFFEF7, lr;
	s5 =	simm.s32 $0xFFFFFFFF;
	p2 =	slt.u32 s8, $0xFFFFF086  }
0x1c: {  	p1 =	slt.u32 s9, $0xF7A;
	s5 =	simm.s32 @!p2 $0x0  }
0x1d: {  	s5 =	simm.s32 @p1 $0x1;
	p0 =	seq.s32 s7, s2  }
0x1e: {  	s7 =	smul.u32 @!p0 $0xF7A, s2;
	p2 =	seq.s32 @!p0 s5, $0x0  }
0x1f: {  	s9 =	smul.u32 $0xF7A, s1;
	s8 =	simm.s32 @!p0 $0x1BF5;
	p2 =	por !p2, p0  }
0x20: {  	[sflag:s8] =	ssyncset.s32 @!p0 $0xFFFFF086;
	s6 =	sadd.s32 @!p0 s3, s7;
	s7 =	simm.s32 @!p0 $0x108  }
0x21: {  	s3 =	sadd.s32 s3, s9;
	s6 =	sadd.s32 @!p0 $0x88, s6;
	s7 =	simm.s32 @p2 $0x1082  }
0x22: {  	[simem:s7], [sflag:s8] =	dma.local @!p0 [hbm:s6], $0xF7A  }
0x23: {  	s9 =	sor.u32 $0xD0000000, s2;
	s6 =	simm.s32 $0x108;
	_ =	swait.ge @!p0 [sflag:s8], $0x0  }
0x24: {  	s3 =	sadd.s32 $0x88, s3;
	s6 =	simm.s32 @!p1 $0x1082;
	[sflag:s4] =	ssyncset.s32 $0xFFFFF086  }
0x25: {  	[simem:s6], [sflag:s4] =	dma.local [hbm:s3], $0xF7A  }
0x26: {  	[smem:$0x3F92] =	sst s1;
	(tag) =	ssettag s2;
	_ =	strace s9  }
0x27: {  	s1 =	sld [smem:$0x3FA2]  }
0x28: {  	s2 =	sld [smem:$0x3FA3]  }
0x29: {  	s4 =	sld [smem:$0x3FA5]  }
0x2a: {  	p0 =	seq.s32 s5, $0x0;
	s5 =	sld [smem:$0x3FA6]  }
0x2b: {  	s6 =	sld [smem:$0x3FA7]  }
0x2c: {  	s7 =	sld [smem:$0x3FA8]  }
0x2d: {  	s3 =	simm.s32 $0x108;
	s8 =	sld [smem:$0x3FA9]  }
0x2e: {  	s3 =	simm.s32 @!p0 $0x1082;
	s9 =	sld [smem:$0x3FAA]  }
0x2f: {  	lr =	sadd.s32 s0, s3;
	s0 =	sld [smem:$0x3FA1]  }
0x30: {  	s3 =	sld [smem:$0x3FA4]  }
0x31: {  	[smem:$0x3FAD] =	sst s10  }
0x32: {  	s10 =	sld [smem:$0x3FAB];
	_ =	sdelay $0x3  }
0x33: {  	p0 =	seq.s32 s10, $0x1;
	s10 =	sld [smem:$0x3FAD];
	_ =	sdelay $0x3  }
0x34: {  	[smem:$0x3FAD] =	sst s10  }
0x35: {  	s10 =	sld [smem:$0x3FAC];
	_ =	sdelay $0x3  }
0x36: {  	p1 =	seq.s32 s10, $0x1;
	s10 =	sld [smem:$0x3FAD];
	_ =	sdelay $0x3  }
0x37: {  	[smem:$0x3FAD] =	sst s10  }
0x38: {  	s10 =	sld [smem:$0x3FAE]  }
0x39: {  	_ = 	snop;
	(pc) =	sbr.ind lr, $3  }
0x3a: {  	_ = 	snop  }
0x3b: {  	_ = 	snop  }
0x3c: {  	p2 =	seq.s32 s10, $0x1;
	s10 =	sld [smem:$0x3FAD]  }
0x3d: {  	_ =	shalt  }
0x3e: {  	_ =	shalt  }
0x3f: {  	_ =	shalt  }
0x40: {  	_ =	shalt  }
0x41: {  	_ =	shalt  }
0x42: {  	_ =	shalt  }
0x43: {  	_ =	shalt  }
0x44: {  	_ =	shalt  }
0x45: {  	_ =	shalt  }
0x46: {  	_ =	shalt  }
0x47: {  	_ =	shalt  }
0x48: {  	_ =	shalt  }
0x49: {  	_ =	shalt  }
0x4a: {  	_ =	shalt  }
0x4b: {  	_ =	shalt  }
0x4c: {  	_ =	shalt  }
0x4d: {  	_ =	shalt  }
0x4e: {  	_ =	shalt  }
0x4f: {  	_ =	shalt  }
0x50: {  	_ =	shalt  }
0x51: {  	_ =	shalt  }
0x52: {  	_ =	shalt  }
0x53: {  	_ =	shalt  }
0x54: {  	_ =	shalt  }
0x55: {  	_ =	shalt  }
0x56: {  	_ =	shalt  }
0x57: {  	_ =	shalt  }
0x58: {  	_ =	shalt  }
0x59: {  	_ =	shalt  }
0x5a: {  	_ =	shalt  }
0x5b: {  	_ =	shalt  }
0x5c: {  	_ =	shalt  }
0x5d: {  	_ =	shalt  }
0x5e: {  	_ =	shalt  }
0x5f: {  	_ =	shalt  }
0x60: {  	_ =	shalt  }
0x61: {  	_ =	shalt  }
0x62: {  	_ =	shalt  }
0x63: {  	_ =	shalt  }
0x64: {  	_ =	shalt  }
0x65: {  	_ =	shalt  }
0x66: {  	_ =	shalt  }
0x67: {  	_ =	shalt  }
0x68: {  	_ =	shalt  }
0x69: {  	_ =	shalt  }
0x6a: {  	_ =	shalt  }
0x6b: {  	_ =	shalt  }
0x6c: {  	_ =	shalt  }
0x6d: {  	_ =	shalt  }
0x6e: {  	_ =	shalt  }
0x6f: {  	_ =	shalt  }
0x70: {  	_ =	shalt  }
0x71: {  	_ =	shalt  }
0x72: {  	_ =	shalt  }
0x73: {  	_ =	shalt  }
0x74: {  	_ =	shalt  }
0x75: {  	_ =	shalt  }
0x76: {  	_ =	shalt  }
0x77: {  	_ =	shalt  }
0x78: {  	_ =	shalt  }
0x79: {  	_ =	shalt  }
0x7a: {  	_ =	shalt  }
0x7b: {  	_ =	shalt  }
0x7c: {  	_ =	shalt  }
0x7d: {  	_ =	shalt  }
0x7e: {  	_ =	shalt  }
0x7f: {  	_ =	shalt  }
0x80: {  	_ =	shalt  }
0x81: {  	_ =	shalt  }
0x82: {  	_ =	shalt  }
0x83: {  	_ =	shalt  }
0x84: {  	_ =	shalt  }
0x85: {  	_ =	shalt  }
0x86: {  	_ =	shalt  }
0x87: {  	_ =	shalt  }
.Lfunc_end0:
.L_simem_size_0:
called_computation_lowered:
.L_overlay_start_0:
0x88: {  	s2 =	sld [smem:$0x3FD9]  }
0x89: {  	s3 =	sld [smem:$0x3FFE];
	_ =	sdelay $0x1  }
0x8a: {  	s1 =	srdreg.scid  }
0x8b: {  	s0 =	sand.u32 $0x1, s1  }
0x8c: {  	s17 =	sshll.u32 s0, $0xA;
	s2 =	sadd.s32 s3, s2  }
0x8d: {  	s2 =	sadd.s32 s2, s17  }
0x8e: {  	[smem:$0x3FB9] =	sst s2  }
0x8f: {  	_ = 	snop  }
0x90: {  	s2 =	sld [smem:$0x3FD0];
	(tm) =	ssettm $0x1  }
0x91: {  	s18 =	sld [smem:$0x3FFB];
	_ =	sdelay $0x3  }
0x92: {  	_ =	strace s18  }
0x93: {  	s3 =	sld [smem:$0x3FFC];
	_ =	sdelay $0x3  }
0x94: {  	_ =	strace s3  }
0x95: {  	s3 =	sld [smem:$0x3FFD];
	_ =	sdelay $0x3  }
0x96: {  	_ =	strace s3  }
0x97: {  	_ =	strace $0x8FFFFFFF  }
0x98: {  	s19 =	sld [smem:$0x3FDB];
	_ =	sdelay $0x1  }
0x99: {  	s4 =	simm.s32 $_scs_section_size  }
0x9a: {  	s5 =	simm.s32 $_size__tile_overlayer_lowered;
	s6 =	simm.s32 $_tile_overlayer_lowered  }
0x9b: {  	s22 =	simm.s32 $0x1BFF;
	s21 =	sshll.u32 s6, $0x1;
	s3 =	sadd.s32 s4, s19  }
0x9c: {  	s7 =	simm.s32 $0x0;
	s20 =	sshll.u32 s5, $0x1;
	s5 =	sadd.s32 s21, s3  }
0x9d: {  	[timem:s7], [sflag:s22] =	dma.local [hbm:s5], s20  }
0x9e: {  	_ =	swait.ge [sflag:s22], s20  }
0x9f: {  	s4 =	ssub.s32 $0x0, s20;
	[sflag:s22] =	ssyncset.done $0x0  }
0xa0: {  	[sflag:s22] =	ssyncadd.s32 s4;
	_ =	sdelay $0x1  }
0xa1: {  	s23 =	simm.s32 $0x1B8B  }
0xa2: {  	_ =	swait.ge [sflag:s23], $0x1  }
0xa3: {  	[sflag:s23] =	ssyncset.done $0x0  }
0xa4: {  	s25 =	simm.s32 $0x1B8E;
	s24 =	sld [smem:$0x3FFE];
	[sflag:s23] =	ssyncadd.s32 $0xFFFFFFFF  }
0xa5: {  	s26 =	simm.s32 $execute0_lowered;
	[smem:$0x3FD2] =	sst s25  }
0xa6: {  	s5 =	sshll.u32 s26, $0x1;
	_ =	strace $0x80000046;
	[dreg:$0x1] =	wrdreg $0xFFFFFFFF  }
0xa7: {  	s28 =	simm.s32 $_size_execute0_lowered;
	s3 =	sadd.s32 s3, s5;
	[dreg:$0x0] =	wrdreg $0x0  }
0xa8: {  	s5 =	sshll.u32 s28, $0x1;
	[dreg:$0x2] =	wrdreg s3  }
0xa9: {  	[dreg:$0x3] =	wrdreg s5  }
0xaa: {  	[dreg:$0x4] =	wrdreg $0xC0  }
0xab: {  	_ =	task [dreg:s7], $0x5FFFF  }
0xac: {  	[dreg:$0x1] =	wrdreg $0xFFFFFFFF  }
0xad: {  	[dreg:$0x0] =	wrdreg $0x60  }
0xae: {  	[dreg:$0x2] =	wrdreg s24  }
0xaf: {  	[dreg:$0x3] =	wrdreg s2  }
0xb0: {  	[dreg:$0x4] =	wrdreg $0x2B000  }
0xb1: {  	[dreg:$0x5] =	wrdreg $0x9  }
0xb2: {  	_ =	task.clear_ibuf [dreg:s7], $0x6FFFF;
	_ =	strace $0x90000046  }
0xb3: {  	s29 =	simm.s32 $0x9;
	_ =	strace $0x80000048  }
0xb4: {  	_ =	swait.ge [sflag:s29], $0x1  }
0xb5: {  	[sflag:s29] =	ssyncadd.s32 $0xFFFFFFFF  }
0xb6: {  	_ =	strace $0x90000048  }
0xb7: {  	_ =	sfence  }
0xb8: {  	s30 =	sld [smem:$0x0];
	_ =	sdelay $0x2  }
0xb9: {  	s31 =	sshll.u32 s1, $0xD;
	s1 =	sshrl.u32 s1, $0x2  }
0xba: {  	s3 =	sand.u32 $0x4000, s31;
	s1 =	sadd.s32 s1, s30  }
0xbb: {  	s0 =	sor.u32 s3, s0;
	s1 =	sshll.u32 s1, $0x11  }
0xbc: {  	s0 =	sor.u32 s1, s0  }
0xbd: {  	s0 =	sadd.s32 $0x8F2B, s0  }
0xbe: {  	[sflag:s0] =	ssyncadd.remote.s32 $0x1  }
0xbf: {  	_ =	sfence.sel $0xFFFF  }
0xc0: {  	[dreg:$0x0] =	wrdreg $0xFFFFFFFF;
	(pc) =	sbr.abs _section_cstart, $3  }
0xc1: {  	[dreg:$0x1] =	wrdreg $0xFFFFFFFF  }
0xc2: {  	_ =	task.clear_ibuf [dreg:s7], $0x2FFFF;
	_ =	strace $0x9FFFFFFF  }
0xc3: {  	(tm) =	ssettm $0x7FFFFFFF  }
tec
execute0_lowered:
.L_overlay_start_1:
0x0: {  	(tag) =	ssettag $0x1  }
0x1: {  	s4 =	rddreg [dreg:$0x0]  }
0x2: {  	s7 =	rddreg [dreg:$0x1]  }
0x3: {  	s0 =	srdreg.scid;
	s2 =	rddreg [dreg:$0x2]  }
0x4: {  	s3 =	simm.s32 $0x0;
	s6 =	sand.u32 $0x1, s0;
	s0 =	rddreg [dreg:$0x3]  }
0x5: {  	s1 =	stileid.u32;
	s14 =	simm.s32 $0x0;
	[smem:$0x7FF] =	sst s3  }
0x6: {  	s10 =	smul.u32 $0x280, s1;
	s11 =	sadd.s32 $0x19E00, s4;
	s12 =	sshll.u32 s1, $0x6  }
0x7: {  	s5 =	sshll.u32 s6, $0x4;
	s8 =	ssub.s32 $0x2, s6;
	_ =	strace $0x80000047  }
0x8: {  	p0 =	seq.s32 s6, $0x1;
	s12 =	sor.u32 $0x1C01, s12;
	s5 =	sor.u32 s1, s5  }
0x9: {  	s9 =	sshrl.u32 s8, $0x1;
	s31 =	sshrl.u32 s10, $0x3;
	s5 =	smul.u32 $0x500, s5  }
0xa: {  	s7 =	smov.u32 @p0 s11;
	s11 =	simm.s32 $0x2800;
	s8 =	ssub.s32 s8, s9  }
0xb: {  	s7 =	sadd.s32 s7, s31;
	s9 =	simm.s32 $0x2880;
	s5 =	sadd.s32 s5, s4  }
0xc: {  	s6 =	smax.u32 s8, $0x1;
	s4 =	sadd.s32 $0x5E00, s5;
	s5 =	sadd.s32 s10, s2  }
0xd: {  	v0 =	vimm.f32 $1.000000000e+00;
	v1 =	vimm.f32 $0.0e+00;
	s8 =	simm.s32 $0x1;
	s10 =	simm.s32 $0x80;
	s13 =	sshrl.u32 s5, $0x3  }
.LBB2_1:
0xe: {  	[tilespmem:$0x2800] =	vst v0  }
0xf: {  	[tilespmem:$0x2810] =	vst v0  }
0x10: {  	[tilespmem:$0x2820] =	vst v0  }
0x11: {  	[tilespmem:$0x2830] =	vst v0  }
0x12: {  	[tilespmem:$0x2840] =	vst v0  }
0x13: {  	[tilespmem:$0x2850] =	vst v0  }
0x14: {  	[tilespmem:$0x2860] =	vst v0  }
0x15: {  	[tilespmem:$0x2870] =	vst v0  }
0x16: {  	[tilespmem:$0x2880] =	vst v1  }
0x17: {  	[tilespmem:$0x2890] =	vst v1  }
0x18: {  	[tilespmem:$0x28A0] =	vst v1  }
0x19: {  	[tilespmem:$0x28B0] =	vst v1  }
0x1a: {  	[tilespmem:$0x28C0] =	vst v1  }
0x1b: {  	[tilespmem:$0x28D0] =	vst v1  }
0x1c: {  	[tilespmem:$0x28E0] =	vst v1  }
0x1d: {  	[tilespmem:$0x28F0] =	vst v1  }
0x1e: {  	[tilespmem:$0x2900] =	vst v1  }
0x1f: {  	[tilespmem:$0x2910] =	vst v1  }
0x20: {  	[tilespmem:$0x2920] =	vst v1  }
0x21: {  	[tilespmem:$0x2930] =	vst v1  }
0x22: {  	[tilespmem:$0x2940] =	vst v1  }
0x23: {  	[tilespmem:$0x2950] =	vst v1  }
0x24: {  	[tilespmem:$0x2960] =	vst v1  }
0x25: {  	[tilespmem:$0x2970] =	vst v1  }
0x26: {  	[tilespmem:$0x2980] =	vst v1  }
0x27: {  	[tilespmem:$0x2990] =	vst v1  }
0x28: {  	[tilespmem:$0x29A0] =	vst v1  }
0x29: {  	[tilespmem:$0x29B0] =	vst v1  }
0x2a: {  	[tilespmem:$0x29C0] =	vst v1  }
0x2b: {  	[tilespmem:$0x29D0] =	vst v1  }
0x2c: {  	[tilespmem:$0x29E0] =	vst v1  }
0x2d: {  	[tilespmem:$0x29F0] =	vst v1  }
0x2e: {  	[tilespmem:$0x2A00] =	vst v1  }
0x2f: {  	[tilespmem:$0x2A10] =	vst v1  }
0x30: {  	[tilespmem:$0x2A20] =	vst v1  }
0x31: {  	[tilespmem:$0x2A30] =	vst v1  }
0x32: {  	[tilespmem:$0x2A40] =	vst v1  }
0x33: {  	[tilespmem:$0x2A50] =	vst v1  }
0x34: {  	[tilespmem:$0x2A60] =	vst v1  }
0x35: {  	[tilespmem:$0x2A70] =	vst v1  }
0x36: {  	[tilespmem:$0x2A80] =	vst v1  }
0x37: {  	[tilespmem:$0x2A90] =	vst v1  }
0x38: {  	[tilespmem:$0x2AA0] =	vst v1  }
0x39: {  	[tilespmem:$0x2AB0] =	vst v1  }
0x3a: {  	[tilespmem:$0x2AC0] =	vst v1  }
0x3b: {  	[tilespmem:$0x2AD0] =	vst v1  }
0x3c: {  	[tilespmem:$0x2AE0] =	vst v1  }
0x3d: {  	[tilespmem:$0x2AF0] =	vst v1  }
0x3e: {  	[tilespmem:s3], [sflag:$0x1] =	stream.linear.gather [hbm4b:s4+s3], $0x2800, $0x38;
	[tilespmem:$0x2D80] =	vst v63  }
0x3f: {  	_ =	swait.ge [sflag:s8], $0x2800  }
0x40: {  	[sflag:s8] =	ssyncset.done $0x0  }
0x41: {  	[sflag:s8] =	ssyncadd.s32 $0xFFFFD800  }
0x42: {  	[spmem:s5] =	stream.linear.scatter [tilespmem:s9], [sflag:$0x1], $0x280, $0x38;
	[tilespmem:$0x2D80] =	vst v63  }
0x43: {  	_ =	swait.ge [sflag:s8], $0x280  }
0x44: {  	[sflag:s8] =	ssyncset.done $0x0  }
0x45: {  	[sflag:s8] =	ssyncadd.s32 $0xFFFFFD80  }
0x46: {  	s15 =	simm.s32 $0x0;
	[bflag:$0x0] =	sbarrier.arrive $0xFFFF  }
0x47: {  	[spmem:s2] =	stream.indirect.scatter.add.f32 [tilespmem:s11], [sflag:$0x1], $0x1, s15, s10, $0xb8;
	[tilespmem:$0x2D80] =	vst v63  }
0x48: {  	_ =	swait.ge [sflag:s8], $0x80  }
0x49: {  	s15 =	simm.s32 $0x200;
	[sflag:s8] =	ssyncset.done $0x0  }
.LBB2_2:
0x4a: {  	s16 =	sshra.s32 s15, $0x2;
	[sflag:s8] =	ssyncadd.s32 $0xFFFFFF80;
	p0 =	sne.s32 s15, $0x9E00  }
0x4b: {  	[spmem:s2] =	stream.indirect.scatter.add.f32 [tilespmem:s11], [sflag:$0x1], $0x1, s16, s10, $0xb8;
	[tilespmem:$0x2D80] =	vst v63  }
.Ltmp0:
0x4c: {  	_ = 	snop;
	(pc) =	sbr.rel @p0 .LBB2_2-.Ltmp0, $4  }
0x4d: {  	_ = 	snop  }
0x4e: {  	s15 =	sadd.s32 $0x200, s15  }
0x4f: {  	_ =	swait.ge [sflag:s8], $0x80  }
0x50: {  	[sflag:s8] =	ssyncset.done $0x0  }
0x51: {  	s14 =	sadd.s32 $0x1, s14  }
0x52: {  	[sflag:s8] =	ssyncadd.s32 $0xFFFFFF80;
	p0 =	sne.s32 s14, s6  }
.Ltmp1:
0x53: {  	[bflag:$0x0] =	sbarrier.arrive $0xFFFF;
	(pc) =	sbr.rel @p0 .LBB2_1-.Ltmp1, $4  }
0x54: {  	[hbm:s7], [sflag:s12] =	dma.local [spmem:s13], $0x50  }
0x55: {  	_ =	swait.ge [sflag:s8], $0x50  }
0x56: {  	[sflag:s8] =	ssyncset.done $0x0  }
0x57: {  	[sflag:s8] =	ssyncadd.s32 $0xFFFFFFB0  }
0x58: {  	_ =	sfence.sel $0x180000  }
0x59: {  	[bflag:$0x0] =	sbarrier.arrive $0xFFFF  }
0x5a: {  	p0 =	sne.s32 s1, $0x0;
	_ =	strace $0x90000047  }
0x5b: {  	s0 =	sadd.s32 @!p0 $0x100000, s0;
	[bflag:$0x2] =	sbarrier.arrive $0xFFFF  }
0x5c: {  	[sflag:s0] =	ssyncadd.tile.s32 @!p0 $0x1;
	_ =	shalt  }
.Lfunc_end2:
_tile_overlayer_lowered:
.L_overlay_start_2:
0x5d: {  	(tag) =	ssettag $0x2  }
0x5e: {  	s0 =	rddreg [dreg:$0x0];
	s2 =	stileid.u32  }
0x5f: {  	s1 =	rddreg [dreg:$0x1];
	p0 =	sne.s32 s2, $0x0  }
0x60: {  	s3 =	rddreg [dreg:$0x2];
	[bflag:$0x3] =	sbarrier.arrive $0xFFFF;
	s2 =	simm.s32 @!p0 $0x1C01  }
0x61: {  	[timem:s3], [sflag:s2] =	dma.local @!p0 [hbm:s0], s1  }
0x62: {  	s0 =	simm.s32 @!p0 $0x1  }
0x63: {  	_ =	swait.ge @!p0 [sflag:s0], s1  }
0x64: {  	s1 =	ssub.s32 @!p0 $0x0, s1;
	[sflag:s0] =	ssyncset.done @!p0 $0x0  }
0x65: {  	[sflag:s0] =	ssyncadd.s32 @!p0 s1  }
0x66: {  	[bflag:$0x3] =	sbarrier.arrive $0xFFFF  }
0x67: {  	_ =	shalt  }

// kernel: kernel.13.cloned.1.call-start
scs
__scs_entry_jumppad:
0x0: {  	(pc) =	sbr.rel $0x88, $3  }
0x1: {  	(tag) =	ssettag $0x0;
	lr =	simm.s32 $0x1  }
0x2: {  	[smem:$0x3F92] =	sst lr;
	_ =	strace $0xD0000000  }
0x3: {  	_ = 	snop  }
0x4: {  	_ = 	snop  }
0x5: {  	_ = 	snop  }
0x6: {  	_ = 	snop  }
0x7: {  	_ = 	snop  }
__scs_overlays_trampoline_lowered:
0x8: {  	[smem:$0x3FA1] =	sst s0  }
0x9: {  	[smem:$0x3FA2] =	sst s1  }
0xa: {  	[smem:$0x3FA3] =	sst s2  }
0xb: {  	[smem:$0x3FA4] =	sst s3  }
0xc: {  	[smem:$0x3FA5] =	sst s4  }
0xd: {  	[smem:$0x3FA6] =	sst s5  }
0xe: {  	[smem:$0x3FA7] =	sst s6  }
0xf: {  	[smem:$0x3FA8] =	sst s7  }
0x10: {  	[smem:$0x3FA9] =	sst s8  }
0x11: {  	[smem:$0x3FAA] =	sst s9;
	s0 =	simm.s32 @!p0 $0x0  }
0x12: {  	s1 =	sld [smem:$0x3F90];
	s0 =	simm.s32 @p0 $0x1  }
0x13: {  	[smem:$0x3FAB] =	sst s0;
	s0 =	simm.s32 @!p1 $0x0  }
0x14: {  	s2 =	sld [smem:$0x3F8F];
	s0 =	simm.s32 @p1 $0x1  }
0x15: {  	[smem:$0x3FAC] =	sst s0;
	s0 =	simm.s32 @!p2 $0x0  }
0x16: {  	s3 =	sld [smem:$0x3FDB];
	s0 =	simm.s32 @p2 $0x1  }
0x17: {  	s4 =	simm.s32 $0x1BF5;
	[smem:$0x3FAE] =	sst s0  }
0x18: {  	s0 =	sld [smem:$0x3F91];
	_ =	swait.ge [sflag:s4], $0x0  }
0x19: {  	s7 =	sld [smem:$0x3F92]  }
0x1a: {  	s8 =	sadd.s32 $0xFFFFE003, lr  }
0x1b: {  	s9 =	sadd.s32 $0xFFFFFEF7, lr;
	s5 =	simm.s32 $0xFFFFFFFF;
	p2 =	slt.u32 s8, $0xFFFFF086  }
0x1c: {  	p1 =	slt.u32 s9, $0xF7A;
	s5 =	simm.s32 @!p2 $0x0  }
0x1d: {  	s5 =	simm.s32 @p1 $0x1;
	p0 =	seq.s32 s7, s2  }
0x1e: {  	s7 =	smul.u32 @!p0 $0xF7A, s2;
	p2 =	seq.s32 @!p0 s5, $0x0  }
0x1f: {  	s9 =	smul.u32 $0xF7A, s1;
	s8 =	simm.s32 @!p0 $0x1BF5;
	p2 =	por !p2, p0  }
0x20: {  	[sflag:s8] =	ssyncset.s32 @!p0 $0xFFFFF086;
	s6 =	sadd.s32 @!p0 s3, s7;
	s7 =	simm.s32 @!p0 $0x108  }
0x21: {  	s3 =	sadd.s32 s3, s9;
	s6 =	sadd.s32 @!p0 $0x88, s6;
	s7 =	simm.s32 @p2 $0x1082  }
0x22: {  	[simem:s7], [sflag:s8] =	dma.local @!p0 [hbm:s6], $0xF7A  }
0x23: {  	s9 =	sor.u32 $0xD0000000, s2;
	s6 =	simm.s32 $0x108;
	_ =	swait.ge @!p0 [sflag:s8], $0x0  }
0x24: {  	s3 =	sadd.s32 $0x88, s3;
	s6 =	simm.s32 @!p1 $0x1082;
	[sflag:s4] =	ssyncset.s32 $0xFFFFF086  }
0x25: {  	[simem:s6], [sflag:s4] =	dma.local [hbm:s3], $0xF7A  }
0x26: {  	[smem:$0x3F92] =	sst s1;
	(tag) =	ssettag s2;
	_ =	strace s9  }
0x27: {  	s1 =	sld [smem:$0x3FA2]  }
0x28: {  	s2 =	sld [smem:$0x3FA3]  }
0x29: {  	s4 =	sld [smem:$0x3FA5]  }
0x2a: {  	p0 =	seq.s32 s5, $0x0;
	s5 =	sld [smem:$0x3FA6]  }
0x2b: {  	s6 =	sld [smem:$0x3FA7]  }
0x2c: {  	s7 =	sld [smem:$0x3FA8]  }
0x2d: {  	s3 =	simm.s32 $0x108;
	s8 =	sld [smem:$0x3FA9]  }
0x2e: {  	s3 =	simm.s32 @!p0 $0x1082;
	s9 =	sld [smem:$0x3FAA]  }
0x2f: {  	lr =	sadd.s32 s0, s3;
	s0 =	sld [smem:$0x3FA1]  }
0x30: {  	s3 =	sld [smem:$0x3FA4]  }
0x31: {  	[smem:$0x3FAD] =	sst s10  }
0x32: {  	s10 =	sld [smem:$0x3FAB];
	_ =	sdelay $0x3  }
0x33: {  	p0 =	seq.s32 s10, $0x1;
	s10 =	sld [smem:$0x3FAD];
	_ =	sdelay $0x3  }
0x34: {  	[smem:$0x3FAD] =	sst s10  }
0x35: {  	s10 =	sld [smem:$0x3FAC];
	_ =	sdelay $0x3  }
0x36: {  	p1 =	seq.s32 s10, $0x1;
	s10 =	sld [smem:$0x3FAD];
	_ =	sdelay $0x3  }
0x37: {  	[smem:$0x3FAD] =	sst s10  }
0x38: {  	s10 =	sld [smem:$0x3FAE]  }
0x39: {  	_ = 	snop;
	(pc) =	sbr.ind lr, $3  }
0x3a: {  	_ = 	snop  }
0x3b: {  	_ = 	snop  }
0x3c: {  	p2 =	seq.s32 s10, $0x1;
	s10 =	sld [smem:$0x3FAD]  }
0x3d: {  	_ =	shalt  }
0x3e: {  	_ =	shalt  }
0x3f: {  	_ =	shalt  }
0x40: {  	_ =	shalt  }
0x41: {  	_ =	shalt  }
0x42: {  	_ =	shalt  }
0x43: {  	_ =	shalt  }
0x44: {  	_ =	shalt  }
0x45: {  	_ =	shalt  }
0x46: {  	_ =	shalt  }
0x47: {  	_ =	shalt  }
0x48: {  	_ =	shalt  }
0x49: {  	_ =	shalt  }
0x4a: {  	_ =	shalt  }
0x4b: {  	_ =	shalt  }
0x4c: {  	_ =	shalt  }
0x4d: {  	_ =	shalt  }
0x4e: {  	_ =	shalt  }
0x4f: {  	_ =	shalt  }
0x50: {  	_ =	shalt  }
0x51: {  	_ =	shalt  }
0x52: {  	_ =	shalt  }
0x53: {  	_ =	shalt  }
0x54: {  	_ =	shalt  }
0x55: {  	_ =	shalt  }
0x56: {  	_ =	shalt  }
0x57: {  	_ =	shalt  }
0x58: {  	_ =	shalt  }
0x59: {  	_ =	shalt  }
0x5a: {  	_ =	shalt  }
0x5b: {  	_ =	shalt  }
0x5c: {  	_ =	shalt  }
0x5d: {  	_ =	shalt  }
0x5e: {  	_ =	shalt  }
0x5f: {  	_ =	shalt  }
0x60: {  	_ =	shalt  }
0x61: {  	_ =	shalt  }
0x62: {  	_ =	shalt  }
0x63: {  	_ =	shalt  }
0x64: {  	_ =	shalt  }
0x65: {  	_ =	shalt  }
0x66: {  	_ =	shalt  }
0x67: {  	_ =	shalt  }
0x68: {  	_ =	shalt  }
0x69: {  	_ =	shalt  }
0x6a: {  	_ =	shalt  }
0x6b: {  	_ =	shalt  }
0x6c: {  	_ =	shalt  }
0x6d: {  	_ =	shalt  }
0x6e: {  	_ =	shalt  }
0x6f: {  	_ =	shalt  }
0x70: {  	_ =	shalt  }
0x71: {  	_ =	shalt  }
0x72: {  	_ =	shalt  }
0x73: {  	_ =	shalt  }
0x74: {  	_ =	shalt  }
0x75: {  	_ =	shalt  }
0x76: {  	_ =	shalt  }
0x77: {  	_ =	shalt  }
0x78: {  	_ =	shalt  }
0x79: {  	_ =	shalt  }
0x7a: {  	_ =	shalt  }
0x7b: {  	_ =	shalt  }
0x7c: {  	_ =	shalt  }
0x7d: {  	_ =	shalt  }
0x7e: {  	_ =	shalt  }
0x7f: {  	_ =	shalt  }
0x80: {  	_ =	shalt  }
0x81: {  	_ =	shalt  }
0x82: {  	_ =	shalt  }
0x83: {  	_ =	shalt  }
0x84: {  	_ =	shalt  }
0x85: {  	_ =	shalt  }
0x86: {  	_ =	shalt  }
0x87: {  	_ =	shalt  }
.Lfunc_end0:
.L_simem_size_0:
called_computation.1_lowered:
.L_overlay_start_0:
0x88: {  	s2 =	sld [smem:$0x3FD9]  }
0x89: {  	s3 =	sld [smem:$0x3FFE];
	_ =	sdelay $0x1  }
0x8a: {  	s1 =	srdreg.scid  }
0x8b: {  	s0 =	sand.u32 $0x1, s1  }
0x8c: {  	s17 =	sshll.u32 s0, $0xA;
	s2 =	sadd.s32 s3, s2  }
0x8d: {  	s2 =	sadd.s32 s2, s17  }
0x8e: {  	[smem:$0x3FB9] =	sst s2  }
0x8f: {  	_ = 	snop  }
0x90: {  	s2 =	sld [smem:$0x3FD0];
	(tm) =	ssettm $0x1  }
0x91: {  	s18 =	sld [smem:$0x3FFB];
	_ =	sdelay $0x3  }
0x92: {  	_ =	strace s18  }
0x93: {  	s3 =	sld [smem:$0x3FFC];
	_ =	sdelay $0x3  }
0x94: {  	_ =	strace s3  }
0x95: {  	s3 =	sld [smem:$0x3FFD];
	_ =	sdelay $0x3  }
0x96: {  	_ =	strace s3  }
0x97: {  	_ =	strace $0x8FFFFFFF  }
0x98: {  	s19 =	sld [smem:$0x3FDB];
	_ =	sdelay $0x1  }
0x99: {  	s4 =	simm.s32 $_scs_section_size  }
0x9a: {  	s5 =	simm.s32 $_size__tile_overlayer_lowered;
	s6 =	simm.s32 $_tile_overlayer_lowered  }
0x9b: {  	s22 =	simm.s32 $0x1BFF;
	s21 =	sshll.u32 s6, $0x1;
	s3 =	sadd.s32 s4, s19  }
0x9c: {  	s7 =	simm.s32 $0x0;
	s20 =	sshll.u32 s5, $0x1;
	s5 =	sadd.s32 s21, s3  }
0x9d: {  	[timem:s7], [sflag:s22] =	dma.local [hbm:s5], s20  }
0x9e: {  	_ =	swait.ge [sflag:s22], s20  }
0x9f: {  	s4 =	ssub.s32 $0x0, s20;
	[sflag:s22] =	ssyncset.done $0x0  }
0xa0: {  	[sflag:s22] =	ssyncadd.s32 s4;
	_ =	sdelay $0x1  }
0xa1: {  	s23 =	simm.s32 $0x1B8B  }
0xa2: {  	_ =	swait.ge [sflag:s23], $0x1  }
0xa3: {  	[sflag:s23] =	ssyncset.done $0x0  }
0xa4: {  	s25 =	simm.s32 $0x1B8E;
	s24 =	sld [smem:$0x3FFE];
	[sflag:s23] =	ssyncadd.s32 $0xFFFFFFFF  }
0xa5: {  	s26 =	simm.s32 $execute0_lowered;
	[smem:$0x3FD2] =	sst s25  }
0xa6: {  	s5 =	sshll.u32 s26, $0x1;
	_ =	strace $0x80000049;
	[dreg:$0x1] =	wrdreg $0xFFFFFFFF  }
0xa7: {  	s28 =	simm.s32 $_size_execute0_lowered;
	s3 =	sadd.s32 s3, s5;
	[dreg:$0x0] =	wrdreg $0x0  }
0xa8: {  	s5 =	sshll.u32 s28, $0x1;
	[dreg:$0x2] =	wrdreg s3  }
0xa9: {  	[dreg:$0x3] =	wrdreg s5  }
0xaa: {  	[dreg:$0x4] =	wrdreg $0xC0  }
0xab: {  	_ =	task [dreg:s7], $0x5FFFF  }
0xac: {  	[dreg:$0x1] =	wrdreg $0xFFFFFFFF  }
0xad: {  	[dreg:$0x0] =	wrdreg $0x60  }
0xae: {  	[dreg:$0x2] =	wrdreg s24  }
0xaf: {  	[dreg:$0x3] =	wrdreg s2  }
0xb0: {  	[dreg:$0x4] =	wrdreg $0xA0000  }
0xb1: {  	[dreg:$0x5] =	wrdreg $0x9  }
0xb2: {  	_ =	task.clear_ibuf [dreg:s7], $0x6FFFF;
	_ =	strace $0x90000049  }
0xb3: {  	s29 =	simm.s32 $0x9;
	_ =	strace $0x8000004B  }
0xb4: {  	_ =	swait.ge [sflag:s29], $0x1  }
0xb5: {  	[sflag:s29] =	ssyncadd.s32 $0xFFFFFFFF  }
0xb6: {  	_ =	strace $0x9000004B  }
0xb7: {  	_ =	sfence  }
0xb8: {  	s30 =	sld [smem:$0x0];
	_ =	sdelay $0x2  }
0xb9: {  	s31 =	sshll.u32 s1, $0xD;
	s1 =	sshrl.u32 s1, $0x2  }
0xba: {  	s3 =	sand.u32 $0x4000, s31;
	s1 =	sadd.s32 s1, s30  }
0xbb: {  	s0 =	sor.u32 s3, s0;
	s1 =	sshll.u32 s1, $0x11  }
0xbc: {  	s0 =	sor.u32 s1, s0  }
0xbd: {  	s0 =	sadd.s32 $0x8F2B, s0  }
0xbe: {  	[sflag:s0] =	ssyncadd.remote.s32 $0x1  }
0xbf: {  	_ =	sfence.sel $0xFFFF  }
0xc0: {  	[dreg:$0x0] =	wrdreg $0xFFFFFFFF;
	(pc) =	sbr.abs _section_cstart, $3  }
0xc1: {  	[dreg:$0x1] =	wrdreg $0xFFFFFFFF  }
0xc2: {  	_ =	task.clear_ibuf [dreg:s7], $0x2FFFF;
	_ =	strace $0x9FFFFFFF  }
0xc3: {  	(tm) =	ssettm $0x7FFFFFFF  }
tec
execute0_lowered:
.L_overlay_start_1:
0x0: {  	(tag) =	ssettag $0x1  }
0x1: {  	s0 =	rddreg [dreg:$0x0]  }
0x2: {  	s1 =	rddreg [dreg:$0x1]  }
0x3: {  	s2 =	rddreg [dreg:$0x2]  }
0x4: {  	s3 =	simm.s32 $0x0;
	s15 =	srdreg.scid;
	s16 =	stileid.u32  }
0x5: {  	s28 =	simm.s32 $0x6000;
	s29 =	simm.s32 $0x2;
	s30 =	simm.s32 $0xF80  }
0x6: {  	s31 =	simm.s32 $0x1F00;
	[smem:$0x7FF] =	sst s3;
	s8 =	smul.u32 $0x280, s16  }
0x7: {  	s5 =	sadd.s32 $0xFE00, s0;
	s3 =	sand.u32 $0x1, s15;
	s10 =	smul.u32 $0x50000, s16  }
0x8: {  	s6 =	sadd.s32 $0x5E00, s0;
	s7 =	sadd.s32 $0x41E00, s0;
	s14 =	smul.u32 $0x5000, s16  }
0x9: {  	s11 =	sadd.s32 $0x69E00, s0;
	s0 =	sadd.s32 $0x91E00, s0;
	s25 =	smul.u32 $0x2800, s16  }
0xa: {  	_ =	strace $0x8000004A;
	s4 =	ssub.s32 $0x2, s3;
	[dreg:$0x4] =	wrdreg s11  }
0xb: {  	[dreg:$0x5] =	wrdreg s0;
	p0 =	seq.s32 s3, $0x1;
	s9 =	sshrl.u32 s4, $0x1  }
0xc: {  	s17 =	sshrl.u32 s10, $0x2;
	s18 =	sadd.s32 $0x80, s8;
	s21 =	sadd.s32 $0x100, s8  }
0xd: {  	s19 =	sadd.s32 $0x180, s8;
	s8 =	sadd.s32 $0x200, s8;
	[dreg:$0x6] =	wrdreg s25  }
0xe: {  	s25 =	simm.s32 $0x80;
	s0 =	ssub.s32 s4, s9;
	s10 =	sadd.s32 s17, s2  }
0xf: {  	s20 =	sshll.u32 s18, $0x7;
	s22 =	sshll.u32 s21, $0x7;
	s23 =	sshll.u32 s19, $0x7  }
0x10: {  	s24 =	sshll.u32 s8, $0x7;
	s26 =	sshll.u32 s18, $0x4;
	s18 =	sshll.u32 s21, $0x4  }
.Ltmp0:
0x11: {  	s19 =	sshll.u32 s19, $0x4;
	s11 =	sadd.s32 s20, s2;
	(pc) =	sbr.rel .LBB2_1-.Ltmp0, $4  }
0x12: {  	s12 =	sadd.s32 s22, s2;
	s13 =	sadd.s32 s23, s2;
	s15 =	sadd.s32 s24, s2  }
0x13: {  	[dreg:$0x7] =	wrdreg s26;
	s20 =	sshll.u32 s8, $0x4;
	s21 =	smax.u32 s0, $0x1  }
0x14: {  	s22 =	simm.s32 $0x2000;
	s23 =	simm.s32 $0x3;
	s24 =	simm.s32 $0x1000  }
0x15: {  	v0 =	vimm.f32 $0.0e+00;
	s26 =	simm.s32 $0x1;
	s0 =	simm.s32 $0x1F80;
	s8 =	simm.s32 $0x0  }
.LBB2_14:
0x16: {  	s9 =	stileid.u32  }
0x17: {  	s4 =	rddreg [dreg:$0x6];
	[bflag:$0x0] =	sbarrier.arrive $0xFFFF;
	s9 =	sshll.u32 s9, $0x6  }
0x18: {  	s16 =	sshrl.u32 s10, $0x3;
	s4 =	sadd.s32 s3, s4;
	s9 =	sor.u32 $0x1C03, s9  }
0x19: {  	[hbm:s4], [sflag:s9] =	dma.local [spmem:s16], $0x800  }
0x1a: {  	_ =	swait.ge [sflag:s23], $0x800  }
0x1b: {  	[sflag:s23] =	ssyncset.done $0x0;
	s16 =	rddreg [dreg:$0x7]  }
0x1c: {  	s17 =	sshrl.u32 s11, $0x3;
	s4 =	sadd.s32 s3, s16;
	[sflag:s23] =	ssyncadd.s32 $0xFFFFF800  }
0x1d: {  	[hbm:s4], [sflag:s9] =	dma.local [spmem:s17], $0x800  }
0x1e: {  	_ =	swait.ge [sflag:s23], $0x800  }
0x1f: {  	[sflag:s23] =	ssyncset.done $0x0  }
0x20: {  	s16 =	sadd.s32 s3, s18;
	s17 =	sshrl.u32 s12, $0x3;
	[sflag:s23] =	ssyncadd.s32 $0xFFFFF800  }
0x21: {  	[hbm:s16], [sflag:s9] =	dma.local [spmem:s17], $0x800  }
0x22: {  	_ =	swait.ge [sflag:s23], $0x800  }
0x23: {  	[sflag:s23] =	ssyncset.done $0x0  }
0x24: {  	s16 =	sadd.s32 s3, s19;
	s17 =	sshrl.u32 s13, $0x3;
	[sflag:s23] =	ssyncadd.s32 $0xFFFFF800  }
0x25: {  	[hbm:s16], [sflag:s9] =	dma.local [spmem:s17], $0x800  }
0x26: {  	s8 =	sadd.s32 $0x1, s8;
	_ =	swait.ge [sflag:s23], $0x800  }
0x27: {  	p1 =	sne.s32 s8, s21;
	s16 =	sadd.s32 s3, s20;
	[sflag:s23] =	ssyncset.done $0x0  }
.Ltmp1:
0x28: {  	s17 =	sshrl.u32 s15, $0x3;
	[sflag:s23] =	ssyncadd.s32 $0xFFFFF800;
	(pc) =	sbr.rel @!p1 .LBB2_15-.Ltmp1, $4  }
0x29: {  	[hbm:s16], [sflag:s9] =	dma.local [spmem:s17], $0x800  }
0x2a: {  	_ =	swait.ge [sflag:s23], $0x800  }
0x2b: {  	[sflag:s23] =	ssyncset.done $0x0  }
0x2c: {  	[sflag:s23] =	ssyncadd.s32 $0xFFFFF800  }
.LBB2_1:
.Ltmp2:
0x2d: {  	(pc) =	sbr.rel @!p0 .LBB2_2-.Ltmp2, $3  }
0x2e: {  	_ =	sdelay $0x1  }
0x2f: {  	s4 =	simm.s32 $0x0  }
0x30: {  	s3 =	sshra.s32 s4, $0x2;
	s4 =	sadd.s32 $0x200, s4  }
.LBB2_8:
0x31: {  	p1 =	sne.s32 s4, $0xFE00;
	[tilespmem:s3+$0x2070] =	vst v0  }
0x32: {  	[tilespmem:s3+$0x2000] =	vst v0  }
0x33: {  	[tilespmem:s3+$0x2010] =	vst v0  }
.Ltmp3:
0x34: {  	[tilespmem:s3+$0x2020] =	vst v0;
	(pc) =	sbr.rel @p1 .LBB2_8-.Ltmp3, $4  }
0x35: {  	[tilespmem:s3+$0x2030] =	vst v0  }
0x36: {  	[tilespmem:s3+$0x2040] =	vst v0  }
0x37: {  	[tilespmem:s3+$0x2050] =	vst v0  }
0x38: {  	[tilespmem:s3+$0x2060] =	vst v0;
	s3 =	sshra.s32 s4, $0x2;
	s4 =	sadd.s32 $0x200, s4  }
0x39: {  	[tilespmem:s3+$0x2070] =	vst v0  }
0x3a: {  	[tilespmem:s3+$0x2000] =	vst v0  }
0x3b: {  	[tilespmem:s3+$0x2010] =	vst v0  }
0x3c: {  	[tilespmem:s3+$0x2020] =	vst v0  }
0x3d: {  	[tilespmem:s3+$0x2030] =	vst v0  }
0x3e: {  	[tilespmem:s3+$0x2040] =	vst v0  }
0x3f: {  	[tilespmem:s3+$0x2050] =	vst v0  }
0x40: {  	[tilespmem:s3+$0x2060] =	vst v0  }
0x41: {  	[spmem:s10] =	stream.linear.scatter [tilespmem:s22], [sflag:$0x3], $0x4000, $0x38;
	[tilespmem:$0x1E000] =	vst v63  }
0x42: {  	_ =	swait.ge [sflag:s23], $0x4000  }
0x43: {  	[sflag:s23] =	ssyncset.done $0x0  }
0x44: {  	[sflag:s23] =	ssyncadd.s32 $0xFFFFC000  }
0x45: {  	[spmem:s11] =	stream.linear.scatter [tilespmem:s22], [sflag:$0x3], $0x4000, $0x38;
	[tilespmem:$0x1E000] =	vst v63  }
0x46: {  	_ =	swait.ge [sflag:s23], $0x4000  }
0x47: {  	[sflag:s23] =	ssyncset.done $0x0  }
0x48: {  	[sflag:s23] =	ssyncadd.s32 $0xFFFFC000  }
0x49: {  	[spmem:s12] =	stream.linear.scatter [tilespmem:s22], [sflag:$0x3], $0x4000, $0x38;
	[tilespmem:$0x1E000] =	vst v63  }
0x4a: {  	_ =	swait.ge [sflag:s23], $0x4000  }
0x4b: {  	[sflag:s23] =	ssyncset.done $0x0  }
0x4c: {  	[sflag:s23] =	ssyncadd.s32 $0xFFFFC000  }
0x4d: {  	[spmem:s13] =	stream.linear.scatter [tilespmem:s22], [sflag:$0x3], $0x4000, $0x38;
	[tilespmem:$0x1E000] =	vst v63  }
0x4e: {  	_ =	swait.ge [sflag:s23], $0x4000  }
0x4f: {  	[sflag:s23] =	ssyncset.done $0x0  }
0x50: {  	[sflag:s23] =	ssyncadd.s32 $0xFFFFC000  }
0x51: {  	[spmem:s15] =	stream.linear.scatter [tilespmem:s22], [sflag:$0x3], $0x4000, $0x38;
	[tilespmem:$0x1E000] =	vst v63  }
0x52: {  	_ =	swait.ge [sflag:s23], $0x4000  }
0x53: {  	[sflag:s23] =	ssyncset.done $0x0  }
0x54: {  	[sflag:s23] =	ssyncadd.s32 $0xFFFFC000  }
0x55: {  	s9 =	simm.s32 $0x0;
	s4 =	simm.s32 $0x0;
	[bflag:$0x0] =	sbarrier.arrive $0xFFFF  }
.LBB2_10:
0x56: {  	s3 =	sshll.u32 s4, $0xC  }
0x57: {  	s3 =	sadd.s32 s14, s3  }
0x58: {  	s3 =	sshrl.u32 s3, $0x3  }
0x59: {  	s16 =	sadd.s32 s5, s3  }
0x5a: {  	[tilespmem:s9], [sflag:$0x3] =	stream.linear.gather [hbm4b:s16+s9], $0x1000, $0x38;
	[tilespmem:$0x1E000] =	vst v63  }
0x5b: {  	_ =	swait.ge [sflag:s23], $0x1000  }
0x5c: {  	[sflag:s23] =	ssyncset.done $0x0  }
0x5d: {  	s3 =	sadd.s32 s6, s3;
	[sflag:s23] =	ssyncadd.s32 $0xFFFFF000  }
0x5e: {  	[tilespmem:s24], [sflag:$0x3] =	stream.linear.gather [hbm4b:s3+s9], $0x1000, $0x38;
	[tilespmem:$0x1E000] =	vst v63  }
0x5f: {  	_ =	swait.ge [sflag:s23], $0x1000  }
0x60: {  	[sflag:s23] =	ssyncset.done $0x0  }
0x61: {  	[sflag:s23] =	ssyncadd.s32 $0xFFFFF000  }
0x62: {  	[tilespmem:s22], [sflag:$0x1] =	stream.indirect.gather [hbm4b:s7+s25], $0x80, s9, s25, $0xb8;
	[tilespmem:$0x1E000] =	vst v63  }
0x63: {  	_ =	swait.ge [sflag:s26], $0x4000  }
0x64: {  	[sflag:s26] =	ssyncset.done $0x0  }
0x65: {  	s16 =	simm.s32 $0x80;
	[sflag:s26] =	ssyncadd.s32 $0xFFFFC000  }
0x66: {  	[tilespmem:s28], [sflag:$0x2] =	stream.indirect.gather [hbm4b:s7+s25], $0x80, s16, s25, $0xb8;
	[tilespmem:$0x1E000] =	vst v63  }
0x67: {  	s17 =	simm.s32 $0x1000  }
0x68: {  	[spmem:s2] =	stream.indirect.scatter.add.f32 [tilespmem:s22], [sflag:$0x3], $0x80, s17, s25, $0xb8;
	[tilespmem:$0x1E000] =	vst v63  }
0x69: {  	_ =	swait.ge [sflag:s23], $0x4000  }
0x6a: {  	[sflag:s23] =	ssyncset.done $0x0  }
0x6b: {  	[sflag:s23] =	ssyncadd.s32 $0xFFFFC000  }
0x6c: {  	_ =	swait.ge [sflag:s29], $0x4000  }
0x6d: {  	[sflag:s29] =	ssyncset.done $0x0  }
0x6e: {  	s16 =	simm.s32 $0x100;
	[sflag:s29] =	ssyncadd.s32 $0xFFFFC000  }
0x6f: {  	[tilespmem:s22], [sflag:$0x1] =	stream.indirect.gather [hbm4b:s7+s25], $0x80, s16, s25, $0xb8;
	[tilespmem:$0x1E000] =	vst v63  }
0x70: {  	s17 =	simm.s32 $0x1080  }
0x71: {  	[spmem:s2] =	stream.indirect.scatter.add.f32 [tilespmem:s28], [sflag:$0x3], $0x80, s17, s25, $0xb8;
	[tilespmem:$0x1E000] =	vst v63  }
0x72: {  	_ =	swait.ge [sflag:s23], $0x4000  }
0x73: {  	s3 =	simm.s32 $0x400;
	[sflag:s23] =	ssyncset.done $0x0  }
.LBB2_11:
0x74: {  	p1 =	sne.s32 s3, $0x3800  }
0x75: {  	[sflag:s23] =	ssyncadd.s32 $0xFFFFC000;
	s16 =	smov.u32 s3;
	s3 =	sadd.s32 $0x400, s3  }
0x76: {  	_ = 	snop  }
0x77: {  	_ =	swait.ge [sflag:s26], $0x4000  }
0x78: {  	s16 =	sshra.s32 s16, $0x2;
	[sflag:s26] =	ssyncset.done $0x0  }
0x79: {  	s17 =	sadd.s32 $0x80, s16;
	[sflag:s26] =	ssyncadd.s32 $0xFFFFC000  }
0x7a: {  	[tilespmem:s28], [sflag:$0x2] =	stream.indirect.gather [hbm4b:s7+s25], $0x80, s17, s25, $0xb8;
	[tilespmem:$0x1E000] =	vst v63  }
0x7b: {  	s17 =	sadd.s32 $0x1000, s16  }
0x7c: {  	[spmem:s2] =	stream.indirect.scatter.add.f32 [tilespmem:s22], [sflag:$0x3], $0x80, s17, s25, $0xb8;
	[tilespmem:$0x1E000] =	vst v63  }
0x7d: {  	_ =	swait.ge [sflag:s23], $0x4000  }
0x7e: {  	[sflag:s23] =	ssyncset.done $0x0  }
0x7f: {  	[sflag:s23] =	ssyncadd.s32 $0xFFFFC000  }
0x80: {  	_ =	swait.ge [sflag:s29], $0x4000  }
0x81: {  	[sflag:s29] =	ssyncset.done $0x0  }
0x82: {  	s17 =	sadd.s32 $0x100, s16;
	[sflag:s29] =	ssyncadd.s32 $0xFFFFC000  }
0x83: {  	[tilespmem:s22], [sflag:$0x1] =	stream.indirect.gather [hbm4b:s7+s25], $0x80, s17, s25, $0xb8;
	[tilespmem:$0x1E000] =	vst v63  }
.Ltmp4:
0x84: {  	_ = 	snop;
	(pc) =	sbr.rel @p1 .LBB2_11-.Ltmp4, $4  }
0x85: {  	s16 =	sadd.s32 $0x1080, s16  }
0x86: {  	[spmem:s2] =	stream.indirect.scatter.add.f32 [tilespmem:s28], [sflag:$0x3], $0x80, s16, s25, $0xb8;
	[tilespmem:$0x1E000] =	vst v63  }
0x87: {  	_ =	swait.ge [sflag:s23], $0x4000  }
0x88: {  	[sflag:s23] =	ssyncset.done $0x0  }
0x89: {  	[sflag:s23] =	ssyncadd.s32 $0xFFFFC000  }
0x8a: {  	_ =	swait.ge [sflag:s26], $0x4000  }
0x8b: {  	[sflag:s26] =	ssyncset.done $0x0  }
0x8c: {  	[sflag:s26] =	ssyncadd.s32 $0xFFFFC000  }
0x8d: {  	[tilespmem:s28], [sflag:$0x2] =	stream.indirect.gather [hbm4b:s7+s25], $0x80, s30, s25, $0xb8;
	[tilespmem:$0x1E000] =	vst v63  }
0x8e: {  	_ = 	snop  }
0x8f: {  	[spmem:s2] =	stream.indirect.scatter.add.f32 [tilespmem:s22], [sflag:$0x3], $0x80, s31, s25, $0xb8;
	[tilespmem:$0x1E000] =	vst v63  }
0x90: {  	_ =	swait.ge [sflag:s23], $0x4000  }
0x91: {  	[sflag:s23] =	ssyncset.done $0x0  }
0x92: {  	[sflag:s23] =	ssyncadd.s32 $0xFFFFC000  }
0x93: {  	s4 =	sadd.s32 $0x1, s4;
	_ =	swait.ge [sflag:s29], $0x4000  }
0x94: {  	p1 =	sne.s32 s4, $0x5;
	[sflag:s29] =	ssyncset.done $0x0  }
.Ltmp5:
0x95: {  	[sflag:s29] =	ssyncadd.s32 $0xFFFFC000;
	(pc) =	sbr.rel @p1 .LBB2_10-.Ltmp5, $4  }
0x96: {  	[spmem:s2] =	stream.indirect.scatter.add.f32 [tilespmem:s28], [sflag:$0x3], $0x80, s0, s25, $0xb8;
	[tilespmem:$0x1E000] =	vst v63  }
0x97: {  	_ =	swait.ge [sflag:s23], $0x4000  }
0x98: {  	[sflag:s23] =	ssyncset.done $0x0  }
0x99: {  	[sflag:s23] =	ssyncadd.s32 $0xFFFFC000  }
.Ltmp6:
0x9a: {  	(pc) =	sbr.rel .LBB2_14-.Ltmp6, $2  }
0x9b: {  	_ =	sdelay $0x2  }
0x9c: {  	s3 =	rddreg [dreg:$0x5]  }
.LBB2_2:
0x9d: {  	p1 =	sne.s32 s4, $0xFE00;
	[tilespmem:s3+$0x2070] =	vst v0  }
0x9e: {  	[tilespmem:s3+$0x2000] =	vst v0  }
0x9f: {  	[tilespmem:s3+$0x2010] =	vst v0  }
.Ltmp7:
0xa0: {  	[tilespmem:s3+$0x2020] =	vst v0;
	(pc) =	sbr.rel @p1 .LBB2_2-.Ltmp7, $4  }
0xa1: {  	[tilespmem:s3+$0x2030] =	vst v0  }
0xa2: {  	[tilespmem:s3+$0x2040] =	vst v0  }
0xa3: {  	[tilespmem:s3+$0x2050] =	vst v0  }
0xa4: {  	[tilespmem:s3+$0x2060] =	vst v0;
	s3 =	sshra.s32 s4, $0x2;
	s4 =	sadd.s32 $0x200, s4  }
0xa5: {  	[tilespmem:s3+$0x2070] =	vst v0  }
0xa6: {  	[tilespmem:s3+$0x2000] =	vst v0  }
0xa7: {  	[tilespmem:s3+$0x2010] =	vst v0  }
0xa8: {  	[tilespmem:s3+$0x2020] =	vst v0  }
0xa9: {  	[tilespmem:s3+$0x2030] =	vst v0  }
0xaa: {  	[tilespmem:s3+$0x2040] =	vst v0  }
0xab: {  	[tilespmem:s3+$0x2050] =	vst v0  }
0xac: {  	[tilespmem:s3+$0x2060] =	vst v0  }
0xad: {  	[spmem:s10] =	stream.linear.scatter [tilespmem:s22], [sflag:$0x3], $0x4000, $0x38;
	[tilespmem:$0x1E000] =	vst v63  }
0xae: {  	_ =	swait.ge [sflag:s23], $0x4000  }
0xaf: {  	[sflag:s23] =	ssyncset.done $0x0  }
0xb0: {  	[sflag:s23] =	ssyncadd.s32 $0xFFFFC000  }
0xb1: {  	[spmem:s11] =	stream.linear.scatter [tilespmem:s22], [sflag:$0x3], $0x4000, $0x38;
	[tilespmem:$0x1E000] =	vst v63  }
0xb2: {  	_ =	swait.ge [sflag:s23], $0x4000  }
0xb3: {  	[sflag:s23] =	ssyncset.done $0x0  }
0xb4: {  	[sflag:s23] =	ssyncadd.s32 $0xFFFFC000  }
0xb5: {  	[spmem:s12] =	stream.linear.scatter [tilespmem:s22], [sflag:$0x3], $0x4000, $0x38;
	[tilespmem:$0x1E000] =	vst v63  }
0xb6: {  	_ =	swait.ge [sflag:s23], $0x4000  }
0xb7: {  	[sflag:s23] =	ssyncset.done $0x0  }
0xb8: {  	[sflag:s23] =	ssyncadd.s32 $0xFFFFC000  }
0xb9: {  	[spmem:s13] =	stream.linear.scatter [tilespmem:s22], [sflag:$0x3], $0x4000, $0x38;
	[tilespmem:$0x1E000] =	vst v63  }
0xba: {  	_ =	swait.ge [sflag:s23], $0x4000  }
0xbb: {  	[sflag:s23] =	ssyncset.done $0x0  }
0xbc: {  	[sflag:s23] =	ssyncadd.s32 $0xFFFFC000  }
0xbd: {  	[spmem:s15] =	stream.linear.scatter [tilespmem:s22], [sflag:$0x3], $0x4000, $0x38;
	[tilespmem:$0x1E000] =	vst v63  }
0xbe: {  	_ =	swait.ge [sflag:s23], $0x4000  }
0xbf: {  	[sflag:s23] =	ssyncset.done $0x0  }
0xc0: {  	[sflag:s23] =	ssyncadd.s32 $0xFFFFC000  }
0xc1: {  	s9 =	simm.s32 $0x0;
	s4 =	simm.s32 $0x0;
	[bflag:$0x0] =	sbarrier.arrive $0xFFFF  }
.LBB2_4:
0xc2: {  	s3 =	sshll.u32 s4, $0xC  }
0xc3: {  	s3 =	sadd.s32 s14, s3  }
0xc4: {  	s3 =	sshrl.u32 s3, $0x3  }
0xc5: {  	s16 =	sadd.s32 s5, s3  }
0xc6: {  	[tilespmem:s9], [sflag:$0x3] =	stream.linear.gather [hbm4b:s16+s9], $0x1000, $0x38;
	[tilespmem:$0x1E000] =	vst v63  }
0xc7: {  	_ =	swait.ge [sflag:s23], $0x1000  }
0xc8: {  	[sflag:s23] =	ssyncset.done $0x0  }
0xc9: {  	s3 =	sadd.s32 s6, s3;
	[sflag:s23] =	ssyncadd.s32 $0xFFFFF000  }
0xca: {  	[tilespmem:s24], [sflag:$0x3] =	stream.linear.gather [hbm4b:s3+s9], $0x1000, $0x38;
	[tilespmem:$0x1E000] =	vst v63  }
0xcb: {  	_ =	swait.ge [sflag:s23], $0x1000  }
0xcc: {  	[sflag:s23] =	ssyncset.done $0x0  }
0xcd: {  	[sflag:s23] =	ssyncadd.s32 $0xFFFFF000  }
0xce: {  	[tilespmem:s22], [sflag:$0x1] =	stream.indirect.gather [hbm4b:s1+s25], $0x80, s9, s25, $0xb8;
	[tilespmem:$0x1E000] =	vst v63  }
0xcf: {  	_ =	swait.ge [sflag:s26], $0x4000  }
0xd0: {  	[sflag:s26] =	ssyncset.done $0x0  }
0xd1: {  	s16 =	simm.s32 $0x80;
	[sflag:s26] =	ssyncadd.s32 $0xFFFFC000  }
0xd2: {  	[tilespmem:s28], [sflag:$0x2] =	stream.indirect.gather [hbm4b:s1+s25], $0x80, s16, s25, $0xb8;
	[tilespmem:$0x1E000] =	vst v63  }
0xd3: {  	s17 =	simm.s32 $0x1000  }
0xd4: {  	[spmem:s2] =	stream.indirect.scatter.add.f32 [tilespmem:s22], [sflag:$0x3], $0x80, s17, s25, $0xb8;
	[tilespmem:$0x1E000] =	vst v63  }
0xd5: {  	_ =	swait.ge [sflag:s23], $0x4000  }
0xd6: {  	[sflag:s23] =	ssyncset.done $0x0  }
0xd7: {  	[sflag:s23] =	ssyncadd.s32 $0xFFFFC000  }
0xd8: {  	_ =	swait.ge [sflag:s29], $0x4000  }
0xd9: {  	[sflag:s29] =	ssyncset.done $0x0  }
0xda: {  	s16 =	simm.s32 $0x100;
	[sflag:s29] =	ssyncadd.s32 $0xFFFFC000  }
0xdb: {  	[tilespmem:s22], [sflag:$0x1] =	stream.indirect.gather [hbm4b:s1+s25], $0x80, s16, s25, $0xb8;
	[tilespmem:$0x1E000] =	vst v63  }
0xdc: {  	s17 =	simm.s32 $0x1080  }
0xdd: {  	[spmem:s2] =	stream.indirect.scatter.add.f32 [tilespmem:s28], [sflag:$0x3], $0x80, s17, s25, $0xb8;
	[tilespmem:$0x1E000] =	vst v63  }
0xde: {  	_ =	swait.ge [sflag:s23], $0x4000  }
0xdf: {  	s3 =	simm.s32 $0x400;
	[sflag:s23] =	ssyncset.done $0x0  }
.LBB2_5:
0xe0: {  	p1 =	sne.s32 s3, $0x3800  }
0xe1: {  	[sflag:s23] =	ssyncadd.s32 $0xFFFFC000;
	s16 =	smov.u32 s3;
	s3 =	sadd.s32 $0x400, s3  }
0xe2: {  	_ = 	snop  }
0xe3: {  	_ =	swait.ge [sflag:s26], $0x4000  }
0xe4: {  	s16 =	sshra.s32 s16, $0x2;
	[sflag:s26] =	ssyncset.done $0x0  }
0xe5: {  	s17 =	sadd.s32 $0x80, s16;
	[sflag:s26] =	ssyncadd.s32 $0xFFFFC000  }
0xe6: {  	[tilespmem:s28], [sflag:$0x2] =	stream.indirect.gather [hbm4b:s1+s25], $0x80, s17, s25, $0xb8;
	[tilespmem:$0x1E000] =	vst v63  }
0xe7: {  	s17 =	sadd.s32 $0x1000, s16  }
0xe8: {  	[spmem:s2] =	stream.indirect.scatter.add.f32 [tilespmem:s22], [sflag:$0x3], $0x80, s17, s25, $0xb8;
	[tilespmem:$0x1E000] =	vst v63  }
0xe9: {  	_ =	swait.ge [sflag:s23], $0x4000  }
0xea: {  	[sflag:s23] =	ssyncset.done $0x0  }
0xeb: {  	[sflag:s23] =	ssyncadd.s32 $0xFFFFC000  }
0xec: {  	_ =	swait.ge [sflag:s29], $0x4000  }
0xed: {  	[sflag:s29] =	ssyncset.done $0x0  }
0xee: {  	s17 =	sadd.s32 $0x100, s16;
	[sflag:s29] =	ssyncadd.s32 $0xFFFFC000  }
0xef: {  	[tilespmem:s22], [sflag:$0x1] =	stream.indirect.gather [hbm4b:s1+s25], $0x80, s17, s25, $0xb8;
	[tilespmem:$0x1E000] =	vst v63  }
.Ltmp8:
0xf0: {  	_ = 	snop;
	(pc) =	sbr.rel @p1 .LBB2_5-.Ltmp8, $4  }
0xf1: {  	s16 =	sadd.s32 $0x1080, s16  }
0xf2: {  	[spmem:s2] =	stream.indirect.scatter.add.f32 [tilespmem:s28], [sflag:$0x3], $0x80, s16, s25, $0xb8;
	[tilespmem:$0x1E000] =	vst v63  }
0xf3: {  	_ =	swait.ge [sflag:s23], $0x4000  }
0xf4: {  	[sflag:s23] =	ssyncset.done $0x0  }
0xf5: {  	[sflag:s23] =	ssyncadd.s32 $0xFFFFC000  }
0xf6: {  	_ =	swait.ge [sflag:s26], $0x4000  }
0xf7: {  	[sflag:s26] =	ssyncset.done $0x0  }
0xf8: {  	[sflag:s26] =	ssyncadd.s32 $0xFFFFC000  }
0xf9: {  	[tilespmem:s28], [sflag:$0x2] =	stream.indirect.gather [hbm4b:s1+s25], $0x80, s30, s25, $0xb8;
	[tilespmem:$0x1E000] =	vst v63  }
0xfa: {  	_ = 	snop  }
0xfb: {  	[spmem:s2] =	stream.indirect.scatter.add.f32 [tilespmem:s22], [sflag:$0x3], $0x80, s31, s25, $0xb8;
	[tilespmem:$0x1E000] =	vst v63  }
0xfc: {  	_ =	swait.ge [sflag:s23], $0x4000  }
0xfd: {  	[sflag:s23] =	ssyncset.done $0x0  }
0xfe: {  	[sflag:s23] =	ssyncadd.s32 $0xFFFFC000  }
0xff: {  	s4 =	sadd.s32 $0x1, s4;
	_ =	swait.ge [sflag:s29], $0x4000  }
0x100: {  	p1 =	seq.s32 s4, $0x5;
	[sflag:s29] =	ssyncset.done $0x0  }
.Ltmp9:
0x101: {  	[sflag:s29] =	ssyncadd.s32 $0xFFFFC000;
	(pc) =	sbr.rel @!p1 .LBB2_4-.Ltmp9, $4  }
0x102: {  	[spmem:s2] =	stream.indirect.scatter.add.f32 [tilespmem:s28], [sflag:$0x3], $0x80, s0, s25, $0xb8;
	[tilespmem:$0x1E000] =	vst v63  }
0x103: {  	_ =	swait.ge [sflag:s23], $0x4000  }
0x104: {  	[sflag:s23] =	ssyncset.done $0x0  }
0x105: {  	[sflag:s23] =	ssyncadd.s32 $0xFFFFC000  }
.Ltmp10:
0x106: {  	(pc) =	sbr.rel .LBB2_14-.Ltmp10, $2  }
0x107: {  	_ =	sdelay $0x2  }
0x108: {  	s3 =	rddreg [dreg:$0x4]  }
.LBB2_15:
0x109: {  	_ =	sfence.sel $0x180000  }
0x10a: {  	[bflag:$0x0] =	sbarrier.arrive $0xFFFF  }
0x10b: {  	_ =	strace $0x9000004A  }
0x10c: {  	s0 =	stileid.u32;
	[bflag:$0x2] =	sbarrier.arrive $0xFFFF  }
0x10d: {  	p0 =	sne.s32 s0, $0x0;
	s0 =	rddreg [dreg:$0x3]  }
0x10e: {  	s0 =	sadd.s32 @!p0 $0x100000, s0  }
0x10f: {  	[sflag:s0] =	ssyncadd.tile.s32 @!p0 $0x1;
	_ =	shalt  }
.Lfunc_end2:
_tile_overlayer_lowered:
.L_overlay_start_2:
0x110: {  	(tag) =	ssettag $0x2  }
0x111: {  	s0 =	rddreg [dreg:$0x0];
	s2 =	stileid.u32  }
0x112: {  	s1 =	rddreg [dreg:$0x1];
	p0 =	sne.s32 s2, $0x0  }
0x113: {  	s3 =	rddreg [dreg:$0x2];
	[bflag:$0x3] =	sbarrier.arrive $0xFFFF;
	s2 =	simm.s32 @!p0 $0x1C03  }
0x114: {  	[timem:s3], [sflag:s2] =	dma.local @!p0 [hbm:s0], s1  }
0x115: {  	s0 =	simm.s32 @!p0 $0x3  }
0x116: {  	_ =	swait.ge @!p0 [sflag:s0], s1  }
0x117: {  	s1 =	ssub.s32 @!p0 $0x0, s1;
	[sflag:s0] =	ssyncset.done @!p0 $0x0  }
0x118: {  	[sflag:s0] =	ssyncadd.s32 @!p0 s1  }
0x119: {  	[bflag:$0x3] =	sbarrier.arrive $0xFFFF  }
0x11a: {  	_ =	shalt  }

// kernel: kernel.16.cloned.1.call-start
scs
__scs_entry_jumppad:
0x0: {  	(pc) =	sbr.rel $0x88, $3  }
0x1: {  	(tag) =	ssettag $0x0;
	lr =	simm.s32 $0x1  }
0x2: {  	[smem:$0x3F92] =	sst lr;
	_ =	strace $0xD0000000  }
0x3: {  	_ = 	snop  }
0x4: {  	_ = 	snop  }
0x5: {  	_ = 	snop  }
0x6: {  	_ = 	snop  }
0x7: {  	_ = 	snop  }
__scs_overlays_trampoline_lowered:
0x8: {  	[smem:$0x3FA1] =	sst s0  }
0x9: {  	[smem:$0x3FA2] =	sst s1  }
0xa: {  	[smem:$0x3FA3] =	sst s2  }
0xb: {  	[smem:$0x3FA4] =	sst s3  }
0xc: {  	[smem:$0x3FA5] =	sst s4  }
0xd: {  	[smem:$0x3FA6] =	sst s5  }
0xe: {  	[smem:$0x3FA7] =	sst s6  }
0xf: {  	[smem:$0x3FA8] =	sst s7  }
0x10: {  	[smem:$0x3FA9] =	sst s8  }
0x11: {  	[smem:$0x3FAA] =	sst s9;
	s0 =	simm.s32 @!p0 $0x0  }
0x12: {  	s1 =	sld [smem:$0x3F90];
	s0 =	simm.s32 @p0 $0x1  }
0x13: {  	[smem:$0x3FAB] =	sst s0;
	s0 =	simm.s32 @!p1 $0x0  }
0x14: {  	s2 =	sld [smem:$0x3F8F];
	s0 =	simm.s32 @p1 $0x1  }
0x15: {  	[smem:$0x3FAC] =	sst s0;
	s0 =	simm.s32 @!p2 $0x0  }
0x16: {  	s3 =	sld [smem:$0x3FDB];
	s0 =	simm.s32 @p2 $0x1  }
0x17: {  	s4 =	simm.s32 $0x1BF5;
	[smem:$0x3FAE] =	sst s0  }
0x18: {  	s0 =	sld [smem:$0x3F91];
	_ =	swait.ge [sflag:s4], $0x0  }
0x19: {  	s7 =	sld [smem:$0x3F92]  }
0x1a: {  	s8 =	sadd.s32 $0xFFFFE003, lr  }
0x1b: {  	s9 =	sadd.s32 $0xFFFFFEF7, lr;
	s5 =	simm.s32 $0xFFFFFFFF;
	p2 =	slt.u32 s8, $0xFFFFF086  }
0x1c: {  	p1 =	slt.u32 s9, $0xF7A;
	s5 =	simm.s32 @!p2 $0x0  }
0x1d: {  	s5 =	simm.s32 @p1 $0x1;
	p0 =	seq.s32 s7, s2  }
0x1e: {  	s7 =	smul.u32 @!p0 $0xF7A, s2;
	p2 =	seq.s32 @!p0 s5, $0x0  }
0x1f: {  	s9 =	smul.u32 $0xF7A, s1;
	s8 =	simm.s32 @!p0 $0x1BF5;
	p2 =	por !p2, p0  }
0x20: {  	[sflag:s8] =	ssyncset.s32 @!p0 $0xFFFFF086;
	s6 =	sadd.s32 @!p0 s3, s7;
	s7 =	simm.s32 @!p0 $0x108  }
0x21: {  	s3 =	sadd.s32 s3, s9;
	s6 =	sadd.s32 @!p0 $0x88, s6;
	s7 =	simm.s32 @p2 $0x1082  }
0x22: {  	[simem:s7], [sflag:s8] =	dma.local @!p0 [hbm:s6], $0xF7A  }
0x23: {  	s9 =	sor.u32 $0xD0000000, s2;
	s6 =	simm.s32 $0x108;
	_ =	swait.ge @!p0 [sflag:s8], $0x0  }
0x24: {  	s3 =	sadd.s32 $0x88, s3;
	s6 =	simm.s32 @!p1 $0x1082;
	[sflag:s4] =	ssyncset.s32 $0xFFFFF086  }
0x25: {  	[simem:s6], [sflag:s4] =	dma.local [hbm:s3], $0xF7A  }
0x26: {  	[smem:$0x3F92] =	sst s1;
	(tag) =	ssettag s2;
	_ =	strace s9  }
0x27: {  	s1 =	sld [smem:$0x3FA2]  }
0x28: {  	s2 =	sld [smem:$0x3FA3]  }
0x29: {  	s4 =	sld [smem:$0x3FA5]  }
0x2a: {  	p0 =	seq.s32 s5, $0x0;
	s5 =	sld [smem:$0x3FA6]  }
0x2b: {  	s6 =	sld [smem:$0x3FA7]  }
0x2c: {  	s7 =	sld [smem:$0x3FA8]  }
0x2d: {  	s3 =	simm.s32 $0x108;
	s8 =	sld [smem:$0x3FA9]  }
0x2e: {  	s3 =	simm.s32 @!p0 $0x1082;
	s9 =	sld [smem:$0x3FAA]  }
0x2f: {  	lr =	sadd.s32 s0, s3;
	s0 =	sld [smem:$0x3FA1]  }
0x30: {  	s3 =	sld [smem:$0x3FA4]  }
0x31: {  	[smem:$0x3FAD] =	sst s10  }
0x32: {  	s10 =	sld [smem:$0x3FAB];
	_ =	sdelay $0x3  }
0x33: {  	p0 =	seq.s32 s10, $0x1;
	s10 =	sld [smem:$0x3FAD];
	_ =	sdelay $0x3  }
0x34: {  	[smem:$0x3FAD] =	sst s10  }
0x35: {  	s10 =	sld [smem:$0x3FAC];
	_ =	sdelay $0x3  }
0x36: {  	p1 =	seq.s32 s10, $0x1;
	s10 =	sld [smem:$0x3FAD];
	_ =	sdelay $0x3  }
0x37: {  	[smem:$0x3FAD] =	sst s10  }
0x38: {  	s10 =	sld [smem:$0x3FAE]  }
0x39: {  	_ = 	snop;
	(pc) =	sbr.ind lr, $3  }
0x3a: {  	_ = 	snop  }
0x3b: {  	_ = 	snop  }
0x3c: {  	p2 =	seq.s32 s10, $0x1;
	s10 =	sld [smem:$0x3FAD]  }
0x3d: {  	_ =	shalt  }
0x3e: {  	_ =	shalt  }
0x3f: {  	_ =	shalt  }
0x40: {  	_ =	shalt  }
0x41: {  	_ =	shalt  }
0x42: {  	_ =	shalt  }
0x43: {  	_ =	shalt  }
0x44: {  	_ =	shalt  }
0x45: {  	_ =	shalt  }
0x46: {  	_ =	shalt  }
0x47: {  	_ =	shalt  }
0x48: {  	_ =	shalt  }
0x49: {  	_ =	shalt  }
0x4a: {  	_ =	shalt  }
0x4b: {  	_ =	shalt  }
0x4c: {  	_ =	shalt  }
0x4d: {  	_ =	shalt  }
0x4e: {  	_ =	shalt  }
0x4f: {  	_ =	shalt  }
0x50: {  	_ =	shalt  }
0x51: {  	_ =	shalt  }
0x52: {  	_ =	shalt  }
0x53: {  	_ =	shalt  }
0x54: {  	_ =	shalt  }
0x55: {  	_ =	shalt  }
0x56: {  	_ =	shalt  }
0x57: {  	_ =	shalt  }
0x58: {  	_ =	shalt  }
0x59: {  	_ =	shalt  }
0x5a: {  	_ =	shalt  }
0x5b: {  	_ =	shalt  }
0x5c: {  	_ =	shalt  }
0x5d: {  	_ =	shalt  }
0x5e: {  	_ =	shalt  }
0x5f: {  	_ =	shalt  }
0x60: {  	_ =	shalt  }
0x61: {  	_ =	shalt  }
0x62: {  	_ =	shalt  }
0x63: {  	_ =	shalt  }
0x64: {  	_ =	shalt  }
0x65: {  	_ =	shalt  }
0x66: {  	_ =	shalt  }
0x67: {  	_ =	shalt  }
0x68: {  	_ =	shalt  }
0x69: {  	_ =	shalt  }
0x6a: {  	_ =	shalt  }
0x6b: {  	_ =	shalt  }
0x6c: {  	_ =	shalt  }
0x6d: {  	_ =	shalt  }
0x6e: {  	_ =	shalt  }
0x6f: {  	_ =	shalt  }
0x70: {  	_ =	shalt  }
0x71: {  	_ =	shalt  }
0x72: {  	_ =	shalt  }
0x73: {  	_ =	shalt  }
0x74: {  	_ =	shalt  }
0x75: {  	_ =	shalt  }
0x76: {  	_ =	shalt  }
0x77: {  	_ =	shalt  }
0x78: {  	_ =	shalt  }
0x79: {  	_ =	shalt  }
0x7a: {  	_ =	shalt  }
0x7b: {  	_ =	shalt  }
0x7c: {  	_ =	shalt  }
0x7d: {  	_ =	shalt  }
0x7e: {  	_ =	shalt  }
0x7f: {  	_ =	shalt  }
0x80: {  	_ =	shalt  }
0x81: {  	_ =	shalt  }
0x82: {  	_ =	shalt  }
0x83: {  	_ =	shalt  }
0x84: {  	_ =	shalt  }
0x85: {  	_ =	shalt  }
0x86: {  	_ =	shalt  }
0x87: {  	_ =	shalt  }
.Lfunc_end0:
.L_simem_size_0:
called_computation.2_lowered:
.L_overlay_start_0:
0x88: {  	s2 =	sld [smem:$0x3FD9]  }
0x89: {  	s3 =	sld [smem:$0x3FFE];
	_ =	sdelay $0x1  }
0x8a: {  	s1 =	srdreg.scid  }
0x8b: {  	s0 =	sand.u32 $0x1, s1  }
0x8c: {  	s17 =	sshll.u32 s0, $0xA;
	s2 =	sadd.s32 s3, s2  }
0x8d: {  	s2 =	sadd.s32 s2, s17  }
0x8e: {  	[smem:$0x3FB9] =	sst s2  }
0x8f: {  	_ = 	snop  }
0x90: {  	s2 =	sld [smem:$0x3FD0];
	(tm) =	ssettm $0x1  }
0x91: {  	s18 =	sld [smem:$0x3FFB];
	_ =	sdelay $0x3  }
0x92: {  	_ =	strace s18  }
0x93: {  	s3 =	sld [smem:$0x3FFC];
	_ =	sdelay $0x3  }
0x94: {  	_ =	strace s3  }
0x95: {  	s3 =	sld [smem:$0x3FFD];
	_ =	sdelay $0x3  }
0x96: {  	_ =	strace s3  }
0x97: {  	_ =	strace $0x8FFFFFFF  }
0x98: {  	s19 =	sld [smem:$0x3FDB];
	_ =	sdelay $0x1  }
0x99: {  	s4 =	simm.s32 $_scs_section_size  }
0x9a: {  	s5 =	simm.s32 $_size__tile_overlayer_lowered;
	s6 =	simm.s32 $_tile_overlayer_lowered  }
0x9b: {  	s22 =	simm.s32 $0x1BFF;
	s21 =	sshll.u32 s6, $0x1;
	s3 =	sadd.s32 s4, s19  }
0x9c: {  	s7 =	simm.s32 $0x0;
	s20 =	sshll.u32 s5, $0x1;
	s5 =	sadd.s32 s21, s3  }
0x9d: {  	[timem:s7], [sflag:s22] =	dma.local [hbm:s5], s20  }
0x9e: {  	_ =	swait.ge [sflag:s22], s20  }
0x9f: {  	s4 =	ssub.s32 $0x0, s20;
	[sflag:s22] =	ssyncset.done $0x0  }
0xa0: {  	[sflag:s22] =	ssyncadd.s32 s4;
	_ =	sdelay $0x1  }
0xa1: {  	s23 =	simm.s32 $0x1B8B  }
0xa2: {  	_ =	swait.ge [sflag:s23], $0x1  }
0xa3: {  	[sflag:s23] =	ssyncset.done $0x0  }
0xa4: {  	s25 =	simm.s32 $0x1B8E;
	s24 =	sld [smem:$0x3FFE];
	[sflag:s23] =	ssyncadd.s32 $0xFFFFFFFF  }
0xa5: {  	s26 =	simm.s32 $execute0_lowered;
	[smem:$0x3FD2] =	sst s25  }
0xa6: {  	s5 =	sshll.u32 s26, $0x1;
	_ =	strace $0x8000004C;
	[dreg:$0x1] =	wrdreg $0xFFFFFFFF  }
0xa7: {  	s28 =	simm.s32 $_size_execute0_lowered;
	s3 =	sadd.s32 s3, s5;
	[dreg:$0x0] =	wrdreg $0x0  }
0xa8: {  	s5 =	sshll.u32 s28, $0x1;
	[dreg:$0x2] =	wrdreg s3  }
0xa9: {  	[dreg:$0x3] =	wrdreg s5  }
0xaa: {  	[dreg:$0x4] =	wrdreg $0xC0  }
0xab: {  	_ =	task [dreg:s7], $0x5FFFF  }
0xac: {  	[dreg:$0x1] =	wrdreg $0xFFFFFFFF  }
0xad: {  	[dreg:$0x0] =	wrdreg $0x60  }
0xae: {  	[dreg:$0x2] =	wrdreg s24  }
0xaf: {  	[dreg:$0x3] =	wrdreg s2  }
0xb0: {  	[dreg:$0x4] =	wrdreg $0xA0000  }
0xb1: {  	[dreg:$0x5] =	wrdreg $0x9  }
0xb2: {  	_ =	task.clear_ibuf [dreg:s7], $0x6FFFF;
	_ =	strace $0x9000004C  }
0xb3: {  	s29 =	simm.s32 $0x9;
	_ =	strace $0x8000004E  }
0xb4: {  	_ =	swait.ge [sflag:s29], $0x1  }
0xb5: {  	[sflag:s29] =	ssyncadd.s32 $0xFFFFFFFF  }
0xb6: {  	_ =	strace $0x9000004E  }
0xb7: {  	_ =	sfence  }
0xb8: {  	s30 =	sld [smem:$0x0];
	_ =	sdelay $0x2  }
0xb9: {  	s31 =	sshll.u32 s1, $0xD;
	s1 =	sshrl.u32 s1, $0x2  }
0xba: {  	s3 =	sand.u32 $0x4000, s31;
	s1 =	sadd.s32 s1, s30  }
0xbb: {  	s0 =	sor.u32 s3, s0;
	s1 =	sshll.u32 s1, $0x11  }
0xbc: {  	s0 =	sor.u32 s1, s0  }
0xbd: {  	s0 =	sadd.s32 $0x8F2B, s0  }
0xbe: {  	[sflag:s0] =	ssyncadd.remote.s32 $0x1  }
0xbf: {  	_ =	sfence.sel $0xFFFF  }
0xc0: {  	[dreg:$0x0] =	wrdreg $0xFFFFFFFF;
	(pc) =	sbr.abs _section_cstart, $3  }
0xc1: {  	[dreg:$0x1] =	wrdreg $0xFFFFFFFF  }
0xc2: {  	_ =	task.clear_ibuf [dreg:s7], $0x2FFFF;
	_ =	strace $0x9FFFFFFF  }
0xc3: {  	(tm) =	ssettm $0x7FFFFFFF  }
tec
execute0_lowered:
.L_overlay_start_1:
0x0: {  	(tag) =	ssettag $0x1  }
0x1: {  	s0 =	rddreg [dreg:$0x0]  }
0x2: {  	s1 =	rddreg [dreg:$0x1]  }
0x3: {  	s2 =	rddreg [dreg:$0x2]  }
0x4: {  	s3 =	simm.s32 $0x0;
	s15 =	srdreg.scid;
	s16 =	stileid.u32  }
0x5: {  	s28 =	simm.s32 $0x6000;
	s29 =	simm.s32 $0x2;
	s30 =	simm.s32 $0xF80  }
0x6: {  	s31 =	simm.s32 $0x1F00;
	[smem:$0x7FF] =	sst s3;
	s8 =	smul.u32 $0x280, s16  }
0x7: {  	s5 =	sadd.s32 $0xFE00, s0;
	s3 =	sand.u32 $0x1, s15;
	s10 =	smul.u32 $0x50000, s16  }
0x8: {  	s6 =	sadd.s32 $0x5E00, s0;
	s7 =	sadd.s32 $0x41E00, s0;
	s14 =	smul.u32 $0x5000, s16  }
0x9: {  	s11 =	sadd.s32 $0xBA000, s0;
	s0 =	sadd.s32 $0xE2000, s0;
	s25 =	smul.u32 $0x2800, s16  }
0xa: {  	_ =	strace $0x8000004D;
	s4 =	ssub.s32 $0x2, s3;
	[dreg:$0x4] =	wrdreg s11  }
0xb: {  	[dreg:$0x5] =	wrdreg s0;
	p0 =	seq.s32 s3, $0x1;
	s9 =	sshrl.u32 s4, $0x1  }
0xc: {  	s17 =	sshrl.u32 s10, $0x2;
	s18 =	sadd.s32 $0x80, s8;
	s21 =	sadd.s32 $0x100, s8  }
0xd: {  	s19 =	sadd.s32 $0x180, s8;
	s8 =	sadd.s32 $0x200, s8;
	[dreg:$0x6] =	wrdreg s25  }
0xe: {  	s25 =	simm.s32 $0x80;
	s0 =	ssub.s32 s4, s9;
	s10 =	sadd.s32 s17, s2  }
0xf: {  	s20 =	sshll.u32 s18, $0x7;
	s22 =	sshll.u32 s21, $0x7;
	s23 =	sshll.u32 s19, $0x7  }
0x10: {  	s24 =	sshll.u32 s8, $0x7;
	s26 =	sshll.u32 s18, $0x4;
	s18 =	sshll.u32 s21, $0x4  }
.Ltmp0:
0x11: {  	s19 =	sshll.u32 s19, $0x4;
	s11 =	sadd.s32 s20, s2;
	(pc) =	sbr.rel .LBB2_1-.Ltmp0, $4  }
0x12: {  	s12 =	sadd.s32 s22, s2;
	s13 =	sadd.s32 s23, s2;
	s15 =	sadd.s32 s24, s2  }
0x13: {  	[dreg:$0x7] =	wrdreg s26;
	s20 =	sshll.u32 s8, $0x4;
	s21 =	smax.u32 s0, $0x1  }
0x14: {  	s22 =	simm.s32 $0x2000;
	s23 =	simm.s32 $0x3;
	s24 =	simm.s32 $0x1000  }
0x15: {  	v0 =	vimm.f32 $0.0e+00;
	s26 =	simm.s32 $0x1;
	s0 =	simm.s32 $0x1F80;
	s8 =	simm.s32 $0x0  }
.LBB2_14:
0x16: {  	s9 =	stileid.u32  }
0x17: {  	s4 =	rddreg [dreg:$0x6];
	[bflag:$0x0] =	sbarrier.arrive $0xFFFF;
	s9 =	sshll.u32 s9, $0x6  }
0x18: {  	s16 =	sshrl.u32 s10, $0x3;
	s4 =	sadd.s32 s3, s4;
	s9 =	sor.u32 $0x1C03, s9  }
0x19: {  	[hbm:s4], [sflag:s9] =	dma.local [spmem:s16], $0x800  }
0x1a: {  	_ =	swait.ge [sflag:s23], $0x800  }
0x1b: {  	[sflag:s23] =	ssyncset.done $0x0;
	s16 =	rddreg [dreg:$0x7]  }
0x1c: {  	s17 =	sshrl.u32 s11, $0x3;
	s4 =	sadd.s32 s3, s16;
	[sflag:s23] =	ssyncadd.s32 $0xFFFFF800  }
0x1d: {  	[hbm:s4], [sflag:s9] =	dma.local [spmem:s17], $0x800  }
0x1e: {  	_ =	swait.ge [sflag:s23], $0x800  }
0x1f: {  	[sflag:s23] =	ssyncset.done $0x0  }
0x20: {  	s16 =	sadd.s32 s3, s18;
	s17 =	sshrl.u32 s12, $0x3;
	[sflag:s23] =	ssyncadd.s32 $0xFFFFF800  }
0x21: {  	[hbm:s16], [sflag:s9] =	dma.local [spmem:s17], $0x800  }
0x22: {  	_ =	swait.ge [sflag:s23], $0x800  }
0x23: {  	[sflag:s23] =	ssyncset.done $0x0  }
0x24: {  	s16 =	sadd.s32 s3, s19;
	s17 =	sshrl.u32 s13, $0x3;
	[sflag:s23] =	ssyncadd.s32 $0xFFFFF800  }
0x25: {  	[hbm:s16], [sflag:s9] =	dma.local [spmem:s17], $0x800  }
0x26: {  	s8 =	sadd.s32 $0x1, s8;
	_ =	swait.ge [sflag:s23], $0x800  }
0x27: {  	p1 =	sne.s32 s8, s21;
	s16 =	sadd.s32 s3, s20;
	[sflag:s23] =	ssyncset.done $0x0  }
.Ltmp1:
0x28: {  	s17 =	sshrl.u32 s15, $0x3;
	[sflag:s23] =	ssyncadd.s32 $0xFFFFF800;
	(pc) =	sbr.rel @!p1 .LBB2_15-.Ltmp1, $4  }
0x29: {  	[hbm:s16], [sflag:s9] =	dma.local [spmem:s17], $0x800  }
0x2a: {  	_ =	swait.ge [sflag:s23], $0x800  }
0x2b: {  	[sflag:s23] =	ssyncset.done $0x0  }
0x2c: {  	[sflag:s23] =	ssyncadd.s32 $0xFFFFF800  }
.LBB2_1:
.Ltmp2:
0x2d: {  	(pc) =	sbr.rel @!p0 .LBB2_2-.Ltmp2, $3  }
0x2e: {  	_ =	sdelay $0x1  }
0x2f: {  	s4 =	simm.s32 $0x0  }
0x30: {  	s3 =	sshra.s32 s4, $0x2;
	s4 =	sadd.s32 $0x200, s4  }
.LBB2_8:
0x31: {  	p1 =	sne.s32 s4, $0xFE00;
	[tilespmem:s3+$0x2070] =	vst v0  }
0x32: {  	[tilespmem:s3+$0x2000] =	vst v0  }
0x33: {  	[tilespmem:s3+$0x2010] =	vst v0  }
.Ltmp3:
0x34: {  	[tilespmem:s3+$0x2020] =	vst v0;
	(pc) =	sbr.rel @p1 .LBB2_8-.Ltmp3, $4  }
0x35: {  	[tilespmem:s3+$0x2030] =	vst v0  }
0x36: {  	[tilespmem:s3+$0x2040] =	vst v0  }
0x37: {  	[tilespmem:s3+$0x2050] =	vst v0  }
0x38: {  	[tilespmem:s3+$0x2060] =	vst v0;
	s3 =	sshra.s32 s4, $0x2;
	s4 =	sadd.s32 $0x200, s4  }
0x39: {  	[tilespmem:s3+$0x2070] =	vst v0  }
0x3a: {  	[tilespmem:s3+$0x2000] =	vst v0  }
0x3b: {  	[tilespmem:s3+$0x2010] =	vst v0  }
0x3c: {  	[tilespmem:s3+$0x2020] =	vst v0  }
0x3d: {  	[tilespmem:s3+$0x2030] =	vst v0  }
0x3e: {  	[tilespmem:s3+$0x2040] =	vst v0  }
0x3f: {  	[tilespmem:s3+$0x2050] =	vst v0  }
0x40: {  	[tilespmem:s3+$0x2060] =	vst v0  }
0x41: {  	[spmem:s10] =	stream.linear.scatter [tilespmem:s22], [sflag:$0x3], $0x4000, $0x38;
	[tilespmem:$0x1E000] =	vst v63  }
0x42: {  	_ =	swait.ge [sflag:s23], $0x4000  }
0x43: {  	[sflag:s23] =	ssyncset.done $0x0  }
0x44: {  	[sflag:s23] =	ssyncadd.s32 $0xFFFFC000  }
0x45: {  	[spmem:s11] =	stream.linear.scatter [tilespmem:s22], [sflag:$0x3], $0x4000, $0x38;
	[tilespmem:$0x1E000] =	vst v63  }
0x46: {  	_ =	swait.ge [sflag:s23], $0x4000  }
0x47: {  	[sflag:s23] =	ssyncset.done $0x0  }
0x48: {  	[sflag:s23] =	ssyncadd.s32 $0xFFFFC000  }
0x49: {  	[spmem:s12] =	stream.linear.scatter [tilespmem:s22], [sflag:$0x3], $0x4000, $0x38;
	[tilespmem:$0x1E000] =	vst v63  }
0x4a: {  	_ =	swait.ge [sflag:s23], $0x4000  }
0x4b: {  	[sflag:s23] =	ssyncset.done $0x0  }
0x4c: {  	[sflag:s23] =	ssyncadd.s32 $0xFFFFC000  }
0x4d: {  	[spmem:s13] =	stream.linear.scatter [tilespmem:s22], [sflag:$0x3], $0x4000, $0x38;
	[tilespmem:$0x1E000] =	vst v63  }
0x4e: {  	_ =	swait.ge [sflag:s23], $0x4000  }
0x4f: {  	[sflag:s23] =	ssyncset.done $0x0  }
0x50: {  	[sflag:s23] =	ssyncadd.s32 $0xFFFFC000  }
0x51: {  	[spmem:s15] =	stream.linear.scatter [tilespmem:s22], [sflag:$0x3], $0x4000, $0x38;
	[tilespmem:$0x1E000] =	vst v63  }
0x52: {  	_ =	swait.ge [sflag:s23], $0x4000  }
0x53: {  	[sflag:s23] =	ssyncset.done $0x0  }
0x54: {  	[sflag:s23] =	ssyncadd.s32 $0xFFFFC000  }
0x55: {  	s9 =	simm.s32 $0x0;
	s4 =	simm.s32 $0x0;
	[bflag:$0x0] =	sbarrier.arrive $0xFFFF  }
.LBB2_10:
0x56: {  	s3 =	sshll.u32 s4, $0xC  }
0x57: {  	s3 =	sadd.s32 s14, s3  }
0x58: {  	s3 =	sshrl.u32 s3, $0x3  }
0x59: {  	s16 =	sadd.s32 s5, s3  }
0x5a: {  	[tilespmem:s9], [sflag:$0x3] =	stream.linear.gather [hbm4b:s16+s9], $0x1000, $0x38;
	[tilespmem:$0x1E000] =	vst v63  }
0x5b: {  	_ =	swait.ge [sflag:s23], $0x1000  }
0x5c: {  	[sflag:s23] =	ssyncset.done $0x0  }
0x5d: {  	s3 =	sadd.s32 s6, s3;
	[sflag:s23] =	ssyncadd.s32 $0xFFFFF000  }
0x5e: {  	[tilespmem:s24], [sflag:$0x3] =	stream.linear.gather [hbm4b:s3+s9], $0x1000, $0x38;
	[tilespmem:$0x1E000] =	vst v63  }
0x5f: {  	_ =	swait.ge [sflag:s23], $0x1000  }
0x60: {  	[sflag:s23] =	ssyncset.done $0x0  }
0x61: {  	[sflag:s23] =	ssyncadd.s32 $0xFFFFF000  }
0x62: {  	[tilespmem:s22], [sflag:$0x1] =	stream.indirect.gather [hbm4b:s7+s25], $0x80, s9, s25, $0xb8;
	[tilespmem:$0x1E000] =	vst v63  }
0x63: {  	_ =	swait.ge [sflag:s26], $0x4000  }
0x64: {  	[sflag:s26] =	ssyncset.done $0x0  }
0x65: {  	s16 =	simm.s32 $0x80;
	[sflag:s26] =	ssyncadd.s32 $0xFFFFC000  }
0x66: {  	[tilespmem:s28], [sflag:$0x2] =	stream.indirect.gather [hbm4b:s7+s25], $0x80, s16, s25, $0xb8;
	[tilespmem:$0x1E000] =	vst v63  }
0x67: {  	s17 =	simm.s32 $0x1000  }
0x68: {  	[spmem:s2] =	stream.indirect.scatter.add.f32 [tilespmem:s22], [sflag:$0x3], $0x80, s17, s25, $0xb8;
	[tilespmem:$0x1E000] =	vst v63  }
0x69: {  	_ =	swait.ge [sflag:s23], $0x4000  }
0x6a: {  	[sflag:s23] =	ssyncset.done $0x0  }
0x6b: {  	[sflag:s23] =	ssyncadd.s32 $0xFFFFC000  }
0x6c: {  	_ =	swait.ge [sflag:s29], $0x4000  }
0x6d: {  	[sflag:s29] =	ssyncset.done $0x0  }
0x6e: {  	s16 =	simm.s32 $0x100;
	[sflag:s29] =	ssyncadd.s32 $0xFFFFC000  }
0x6f: {  	[tilespmem:s22], [sflag:$0x1] =	stream.indirect.gather [hbm4b:s7+s25], $0x80, s16, s25, $0xb8;
	[tilespmem:$0x1E000] =	vst v63  }
0x70: {  	s17 =	simm.s32 $0x1080  }
0x71: {  	[spmem:s2] =	stream.indirect.scatter.add.f32 [tilespmem:s28], [sflag:$0x3], $0x80, s17, s25, $0xb8;
	[tilespmem:$0x1E000] =	vst v63  }
0x72: {  	_ =	swait.ge [sflag:s23], $0x4000  }
0x73: {  	s3 =	simm.s32 $0x400;
	[sflag:s23] =	ssyncset.done $0x0  }
.LBB2_11:
0x74: {  	p1 =	sne.s32 s3, $0x3800  }
0x75: {  	[sflag:s23] =	ssyncadd.s32 $0xFFFFC000;
	s16 =	smov.u32 s3;
	s3 =	sadd.s32 $0x400, s3  }
0x76: {  	_ = 	snop  }
0x77: {  	_ =	swait.ge [sflag:s26], $0x4000  }
0x78: {  	s16 =	sshra.s32 s16, $0x2;
	[sflag:s26] =	ssyncset.done $0x0  }
0x79: {  	s17 =	sadd.s32 $0x80, s16;
	[sflag:s26] =	ssyncadd.s32 $0xFFFFC000  }
0x7a: {  	[tilespmem:s28], [sflag:$0x2] =	stream.indirect.gather [hbm4b:s7+s25], $0x80, s17, s25, $0xb8;
	[tilespmem:$0x1E000] =	vst v63  }
0x7b: {  	s17 =	sadd.s32 $0x1000, s16  }
0x7c: {  	[spmem:s2] =	stream.indirect.scatter.add.f32 [tilespmem:s22], [sflag:$0x3], $0x80, s17, s25, $0xb8;
	[tilespmem:$0x1E000] =	vst v63  }
0x7d: {  	_ =	swait.ge [sflag:s23], $0x4000  }
0x7e: {  	[sflag:s23] =	ssyncset.done $0x0  }
0x7f: {  	[sflag:s23] =	ssyncadd.s32 $0xFFFFC000  }
0x80: {  	_ =	swait.ge [sflag:s29], $0x4000  }
0x81: {  	[sflag:s29] =	ssyncset.done $0x0  }
0x82: {  	s17 =	sadd.s32 $0x100, s16;
	[sflag:s29] =	ssyncadd.s32 $0xFFFFC000  }
0x83: {  	[tilespmem:s22], [sflag:$0x1] =	stream.indirect.gather [hbm4b:s7+s25], $0x80, s17, s25, $0xb8;
	[tilespmem:$0x1E000] =	vst v63  }
.Ltmp4:
0x84: {  	_ = 	snop;
	(pc) =	sbr.rel @p1 .LBB2_11-.Ltmp4, $4  }
0x85: {  	s16 =	sadd.s32 $0x1080, s16  }
0x86: {  	[spmem:s2] =	stream.indirect.scatter.add.f32 [tilespmem:s28], [sflag:$0x3], $0x80, s16, s25, $0xb8;
	[tilespmem:$0x1E000] =	vst v63  }
0x87: {  	_ =	swait.ge [sflag:s23], $0x4000  }
0x88: {  	[sflag:s23] =	ssyncset.done $0x0  }
0x89: {  	[sflag:s23] =	ssyncadd.s32 $0xFFFFC000  }
0x8a: {  	_ =	swait.ge [sflag:s26], $0x4000  }
0x8b: {  	[sflag:s26] =	ssyncset.done $0x0  }
0x8c: {  	[sflag:s26] =	ssyncadd.s32 $0xFFFFC000  }
0x8d: {  	[tilespmem:s28], [sflag:$0x2] =	stream.indirect.gather [hbm4b:s7+s25], $0x80, s30, s25, $0xb8;
	[tilespmem:$0x1E000] =	vst v63  }
0x8e: {  	_ = 	snop  }
0x8f: {  	[spmem:s2] =	stream.indirect.scatter.add.f32 [tilespmem:s22], [sflag:$0x3], $0x80, s31, s25, $0xb8;
	[tilespmem:$0x1E000] =	vst v63  }
0x90: {  	_ =	swait.ge [sflag:s23], $0x4000  }
0x91: {  	[sflag:s23] =	ssyncset.done $0x0  }
0x92: {  	[sflag:s23] =	ssyncadd.s32 $0xFFFFC000  }
0x93: {  	s4 =	sadd.s32 $0x1, s4;
	_ =	swait.ge [sflag:s29], $0x4000  }
0x94: {  	p1 =	sne.s32 s4, $0x5;
	[sflag:s29] =	ssyncset.done $0x0  }
.Ltmp5:
0x95: {  	[sflag:s29] =	ssyncadd.s32 $0xFFFFC000;
	(pc) =	sbr.rel @p1 .LBB2_10-.Ltmp5, $4  }
0x96: {  	[spmem:s2] =	stream.indirect.scatter.add.f32 [tilespmem:s28], [sflag:$0x3], $0x80, s0, s25, $0xb8;
	[tilespmem:$0x1E000] =	vst v63  }
0x97: {  	_ =	swait.ge [sflag:s23], $0x4000  }
0x98: {  	[sflag:s23] =	ssyncset.done $0x0  }
0x99: {  	[sflag:s23] =	ssyncadd.s32 $0xFFFFC000  }
.Ltmp6:
0x9a: {  	(pc) =	sbr.rel .LBB2_14-.Ltmp6, $2  }
0x9b: {  	_ =	sdelay $0x2  }
0x9c: {  	s3 =	rddreg [dreg:$0x5]  }
.LBB2_2:
0x9d: {  	p1 =	sne.s32 s4, $0xFE00;
	[tilespmem:s3+$0x2070] =	vst v0  }
0x9e: {  	[tilespmem:s3+$0x2000] =	vst v0  }
0x9f: {  	[tilespmem:s3+$0x2010] =	vst v0  }
.Ltmp7:
0xa0: {  	[tilespmem:s3+$0x2020] =	vst v0;
	(pc) =	sbr.rel @p1 .LBB2_2-.Ltmp7, $4  }
0xa1: {  	[tilespmem:s3+$0x2030] =	vst v0  }
0xa2: {  	[tilespmem:s3+$0x2040] =	vst v0  }
0xa3: {  	[tilespmem:s3+$0x2050] =	vst v0  }
0xa4: {  	[tilespmem:s3+$0x2060] =	vst v0;
	s3 =	sshra.s32 s4, $0x2;
	s4 =	sadd.s32 $0x200, s4  }
0xa5: {  	[tilespmem:s3+$0x2070] =	vst v0  }
0xa6: {  	[tilespmem:s3+$0x2000] =	vst v0  }
0xa7: {  	[tilespmem:s3+$0x2010] =	vst v0  }
0xa8: {  	[tilespmem:s3+$0x2020] =	vst v0  }
0xa9: {  	[tilespmem:s3+$0x2030] =	vst v0  }
0xaa: {  	[tilespmem:s3+$0x2040] =	vst v0  }
0xab: {  	[tilespmem:s3+$0x2050] =	vst v0  }
0xac: {  	[tilespmem:s3+$0x2060] =	vst v0  }
0xad: {  	[spmem:s10] =	stream.linear.scatter [tilespmem:s22], [sflag:$0x3], $0x4000, $0x38;
	[tilespmem:$0x1E000] =	vst v63  }
0xae: {  	_ =	swait.ge [sflag:s23], $0x4000  }
0xaf: {  	[sflag:s23] =	ssyncset.done $0x0  }
0xb0: {  	[sflag:s23] =	ssyncadd.s32 $0xFFFFC000  }
0xb1: {  	[spmem:s11] =	stream.linear.scatter [tilespmem:s22], [sflag:$0x3], $0x4000, $0x38;
	[tilespmem:$0x1E000] =	vst v63  }
0xb2: {  	_ =	swait.ge [sflag:s23], $0x4000  }
0xb3: {  	[sflag:s23] =	ssyncset.done $0x0  }
0xb4: {  	[sflag:s23] =	ssyncadd.s32 $0xFFFFC000  }
0xb5: {  	[spmem:s12] =	stream.linear.scatter [tilespmem:s22], [sflag:$0x3], $0x4000, $0x38;
	[tilespmem:$0x1E000] =	vst v63  }
0xb6: {  	_ =	swait.ge [sflag:s23], $0x4000  }
0xb7: {  	[sflag:s23] =	ssyncset.done $0x0  }
0xb8: {  	[sflag:s23] =	ssyncadd.s32 $0xFFFFC000  }
0xb9: {  	[spmem:s13] =	stream.linear.scatter [tilespmem:s22], [sflag:$0x3], $0x4000, $0x38;
	[tilespmem:$0x1E000] =	vst v63  }
0xba: {  	_ =	swait.ge [sflag:s23], $0x4000  }
0xbb: {  	[sflag:s23] =	ssyncset.done $0x0  }
0xbc: {  	[sflag:s23] =	ssyncadd.s32 $0xFFFFC000  }
0xbd: {  	[spmem:s15] =	stream.linear.scatter [tilespmem:s22], [sflag:$0x3], $0x4000, $0x38;
	[tilespmem:$0x1E000] =	vst v63  }
0xbe: {  	_ =	swait.ge [sflag:s23], $0x4000  }
0xbf: {  	[sflag:s23] =	ssyncset.done $0x0  }
0xc0: {  	[sflag:s23] =	ssyncadd.s32 $0xFFFFC000  }
0xc1: {  	s9 =	simm.s32 $0x0;
	s4 =	simm.s32 $0x0;
	[bflag:$0x0] =	sbarrier.arrive $0xFFFF  }
.LBB2_4:
0xc2: {  	s3 =	sshll.u32 s4, $0xC  }
0xc3: {  	s3 =	sadd.s32 s14, s3  }
0xc4: {  	s3 =	sshrl.u32 s3, $0x3  }
0xc5: {  	s16 =	sadd.s32 s5, s3  }
0xc6: {  	[tilespmem:s9], [sflag:$0x3] =	stream.linear.gather [hbm4b:s16+s9], $0x1000, $0x38;
	[tilespmem:$0x1E000] =	vst v63  }
0xc7: {  	_ =	swait.ge [sflag:s23], $0x1000  }
0xc8: {  	[sflag:s23] =	ssyncset.done $0x0  }
0xc9: {  	s3 =	sadd.s32 s6, s3;
	[sflag:s23] =	ssyncadd.s32 $0xFFFFF000  }
0xca: {  	[tilespmem:s24], [sflag:$0x3] =	stream.linear.gather [hbm4b:s3+s9], $0x1000, $0x38;
	[tilespmem:$0x1E000] =	vst v63  }
0xcb: {  	_ =	swait.ge [sflag:s23], $0x1000  }
0xcc: {  	[sflag:s23] =	ssyncset.done $0x0  }
0xcd: {  	[sflag:s23] =	ssyncadd.s32 $0xFFFFF000  }
0xce: {  	[tilespmem:s22], [sflag:$0x1] =	stream.indirect.gather [hbm4b:s1+s25], $0x80, s9, s25, $0xb8;
	[tilespmem:$0x1E000] =	vst v63  }
0xcf: {  	_ =	swait.ge [sflag:s26], $0x4000  }
0xd0: {  	[sflag:s26] =	ssyncset.done $0x0  }
0xd1: {  	s16 =	simm.s32 $0x80;
	[sflag:s26] =	ssyncadd.s32 $0xFFFFC000  }
0xd2: {  	[tilespmem:s28], [sflag:$0x2] =	stream.indirect.gather [hbm4b:s1+s25], $0x80, s16, s25, $0xb8;
	[tilespmem:$0x1E000] =	vst v63  }
0xd3: {  	s17 =	simm.s32 $0x1000  }
0xd4: {  	[spmem:s2] =	stream.indirect.scatter.add.f32 [tilespmem:s22], [sflag:$0x3], $0x80, s17, s25, $0xb8;
	[tilespmem:$0x1E000] =	vst v63  }
0xd5: {  	_ =	swait.ge [sflag:s23], $0x4000  }
0xd6: {  	[sflag:s23] =	ssyncset.done $0x0  }
0xd7: {  	[sflag:s23] =	ssyncadd.s32 $0xFFFFC000  }
0xd8: {  	_ =	swait.ge [sflag:s29], $0x4000  }
0xd9: {  	[sflag:s29] =	ssyncset.done $0x0  }
0xda: {  	s16 =	simm.s32 $0x100;
	[sflag:s29] =	ssyncadd.s32 $0xFFFFC000  }
0xdb: {  	[tilespmem:s22], [sflag:$0x1] =	stream.indirect.gather [hbm4b:s1+s25], $0x80, s16, s25, $0xb8;
	[tilespmem:$0x1E000] =	vst v63  }
0xdc: {  	s17 =	simm.s32 $0x1080  }
0xdd: {  	[spmem:s2] =	stream.indirect.scatter.add.f32 [tilespmem:s28], [sflag:$0x3], $0x80, s17, s25, $0xb8;
	[tilespmem:$0x1E000] =	vst v63  }
0xde: {  	_ =	swait.ge [sflag:s23], $0x4000  }
0xdf: {  	s3 =	simm.s32 $0x400;
	[sflag:s23] =	ssyncset.done $0x0  }
.LBB2_5:
0xe0: {  	p1 =	sne.s32 s3, $0x3800  }
0xe1: {  	[sflag:s23] =	ssyncadd.s32 $0xFFFFC000;
	s16 =	smov.u32 s3;
	s3 =	sadd.s32 $0x400, s3  }
0xe2: {  	_ = 	snop  }
0xe3: {  	_ =	swait.ge [sflag:s26], $0x4000  }
0xe4: {  	s16 =	sshra.s32 s16, $0x2;
	[sflag:s26] =	ssyncset.done $0x0  }
0xe5: {  	s17 =	sadd.s32 $0x80, s16;
	[sflag:s26] =	ssyncadd.s32 $0xFFFFC000  }
0xe6: {  	[tilespmem:s28], [sflag:$0x2] =	stream.indirect.gather [hbm4b:s1+s25], $0x80, s17, s25, $0xb8;
	[tilespmem:$0x1E000] =	vst v63  }
0xe7: {  	s17 =	sadd.s32 $0x1000, s16  }
0xe8: {  	[spmem:s2] =	stream.indirect.scatter.add.f32 [tilespmem:s22], [sflag:$0x3], $0x80, s17, s25, $0xb8;
	[tilespmem:$0x1E000] =	vst v63  }
0xe9: {  	_ =	swait.ge [sflag:s23], $0x4000  }
0xea: {  	[sflag:s23] =	ssyncset.done $0x0  }
0xeb: {  	[sflag:s23] =	ssyncadd.s32 $0xFFFFC000  }
0xec: {  	_ =	swait.ge [sflag:s29], $0x4000  }
0xed: {  	[sflag:s29] =	ssyncset.done $0x0  }
0xee: {  	s17 =	sadd.s32 $0x100, s16;
	[sflag:s29] =	ssyncadd.s32 $0xFFFFC000  }
0xef: {  	[tilespmem:s22], [sflag:$0x1] =	stream.indirect.gather [hbm4b:s1+s25], $0x80, s17, s25, $0xb8;
	[tilespmem:$0x1E000] =	vst v63  }
.Ltmp8:
0xf0: {  	_ = 	snop;
	(pc) =	sbr.rel @p1 .LBB2_5-.Ltmp8, $4  }
0xf1: {  	s16 =	sadd.s32 $0x1080, s16  }
0xf2: {  	[spmem:s2] =	stream.indirect.scatter.add.f32 [tilespmem:s28], [sflag:$0x3], $0x80, s16, s25, $0xb8;
	[tilespmem:$0x1E000] =	vst v63  }
0xf3: {  	_ =	swait.ge [sflag:s23], $0x4000  }
0xf4: {  	[sflag:s23] =	ssyncset.done $0x0  }
0xf5: {  	[sflag:s23] =	ssyncadd.s32 $0xFFFFC000  }
0xf6: {  	_ =	swait.ge [sflag:s26], $0x4000  }
0xf7: {  	[sflag:s26] =	ssyncset.done $0x0  }
0xf8: {  	[sflag:s26] =	ssyncadd.s32 $0xFFFFC000  }
0xf9: {  	[tilespmem:s28], [sflag:$0x2] =	stream.indirect.gather [hbm4b:s1+s25], $0x80, s30, s25, $0xb8;
	[tilespmem:$0x1E000] =	vst v63  }
0xfa: {  	_ = 	snop  }
0xfb: {  	[spmem:s2] =	stream.indirect.scatter.add.f32 [tilespmem:s22], [sflag:$0x3], $0x80, s31, s25, $0xb8;
	[tilespmem:$0x1E000] =	vst v63  }
0xfc: {  	_ =	swait.ge [sflag:s23], $0x4000  }
0xfd: {  	[sflag:s23] =	ssyncset.done $0x0  }
0xfe: {  	[sflag:s23] =	ssyncadd.s32 $0xFFFFC000  }
0xff: {  	s4 =	sadd.s32 $0x1, s4;
	_ =	swait.ge [sflag:s29], $0x4000  }
0x100: {  	p1 =	seq.s32 s4, $0x5;
	[sflag:s29] =	ssyncset.done $0x0  }
.Ltmp9:
0x101: {  	[sflag:s29] =	ssyncadd.s32 $0xFFFFC000;
	(pc) =	sbr.rel @!p1 .LBB2_4-.Ltmp9, $4  }
0x102: {  	[spmem:s2] =	stream.indirect.scatter.add.f32 [tilespmem:s28], [sflag:$0x3], $0x80, s0, s25, $0xb8;
	[tilespmem:$0x1E000] =	vst v63  }
0x103: {  	_ =	swait.ge [sflag:s23], $0x4000  }
0x104: {  	[sflag:s23] =	ssyncset.done $0x0  }
0x105: {  	[sflag:s23] =	ssyncadd.s32 $0xFFFFC000  }
.Ltmp10:
0x106: {  	(pc) =	sbr.rel .LBB2_14-.Ltmp10, $2  }
0x107: {  	_ =	sdelay $0x2  }
0x108: {  	s3 =	rddreg [dreg:$0x4]  }
.LBB2_15:
0x109: {  	_ =	sfence.sel $0x180000  }
0x10a: {  	[bflag:$0x0] =	sbarrier.arrive $0xFFFF  }
0x10b: {  	_ =	strace $0x9000004D  }
0x10c: {  	s0 =	stileid.u32;
	[bflag:$0x2] =	sbarrier.arrive $0xFFFF  }
0x10d: {  	p0 =	sne.s32 s0, $0x0;
	s0 =	rddreg [dreg:$0x3]  }
0x10e: {  	s0 =	sadd.s32 @!p0 $0x100000, s0  }
0x10f: {  	[sflag:s0] =	ssyncadd.tile.s32 @!p0 $0x1;
	_ =	shalt  }
.Lfunc_end2:
_tile_overlayer_lowered:
.L_overlay_start_2:
0x110: {  	(tag) =	ssettag $0x2  }
0x111: {  	s0 =	rddreg [dreg:$0x0];
	s2 =	stileid.u32  }
0x112: {  	s1 =	rddreg [dreg:$0x1];
	p0 =	sne.s32 s2, $0x0  }
0x113: {  	s3 =	rddreg [dreg:$0x2];
	[bflag:$0x3] =	sbarrier.arrive $0xFFFF;
	s2 =	simm.s32 @!p0 $0x1C03  }
0x114: {  	[timem:s3], [sflag:s2] =	dma.local @!p0 [hbm:s0], s1  }
0x115: {  	s0 =	simm.s32 @!p0 $0x3  }
0x116: {  	_ =	swait.ge @!p0 [sflag:s0], s1  }
0x117: {  	s1 =	ssub.s32 @!p0 $0x0, s1;
	[sflag:s0] =	ssyncset.done @!p0 $0x0  }
0x118: {  	[sflag:s0] =	ssyncadd.s32 @!p0 s1  }
0x119: {  	[bflag:$0x3] =	sbarrier.arrive $0xFFFF  }
0x11a: {  	_ =	shalt  }

// kernel: kernel.19.cloned.1.call-start
scs
__scs_entry_jumppad:
0x0: {  	(pc) =	sbr.rel $0x88, $3  }
0x1: {  	(tag) =	ssettag $0x0;
	lr =	simm.s32 $0x1  }
0x2: {  	[smem:$0x3F92] =	sst lr;
	_ =	strace $0xD0000000  }
0x3: {  	_ = 	snop  }
0x4: {  	_ = 	snop  }
0x5: {  	_ = 	snop  }
0x6: {  	_ = 	snop  }
0x7: {  	_ = 	snop  }
__scs_overlays_trampoline_lowered:
0x8: {  	[smem:$0x3FA1] =	sst s0  }
0x9: {  	[smem:$0x3FA2] =	sst s1  }
0xa: {  	[smem:$0x3FA3] =	sst s2  }
0xb: {  	[smem:$0x3FA4] =	sst s3  }
0xc: {  	[smem:$0x3FA5] =	sst s4  }
0xd: {  	[smem:$0x3FA6] =	sst s5  }
0xe: {  	[smem:$0x3FA7] =	sst s6  }
0xf: {  	[smem:$0x3FA8] =	sst s7  }
0x10: {  	[smem:$0x3FA9] =	sst s8  }
0x11: {  	[smem:$0x3FAA] =	sst s9;
	s0 =	simm.s32 @!p0 $0x0  }
0x12: {  	s1 =	sld [smem:$0x3F90];
	s0 =	simm.s32 @p0 $0x1  }
0x13: {  	[smem:$0x3FAB] =	sst s0;
	s0 =	simm.s32 @!p1 $0x0  }
0x14: {  	s2 =	sld [smem:$0x3F8F];
	s0 =	simm.s32 @p1 $0x1  }
0x15: {  	[smem:$0x3FAC] =	sst s0;
	s0 =	simm.s32 @!p2 $0x0  }
0x16: {  	s3 =	sld [smem:$0x3FDB];
	s0 =	simm.s32 @p2 $0x1  }
0x17: {  	s4 =	simm.s32 $0x1BF5;
	[smem:$0x3FAE] =	sst s0  }
0x18: {  	s0 =	sld [smem:$0x3F91];
	_ =	swait.ge [sflag:s4], $0x0  }
0x19: {  	s7 =	sld [smem:$0x3F92]  }
0x1a: {  	s8 =	sadd.s32 $0xFFFFE003, lr  }
0x1b: {  	s9 =	sadd.s32 $0xFFFFFEF7, lr;
	s5 =	simm.s32 $0xFFFFFFFF;
	p2 =	slt.u32 s8, $0xFFFFF086  }
0x1c: {  	p1 =	slt.u32 s9, $0xF7A;
	s5 =	simm.s32 @!p2 $0x0  }
0x1d: {  	s5 =	simm.s32 @p1 $0x1;
	p0 =	seq.s32 s7, s2  }
0x1e: {  	s7 =	smul.u32 @!p0 $0xF7A, s2;
	p2 =	seq.s32 @!p0 s5, $0x0  }
0x1f: {  	s9 =	smul.u32 $0xF7A, s1;
	s8 =	simm.s32 @!p0 $0x1BF5;
	p2 =	por !p2, p0  }
0x20: {  	[sflag:s8] =	ssyncset.s32 @!p0 $0xFFFFF086;
	s6 =	sadd.s32 @!p0 s3, s7;
	s7 =	simm.s32 @!p0 $0x108  }
0x21: {  	s3 =	sadd.s32 s3, s9;
	s6 =	sadd.s32 @!p0 $0x88, s6;
	s7 =	simm.s32 @p2 $0x1082  }
0x22: {  	[simem:s7], [sflag:s8] =	dma.local @!p0 [hbm:s6], $0xF7A  }
0x23: {  	s9 =	sor.u32 $0xD0000000, s2;
	s6 =	simm.s32 $0x108;
	_ =	swait.ge @!p0 [sflag:s8], $0x0  }
0x24: {  	s3 =	sadd.s32 $0x88, s3;
	s6 =	simm.s32 @!p1 $0x1082;
	[sflag:s4] =	ssyncset.s32 $0xFFFFF086  }
0x25: {  	[simem:s6], [sflag:s4] =	dma.local [hbm:s3], $0xF7A  }
0x26: {  	[smem:$0x3F92] =	sst s1;
	(tag) =	ssettag s2;
	_ =	strace s9  }
0x27: {  	s1 =	sld [smem:$0x3FA2]  }
0x28: {  	s2 =	sld [smem:$0x3FA3]  }
0x29: {  	s4 =	sld [smem:$0x3FA5]  }
0x2a: {  	p0 =	seq.s32 s5, $0x0;
	s5 =	sld [smem:$0x3FA6]  }
0x2b: {  	s6 =	sld [smem:$0x3FA7]  }
0x2c: {  	s7 =	sld [smem:$0x3FA8]  }
0x2d: {  	s3 =	simm.s32 $0x108;
	s8 =	sld [smem:$0x3FA9]  }
0x2e: {  	s3 =	simm.s32 @!p0 $0x1082;
	s9 =	sld [smem:$0x3FAA]  }
0x2f: {  	lr =	sadd.s32 s0, s3;
	s0 =	sld [smem:$0x3FA1]  }
0x30: {  	s3 =	sld [smem:$0x3FA4]  }
0x31: {  	[smem:$0x3FAD] =	sst s10  }
0x32: {  	s10 =	sld [smem:$0x3FAB];
	_ =	sdelay $0x3  }
0x33: {  	p0 =	seq.s32 s10, $0x1;
	s10 =	sld [smem:$0x3FAD];
	_ =	sdelay $0x3  }
0x34: {  	[smem:$0x3FAD] =	sst s10  }
0x35: {  	s10 =	sld [smem:$0x3FAC];
	_ =	sdelay $0x3  }
0x36: {  	p1 =	seq.s32 s10, $0x1;
	s10 =	sld [smem:$0x3FAD];
	_ =	sdelay $0x3  }
0x37: {  	[smem:$0x3FAD] =	sst s10  }
0x38: {  	s10 =	sld [smem:$0x3FAE]  }
0x39: {  	_ = 	snop;
	(pc) =	sbr.ind lr, $3  }
0x3a: {  	_ = 	snop  }
0x3b: {  	_ = 	snop  }
0x3c: {  	p2 =	seq.s32 s10, $0x1;
	s10 =	sld [smem:$0x3FAD]  }
0x3d: {  	_ =	shalt  }
0x3e: {  	_ =	shalt  }
0x3f: {  	_ =	shalt  }
0x40: {  	_ =	shalt  }
0x41: {  	_ =	shalt  }
0x42: {  	_ =	shalt  }
0x43: {  	_ =	shalt  }
0x44: {  	_ =	shalt  }
0x45: {  	_ =	shalt  }
0x46: {  	_ =	shalt  }
0x47: {  	_ =	shalt  }
0x48: {  	_ =	shalt  }
0x49: {  	_ =	shalt  }
0x4a: {  	_ =	shalt  }
0x4b: {  	_ =	shalt  }
0x4c: {  	_ =	shalt  }
0x4d: {  	_ =	shalt  }
0x4e: {  	_ =	shalt  }
0x4f: {  	_ =	shalt  }
0x50: {  	_ =	shalt  }
0x51: {  	_ =	shalt  }
0x52: {  	_ =	shalt  }
0x53: {  	_ =	shalt  }
0x54: {  	_ =	shalt  }
0x55: {  	_ =	shalt  }
0x56: {  	_ =	shalt  }
0x57: {  	_ =	shalt  }
0x58: {  	_ =	shalt  }
0x59: {  	_ =	shalt  }
0x5a: {  	_ =	shalt  }
0x5b: {  	_ =	shalt  }
0x5c: {  	_ =	shalt  }
0x5d: {  	_ =	shalt  }
0x5e: {  	_ =	shalt  }
0x5f: {  	_ =	shalt  }
0x60: {  	_ =	shalt  }
0x61: {  	_ =	shalt  }
0x62: {  	_ =	shalt  }
0x63: {  	_ =	shalt  }
0x64: {  	_ =	shalt  }
0x65: {  	_ =	shalt  }
0x66: {  	_ =	shalt  }
0x67: {  	_ =	shalt  }
0x68: {  	_ =	shalt  }
0x69: {  	_ =	shalt  }
0x6a: {  	_ =	shalt  }
0x6b: {  	_ =	shalt  }
0x6c: {  	_ =	shalt  }
0x6d: {  	_ =	shalt  }
0x6e: {  	_ =	shalt  }
0x6f: {  	_ =	shalt  }
0x70: {  	_ =	shalt  }
0x71: {  	_ =	shalt  }
0x72: {  	_ =	shalt  }
0x73: {  	_ =	shalt  }
0x74: {  	_ =	shalt  }
0x75: {  	_ =	shalt  }
0x76: {  	_ =	shalt  }
0x77: {  	_ =	shalt  }
0x78: {  	_ =	shalt  }
0x79: {  	_ =	shalt  }
0x7a: {  	_ =	shalt  }
0x7b: {  	_ =	shalt  }
0x7c: {  	_ =	shalt  }
0x7d: {  	_ =	shalt  }
0x7e: {  	_ =	shalt  }
0x7f: {  	_ =	shalt  }
0x80: {  	_ =	shalt  }
0x81: {  	_ =	shalt  }
0x82: {  	_ =	shalt  }
0x83: {  	_ =	shalt  }
0x84: {  	_ =	shalt  }
0x85: {  	_ =	shalt  }
0x86: {  	_ =	shalt  }
0x87: {  	_ =	shalt  }
.Lfunc_end0:
.L_simem_size_0:
called_computation.3_lowered:
.L_overlay_start_0:
0x88: {  	s2 =	sld [smem:$0x3FD9]  }
0x89: {  	s3 =	sld [smem:$0x3FFE];
	_ =	sdelay $0x1  }
0x8a: {  	s1 =	srdreg.scid  }
0x8b: {  	s0 =	sand.u32 $0x1, s1  }
0x8c: {  	s17 =	sshll.u32 s0, $0xA;
	s2 =	sadd.s32 s3, s2  }
0x8d: {  	s2 =	sadd.s32 s2, s17  }
0x8e: {  	[smem:$0x3FB9] =	sst s2  }
0x8f: {  	_ = 	snop  }
0x90: {  	s2 =	sld [smem:$0x3FD0];
	(tm) =	ssettm $0x1  }
0x91: {  	s18 =	sld [smem:$0x3FFB];
	_ =	sdelay $0x3  }
0x92: {  	_ =	strace s18  }
0x93: {  	s3 =	sld [smem:$0x3FFC];
	_ =	sdelay $0x3  }
0x94: {  	_ =	strace s3  }
0x95: {  	s3 =	sld [smem:$0x3FFD];
	_ =	sdelay $0x3  }
0x96: {  	_ =	strace s3  }
0x97: {  	_ =	strace $0x8FFFFFFF  }
0x98: {  	s19 =	sld [smem:$0x3FDB];
	_ =	sdelay $0x1  }
0x99: {  	s4 =	simm.s32 $_scs_section_size  }
0x9a: {  	s5 =	simm.s32 $_size__tile_overlayer_lowered;
	s6 =	simm.s32 $_tile_overlayer_lowered  }
0x9b: {  	s22 =	simm.s32 $0x1BFF;
	s21 =	sshll.u32 s6, $0x1;
	s3 =	sadd.s32 s4, s19  }
0x9c: {  	s7 =	simm.s32 $0x0;
	s20 =	sshll.u32 s5, $0x1;
	s5 =	sadd.s32 s21, s3  }
0x9d: {  	[timem:s7], [sflag:s22] =	dma.local [hbm:s5], s20  }
0x9e: {  	_ =	swait.ge [sflag:s22], s20  }
0x9f: {  	s4 =	ssub.s32 $0x0, s20;
	[sflag:s22] =	ssyncset.done $0x0  }
0xa0: {  	[sflag:s22] =	ssyncadd.s32 s4;
	_ =	sdelay $0x1  }
0xa1: {  	s23 =	simm.s32 $0x1B8B  }
0xa2: {  	_ =	swait.ge [sflag:s23], $0x1  }
0xa3: {  	[sflag:s23] =	ssyncset.done $0x0  }
0xa4: {  	s25 =	simm.s32 $0x1B8E;
	s24 =	sld [smem:$0x3FFE];
	[sflag:s23] =	ssyncadd.s32 $0xFFFFFFFF  }
0xa5: {  	s26 =	simm.s32 $execute0_lowered;
	[smem:$0x3FD2] =	sst s25  }
0xa6: {  	s5 =	sshll.u32 s26, $0x1;
	_ =	strace $0x8000004F;
	[dreg:$0x1] =	wrdreg $0xFFFFFFFF  }
0xa7: {  	s28 =	simm.s32 $_size_execute0_lowered;
	s3 =	sadd.s32 s3, s5;
	[dreg:$0x0] =	wrdreg $0x0  }
0xa8: {  	s5 =	sshll.u32 s28, $0x1;
	[dreg:$0x2] =	wrdreg s3  }
0xa9: {  	[dreg:$0x3] =	wrdreg s5  }
0xaa: {  	[dreg:$0x4] =	wrdreg $0xC0  }
0xab: {  	_ =	task [dreg:s7], $0x5FFFF  }
0xac: {  	[dreg:$0x1] =	wrdreg $0xFFFFFFFF  }
0xad: {  	[dreg:$0x0] =	wrdreg $0x60  }
0xae: {  	[dreg:$0x2] =	wrdreg s24  }
0xaf: {  	[dreg:$0x3] =	wrdreg s2  }
0xb0: {  	[dreg:$0x4] =	wrdreg $0xA0000  }
0xb1: {  	[dreg:$0x5] =	wrdreg $0x9  }
0xb2: {  	_ =	task.clear_ibuf [dreg:s7], $0x6FFFF;
	_ =	strace $0x9000004F  }
0xb3: {  	s29 =	simm.s32 $0x9;
	_ =	strace $0x80000051  }
0xb4: {  	_ =	swait.ge [sflag:s29], $0x1  }
0xb5: {  	[sflag:s29] =	ssyncadd.s32 $0xFFFFFFFF  }
0xb6: {  	_ =	strace $0x90000051  }
0xb7: {  	_ =	sfence  }
0xb8: {  	s30 =	sld [smem:$0x0];
	_ =	sdelay $0x2  }
0xb9: {  	s31 =	sshll.u32 s1, $0xD;
	s1 =	sshrl.u32 s1, $0x2  }
0xba: {  	s3 =	sand.u32 $0x4000, s31;
	s1 =	sadd.s32 s1, s30  }
0xbb: {  	s0 =	sor.u32 s3, s0;
	s1 =	sshll.u32 s1, $0x11  }
0xbc: {  	s0 =	sor.u32 s1, s0  }
0xbd: {  	s0 =	sadd.s32 $0x8F2B, s0  }
0xbe: {  	[sflag:s0] =	ssyncadd.remote.s32 $0x1  }
0xbf: {  	_ =	sfence.sel $0xFFFF  }
0xc0: {  	[dreg:$0x0] =	wrdreg $0xFFFFFFFF;
	(pc) =	sbr.abs _section_cstart, $3  }
0xc1: {  	[dreg:$0x1] =	wrdreg $0xFFFFFFFF  }
0xc2: {  	_ =	task.clear_ibuf [dreg:s7], $0x2FFFF;
	_ =	strace $0x9FFFFFFF  }
0xc3: {  	(tm) =	ssettm $0x7FFFFFFF  }
tec
execute0_lowered:
.L_overlay_start_1:
0x0: {  	(tag) =	ssettag $0x1  }
0x1: {  	s0 =	rddreg [dreg:$0x0]  }
0x2: {  	s1 =	rddreg [dreg:$0x1]  }
0x3: {  	s2 =	rddreg [dreg:$0x2]  }
0x4: {  	s3 =	simm.s32 $0x0;
	s15 =	srdreg.scid;
	s16 =	stileid.u32  }
0x5: {  	s28 =	simm.s32 $0x6000;
	s29 =	simm.s32 $0x2;
	s30 =	simm.s32 $0xF80  }
0x6: {  	s31 =	simm.s32 $0x1F00;
	[smem:$0x7FF] =	sst s3;
	s8 =	smul.u32 $0x280, s16  }
0x7: {  	s5 =	sadd.s32 $0xFE00, s0;
	s3 =	sand.u32 $0x1, s15;
	s10 =	smul.u32 $0x50000, s16  }
0x8: {  	s6 =	sadd.s32 $0x5E00, s0;
	s7 =	sadd.s32 $0x41E00, s0;
	s14 =	smul.u32 $0x5000, s16  }
0x9: {  	s11 =	sadd.s32 $0x69E00, s0;
	s0 =	sadd.s32 $0x91E00, s0;
	s25 =	smul.u32 $0x2800, s16  }
0xa: {  	_ =	strace $0x80000050;
	s4 =	ssub.s32 $0x2, s3;
	[dreg:$0x4] =	wrdreg s11  }
0xb: {  	[dreg:$0x5] =	wrdreg s0;
	p0 =	seq.s32 s3, $0x1;
	s9 =	sshrl.u32 s4, $0x1  }
0xc: {  	s17 =	sshrl.u32 s10, $0x2;
	s18 =	sadd.s32 $0x80, s8;
	s21 =	sadd.s32 $0x100, s8  }
0xd: {  	s19 =	sadd.s32 $0x180, s8;
	s8 =	sadd.s32 $0x200, s8;
	[dreg:$0x6] =	wrdreg s25  }
0xe: {  	s25 =	simm.s32 $0x80;
	s0 =	ssub.s32 s4, s9;
	s10 =	sadd.s32 s17, s2  }
0xf: {  	s20 =	sshll.u32 s18, $0x7;
	s22 =	sshll.u32 s21, $0x7;
	s23 =	sshll.u32 s19, $0x7  }
0x10: {  	s24 =	sshll.u32 s8, $0x7;
	s26 =	sshll.u32 s18, $0x4;
	s18 =	sshll.u32 s21, $0x4  }
.Ltmp0:
0x11: {  	s19 =	sshll.u32 s19, $0x4;
	s11 =	sadd.s32 s20, s2;
	(pc) =	sbr.rel .LBB2_1-.Ltmp0, $4  }
0x12: {  	s12 =	sadd.s32 s22, s2;
	s13 =	sadd.s32 s23, s2;
	s15 =	sadd.s32 s24, s2  }
0x13: {  	[dreg:$0x7] =	wrdreg s26;
	s20 =	sshll.u32 s8, $0x4;
	s21 =	smax.u32 s0, $0x1  }
0x14: {  	s22 =	simm.s32 $0x2000;
	s23 =	simm.s32 $0x3;
	s24 =	simm.s32 $0x1000  }
0x15: {  	v0 =	vimm.f32 $0.0e+00;
	s26 =	simm.s32 $0x1;
	s0 =	simm.s32 $0x1F80;
	s8 =	simm.s32 $0x0  }
.LBB2_14:
0x16: {  	s9 =	stileid.u32  }
0x17: {  	s4 =	rddreg [dreg:$0x6];
	[bflag:$0x0] =	sbarrier.arrive $0xFFFF;
	s9 =	sshll.u32 s9, $0x6  }
0x18: {  	s16 =	sshrl.u32 s10, $0x3;
	s4 =	sadd.s32 s3, s4;
	s9 =	sor.u32 $0x1C03, s9  }
0x19: {  	[hbm:s4], [sflag:s9] =	dma.local [spmem:s16], $0x800  }
0x1a: {  	_ =	swait.ge [sflag:s23], $0x800  }
0x1b: {  	[sflag:s23] =	ssyncset.done $0x0;
	s16 =	rddreg [dreg:$0x7]  }
0x1c: {  	s17 =	sshrl.u32 s11, $0x3;
	s4 =	sadd.s32 s3, s16;
	[sflag:s23] =	ssyncadd.s32 $0xFFFFF800  }
0x1d: {  	[hbm:s4], [sflag:s9] =	dma.local [spmem:s17], $0x800  }
0x1e: {  	_ =	swait.ge [sflag:s23], $0x800  }
0x1f: {  	[sflag:s23] =	ssyncset.done $0x0  }
0x20: {  	s16 =	sadd.s32 s3, s18;
	s17 =	sshrl.u32 s12, $0x3;
	[sflag:s23] =	ssyncadd.s32 $0xFFFFF800  }
0x21: {  	[hbm:s16], [sflag:s9] =	dma.local [spmem:s17], $0x800  }
0x22: {  	_ =	swait.ge [sflag:s23], $0x800  }
0x23: {  	[sflag:s23] =	ssyncset.done $0x0  }
0x24: {  	s16 =	sadd.s32 s3, s19;
	s17 =	sshrl.u32 s13, $0x3;
	[sflag:s23] =	ssyncadd.s32 $0xFFFFF800  }
0x25: {  	[hbm:s16], [sflag:s9] =	dma.local [spmem:s17], $0x800  }
0x26: {  	s8 =	sadd.s32 $0x1, s8;
	_ =	swait.ge [sflag:s23], $0x800  }
0x27: {  	p1 =	sne.s32 s8, s21;
	s16 =	sadd.s32 s3, s20;
	[sflag:s23] =	ssyncset.done $0x0  }
.Ltmp1:
0x28: {  	s17 =	sshrl.u32 s15, $0x3;
	[sflag:s23] =	ssyncadd.s32 $0xFFFFF800;
	(pc) =	sbr.rel @!p1 .LBB2_15-.Ltmp1, $4  }
0x29: {  	[hbm:s16], [sflag:s9] =	dma.local [spmem:s17], $0x800  }
0x2a: {  	_ =	swait.ge [sflag:s23], $0x800  }
0x2b: {  	[sflag:s23] =	ssyncset.done $0x0  }
0x2c: {  	[sflag:s23] =	ssyncadd.s32 $0xFFFFF800  }
.LBB2_1:
.Ltmp2:
0x2d: {  	(pc) =	sbr.rel @!p0 .LBB2_2-.Ltmp2, $3  }
0x2e: {  	_ =	sdelay $0x1  }
0x2f: {  	s4 =	simm.s32 $0x0  }
0x30: {  	s3 =	sshra.s32 s4, $0x2;
	s4 =	sadd.s32 $0x200, s4  }
.LBB2_8:
0x31: {  	p1 =	sne.s32 s4, $0xFE00;
	[tilespmem:s3+$0x2070] =	vst v0  }
0x32: {  	[tilespmem:s3+$0x2000] =	vst v0  }
0x33: {  	[tilespmem:s3+$0x2010] =	vst v0  }
.Ltmp3:
0x34: {  	[tilespmem:s3+$0x2020] =	vst v0;
	(pc) =	sbr.rel @p1 .LBB2_8-.Ltmp3, $4  }
0x35: {  	[tilespmem:s3+$0x2030] =	vst v0  }
0x36: {  	[tilespmem:s3+$0x2040] =	vst v0  }
0x37: {  	[tilespmem:s3+$0x2050] =	vst v0  }
0x38: {  	[tilespmem:s3+$0x2060] =	vst v0;
	s3 =	sshra.s32 s4, $0x2;
	s4 =	sadd.s32 $0x200, s4  }
0x39: {  	[tilespmem:s3+$0x2070] =	vst v0  }
0x3a: {  	[tilespmem:s3+$0x2000] =	vst v0  }
0x3b: {  	[tilespmem:s3+$0x2010] =	vst v0  }
0x3c: {  	[tilespmem:s3+$0x2020] =	vst v0  }
0x3d: {  	[tilespmem:s3+$0x2030] =	vst v0  }
0x3e: {  	[tilespmem:s3+$0x2040] =	vst v0  }
0x3f: {  	[tilespmem:s3+$0x2050] =	vst v0  }
0x40: {  	[tilespmem:s3+$0x2060] =	vst v0  }
0x41: {  	[spmem:s10] =	stream.linear.scatter [tilespmem:s22], [sflag:$0x3], $0x4000, $0x38;
	[tilespmem:$0x1E000] =	vst v63  }
0x42: {  	_ =	swait.ge [sflag:s23], $0x4000  }
0x43: {  	[sflag:s23] =	ssyncset.done $0x0  }
0x44: {  	[sflag:s23] =	ssyncadd.s32 $0xFFFFC000  }
0x45: {  	[spmem:s11] =	stream.linear.scatter [tilespmem:s22], [sflag:$0x3], $0x4000, $0x38;
	[tilespmem:$0x1E000] =	vst v63  }
0x46: {  	_ =	swait.ge [sflag:s23], $0x4000  }
0x47: {  	[sflag:s23] =	ssyncset.done $0x0  }
0x48: {  	[sflag:s23] =	ssyncadd.s32 $0xFFFFC000  }
0x49: {  	[spmem:s12] =	stream.linear.scatter [tilespmem:s22], [sflag:$0x3], $0x4000, $0x38;
	[tilespmem:$0x1E000] =	vst v63  }
0x4a: {  	_ =	swait.ge [sflag:s23], $0x4000  }
0x4b: {  	[sflag:s23] =	ssyncset.done $0x0  }
0x4c: {  	[sflag:s23] =	ssyncadd.s32 $0xFFFFC000  }
0x4d: {  	[spmem:s13] =	stream.linear.scatter [tilespmem:s22], [sflag:$0x3], $0x4000, $0x38;
	[tilespmem:$0x1E000] =	vst v63  }
0x4e: {  	_ =	swait.ge [sflag:s23], $0x4000  }
0x4f: {  	[sflag:s23] =	ssyncset.done $0x0  }
0x50: {  	[sflag:s23] =	ssyncadd.s32 $0xFFFFC000  }
0x51: {  	[spmem:s15] =	stream.linear.scatter [tilespmem:s22], [sflag:$0x3], $0x4000, $0x38;
	[tilespmem:$0x1E000] =	vst v63  }
0x52: {  	_ =	swait.ge [sflag:s23], $0x4000  }
0x53: {  	[sflag:s23] =	ssyncset.done $0x0  }
0x54: {  	[sflag:s23] =	ssyncadd.s32 $0xFFFFC000  }
0x55: {  	s9 =	simm.s32 $0x0;
	s4 =	simm.s32 $0x0;
	[bflag:$0x0] =	sbarrier.arrive $0xFFFF  }
.LBB2_10:
0x56: {  	s3 =	sshll.u32 s4, $0xC  }
0x57: {  	s3 =	sadd.s32 s14, s3  }
0x58: {  	s3 =	sshrl.u32 s3, $0x3  }
0x59: {  	s16 =	sadd.s32 s5, s3  }
0x5a: {  	[tilespmem:s9], [sflag:$0x3] =	stream.linear.gather [hbm4b:s16+s9], $0x1000, $0x38;
	[tilespmem:$0x1E000] =	vst v63  }
0x5b: {  	_ =	swait.ge [sflag:s23], $0x1000  }
0x5c: {  	[sflag:s23] =	ssyncset.done $0x0  }
0x5d: {  	s3 =	sadd.s32 s6, s3;
	[sflag:s23] =	ssyncadd.s32 $0xFFFFF000  }
0x5e: {  	[tilespmem:s24], [sflag:$0x3] =	stream.linear.gather [hbm4b:s3+s9], $0x1000, $0x38;
	[tilespmem:$0x1E000] =	vst v63  }
0x5f: {  	_ =	swait.ge [sflag:s23], $0x1000  }
0x60: {  	[sflag:s23] =	ssyncset.done $0x0  }
0x61: {  	[sflag:s23] =	ssyncadd.s32 $0xFFFFF000  }
0x62: {  	[tilespmem:s22], [sflag:$0x1] =	stream.indirect.gather [hbm4b:s7+s25], $0x80, s9, s25, $0xb8;
	[tilespmem:$0x1E000] =	vst v63  }
0x63: {  	_ =	swait.ge [sflag:s26], $0x4000  }
0x64: {  	[sflag:s26] =	ssyncset.done $0x0  }
0x65: {  	s16 =	simm.s32 $0x80;
	[sflag:s26] =	ssyncadd.s32 $0xFFFFC000  }
0x66: {  	[tilespmem:s28], [sflag:$0x2] =	stream.indirect.gather [hbm4b:s7+s25], $0x80, s16, s25, $0xb8;
	[tilespmem:$0x1E000] =	vst v63  }
0x67: {  	s17 =	simm.s32 $0x1000  }
0x68: {  	[spmem:s2] =	stream.indirect.scatter.add.f32 [tilespmem:s22], [sflag:$0x3], $0x80, s17, s25, $0xb8;
	[tilespmem:$0x1E000] =	vst v63  }
0x69: {  	_ =	swait.ge [sflag:s23], $0x4000  }
0x6a: {  	[sflag:s23] =	ssyncset.done $0x0  }
0x6b: {  	[sflag:s23] =	ssyncadd.s32 $0xFFFFC000  }
0x6c: {  	_ =	swait.ge [sflag:s29], $0x4000  }
0x6d: {  	[sflag:s29] =	ssyncset.done $0x0  }
0x6e: {  	s16 =	simm.s32 $0x100;
	[sflag:s29] =	ssyncadd.s32 $0xFFFFC000  }
0x6f: {  	[tilespmem:s22], [sflag:$0x1] =	stream.indirect.gather [hbm4b:s7+s25], $0x80, s16, s25, $0xb8;
	[tilespmem:$0x1E000] =	vst v63  }
0x70: {  	s17 =	simm.s32 $0x1080  }
0x71: {  	[spmem:s2] =	stream.indirect.scatter.add.f32 [tilespmem:s28], [sflag:$0x3], $0x80, s17, s25, $0xb8;
	[tilespmem:$0x1E000] =	vst v63  }
0x72: {  	_ =	swait.ge [sflag:s23], $0x4000  }
0x73: {  	s3 =	simm.s32 $0x400;
	[sflag:s23] =	ssyncset.done $0x0  }
.LBB2_11:
0x74: {  	p1 =	sne.s32 s3, $0x3800  }
0x75: {  	[sflag:s23] =	ssyncadd.s32 $0xFFFFC000;
	s16 =	smov.u32 s3;
	s3 =	sadd.s32 $0x400, s3  }
0x76: {  	_ = 	snop  }
0x77: {  	_ =	swait.ge [sflag:s26], $0x4000  }
0x78: {  	s16 =	sshra.s32 s16, $0x2;
	[sflag:s26] =	ssyncset.done $0x0  }
0x79: {  	s17 =	sadd.s32 $0x80, s16;
	[sflag:s26] =	ssyncadd.s32 $0xFFFFC000  }
0x7a: {  	[tilespmem:s28], [sflag:$0x2] =	stream.indirect.gather [hbm4b:s7+s25], $0x80, s17, s25, $0xb8;
	[tilespmem:$0x1E000] =	vst v63  }
0x7b: {  	s17 =	sadd.s32 $0x1000, s16  }
0x7c: {  	[spmem:s2] =	stream.indirect.scatter.add.f32 [tilespmem:s22], [sflag:$0x3], $0x80, s17, s25, $0xb8;
	[tilespmem:$0x1E000] =	vst v63  }
0x7d: {  	_ =	swait.ge [sflag:s23], $0x4000  }
0x7e: {  	[sflag:s23] =	ssyncset.done $0x0  }
0x7f: {  	[sflag:s23] =	ssyncadd.s32 $0xFFFFC000  }
0x80: {  	_ =	swait.ge [sflag:s29], $0x4000  }
0x81: {  	[sflag:s29] =	ssyncset.done $0x0  }
0x82: {  	s17 =	sadd.s32 $0x100, s16;
	[sflag:s29] =	ssyncadd.s32 $0xFFFFC000  }
0x83: {  	[tilespmem:s22], [sflag:$0x1] =	stream.indirect.gather [hbm4b:s7+s25], $0x80, s17, s25, $0xb8;
	[tilespmem:$0x1E000] =	vst v63  }
.Ltmp4:
0x84: {  	_ = 	snop;
	(pc) =	sbr.rel @p1 .LBB2_11-.Ltmp4, $4  }
0x85: {  	s16 =	sadd.s32 $0x1080, s16  }
0x86: {  	[spmem:s2] =	stream.indirect.scatter.add.f32 [tilespmem:s28], [sflag:$0x3], $0x80, s16, s25, $0xb8;
	[tilespmem:$0x1E000] =	vst v63  }
0x87: {  	_ =	swait.ge [sflag:s23], $0x4000  }
0x88: {  	[sflag:s23] =	ssyncset.done $0x0  }
0x89: {  	[sflag:s23] =	ssyncadd.s32 $0xFFFFC000  }
0x8a: {  	_ =	swait.ge [sflag:s26], $0x4000  }
0x8b: {  	[sflag:s26] =	ssyncset.done $0x0  }
0x8c: {  	[sflag:s26] =	ssyncadd.s32 $0xFFFFC000  }
0x8d: {  	[tilespmem:s28], [sflag:$0x2] =	stream.indirect.gather [hbm4b:s7+s25], $0x80, s30, s25, $0xb8;
	[tilespmem:$0x1E000] =	vst v63  }
0x8e: {  	_ = 	snop  }
0x8f: {  	[spmem:s2] =	stream.indirect.scatter.add.f32 [tilespmem:s22], [sflag:$0x3], $0x80, s31, s25, $0xb8;
	[tilespmem:$0x1E000] =	vst v63  }
0x90: {  	_ =	swait.ge [sflag:s23], $0x4000  }
0x91: {  	[sflag:s23] =	ssyncset.done $0x0  }
0x92: {  	[sflag:s23] =	ssyncadd.s32 $0xFFFFC000  }
0x93: {  	s4 =	sadd.s32 $0x1, s4;
	_ =	swait.ge [sflag:s29], $0x4000  }
0x94: {  	p1 =	sne.s32 s4, $0x5;
	[sflag:s29] =	ssyncset.done $0x0  }
.Ltmp5:
0x95: {  	[sflag:s29] =	ssyncadd.s32 $0xFFFFC000;
	(pc) =	sbr.rel @p1 .LBB2_10-.Ltmp5, $4  }
0x96: {  	[spmem:s2] =	stream.indirect.scatter.add.f32 [tilespmem:s28], [sflag:$0x3], $0x80, s0, s25, $0xb8;
	[tilespmem:$0x1E000] =	vst v63  }
0x97: {  	_ =	swait.ge [sflag:s23], $0x4000  }
0x98: {  	[sflag:s23] =	ssyncset.done $0x0  }
0x99: {  	[sflag:s23] =	ssyncadd.s32 $0xFFFFC000  }
.Ltmp6:
0x9a: {  	(pc) =	sbr.rel .LBB2_14-.Ltmp6, $2  }
0x9b: {  	_ =	sdelay $0x2  }
0x9c: {  	s3 =	rddreg [dreg:$0x5]  }
.LBB2_2:
0x9d: {  	p1 =	sne.s32 s4, $0xFE00;
	[tilespmem:s3+$0x2070] =	vst v0  }
0x9e: {  	[tilespmem:s3+$0x2000] =	vst v0  }
0x9f: {  	[tilespmem:s3+$0x2010] =	vst v0  }
.Ltmp7:
0xa0: {  	[tilespmem:s3+$0x2020] =	vst v0;
	(pc) =	sbr.rel @p1 .LBB2_2-.Ltmp7, $4  }
0xa1: {  	[tilespmem:s3+$0x2030] =	vst v0  }
0xa2: {  	[tilespmem:s3+$0x2040] =	vst v0  }
0xa3: {  	[tilespmem:s3+$0x2050] =	vst v0  }
0xa4: {  	[tilespmem:s3+$0x2060] =	vst v0;
	s3 =	sshra.s32 s4, $0x2;
	s4 =	sadd.s32 $0x200, s4  }
0xa5: {  	[tilespmem:s3+$0x2070] =	vst v0  }
0xa6: {  	[tilespmem:s3+$0x2000] =	vst v0  }
0xa7: {  	[tilespmem:s3+$0x2010] =	vst v0  }
0xa8: {  	[tilespmem:s3+$0x2020] =	vst v0  }
0xa9: {  	[tilespmem:s3+$0x2030] =	vst v0  }
0xaa: {  	[tilespmem:s3+$0x2040] =	vst v0  }
0xab: {  	[tilespmem:s3+$0x2050] =	vst v0  }
0xac: {  	[tilespmem:s3+$0x2060] =	vst v0  }
0xad: {  	[spmem:s10] =	stream.linear.scatter [tilespmem:s22], [sflag:$0x3], $0x4000, $0x38;
	[tilespmem:$0x1E000] =	vst v63  }
0xae: {  	_ =	swait.ge [sflag:s23], $0x4000  }
0xaf: {  	[sflag:s23] =	ssyncset.done $0x0  }
0xb0: {  	[sflag:s23] =	ssyncadd.s32 $0xFFFFC000  }
0xb1: {  	[spmem:s11] =	stream.linear.scatter [tilespmem:s22], [sflag:$0x3], $0x4000, $0x38;
	[tilespmem:$0x1E000] =	vst v63  }
0xb2: {  	_ =	swait.ge [sflag:s23], $0x4000  }
0xb3: {  	[sflag:s23] =	ssyncset.done $0x0  }
0xb4: {  	[sflag:s23] =	ssyncadd.s32 $0xFFFFC000  }
0xb5: {  	[spmem:s12] =	stream.linear.scatter [tilespmem:s22], [sflag:$0x3], $0x4000, $0x38;
	[tilespmem:$0x1E000] =	vst v63  }
0xb6: {  	_ =	swait.ge [sflag:s23], $0x4000  }
0xb7: {  	[sflag:s23] =	ssyncset.done $0x0  }
0xb8: {  	[sflag:s23] =	ssyncadd.s32 $0xFFFFC000  }
0xb9: {  	[spmem:s13] =	stream.linear.scatter [tilespmem:s22], [sflag:$0x3], $0x4000, $0x38;
	[tilespmem:$0x1E000] =	vst v63  }
0xba: {  	_ =	swait.ge [sflag:s23], $0x4000  }
0xbb: {  	[sflag:s23] =	ssyncset.done $0x0  }
0xbc: {  	[sflag:s23] =	ssyncadd.s32 $0xFFFFC000  }
0xbd: {  	[spmem:s15] =	stream.linear.scatter [tilespmem:s22], [sflag:$0x3], $0x4000, $0x38;
	[tilespmem:$0x1E000] =	vst v63  }
0xbe: {  	_ =	swait.ge [sflag:s23], $0x4000  }
0xbf: {  	[sflag:s23] =	ssyncset.done $0x0  }
0xc0: {  	[sflag:s23] =	ssyncadd.s32 $0xFFFFC000  }
0xc1: {  	s9 =	simm.s32 $0x0;
	s4 =	simm.s32 $0x0;
	[bflag:$0x0] =	sbarrier.arrive $0xFFFF  }
.LBB2_4:
0xc2: {  	s3 =	sshll.u32 s4, $0xC  }
0xc3: {  	s3 =	sadd.s32 s14, s3  }
0xc4: {  	s3 =	sshrl.u32 s3, $0x3  }
0xc5: {  	s16 =	sadd.s32 s5, s3  }
0xc6: {  	[tilespmem:s9], [sflag:$0x3] =	stream.linear.gather [hbm4b:s16+s9], $0x1000, $0x38;
	[tilespmem:$0x1E000] =	vst v63  }
0xc7: {  	_ =	swait.ge [sflag:s23], $0x1000  }
0xc8: {  	[sflag:s23] =	ssyncset.done $0x0  }
0xc9: {  	s3 =	sadd.s32 s6, s3;
	[sflag:s23] =	ssyncadd.s32 $0xFFFFF000  }
0xca: {  	[tilespmem:s24], [sflag:$0x3] =	stream.linear.gather [hbm4b:s3+s9], $0x1000, $0x38;
	[tilespmem:$0x1E000] =	vst v63  }
0xcb: {  	_ =	swait.ge [sflag:s23], $0x1000  }
0xcc: {  	[sflag:s23] =	ssyncset.done $0x0  }
0xcd: {  	[sflag:s23] =	ssyncadd.s32 $0xFFFFF000  }
0xce: {  	[tilespmem:s22], [sflag:$0x1] =	stream.indirect.gather [hbm4b:s1+s25], $0x80, s9, s25, $0xb8;
	[tilespmem:$0x1E000] =	vst v63  }
0xcf: {  	_ =	swait.ge [sflag:s26], $0x4000  }
0xd0: {  	[sflag:s26] =	ssyncset.done $0x0  }
0xd1: {  	s16 =	simm.s32 $0x80;
	[sflag:s26] =	ssyncadd.s32 $0xFFFFC000  }
0xd2: {  	[tilespmem:s28], [sflag:$0x2] =	stream.indirect.gather [hbm4b:s1+s25], $0x80, s16, s25, $0xb8;
	[tilespmem:$0x1E000] =	vst v63  }
0xd3: {  	s17 =	simm.s32 $0x1000  }
0xd4: {  	[spmem:s2] =	stream.indirect.scatter.add.f32 [tilespmem:s22], [sflag:$0x3], $0x80, s17, s25, $0xb8;
	[tilespmem:$0x1E000] =	vst v63  }
0xd5: {  	_ =	swait.ge [sflag:s23], $0x4000  }
0xd6: {  	[sflag:s23] =	ssyncset.done $0x0  }
0xd7: {  	[sflag:s23] =	ssyncadd.s32 $0xFFFFC000  }
0xd8: {  	_ =	swait.ge [sflag:s29], $0x4000  }
0xd9: {  	[sflag:s29] =	ssyncset.done $0x0  }
0xda: {  	s16 =	simm.s32 $0x100;
	[sflag:s29] =	ssyncadd.s32 $0xFFFFC000  }
0xdb: {  	[tilespmem:s22], [sflag:$0x1] =	stream.indirect.gather [hbm4b:s1+s25], $0x80, s16, s25, $0xb8;
	[tilespmem:$0x1E000] =	vst v63  }
0xdc: {  	s17 =	simm.s32 $0x1080  }
0xdd: {  	[spmem:s2] =	stream.indirect.scatter.add.f32 [tilespmem:s28], [sflag:$0x3], $0x80, s17, s25, $0xb8;
	[tilespmem:$0x1E000] =	vst v63  }
0xde: {  	_ =	swait.ge [sflag:s23], $0x4000  }
0xdf: {  	s3 =	simm.s32 $0x400;
	[sflag:s23] =	ssyncset.done $0x0  }
.LBB2_5:
0xe0: {  	p1 =	sne.s32 s3, $0x3800  }
0xe1: {  	[sflag:s23] =	ssyncadd.s32 $0xFFFFC000;
	s16 =	smov.u32 s3;
	s3 =	sadd.s32 $0x400, s3  }
0xe2: {  	_ = 	snop  }
0xe3: {  	_ =	swait.ge [sflag:s26], $0x4000  }
0xe4: {  	s16 =	sshra.s32 s16, $0x2;
	[sflag:s26] =	ssyncset.done $0x0  }
0xe5: {  	s17 =	sadd.s32 $0x80, s16;
	[sflag:s26] =	ssyncadd.s32 $0xFFFFC000  }
0xe6: {  	[tilespmem:s28], [sflag:$0x2] =	stream.indirect.gather [hbm4b:s1+s25], $0x80, s17, s25, $0xb8;
	[tilespmem:$0x1E000] =	vst v63  }
0xe7: {  	s17 =	sadd.s32 $0x1000, s16  }
0xe8: {  	[spmem:s2] =	stream.indirect.scatter.add.f32 [tilespmem:s22], [sflag:$0x3], $0x80, s17, s25, $0xb8;
	[tilespmem:$0x1E000] =	vst v63  }
0xe9: {  	_ =	swait.ge [sflag:s23], $0x4000  }
0xea: {  	[sflag:s23] =	ssyncset.done $0x0  }
0xeb: {  	[sflag:s23] =	ssyncadd.s32 $0xFFFFC000  }
0xec: {  	_ =	swait.ge [sflag:s29], $0x4000  }
0xed: {  	[sflag:s29] =	ssyncset.done $0x0  }
0xee: {  	s17 =	sadd.s32 $0x100, s16;
	[sflag:s29] =	ssyncadd.s32 $0xFFFFC000  }
0xef: {  	[tilespmem:s22], [sflag:$0x1] =	stream.indirect.gather [hbm4b:s1+s25], $0x80, s17, s25, $0xb8;
	[tilespmem:$0x1E000] =	vst v63  }
.Ltmp8:
0xf0: {  	_ = 	snop;
	(pc) =	sbr.rel @p1 .LBB2_5-.Ltmp8, $4  }
0xf1: {  	s16 =	sadd.s32 $0x1080, s16  }
0xf2: {  	[spmem:s2] =	stream.indirect.scatter.add.f32 [tilespmem:s28], [sflag:$0x3], $0x80, s16, s25, $0xb8;
	[tilespmem:$0x1E000] =	vst v63  }
0xf3: {  	_ =	swait.ge [sflag:s23], $0x4000  }
0xf4: {  	[sflag:s23] =	ssyncset.done $0x0  }
0xf5: {  	[sflag:s23] =	ssyncadd.s32 $0xFFFFC000  }
0xf6: {  	_ =	swait.ge [sflag:s26], $0x4000  }
0xf7: {  	[sflag:s26] =	ssyncset.done $0x0  }
0xf8: {  	[sflag:s26] =	ssyncadd.s32 $0xFFFFC000  }
0xf9: {  	[tilespmem:s28], [sflag:$0x2] =	stream.indirect.gather [hbm4b:s1+s25], $0x80, s30, s25, $0xb8;
	[tilespmem:$0x1E000] =	vst v63  }
0xfa: {  	_ = 	snop  }
0xfb: {  	[spmem:s2] =	stream.indirect.scatter.add.f32 [tilespmem:s22], [sflag:$0x3], $0x80, s31, s25, $0xb8;
	[tilespmem:$0x1E000] =	vst v63  }
0xfc: {  	_ =	swait.ge [sflag:s23], $0x4000  }
0xfd: {  	[sflag:s23] =	ssyncset.done $0x0  }
0xfe: {  	[sflag:s23] =	ssyncadd.s32 $0xFFFFC000  }
0xff: {  	s4 =	sadd.s32 $0x1, s4;
	_ =	swait.ge [sflag:s29], $0x4000  }
0x100: {  	p1 =	seq.s32 s4, $0x5;
	[sflag:s29] =	ssyncset.done $0x0  }
.Ltmp9:
0x101: {  	[sflag:s29] =	ssyncadd.s32 $0xFFFFC000;
	(pc) =	sbr.rel @!p1 .LBB2_4-.Ltmp9, $4  }
0x102: {  	[spmem:s2] =	stream.indirect.scatter.add.f32 [tilespmem:s28], [sflag:$0x3], $0x80, s0, s25, $0xb8;
	[tilespmem:$0x1E000] =	vst v63  }
0x103: {  	_ =	swait.ge [sflag:s23], $0x4000  }
0x104: {  	[sflag:s23] =	ssyncset.done $0x0  }
0x105: {  	[sflag:s23] =	ssyncadd.s32 $0xFFFFC000  }
.Ltmp10:
0x106: {  	(pc) =	sbr.rel .LBB2_14-.Ltmp10, $2  }
0x107: {  	_ =	sdelay $0x2  }
0x108: {  	s3 =	rddreg [dreg:$0x4]  }
.LBB2_15:
0x109: {  	_ =	sfence.sel $0x180000  }
0x10a: {  	[bflag:$0x0] =	sbarrier.arrive $0xFFFF  }
0x10b: {  	_ =	strace $0x90000050  }
0x10c: {  	s0 =	stileid.u32;
	[bflag:$0x2] =	sbarrier.arrive $0xFFFF  }
0x10d: {  	p0 =	sne.s32 s0, $0x0;
	s0 =	rddreg [dreg:$0x3]  }
0x10e: {  	s0 =	sadd.s32 @!p0 $0x100000, s0  }
0x10f: {  	[sflag:s0] =	ssyncadd.tile.s32 @!p0 $0x1;
	_ =	shalt  }
.Lfunc_end2:
_tile_overlayer_lowered:
.L_overlay_start_2:
0x110: {  	(tag) =	ssettag $0x2  }
0x111: {  	s0 =	rddreg [dreg:$0x0];
	s2 =	stileid.u32  }
0x112: {  	s1 =	rddreg [dreg:$0x1];
	p0 =	sne.s32 s2, $0x0  }
0x113: {  	s3 =	rddreg [dreg:$0x2];
	[bflag:$0x3] =	sbarrier.arrive $0xFFFF;
	s2 =	simm.s32 @!p0 $0x1C03  }
0x114: {  	[timem:s3], [sflag:s2] =	dma.local @!p0 [hbm:s0], s1  }
0x115: {  	s0 =	simm.s32 @!p0 $0x3  }
0x116: {  	_ =	swait.ge @!p0 [sflag:s0], s1  }
0x117: {  	s1 =	ssub.s32 @!p0 $0x0, s1;
	[sflag:s0] =	ssyncset.done @!p0 $0x0  }
0x118: {  	[sflag:s0] =	ssyncadd.s32 @!p0 s1  }
0x119: {  	[bflag:$0x3] =	sbarrier.arrive $0xFFFF  }
0x11a: {  	_ =	shalt  }

</sc_bundles>
